<compile_context>
chip_gen: v7x
topology: tpu7x:2x2x1
jax: 0.10.2.dev20260603
libtpu: 0.0.44.dev20260713+nightly
codegen_flags: <defaults>
</compile_context>

<pallas_src>
import jax
import jax.numpy as jnp
from jax import lax
from jax.experimental import pallas as pl
from jax.experimental.pallas import tpu as pltpu
from jax.experimental.pallas import tpu_sc as plsc

N = 4096
K = 10
BLK = 512
NBLK = N // BLK


def _dot(a, b):
    return jnp.dot(a, b, preferred_element_type=jnp.float32)


def _mlp_body(x_ref, xo_ref, w1_ref, b1_ref, w2_ref, b2_ref, w3_ref, b3_ref,
              wsem_ref, bsem_ref, ortho_ref, sem_ref, otr_ref):
    h1 = jax.nn.relu(_dot(x_ref[:], w1_ref[:]) + b1_ref[:])
    h2 = jax.nn.relu(_dot(h1, w2_ref[:]) + b2_ref[:])
    ortho_ref[:] = jnp.tanh(_dot(h2, w3_ref[:]) + b3_ref[:])
    sem_ref[:] = _dot(h2, wsem_ref[:]) + bsem_ref[:]

    g1 = jax.nn.relu(_dot(xo_ref[:], w1_ref[:]) + b1_ref[:])
    g2 = jax.nn.relu(_dot(g1, w2_ref[:]) + b2_ref[:])
    otr_ref[:] = jnp.tanh(_dot(g2, w3_ref[:]) + b3_ref[:])


def _run_mlp(x, x_orth, W1, b1, W2, b2, W3, b3, Wsem, bsem):
    full = lambda s: pl.BlockSpec(s, lambda i: (0, 0))
    rows = lambda c: pl.BlockSpec((BLK, c), lambda i: (i, 0))
    return pl.pallas_call(
        _mlp_body,
        grid=(NBLK,),
        in_specs=[rows(256), rows(256), full((256, 512)), full((1, 512)),
                  full((512, 256)), full((1, 256)), full((256, 64)),
                  full((1, 64)), full((256, 64)), full((1, 64))],
        out_specs=[rows(64), rows(64), rows(64)],
        out_shape=[jax.ShapeDtypeStruct((N, 64), jnp.float32),
                   jax.ShapeDtypeStruct((N, 64), jnp.float32),
                   jax.ShapeDtypeStruct((N, 64), jnp.float32)],
    )(x, x_orth, W1, b1.reshape(1, -1), W2, b2.reshape(1, -1),
      W3, b3.reshape(1, -1), Wsem, bsem.reshape(1, -1))


def _gcy_body(otr_ref, o_ref, y_ref, w_s):
    i = pl.program_id(0)
    D = 64

    @pl.when(i == 0)
    def _():
        ciota = lax.broadcasted_iota(jnp.int32, (1, D), 1)
        riota = lax.broadcasted_iota(jnp.int32, (D, 1), 0)
        eye = jnp.where(lax.broadcasted_iota(jnp.int32, (D, D), 0)
                        == lax.broadcasted_iota(jnp.int32, (D, D), 1),
                        jnp.float32(1e-6), 0.0)
        G = lax.dot_general(otr_ref[:], otr_ref[:], (((0,), (0,)), ((), ())),
                            preferred_element_type=jnp.float32) + eye

        row = lax.broadcasted_iota(jnp.int32, (D, D), 0)
        col = lax.broadcasted_iota(jnp.int32, (D, D), 1)

        def chol_step(j, MU):
            M, U = MU
            mjj = jnp.sum(jnp.where((row == j) & (col == j), M, 0.0))
            d = jnp.sqrt(mjj)
            cj = jnp.sum(jnp.where(col == j, M, 0.0), axis=1, keepdims=True)
            rj = jnp.sum(jnp.where(row == j, M, 0.0), axis=0, keepdims=True)
            cjn = jnp.where(riota >= j, cj / d, 0.0)
            rjn = jnp.where(ciota >= j, rj / d, 0.0)
            ejc = jnp.where(riota == j, 1.0, 0.0)
            U = U + ejc * rjn
            M = M - cjn * rjn
            return (M, U)

        Z = jnp.zeros((D, D), jnp.float32)
        _, U = lax.fori_loop(0, D, chol_step, (G, Z))

        def inv_step(t, X):
            ii = D - 1 - t
            urow = jnp.sum(jnp.where(row == ii, U, 0.0), axis=0, keepdims=True)
            uii = jnp.sum(jnp.where(ciota == ii, urow, 0.0))
            uw = jnp.where(ciota > ii, urow, 0.0)
            prod = jnp.dot(uw, X, preferred_element_type=jnp.float32,
                           precision=lax.Precision.HIGHEST)
            xrow = (jnp.where(ciota == ii, 1.0, 0.0) - prod) / uii
            return X + jnp.where(riota == ii, 1.0, 0.0) * xrow

        X = lax.fori_loop(0, D, inv_step, Z)
        w_s[:] = jnp.sqrt(jnp.float32(N)) * X

    y_ref[:] = _dot(o_ref[:], w_s[:])


def _run_gcy(otr, ortho_H):
    return pl.pallas_call(
        _gcy_body,
        grid=(NBLK,),
        in_specs=[pl.BlockSpec((N, 64), lambda i: (0, 0)),
                  pl.BlockSpec((BLK, 64), lambda i: (i, 0))],
        out_specs=pl.BlockSpec((BLK, 64), lambda i: (i, 0)),
        out_shape=jax.ShapeDtypeStruct((N, 64), jnp.float32),
        scratch_shapes=[pltpu.VMEM((64, 64), jnp.float32)],
    )(otr, ortho_H)


def _degu_body(aff_ref, x_ref, wg_ref, s_ref, u_ref, acc):
    bi = pl.program_id(0)
    bj = pl.program_id(1)

    @pl.when((bi == 0) & (bj == 0))
    def _():
        acc[:] = jnp.zeros_like(acc)

    blk = aff_ref[:]
    ones = jnp.ones((BLK, 1), jnp.float32)
    rpart = _dot(blk, ones)
    cpart = lax.dot_general(blk, ones, (((0,), (0,)), ((), ())),
                            preferred_element_type=jnp.float32)
    acc[pl.ds(bi * BLK, BLK), :] += 0.5 * rpart
    acc[pl.ds(bj * BLK, BLK), :] += 0.5 * cpart

    @pl.when((bi == NBLK - 1) & (bj == NBLK - 1))
    def _():
        d = acc[:] + 1.0
        s = lax.rsqrt(d + 1e-8)
        s_ref[:] = s
        u_ref[:] = s * _dot(x_ref[:], wg_ref[:])


def _run_degu(aff, x, wg1):
    return pl.pallas_call(
        _degu_body,
        grid=(NBLK, NBLK),
        in_specs=[pl.BlockSpec((BLK, BLK), lambda i, j: (i, j)),
                  pl.BlockSpec((N, 256), lambda i, j: (0, 0)),
                  pl.BlockSpec((256, 256), lambda i, j: (0, 0))],
        out_specs=[pl.BlockSpec((N, 1), lambda i, j: (0, 0)),
                   pl.BlockSpec((N, 256), lambda i, j: (0, 0))],
        out_shape=[jax.ShapeDtypeStruct((N, 1), jnp.float32),
                   jax.ShapeDtypeStruct((N, 256), jnp.float32)],
        scratch_shapes=[pltpu.VMEM((N, 1), jnp.float32)],
    )(aff, x, wg1)


def _graph1_body(aff_ref, u_ref, s_ref, wg2_ref, u2_ref, acc):
    bi = pl.program_id(0)
    bj = pl.program_id(1)

    @pl.when((bi == 0) & (bj == 0))
    def _():
        acc[:] = jnp.zeros_like(acc)

    blk = aff_ref[:]
    acc[pl.ds(bi * BLK, BLK), :] += 0.5 * _dot(blk, u_ref[pl.ds(bj * BLK, BLK), :])
    acc[pl.ds(bj * BLK, BLK), :] += 0.5 * lax.dot_general(
        blk, u_ref[pl.ds(bi * BLK, BLK), :], (((0,), (0,)), ((), ())),
        preferred_element_type=jnp.float32)

    @pl.when((bi == NBLK - 1) & (bj == NBLK - 1))
    def _():
        s = s_ref[:]
        h = jax.nn.relu(s * (acc[:] + u_ref[:]))
        u2_ref[:] = s * _dot(h, wg2_ref[:])


def _run_graph1(aff, u1, s, wg2):
    return pl.pallas_call(
        _graph1_body,
        grid=(NBLK, NBLK),
        in_specs=[pl.BlockSpec((BLK, BLK), lambda i, j: (i, j)),
                  pl.BlockSpec((N, 256), lambda i, j: (0, 0)),
                  pl.BlockSpec((N, 1), lambda i, j: (0, 0)),
                  pl.BlockSpec((256, 64), lambda i, j: (0, 0))],
        out_specs=pl.BlockSpec((N, 64), lambda i, j: (0, 0)),
        out_shape=jax.ShapeDtypeStruct((N, 64), jnp.float32),
        scratch_shapes=[pltpu.VMEM((N, 256), jnp.float32)],
    )(aff, u1, s, wg2)


def _graph2_body(aff_ref, u_ref, s_ref, out_ref):
    bi = pl.program_id(0)
    bj = pl.program_id(1)

    @pl.when((bi == 0) & (bj == 0))
    def _():
        out_ref[:] = jnp.zeros_like(out_ref)

    blk = aff_ref[:]
    out_ref[pl.ds(bi * BLK, BLK), :] += 0.5 * _dot(blk, u_ref[pl.ds(bj * BLK, BLK), :])
    out_ref[pl.ds(bj * BLK, BLK), :] += 0.5 * lax.dot_general(
        blk, u_ref[pl.ds(bi * BLK, BLK), :], (((0,), (0,)), ((), ())),
        preferred_element_type=jnp.float32)

    @pl.when((bi == NBLK - 1) & (bj == NBLK - 1))
    def _():
        out_ref[:] = s_ref[:] * (out_ref[:] + u_ref[:])


def _run_graph2(aff, u2, s):
    return pl.pallas_call(
        _graph2_body,
        grid=(NBLK, NBLK),
        in_specs=[pl.BlockSpec((BLK, BLK), lambda i, j: (i, j)),
                  pl.BlockSpec((N, 64), lambda i, j: (0, 0)),
                  pl.BlockSpec((N, 1), lambda i, j: (0, 0))],
        out_specs=pl.BlockSpec((N, 64), lambda i, j: (0, 0)),
        out_shape=jax.ShapeDtypeStruct((N, 64), jnp.float32),
    )(aff, u2, s)


def _relayout_body(af_ref, a_ref):
    a_ref[:] = af_ref[:].reshape(_RLB, N)


_RLB = 512


def _run_relayout(a_flat):
    return pl.pallas_call(
        _relayout_body,
        grid=(N // _RLB,),
        in_specs=[pl.BlockSpec((_RLB * N,), lambda i: (i,))],
        out_specs=pl.BlockSpec((_RLB, N), lambda i: (i, 0)),
        out_shape=jax.ShapeDtypeStruct((N, N), jnp.float32),
    )(a_flat)


_NW = 32
_RPW = N // _NW
_RB = 16
_NB = _RPW // _RB


def _sqrt16(x):
    i = lax.bitcast_convert_type(x, jnp.int32)
    i = jnp.int32(0x5F3759DF) - lax.shift_right_logical(i, 1)
    y = lax.bitcast_convert_type(i, jnp.float32)
    for _ in range(3):
        y = y * (1.5 - 0.5 * x * y * y)
    return x * y


def _sc_body(y_hbm, o_hbm, s_hbm, idx_hbm, par_hbm, a_hbm, eh_hbm,
             idx_all, yn_v, on_v, sn_v, ys_v, os_v, abuf, ebuf, par_v,
             sem_g, sem_s, sem_a):
    wid = lax.axis_index("s") * 2 + lax.axis_index("c")
    iota = lax.iota(jnp.int32, _RB)
    zeros = jnp.zeros((_RB,), jnp.float32)

    pltpu.sync_copy(par_hbm, par_v)
    pv = par_v[...]
    beta = pv[0]
    ninv2a = pv[1]

    pltpu.sync_copy(idx_hbm.at[pl.ds(wid * _RPW * K, _RPW * K)], idx_all)

    def zloop(i, _):
        for u8 in range(8):
            abuf[pl.ds((i * 8 + u8) * _RB, _RB)] = zeros
        return 0
    lax.fori_loop(0, _RB * N // (8 * _RB), zloop, 0)

    def fire_gathers(b):
        idx_s = idx_all.at[pl.ds(b * _RB * K, _RB * K)]
        r0 = wid * _RPW + b * _RB
        pltpu.async_copy(y_hbm.at[idx_s], yn_v, sem_g)
        pltpu.async_copy(o_hbm.at[idx_s], on_v, sem_g)
        pltpu.async_copy(y_hbm.at[pl.ds(r0, _RB)], ys_v, sem_g)
        pltpu.async_copy(o_hbm.at[pl.ds(r0, _RB)], os_v, sem_g)

    def wait_gathers(b):
        idx_s = idx_all.at[pl.ds(b * _RB * K, _RB * K)]
        r0 = wid * _RPW + b * _RB
        pltpu.make_async_copy(y_hbm.at[idx_s], yn_v, sem_g).wait()
        pltpu.make_async_copy(o_hbm.at[idx_s], on_v, sem_g).wait()
        pltpu.make_async_copy(y_hbm.at[pl.ds(r0, _RB)], ys_v, sem_g).wait()
        pltpu.make_async_copy(o_hbm.at[pl.ds(r0, _RB)], os_v, sem_g).wait()

    def load_cols(b):
        return [plsc.load_gather(idx_all, [b * _RB * K + iota * K + k])
                for k in range(K)]

    fire_gathers(0)

    def block(b, _):
        r0 = wid * _RPW + b * _RB

        @pl.when(b > 0)
        def _():
            rp = wid * _RPW + (b - 1) * _RB
            pltpu.make_async_copy(
                abuf, a_hbm.at[pl.ds(rp * N, _RB * N)], sem_a).wait()
            colsp = load_cols(b - 1)
            for k in range(K):
                plsc.store_scatter(abuf, [iota * N + colsp[k]], zeros)

        idx_s = idx_all.at[pl.ds(b * _RB * K, _RB * K)]
        pltpu.async_copy(s_hbm.at[idx_s], sn_v, sem_s)

        wait_gathers(b)

        rowk = [iota * K + k for k in range(K)]

        def mk_dloop(self_v, nbr_v):
            def dloop(t, accs):
                out = list(accs)
                for uu in range(2):
                    dv = jnp.full((_RB,), t * 2 + uu, jnp.int32)
                    s_d = plsc.load_gather(self_v, [iota, dv])
                    for k in range(K):
                        n_d = plsc.load_gather(nbr_v, [rowk[k], dv])
                        dd = s_d - n_d
                        out[k] = out[k] + dd * dd
                return tuple(out)
            return dloop

        accs_y = lax.fori_loop(0, 32, mk_dloop(ys_v, yn_v), (zeros,) * K)
        accs_o = lax.fori_loop(0, 32, mk_dloop(os_v, on_v), (zeros,) * K)
        accs = tuple(accs_y) + tuple(accs_o)

        @pl.when(b < _NB - 1)
        def _():
            fire_gathers(b + 1)

        ad = [(_sqrt16(accs[K + k] + 1e-8)
               + beta * _sqrt16(accs[k] + 1e-8)) * ninv2a for k in range(K)]

        u = list(ad)
        for span in range(K - 1, 0, -1):
            for a in range(span):
                hi = jnp.maximum(u[a], u[a + 1])
                lo = jnp.minimum(u[a], u[a + 1])
                u[a], u[a + 1] = hi, lo
        css = [u[0]]
        for k in range(1, K):
            css.append(css[k - 1] + u[k])
        rho = zeros
        for k in range(K):
            cond = (u[k] + (1.0 - css[k]) / jnp.float32(k + 1)) > 0
            rho = rho + jnp.where(cond, 1.0, 0.0)
        rho = jnp.maximum(rho, 1.0)
        css_sel = zeros
        for k in range(K):
            css_sel = css_sel + jnp.where(rho == jnp.float32(k + 1),
                                          css[k], 0.0)
        theta = (css_sel - 1.0) / rho
        p = [jnp.maximum(ad[k] - theta, 0.0) for k in range(K)]

        cols = load_cols(b)
        keep = []
        for k in range(K):
            later = None
            for k2 in range(k + 1, K):
                e = cols[k] == cols[k2]
                later = e if later is None else (later | e)
            keep.append(jnp.logical_not(later) if later is not None
                        else (cols[k] == cols[k]))

        for k in range(K):
            plsc.store_scatter(abuf, [iota * N + cols[k]], p[k],
                               mask=keep[k])
        pltpu.async_copy(abuf, a_hbm.at[pl.ds(r0 * N, _RB * N)], sem_a)

        pk_eff = [jnp.where(keep[k], p[k], 0.0) for k in range(K)]

        pltpu.make_async_copy(s_hbm.at[idx_s], sn_v, sem_s).wait()

        def eloop(d, _):
            dv = jnp.full((_RB,), d, jnp.int32)
            acc = zeros
            for k in range(K):
                acc = acc + pk_eff[k] * plsc.load_gather(sn_v, [rowk[k], dv])
            plsc.store_scatter(ebuf, [iota * 64 + dv], acc)
            return 0
        lax.fori_loop(0, 64, eloop, 0)
        pltpu.sync_copy(ebuf, eh_hbm.at[pl.ds(r0 * 64, _RB * 64)])
        return 0

    lax.fori_loop(0, _NB, block, 0)
    rl = wid * _RPW + (_NB - 1) * _RB
    pltpu.make_async_copy(abuf, a_hbm.at[pl.ds(rl * N, _RB * N)],
                          sem_a).wait()


def _sc_sparse(Y, ortho_H, semantic_H, idxf, params):
    f = pl.kernel(
        _sc_body,
        mesh=plsc.VectorSubcoreMesh(core_axis_name="c", subcore_axis_name="s"),
        out_type=[jax.ShapeDtypeStruct((N * N,), jnp.float32),
                  jax.ShapeDtypeStruct((N * 64,), jnp.float32)],
        scratch_types=[
            pltpu.VMEM((_RPW * K,), jnp.int32),
            pltpu.VMEM((_RB * K, 64), jnp.float32),
            pltpu.VMEM((_RB * K, 64), jnp.float32),
            pltpu.VMEM((_RB * K, 64), jnp.float32),
            pltpu.VMEM((_RB, 64), jnp.float32),
            pltpu.VMEM((_RB, 64), jnp.float32),
            pltpu.VMEM((_RB * N,), jnp.float32),
            pltpu.VMEM((_RB * 64,), jnp.float32),
            pltpu.VMEM((16,), jnp.float32),
            pltpu.SemaphoreType.DMA,
            pltpu.SemaphoreType.DMA,
            pltpu.SemaphoreType.DMA,
        ],
        compiler_params=pltpu.CompilerParams(needs_layout_passes=False,
                                             use_tc_tiling_on_sc=False),
    )
    a_flat, eh_flat = f(Y, ortho_H, semantic_H, idxf, params)
    return _run_relayout(a_flat), eh_flat.reshape(N, 64)


def kernel(x, x_orth, idx, alpha, beta, affinity_matrix,
           W1, b1, W2, b2, W3, b3, Wsem, bsem, Wg1, Wg2):
    idxa0 = idx[:, 1:K + 1].astype(jnp.int32)

    ortho_H, semantic_H, otr = _run_mlp(x, x_orth, W1, b1, W2, b2, W3, b3,
                                        Wsem, bsem)
    Y = _run_gcy(otr, ortho_H)

    s, U1 = _run_degu(affinity_matrix, x, Wg1)
    U2 = _run_graph1(affinity_matrix, U1, s, Wg2)
    embs_graph = _run_graph2(affinity_matrix, U2, s)

    idxf = idxa0.reshape(-1)
    params = jnp.zeros((16,), jnp.float32)
    params = params.at[0].set(beta[0]).at[1].set(-0.5 / alpha[0])
    A, embs_hom = _sc_sparse(Y, ortho_H, semantic_H, idxf, params)
    return (embs_hom, embs_graph, A, Y)

# --- scband reference (transcript-rebuilt; emitter-appended) ---
"""Pipeline reference for scband-school-73100343378618 (READ-ONLY COPY).

The authoritative reference and input builder live on the scoring server;
editing this copy changes nothing except your own understanding.
"""

import jax, jax.numpy as jnp
import numpy as np

N = 4096
FEAT = 256
OUT_FEAT = 64
K = 10
H1, H2, ORTHO_DIM = 512, 256, 64
GH = 256


def _mlp(x, W1, b1, W2, b2, W3, b3, Wsem, bsem):
    h = jax.nn.relu(x @ W1 + b1)
    h = jax.nn.relu(h @ W2 + b2)
    ortho_H = jnp.tanh(h @ W3 + b3)
    semantic_H = h @ Wsem + bsem
    return semantic_H, ortho_H


def _orthonorm_weights(ortho_H):
    m = ortho_H.shape[0]
    G = ortho_H.T @ ortho_H + 1e-6 * jnp.eye(ortho_H.shape[1], dtype=ortho_H.dtype)
    L = jnp.linalg.cholesky(G)
    return jnp.sqrt(jnp.asarray(m, ortho_H.dtype)) * jnp.linalg.inv(L).T


def _affinity_to_adjacency(aff):
    W = 0.5 * (aff + aff.T)
    A = W + jnp.eye(W.shape[0], dtype=W.dtype)
    d = jnp.sum(A, axis=1)
    dis = 1.0 / jnp.sqrt(d + 1e-8)
    return A * dis[:, None] * dis[None, :]


def _eproj_simplex_rows(V):
    # exact Euclidean projection of each row of V onto the probability simplex
    n, m = V.shape
    u = jnp.sort(V, axis=1)[:, ::-1]
    css = jnp.cumsum(u, axis=1)
    j = jnp.arange(1, m + 1, dtype=V.dtype)
    cond = (u + (1.0 - css) / j) > 0
    rho = jnp.sum(cond.astype(jnp.int32), axis=1)
    rho = jnp.maximum(rho, 1)
    css_rho = jnp.take_along_axis(css, (rho - 1)[:, None], axis=1)
    theta = (css_rho - 1.0) / rho[:, None].astype(V.dtype)
    return jnp.maximum(V - theta, 0.0)


def setup_inputs(seed: int = 0) -> dict:
    key = jax.random.key(seed)
    ks = jax.random.split(key, 20)
    inp = {}
    inp['x'] = jax.random.normal(ks[0], (N, FEAT), dtype=jnp.float32)
    inp['x_orth'] = jax.random.normal(ks[1], (N, FEAT), dtype=jnp.float32)
    inp['idx'] = jax.random.randint(ks[2], (N, K + 1), 0, N).astype(jnp.int64)
    inp['alpha'] = jnp.ones((1,), dtype=jnp.float32)
    inp['beta'] = jnp.ones((1,), dtype=jnp.float32)
    inp['affinity_matrix'] = jax.random.uniform(ks[3], (N, N), dtype=jnp.float32)
    # SpectralNet MLP params
    inp['W1'] = jax.random.normal(ks[4], (FEAT, H1), dtype=jnp.float32) * 0.05
    inp['b1'] = jnp.zeros((H1,), dtype=jnp.float32)
    inp['W2'] = jax.random.normal(ks[5], (H1, H2), dtype=jnp.float32) * 0.05
    inp['b2'] = jnp.zeros((H2,), dtype=jnp.float32)
    inp['W3'] = jax.random.normal(ks[6], (H2, ORTHO_DIM), dtype=jnp.float32) * 0.05
    inp['b3'] = jnp.zeros((ORTHO_DIM,), dtype=jnp.float32)
    inp['Wsem'] = jax.random.normal(ks[7], (H2, OUT_FEAT), dtype=jnp.float32) * 0.05
    inp['bsem'] = jnp.zeros((OUT_FEAT,), dtype=jnp.float32)
    # GCN params: channels [FEAT, GH, OUT_FEAT]
    inp['Wg1'] = jax.random.normal(ks[8], (FEAT, GH), dtype=jnp.float32) * 0.05
    inp['Wg2'] = jax.random.normal(ks[9], (GH, OUT_FEAT), dtype=jnp.float32) * 0.05
    return inp


def reference(x, x_orth, idx, alpha, beta, affinity_matrix,
              W1, b1, W2, b2, W3, b3, Wsem, bsem, Wg1, Wg2):
    # is_training=True: update orthonorm weights from x_orth
    _, ortho_H_tr = _mlp(x_orth, W1, b1, W2, b2, W3, b3, Wsem, bsem)
    orth_w = _orthonorm_weights(ortho_H_tr)

    init_graph = _affinity_to_adjacency(affinity_matrix)

    semantic_H, ortho_H = _mlp(x, W1, b1, W2, b2, W3, b3, Wsem, bsem)
    Y = ortho_H @ orth_w

    num = x.shape[0]
    idxa0 = idx[:, 1:K + 1]
    dfi = jnp.sqrt(jnp.sum((Y[:, None, :] - Y[idxa0]) ** 2, axis=2) + 1e-8)
    dxi = jnp.sqrt(jnp.sum((ortho_H[:, None, :] - ortho_H[idxa0]) ** 2, axis=2) + 1e-8)
    ad = -(dxi + beta * dfi) / (2.0 * alpha)
    P = _eproj_simplex_rows(ad)

    rows = jnp.arange(num)[:, None]
    A = jnp.zeros((num, num), dtype=x.dtype).at[rows, idxa0].set(P)

    embs_hom = A @ semantic_H

    h = jax.nn.relu(init_graph @ (x @ Wg1))
    embs_graph = init_graph @ (h @ Wg2)

    return (embs_hom, embs_graph, A, Y)

if __name__ == "__main__":
    import jax
    _d = setup_inputs()
    print(jax.jit(kernel)(*tuple(_d.values())))

</pallas_src>

<mosaic_0001>
#map = affine_map<(d0, d1) -> (0, 0)>
#map1 = affine_map<(d0, d1) -> (0)>
module attributes {stable_mosaic.version = 14 : i64} {
  func.func @_sc_body(%arg0: i32, %arg1: i32, %arg2: memref<4096x64xf32, #tpu.memory_space<hbm>>, %arg3: memref<4096x64xf32, #tpu.memory_space<hbm>>, %arg4: memref<4096x64xf32, #tpu.memory_space<hbm>>, %arg5: memref<40960xi32, #tpu.memory_space<hbm>>, %arg6: memref<16xf32, #tpu.memory_space<hbm>>, %arg7: memref<16777216xf32, #tpu.memory_space<hbm>>, %arg8: memref<262144xf32, #tpu.memory_space<hbm>>, %arg9: memref<1280xi32, #tpu.memory_space<vmem>>, %arg10: memref<160x64xf32, #tpu.memory_space<vmem>>, %arg11: memref<160x64xf32, #tpu.memory_space<vmem>>, %arg12: memref<160x64xf32, #tpu.memory_space<vmem>>, %arg13: memref<16x64xf32, #tpu.memory_space<vmem>>, %arg14: memref<16x64xf32, #tpu.memory_space<vmem>>, %arg15: memref<65536xf32, #tpu.memory_space<vmem>>, %arg16: memref<1024xf32, #tpu.memory_space<vmem>>, %arg17: memref<16xf32, #tpu.memory_space<vmem>>, %arg18: memref<!tpu.dma_semaphore, #tpu.memory_space<semaphore_mem>>, %arg19: memref<!tpu.dma_semaphore, #tpu.memory_space<semaphore_mem>>, %arg20: memref<!tpu.dma_semaphore, #tpu.memory_space<semaphore_mem>>) attributes {dimension_semantics = [#tpu.dimension_semantics<core_parallel>, #tpu.dimension_semantics<subcore_parallel>], iteration_bounds = array<i64: 2, 16>, scalar_prefetch = 0 : i64, scratch_operands = 12 : i64, tpu.core_type = #tpu.core_type<sc_vector_subcore>, window_params = [{transform_indices = #map}, {transform_indices = #map}, {transform_indices = #map}, {transform_indices = #map1}, {transform_indices = #map1}, {transform_indices = #map1}, {transform_indices = #map1}]} {
    %mul3A = arith.constant 2 : i32
    %mul3A_0 = arith.muli %arg1, %mul3A : i32
    %add3A = arith.addi %mul3A_0, %arg0 : i32
    %iota3A = tpu.iota {dimensions = array<i32: 0>} : vector<16xi32>
    %broadcast_in_dim3A = arith.constant 0.000000e+00 : f32
    %broadcast_in_dim3A_1 = vector.broadcast %broadcast_in_dim3A : f32 to vector<16xf32>
    "tpu.region"() ({
      %run_scoped3A = tpu.sem_alloc : memref<!tpu.dma_semaphore, #tpu.memory_space<semaphore_mem>>
      tpu.enqueue_dma source(%arg6 : memref<16xf32, #tpu.memory_space<hbm>>) target(%arg17 : memref<16xf32, #tpu.memory_space<vmem>>) target_semaphore(%run_scoped3A : memref<!tpu.dma_semaphore, #tpu.memory_space<semaphore_mem>>)
      tpu.wait_dma2 semaphore(%run_scoped3A : memref<!tpu.dma_semaphore, #tpu.memory_space<semaphore_mem>>) src(%arg6 : memref<16xf32, #tpu.memory_space<hbm>>) dst(%arg17 : memref<16xf32, #tpu.memory_space<vmem>>)
      tpu.yield
    }) : () -> ()
    %get3A = arith.constant 0 : index
    %get3A_2 = tpu.vector_load %arg17[%get3A] {strides = array<i32>} : memref<16xf32, #tpu.memory_space<vmem>>, vector<16xf32>,
    %slice3A = vector.extract_strided_slice %get3A_2 {offsets = [0], sizes = [1], strides = [1]} : vector<16xf32> to vector<1xf32>
    %squeeze3A = vector.extract %slice3A[0] : f32 from vector<1xf32>
    %slice3A_3 = vector.extract_strided_slice %get3A_2 {offsets = [1], sizes = [1], strides = [1]} : vector<16xf32> to vector<1xf32>
    %squeeze3A_4 = vector.extract %slice3A_3[0] : f32 from vector<1xf32>
    %mul3A_5 = arith.constant 128 : i32
    %mul3A_6 = arith.muli %add3A, %mul3A_5 : i32
    %mul3A_7 = arith.constant 10 : i32
    %mul3A_8 = arith.muli %mul3A_6, %mul3A_7 : i32
    "tpu.region"() ({
      %run_scoped3A = tpu.sem_alloc : memref<!tpu.dma_semaphore, #tpu.memory_space<semaphore_mem>>
      %dma_start3A_50 = tpu.memref_slice %arg5[%mul3A_8] : memref<40960xi32, #tpu.memory_space<hbm>> -> memref<1280xi32, #tpu.memory_space<hbm>>
      %dma_start3A_51 = tpu.memref_slice %arg5[%mul3A_8] : memref<40960xi32, #tpu.memory_space<hbm>> -> memref<1280xi32, #tpu.memory_space<hbm>>
      tpu.enqueue_dma source(%dma_start3A_51 : memref<1280xi32, #tpu.memory_space<hbm>>) target(%arg9 : memref<1280xi32, #tpu.memory_space<vmem>>) target_semaphore(%run_scoped3A : memref<!tpu.dma_semaphore, #tpu.memory_space<semaphore_mem>>)
      %dma_wait3A_52 = tpu.memref_slice %arg5[%mul3A_8] : memref<40960xi32, #tpu.memory_space<hbm>> -> memref<1280xi32, #tpu.memory_space<hbm>>
      %dma_wait3A_53 = tpu.memref_slice %arg5[%mul3A_8] : memref<40960xi32, #tpu.memory_space<hbm>> -> memref<1280xi32, #tpu.memory_space<hbm>>
      tpu.wait_dma2 semaphore(%run_scoped3A : memref<!tpu.dma_semaphore, #tpu.memory_space<semaphore_mem>>) src(%dma_wait3A_53 : memref<1280xi32, #tpu.memory_space<hbm>>) dst(%arg9 : memref<1280xi32, #tpu.memory_space<vmem>>)
      tpu.yield
    }) : () -> ()
    %scan3A = arith.constant 0 : i32
    %scan3A_9 = arith.constant 0 : i32
    %scan3A_10 = arith.constant 512 : i32
    %scan3A_11 = arith.addi %scan3A_9, %scan3A_10 : i32
    %scan3A_12 = arith.constant 1 : i32
    %scan3A_13 = scf.for %scan3A_50 = %scan3A_9 to %scan3A_11 step %scan3A_12 iter_args(%scan3A_51 = %scan3A) -> (i32)  : i32 {
      %mul3A_52 = arith.constant 8 : i32
      %mul3A_53 = arith.muli %scan3A_50, %mul3A_52 : i32
      %add3A_54 = arith.constant 0 : i32
      %add3A_55 = arith.addi %mul3A_53, %add3A_54 : i32
      %mul3A_56 = arith.constant 16 : i32
      %mul3A_57 = arith.muli %add3A_55, %mul3A_56 : i32
      %swap3A = arith.index_cast %mul3A_57 : i32 to index
      %swap3A_58 = tpu.vector_load %arg15[%swap3A] {strides = array<i32>} : memref<65536xf32, #tpu.memory_space<vmem>>, vector<16xf32>,
      tpu.vector_store %arg15[%swap3A], %broadcast_in_dim3A_1 {strides = array<i32>} : memref<65536xf32, #tpu.memory_space<vmem>>, vector<16xf32>,
      %mul3A_59 = arith.constant 8 : i32
      %mul3A_60 = arith.muli %scan3A_50, %mul3A_59 : i32
      %add3A_61 = arith.constant 1 : i32
      %add3A_62 = arith.addi %mul3A_60, %add3A_61 : i32
      %mul3A_63 = arith.constant 16 : i32
      %mul3A_64 = arith.muli %add3A_62, %mul3A_63 : i32
      %swap3A_65 = arith.index_cast %mul3A_64 : i32 to index
      %swap3A_66 = tpu.vector_load %arg15[%swap3A_65] {strides = array<i32>} : memref<65536xf32, #tpu.memory_space<vmem>>, vector<16xf32>,
      tpu.vector_store %arg15[%swap3A_65], %broadcast_in_dim3A_1 {strides = array<i32>} : memref<65536xf32, #tpu.memory_space<vmem>>, vector<16xf32>,
      %mul3A_67 = arith.constant 8 : i32
      %mul3A_68 = arith.muli %scan3A_50, %mul3A_67 : i32
      %add3A_69 = arith.constant 2 : i32
      %add3A_70 = arith.addi %mul3A_68, %add3A_69 : i32
      %mul3A_71 = arith.constant 16 : i32
      %mul3A_72 = arith.muli %add3A_70, %mul3A_71 : i32
      %swap3A_73 = arith.index_cast %mul3A_72 : i32 to index
      %swap3A_74 = tpu.vector_load %arg15[%swap3A_73] {strides = array<i32>} : memref<65536xf32, #tpu.memory_space<vmem>>, vector<16xf32>,
      tpu.vector_store %arg15[%swap3A_73], %broadcast_in_dim3A_1 {strides = array<i32>} : memref<65536xf32, #tpu.memory_space<vmem>>, vector<16xf32>,
      %mul3A_75 = arith.constant 8 : i32
      %mul3A_76 = arith.muli %scan3A_50, %mul3A_75 : i32
      %add3A_77 = arith.constant 3 : i32
      %add3A_78 = arith.addi %mul3A_76, %add3A_77 : i32
      %mul3A_79 = arith.constant 16 : i32
      %mul3A_80 = arith.muli %add3A_78, %mul3A_79 : i32
      %swap3A_81 = arith.index_cast %mul3A_80 : i32 to index
      %swap3A_82 = tpu.vector_load %arg15[%swap3A_81] {strides = array<i32>} : memref<65536xf32, #tpu.memory_space<vmem>>, vector<16xf32>,
      tpu.vector_store %arg15[%swap3A_81], %broadcast_in_dim3A_1 {strides = array<i32>} : memref<65536xf32, #tpu.memory_space<vmem>>, vector<16xf32>,
      %mul3A_83 = arith.constant 8 : i32
      %mul3A_84 = arith.muli %scan3A_50, %mul3A_83 : i32
      %add3A_85 = arith.constant 4 : i32
      %add3A_86 = arith.addi %mul3A_84, %add3A_85 : i32
      %mul3A_87 = arith.constant 16 : i32
      %mul3A_88 = arith.muli %add3A_86, %mul3A_87 : i32
      %swap3A_89 = arith.index_cast %mul3A_88 : i32 to index
      %swap3A_90 = tpu.vector_load %arg15[%swap3A_89] {strides = array<i32>} : memref<65536xf32, #tpu.memory_space<vmem>>, vector<16xf32>,
      tpu.vector_store %arg15[%swap3A_89], %broadcast_in_dim3A_1 {strides = array<i32>} : memref<65536xf32, #tpu.memory_space<vmem>>, vector<16xf32>,
      %mul3A_91 = arith.constant 8 : i32
      %mul3A_92 = arith.muli %scan3A_50, %mul3A_91 : i32
      %add3A_93 = arith.constant 5 : i32
      %add3A_94 = arith.addi %mul3A_92, %add3A_93 : i32
      %mul3A_95 = arith.constant 16 : i32
      %mul3A_96 = arith.muli %add3A_94, %mul3A_95 : i32
      %swap3A_97 = arith.index_cast %mul3A_96 : i32 to index
      %swap3A_98 = tpu.vector_load %arg15[%swap3A_97] {strides = array<i32>} : memref<65536xf32, #tpu.memory_space<vmem>>, vector<16xf32>,
      tpu.vector_store %arg15[%swap3A_97], %broadcast_in_dim3A_1 {strides = array<i32>} : memref<65536xf32, #tpu.memory_space<vmem>>, vector<16xf32>,
      %mul3A_99 = arith.constant 8 : i32
      %mul3A_100 = arith.muli %scan3A_50, %mul3A_99 : i32
      %add3A_101 = arith.constant 6 : i32
      %add3A_102 = arith.addi %mul3A_100, %add3A_101 : i32
      %mul3A_103 = arith.constant 16 : i32
      %mul3A_104 = arith.muli %add3A_102, %mul3A_103 : i32
      %swap3A_105 = arith.index_cast %mul3A_104 : i32 to index
      %swap3A_106 = tpu.vector_load %arg15[%swap3A_105] {strides = array<i32>} : memref<65536xf32, #tpu.memory_space<vmem>>, vector<16xf32>,
      tpu.vector_store %arg15[%swap3A_105], %broadcast_in_dim3A_1 {strides = array<i32>} : memref<65536xf32, #tpu.memory_space<vmem>>, vector<16xf32>,
      %mul3A_107 = arith.constant 8 : i32
      %mul3A_108 = arith.muli %scan3A_50, %mul3A_107 : i32
      %add3A_109 = arith.constant 7 : i32
      %add3A_110 = arith.addi %mul3A_108, %add3A_109 : i32
      %mul3A_111 = arith.constant 16 : i32
      %mul3A_112 = arith.muli %add3A_110, %mul3A_111 : i32
      %swap3A_113 = arith.index_cast %mul3A_112 : i32 to index
      %swap3A_114 = tpu.vector_load %arg15[%swap3A_113] {strides = array<i32>} : memref<65536xf32, #tpu.memory_space<vmem>>, vector<16xf32>,
      tpu.vector_store %arg15[%swap3A_113], %broadcast_in_dim3A_1 {strides = array<i32>} : memref<65536xf32, #tpu.memory_space<vmem>>, vector<16xf32>,
      %scan3A_115 = arith.constant 0 : i32
      scf.yield %scan3A_115 : i32
    }
    %scan3A_14 = arith.constant 512 : i32
    %mul3A_15 = arith.constant 128 : i32
    %mul3A_16 = arith.muli %add3A, %mul3A_15 : i32
    %add3A_17 = arith.constant 0 : i32
    %add3A_18 = arith.addi %mul3A_16, %add3A_17 : i32
    %dma_start3A = arith.constant 0 : i32
    %dma_start3A_19 = tpu.memref_slice %arg9[%dma_start3A] : memref<1280xi32, #tpu.memory_space<vmem>> -> memref<160xi32, #tpu.memory_space<vmem>>
    %dma_start3A_20 = arith.constant 0 : i32
    %dma_start3A_21 = arith.constant 0 : i32
    %dma_start3A_22 = tpu.memref_slice %arg2[%dma_start3A_20, %dma_start3A_21] : memref<4096x64xf32, #tpu.memory_space<hbm>> -> memref<4096x64xf32, #tpu.memory_space<hbm>>
    tpu.enqueue_indirect_dma source(%dma_start3A_22 : memref<4096x64xf32, #tpu.memory_space<hbm>>) target(%arg10 : memref<160x64xf32, #tpu.memory_space<vmem>>) offsets(%dma_start3A_19 : memref<160xi32, #tpu.memory_space<vmem>>) semaphore(%arg18 : memref<!tpu.dma_semaphore, #tpu.memory_space<semaphore_mem>>)
    %dma_start3A_23 = arith.constant 0 : i32
    %dma_start3A_24 = tpu.memref_slice %arg9[%dma_start3A_23] : memref<1280xi32, #tpu.memory_space<vmem>> -> memref<160xi32, #tpu.memory_space<vmem>>
    %dma_start3A_25 = arith.constant 0 : i32
    %dma_start3A_26 = arith.constant 0 : i32
    %dma_start3A_27 = tpu.memref_slice %arg3[%dma_start3A_25, %dma_start3A_26] : memref<4096x64xf32, #tpu.memory_space<hbm>> -> memref<4096x64xf32, #tpu.memory_space<hbm>>
    tpu.enqueue_indirect_dma source(%dma_start3A_27 : memref<4096x64xf32, #tpu.memory_space<hbm>>) target(%arg11 : memref<160x64xf32, #tpu.memory_space<vmem>>) offsets(%dma_start3A_24 : memref<160xi32, #tpu.memory_space<vmem>>) semaphore(%arg18 : memref<!tpu.dma_semaphore, #tpu.memory_space<semaphore_mem>>)
    %dma_start3A_28 = arith.constant 0 : i32
    %dma_start3A_29 = tpu.memref_slice %arg2[%add3A_18, %dma_start3A_28] : memref<4096x64xf32, #tpu.memory_space<hbm>> -> memref<16x64xf32, #tpu.memory_space<hbm>>
    %dma_start3A_30 = arith.constant 0 : i32
    %dma_start3A_31 = tpu.memref_slice %arg2[%add3A_18, %dma_start3A_30] : memref<4096x64xf32, #tpu.memory_space<hbm>> -> memref<16x64xf32, #tpu.memory_space<hbm>>
    tpu.enqueue_dma source(%dma_start3A_31 : memref<16x64xf32, #tpu.memory_space<hbm>>) target(%arg13 : memref<16x64xf32, #tpu.memory_space<vmem>>) target_semaphore(%arg18 : memref<!tpu.dma_semaphore, #tpu.memory_space<semaphore_mem>>)
    %dma_start3A_32 = arith.constant 0 : i32
    %dma_start3A_33 = tpu.memref_slice %arg3[%add3A_18, %dma_start3A_32] : memref<4096x64xf32, #tpu.memory_space<hbm>> -> memref<16x64xf32, #tpu.memory_space<hbm>>
    %dma_start3A_34 = arith.constant 0 : i32
    %dma_start3A_35 = tpu.memref_slice %arg3[%add3A_18, %dma_start3A_34] : memref<4096x64xf32, #tpu.memory_space<hbm>> -> memref<16x64xf32, #tpu.memory_space<hbm>>
    tpu.enqueue_dma source(%dma_start3A_35 : memref<16x64xf32, #tpu.memory_space<hbm>>) target(%arg14 : memref<16x64xf32, #tpu.memory_space<vmem>>) target_semaphore(%arg18 : memref<!tpu.dma_semaphore, #tpu.memory_space<semaphore_mem>>)
    %scan3A_36 = arith.constant 0 : i32
    %scan3A_37 = arith.constant 0 : i32
    %scan3A_38 = arith.constant 8 : i32
    %scan3A_39 = arith.addi %scan3A_37, %scan3A_38 : i32
    %scan3A_40 = arith.constant 1 : i32
    %scan3A_41 = scf.for %scan3A_50 = %scan3A_37 to %scan3A_39 step %scan3A_40 iter_args(%scan3A_51 = %scan3A_36) -> (i32)  : i32 {
      %mul3A_52 = arith.constant 128 : i32
      %mul3A_53 = arith.muli %add3A, %mul3A_52 : i32
      %mul3A_54 = arith.constant 16 : i32
      %mul3A_55 = arith.muli %scan3A_50, %mul3A_54 : i32
      %add3A_56 = arith.addi %mul3A_53, %mul3A_55 : i32
      %gt3A = arith.constant 0 : i32
      %gt3A_57 = arith.cmpi sgt, %scan3A_50, %gt3A : i32
      %convert_element_type3A = arith.extui %gt3A_57 : i1 to i32
      %cond3A = arith.constant 0 : i32
      %cond3A_58 = arith.cmpi ne, %convert_element_type3A, %cond3A : i32
      scf.if %cond3A_58 {
        %mul3A_1680 = arith.constant 128 : i32
        %mul3A_1681 = arith.muli %add3A, %mul3A_1680 : i32
        %sub3A_1682 = arith.constant 1 : i32
        %sub3A_1683 = arith.subi %scan3A_50, %sub3A_1682 : i32
        %mul3A_1684 = arith.constant 16 : i32
        %mul3A_1685 = arith.muli %sub3A_1683, %mul3A_1684 : i32
        %add3A_1686 = arith.addi %mul3A_1681, %mul3A_1685 : i32
        %mul3A_1687 = arith.constant 4096 : i32
        %mul3A_1688 = arith.muli %add3A_1686, %mul3A_1687 : i32
        %dma_wait3A_1689 = tpu.memref_slice %arg7[%mul3A_1688] : memref<16777216xf32, #tpu.memory_space<hbm>> -> memref<65536xf32, #tpu.memory_space<hbm>>
        %dma_wait3A_1690 = tpu.memref_slice %arg7[%mul3A_1688] : memref<16777216xf32, #tpu.memory_space<hbm>> -> memref<65536xf32, #tpu.memory_space<hbm>>
        tpu.wait_dma2 semaphore(%arg20 : memref<!tpu.dma_semaphore, #tpu.memory_space<semaphore_mem>>) src(%arg15 : memref<65536xf32, #tpu.memory_space<vmem>>) dst(%dma_wait3A_1690 : memref<65536xf32, #tpu.memory_space<hbm>>)
        %sub3A_1691 = arith.constant 1 : i32
        %sub3A_1692 = arith.subi %scan3A_50, %sub3A_1691 : i32
        %mul3A_1693 = arith.constant 16 : i32
        %mul3A_1694 = arith.muli %sub3A_1692, %mul3A_1693 : i32
        %mul3A_1695 = arith.constant 10 : i32
        %mul3A_1696 = arith.muli %mul3A_1694, %mul3A_1695 : i32
        %mul3A_1697 = arith.constant 10 : i32
        %mul3A_1698 = vector.broadcast %mul3A_1697 : i32 to vector<16xi32>
        %mul3A_1699 = arith.muli %iota3A, %mul3A_1698 : vector<16xi32>
        %add3A_1700 = vector.broadcast %mul3A_1696 : i32 to vector<16xi32>
        %add3A_1701 = arith.addi %add3A_1700, %mul3A_1699 : vector<16xi32>
        %add3A_1702 = arith.constant 0 : i32
        %add3A_1703 = vector.broadcast %add3A_1702 : i32 to vector<16xi32>
        %add3A_1704 = arith.addi %add3A_1701, %add3A_1703 : vector<16xi32>
        %gather3A_1705 = tpu.vector_load_idx %arg9[%add3A_1704] : memref<1280xi32, #tpu.memory_space<vmem>>[vector<16xi32>], vector<16xi32>,
        %mul3A_1706 = arith.constant 16 : i32
        %mul3A_1707 = arith.muli %sub3A_1692, %mul3A_1706 : i32
        %mul3A_1708 = arith.constant 10 : i32
        %mul3A_1709 = arith.muli %mul3A_1707, %mul3A_1708 : i32
        %mul3A_1710 = arith.constant 10 : i32
        %mul3A_1711 = vector.broadcast %mul3A_1710 : i32 to vector<16xi32>
        %mul3A_1712 = arith.muli %iota3A, %mul3A_1711 : vector<16xi32>
        %add3A_1713 = vector.broadcast %mul3A_1709 : i32 to vector<16xi32>
        %add3A_1714 = arith.addi %add3A_1713, %mul3A_1712 : vector<16xi32>
        %add3A_1715 = arith.constant 1 : i32
        %add3A_1716 = vector.broadcast %add3A_1715 : i32 to vector<16xi32>
        %add3A_1717 = arith.addi %add3A_1714, %add3A_1716 : vector<16xi32>
        %gather3A_1718 = tpu.vector_load_idx %arg9[%add3A_1717] : memref<1280xi32, #tpu.memory_space<vmem>>[vector<16xi32>], vector<16xi32>,
        %mul3A_1719 = arith.constant 16 : i32
        %mul3A_1720 = arith.muli %sub3A_1692, %mul3A_1719 : i32
        %mul3A_1721 = arith.constant 10 : i32
        %mul3A_1722 = arith.muli %mul3A_1720, %mul3A_1721 : i32
        %mul3A_1723 = arith.constant 10 : i32
        %mul3A_1724 = vector.broadcast %mul3A_1723 : i32 to vector<16xi32>
        %mul3A_1725 = arith.muli %iota3A, %mul3A_1724 : vector<16xi32>
        %add3A_1726 = vector.broadcast %mul3A_1722 : i32 to vector<16xi32>
        %add3A_1727 = arith.addi %add3A_1726, %mul3A_1725 : vector<16xi32>
        %add3A_1728 = arith.constant 2 : i32
        %add3A_1729 = vector.broadcast %add3A_1728 : i32 to vector<16xi32>
        %add3A_1730 = arith.addi %add3A_1727, %add3A_1729 : vector<16xi32>
        %gather3A_1731 = tpu.vector_load_idx %arg9[%add3A_1730] : memref<1280xi32, #tpu.memory_space<vmem>>[vector<16xi32>], vector<16xi32>,
        %mul3A_1732 = arith.constant 16 : i32
        %mul3A_1733 = arith.muli %sub3A_1692, %mul3A_1732 : i32
        %mul3A_1734 = arith.constant 10 : i32
        %mul3A_1735 = arith.muli %mul3A_1733, %mul3A_1734 : i32
        %mul3A_1736 = arith.constant 10 : i32
        %mul3A_1737 = vector.broadcast %mul3A_1736 : i32 to vector<16xi32>
        %mul3A_1738 = arith.muli %iota3A, %mul3A_1737 : vector<16xi32>
        %add3A_1739 = vector.broadcast %mul3A_1735 : i32 to vector<16xi32>
        %add3A_1740 = arith.addi %add3A_1739, %mul3A_1738 : vector<16xi32>
        %add3A_1741 = arith.constant 3 : i32
        %add3A_1742 = vector.broadcast %add3A_1741 : i32 to vector<16xi32>
        %add3A_1743 = arith.addi %add3A_1740, %add3A_1742 : vector<16xi32>
        %gather3A_1744 = tpu.vector_load_idx %arg9[%add3A_1743] : memref<1280xi32, #tpu.memory_space<vmem>>[vector<16xi32>], vector<16xi32>,
        %mul3A_1745 = arith.constant 16 : i32
        %mul3A_1746 = arith.muli %sub3A_1692, %mul3A_1745 : i32
        %mul3A_1747 = arith.constant 10 : i32
        %mul3A_1748 = arith.muli %mul3A_1746, %mul3A_1747 : i32
        %mul3A_1749 = arith.constant 10 : i32
        %mul3A_1750 = vector.broadcast %mul3A_1749 : i32 to vector<16xi32>
        %mul3A_1751 = arith.muli %iota3A, %mul3A_1750 : vector<16xi32>
        %add3A_1752 = vector.broadcast %mul3A_1748 : i32 to vector<16xi32>
        %add3A_1753 = arith.addi %add3A_1752, %mul3A_1751 : vector<16xi32>
        %add3A_1754 = arith.constant 4 : i32
        %add3A_1755 = vector.broadcast %add3A_1754 : i32 to vector<16xi32>
        %add3A_1756 = arith.addi %add3A_1753, %add3A_1755 : vector<16xi32>
        %gather3A_1757 = tpu.vector_load_idx %arg9[%add3A_1756] : memref<1280xi32, #tpu.memory_space<vmem>>[vector<16xi32>], vector<16xi32>,
        %mul3A_1758 = arith.constant 16 : i32
        %mul3A_1759 = arith.muli %sub3A_1692, %mul3A_1758 : i32
        %mul3A_1760 = arith.constant 10 : i32
        %mul3A_1761 = arith.muli %mul3A_1759, %mul3A_1760 : i32
        %mul3A_1762 = arith.constant 10 : i32
        %mul3A_1763 = vector.broadcast %mul3A_1762 : i32 to vector<16xi32>
        %mul3A_1764 = arith.muli %iota3A, %mul3A_1763 : vector<16xi32>
        %add3A_1765 = vector.broadcast %mul3A_1761 : i32 to vector<16xi32>
        %add3A_1766 = arith.addi %add3A_1765, %mul3A_1764 : vector<16xi32>
        %add3A_1767 = arith.constant 5 : i32
        %add3A_1768 = vector.broadcast %add3A_1767 : i32 to vector<16xi32>
        %add3A_1769 = arith.addi %add3A_1766, %add3A_1768 : vector<16xi32>
        %gather3A_1770 = tpu.vector_load_idx %arg9[%add3A_1769] : memref<1280xi32, #tpu.memory_space<vmem>>[vector<16xi32>], vector<16xi32>,
        %mul3A_1771 = arith.constant 16 : i32
        %mul3A_1772 = arith.muli %sub3A_1692, %mul3A_1771 : i32
        %mul3A_1773 = arith.constant 10 : i32
        %mul3A_1774 = arith.muli %mul3A_1772, %mul3A_1773 : i32
        %mul3A_1775 = arith.constant 10 : i32
        %mul3A_1776 = vector.broadcast %mul3A_1775 : i32 to vector<16xi32>
        %mul3A_1777 = arith.muli %iota3A, %mul3A_1776 : vector<16xi32>
        %add3A_1778 = vector.broadcast %mul3A_1774 : i32 to vector<16xi32>
        %add3A_1779 = arith.addi %add3A_1778, %mul3A_1777 : vector<16xi32>
        %add3A_1780 = arith.constant 6 : i32
        %add3A_1781 = vector.broadcast %add3A_1780 : i32 to vector<16xi32>
        %add3A_1782 = arith.addi %add3A_1779, %add3A_1781 : vector<16xi32>
        %gather3A_1783 = tpu.vector_load_idx %arg9[%add3A_1782] : memref<1280xi32, #tpu.memory_space<vmem>>[vector<16xi32>], vector<16xi32>,
        %mul3A_1784 = arith.constant 16 : i32
        %mul3A_1785 = arith.muli %sub3A_1692, %mul3A_1784 : i32
        %mul3A_1786 = arith.constant 10 : i32
        %mul3A_1787 = arith.muli %mul3A_1785, %mul3A_1786 : i32
        %mul3A_1788 = arith.constant 10 : i32
        %mul3A_1789 = vector.broadcast %mul3A_1788 : i32 to vector<16xi32>
        %mul3A_1790 = arith.muli %iota3A, %mul3A_1789 : vector<16xi32>
        %add3A_1791 = vector.broadcast %mul3A_1787 : i32 to vector<16xi32>
        %add3A_1792 = arith.addi %add3A_1791, %mul3A_1790 : vector<16xi32>
        %add3A_1793 = arith.constant 7 : i32
        %add3A_1794 = vector.broadcast %add3A_1793 : i32 to vector<16xi32>
        %add3A_1795 = arith.addi %add3A_1792, %add3A_1794 : vector<16xi32>
        %gather3A_1796 = tpu.vector_load_idx %arg9[%add3A_1795] : memref<1280xi32, #tpu.memory_space<vmem>>[vector<16xi32>], vector<16xi32>,
        %mul3A_1797 = arith.constant 16 : i32
        %mul3A_1798 = arith.muli %sub3A_1692, %mul3A_1797 : i32
        %mul3A_1799 = arith.constant 10 : i32
        %mul3A_1800 = arith.muli %mul3A_1798, %mul3A_1799 : i32
        %mul3A_1801 = arith.constant 10 : i32
        %mul3A_1802 = vector.broadcast %mul3A_1801 : i32 to vector<16xi32>
        %mul3A_1803 = arith.muli %iota3A, %mul3A_1802 : vector<16xi32>
        %add3A_1804 = vector.broadcast %mul3A_1800 : i32 to vector<16xi32>
        %add3A_1805 = arith.addi %add3A_1804, %mul3A_1803 : vector<16xi32>
        %add3A_1806 = arith.constant 8 : i32
        %add3A_1807 = vector.broadcast %add3A_1806 : i32 to vector<16xi32>
        %add3A_1808 = arith.addi %add3A_1805, %add3A_1807 : vector<16xi32>
        %gather3A_1809 = tpu.vector_load_idx %arg9[%add3A_1808] : memref<1280xi32, #tpu.memory_space<vmem>>[vector<16xi32>], vector<16xi32>,
        %mul3A_1810 = arith.constant 16 : i32
        %mul3A_1811 = arith.muli %sub3A_1692, %mul3A_1810 : i32
        %mul3A_1812 = arith.constant 10 : i32
        %mul3A_1813 = arith.muli %mul3A_1811, %mul3A_1812 : i32
        %mul3A_1814 = arith.constant 10 : i32
        %mul3A_1815 = vector.broadcast %mul3A_1814 : i32 to vector<16xi32>
        %mul3A_1816 = arith.muli %iota3A, %mul3A_1815 : vector<16xi32>
        %add3A_1817 = vector.broadcast %mul3A_1813 : i32 to vector<16xi32>
        %add3A_1818 = arith.addi %add3A_1817, %mul3A_1816 : vector<16xi32>
        %add3A_1819 = arith.constant 9 : i32
        %add3A_1820 = vector.broadcast %add3A_1819 : i32 to vector<16xi32>
        %add3A_1821 = arith.addi %add3A_1818, %add3A_1820 : vector<16xi32>
        %gather3A_1822 = tpu.vector_load_idx %arg9[%add3A_1821] : memref<1280xi32, #tpu.memory_space<vmem>>[vector<16xi32>], vector<16xi32>,
        %mul3A_1823 = arith.constant 4096 : i32
        %mul3A_1824 = vector.broadcast %mul3A_1823 : i32 to vector<16xi32>
        %mul3A_1825 = arith.muli %iota3A, %mul3A_1824 : vector<16xi32>
        %add3A_1826 = arith.addi %mul3A_1825, %gather3A_1705 : vector<16xi32>
        tpu.vector_store_idx %arg15[%add3A_1826], %broadcast_in_dim3A_1 : memref<65536xf32, #tpu.memory_space<vmem>>[vector<16xi32>], vector<16xf32>,
        %mul3A_1827 = arith.constant 4096 : i32
        %mul3A_1828 = vector.broadcast %mul3A_1827 : i32 to vector<16xi32>
        %mul3A_1829 = arith.muli %iota3A, %mul3A_1828 : vector<16xi32>
        %add3A_1830 = arith.addi %mul3A_1829, %gather3A_1718 : vector<16xi32>
        tpu.vector_store_idx %arg15[%add3A_1830], %broadcast_in_dim3A_1 : memref<65536xf32, #tpu.memory_space<vmem>>[vector<16xi32>], vector<16xf32>,
        %mul3A_1831 = arith.constant 4096 : i32
        %mul3A_1832 = vector.broadcast %mul3A_1831 : i32 to vector<16xi32>
        %mul3A_1833 = arith.muli %iota3A, %mul3A_1832 : vector<16xi32>
        %add3A_1834 = arith.addi %mul3A_1833, %gather3A_1731 : vector<16xi32>
        tpu.vector_store_idx %arg15[%add3A_1834], %broadcast_in_dim3A_1 : memref<65536xf32, #tpu.memory_space<vmem>>[vector<16xi32>], vector<16xf32>,
        %mul3A_1835 = arith.constant 4096 : i32
        %mul3A_1836 = vector.broadcast %mul3A_1835 : i32 to vector<16xi32>
        %mul3A_1837 = arith.muli %iota3A, %mul3A_1836 : vector<16xi32>
        %add3A_1838 = arith.addi %mul3A_1837, %gather3A_1744 : vector<16xi32>
        tpu.vector_store_idx %arg15[%add3A_1838], %broadcast_in_dim3A_1 : memref<65536xf32, #tpu.memory_space<vmem>>[vector<16xi32>], vector<16xf32>,
        %mul3A_1839 = arith.constant 4096 : i32
        %mul3A_1840 = vector.broadcast %mul3A_1839 : i32 to vector<16xi32>
        %mul3A_1841 = arith.muli %iota3A, %mul3A_1840 : vector<16xi32>
        %add3A_1842 = arith.addi %mul3A_1841, %gather3A_1757 : vector<16xi32>
        tpu.vector_store_idx %arg15[%add3A_1842], %broadcast_in_dim3A_1 : memref<65536xf32, #tpu.memory_space<vmem>>[vector<16xi32>], vector<16xf32>,
        %mul3A_1843 = arith.constant 4096 : i32
        %mul3A_1844 = vector.broadcast %mul3A_1843 : i32 to vector<16xi32>
        %mul3A_1845 = arith.muli %iota3A, %mul3A_1844 : vector<16xi32>
        %add3A_1846 = arith.addi %mul3A_1845, %gather3A_1770 : vector<16xi32>
        tpu.vector_store_idx %arg15[%add3A_1846], %broadcast_in_dim3A_1 : memref<65536xf32, #tpu.memory_space<vmem>>[vector<16xi32>], vector<16xf32>,
        %mul3A_1847 = arith.constant 4096 : i32
        %mul3A_1848 = vector.broadcast %mul3A_1847 : i32 to vector<16xi32>
        %mul3A_1849 = arith.muli %iota3A, %mul3A_1848 : vector<16xi32>
        %add3A_1850 = arith.addi %mul3A_1849, %gather3A_1783 : vector<16xi32>
        tpu.vector_store_idx %arg15[%add3A_1850], %broadcast_in_dim3A_1 : memref<65536xf32, #tpu.memory_space<vmem>>[vector<16xi32>], vector<16xf32>,
        %mul3A_1851 = arith.constant 4096 : i32
        %mul3A_1852 = vector.broadcast %mul3A_1851 : i32 to vector<16xi32>
        %mul3A_1853 = arith.muli %iota3A, %mul3A_1852 : vector<16xi32>
        %add3A_1854 = arith.addi %mul3A_1853, %gather3A_1796 : vector<16xi32>
        tpu.vector_store_idx %arg15[%add3A_1854], %broadcast_in_dim3A_1 : memref<65536xf32, #tpu.memory_space<vmem>>[vector<16xi32>], vector<16xf32>,
        %mul3A_1855 = arith.constant 4096 : i32
        %mul3A_1856 = vector.broadcast %mul3A_1855 : i32 to vector<16xi32>
        %mul3A_1857 = arith.muli %iota3A, %mul3A_1856 : vector<16xi32>
        %add3A_1858 = arith.addi %mul3A_1857, %gather3A_1809 : vector<16xi32>
        tpu.vector_store_idx %arg15[%add3A_1858], %broadcast_in_dim3A_1 : memref<65536xf32, #tpu.memory_space<vmem>>[vector<16xi32>], vector<16xf32>,
        %mul3A_1859 = arith.constant 4096 : i32
        %mul3A_1860 = vector.broadcast %mul3A_1859 : i32 to vector<16xi32>
        %mul3A_1861 = arith.muli %iota3A, %mul3A_1860 : vector<16xi32>
        %add3A_1862 = arith.addi %mul3A_1861, %gather3A_1822 : vector<16xi32>
        tpu.vector_store_idx %arg15[%add3A_1862], %broadcast_in_dim3A_1 : memref<65536xf32, #tpu.memory_space<vmem>>[vector<16xi32>], vector<16xf32>,
      } else {
      }
      %mul3A_59 = arith.constant 16 : i32
      %mul3A_60 = arith.muli %scan3A_50, %mul3A_59 : i32
      %mul3A_61 = arith.constant 10 : i32
      %mul3A_62 = arith.muli %mul3A_60, %mul3A_61 : i32
      %dma_start3A_63 = tpu.memref_slice %arg9[%mul3A_62] : memref<1280xi32, #tpu.memory_space<vmem>> -> memref<160xi32, #tpu.memory_space<vmem>>
      %dma_start3A_64 = arith.constant 0 : i32
      %dma_start3A_65 = arith.constant 0 : i32
      %dma_start3A_66 = tpu.memref_slice %arg4[%dma_start3A_64, %dma_start3A_65] : memref<4096x64xf32, #tpu.memory_space<hbm>> -> memref<4096x64xf32, #tpu.memory_space<hbm>>
      tpu.enqueue_indirect_dma source(%dma_start3A_66 : memref<4096x64xf32, #tpu.memory_space<hbm>>) target(%arg12 : memref<160x64xf32, #tpu.memory_space<vmem>>) offsets(%dma_start3A_63 : memref<160xi32, #tpu.memory_space<vmem>>) semaphore(%arg19 : memref<!tpu.dma_semaphore, #tpu.memory_space<semaphore_mem>>)
      %mul3A_67 = arith.constant 16 : i32
      %mul3A_68 = arith.muli %scan3A_50, %mul3A_67 : i32
      %mul3A_69 = arith.constant 10 : i32
      %mul3A_70 = arith.muli %mul3A_68, %mul3A_69 : i32
      %mul3A_71 = arith.constant 128 : i32
      %mul3A_72 = arith.muli %add3A, %mul3A_71 : i32
      %mul3A_73 = arith.constant 16 : i32
      %mul3A_74 = arith.muli %scan3A_50, %mul3A_73 : i32
      %add3A_75 = arith.addi %mul3A_72, %mul3A_74 : i32
      %dma_wait3A_76 = tpu.memref_slice %arg9[%mul3A_70] : memref<1280xi32, #tpu.memory_space<vmem>> -> memref<160xi32, #tpu.memory_space<vmem>>
      %dma_wait3A_77 = arith.constant 0 : i32
      %dma_wait3A_78 = arith.constant 0 : i32
      %dma_wait3A_79 = tpu.memref_slice %arg2[%dma_wait3A_77, %dma_wait3A_78] : memref<4096x64xf32, #tpu.memory_space<hbm>> -> memref<4096x64xf32, #tpu.memory_space<hbm>>
      tpu.wait_indirect_dma semaphore(%arg18 : memref<!tpu.dma_semaphore, #tpu.memory_space<semaphore_mem>>) src(%dma_wait3A_79 : memref<4096x64xf32, #tpu.memory_space<hbm>>) dst(%arg10 : memref<160x64xf32, #tpu.memory_space<vmem>>)
      %dma_wait3A_80 = tpu.memref_slice %arg9[%mul3A_70] : memref<1280xi32, #tpu.memory_space<vmem>> -> memref<160xi32, #tpu.memory_space<vmem>>
      %dma_wait3A_81 = arith.constant 0 : i32
      %dma_wait3A_82 = arith.constant 0 : i32
      %dma_wait3A_83 = tpu.memref_slice %arg3[%dma_wait3A_81, %dma_wait3A_82] : memref<4096x64xf32, #tpu.memory_space<hbm>> -> memref<4096x64xf32, #tpu.memory_space<hbm>>
      tpu.wait_indirect_dma semaphore(%arg18 : memref<!tpu.dma_semaphore, #tpu.memory_space<semaphore_mem>>) src(%dma_wait3A_83 : memref<4096x64xf32, #tpu.memory_space<hbm>>) dst(%arg11 : memref<160x64xf32, #tpu.memory_space<vmem>>)
      %dma_wait3A_84 = arith.constant 0 : i32
      %dma_wait3A_85 = tpu.memref_slice %arg2[%add3A_75, %dma_wait3A_84] : memref<4096x64xf32, #tpu.memory_space<hbm>> -> memref<16x64xf32, #tpu.memory_space<hbm>>
      %dma_wait3A_86 = arith.constant 0 : i32
      %dma_wait3A_87 = tpu.memref_slice %arg2[%add3A_75, %dma_wait3A_86] : memref<4096x64xf32, #tpu.memory_space<hbm>> -> memref<16x64xf32, #tpu.memory_space<hbm>>
      tpu.wait_dma2 semaphore(%arg18 : memref<!tpu.dma_semaphore, #tpu.memory_space<semaphore_mem>>) src(%dma_wait3A_87 : memref<16x64xf32, #tpu.memory_space<hbm>>) dst(%arg13 : memref<16x64xf32, #tpu.memory_space<vmem>>)
      %dma_wait3A_88 = arith.constant 0 : i32
      %dma_wait3A_89 = tpu.memref_slice %arg3[%add3A_75, %dma_wait3A_88] : memref<4096x64xf32, #tpu.memory_space<hbm>> -> memref<16x64xf32, #tpu.memory_space<hbm>>
      %dma_wait3A_90 = arith.constant 0 : i32
      %dma_wait3A_91 = tpu.memref_slice %arg3[%add3A_75, %dma_wait3A_90] : memref<4096x64xf32, #tpu.memory_space<hbm>> -> memref<16x64xf32, #tpu.memory_space<hbm>>
      tpu.wait_dma2 semaphore(%arg18 : memref<!tpu.dma_semaphore, #tpu.memory_space<semaphore_mem>>) src(%dma_wait3A_91 : memref<16x64xf32, #tpu.memory_space<hbm>>) dst(%arg14 : memref<16x64xf32, #tpu.memory_space<vmem>>)
      %mul3A_92 = arith.constant 10 : i32
      %mul3A_93 = vector.broadcast %mul3A_92 : i32 to vector<16xi32>
      %mul3A_94 = arith.muli %iota3A, %mul3A_93 : vector<16xi32>
      %add3A_95 = arith.constant 0 : i32
      %add3A_96 = vector.broadcast %add3A_95 : i32 to vector<16xi32>
      %add3A_97 = arith.addi %mul3A_94, %add3A_96 : vector<16xi32>
      %mul3A_98 = arith.constant 10 : i32
      %mul3A_99 = vector.broadcast %mul3A_98 : i32 to vector<16xi32>
      %mul3A_100 = arith.muli %iota3A, %mul3A_99 : vector<16xi32>
      %add3A_101 = arith.constant 1 : i32
      %add3A_102 = vector.broadcast %add3A_101 : i32 to vector<16xi32>
      %add3A_103 = arith.addi %mul3A_100, %add3A_102 : vector<16xi32>
      %mul3A_104 = arith.constant 10 : i32
      %mul3A_105 = vector.broadcast %mul3A_104 : i32 to vector<16xi32>
      %mul3A_106 = arith.muli %iota3A, %mul3A_105 : vector<16xi32>
      %add3A_107 = arith.constant 2 : i32
      %add3A_108 = vector.broadcast %add3A_107 : i32 to vector<16xi32>
      %add3A_109 = arith.addi %mul3A_106, %add3A_108 : vector<16xi32>
      %mul3A_110 = arith.constant 10 : i32
      %mul3A_111 = vector.broadcast %mul3A_110 : i32 to vector<16xi32>
      %mul3A_112 = arith.muli %iota3A, %mul3A_111 : vector<16xi32>
      %add3A_113 = arith.constant 3 : i32
      %add3A_114 = vector.broadcast %add3A_113 : i32 to vector<16xi32>
      %add3A_115 = arith.addi %mul3A_112, %add3A_114 : vector<16xi32>
      %mul3A_116 = arith.constant 10 : i32
      %mul3A_117 = vector.broadcast %mul3A_116 : i32 to vector<16xi32>
      %mul3A_118 = arith.muli %iota3A, %mul3A_117 : vector<16xi32>
      %add3A_119 = arith.constant 4 : i32
      %add3A_120 = vector.broadcast %add3A_119 : i32 to vector<16xi32>
      %add3A_121 = arith.addi %mul3A_118, %add3A_120 : vector<16xi32>
      %mul3A_122 = arith.constant 10 : i32
      %mul3A_123 = vector.broadcast %mul3A_122 : i32 to vector<16xi32>
      %mul3A_124 = arith.muli %iota3A, %mul3A_123 : vector<16xi32>
      %add3A_125 = arith.constant 5 : i32
      %add3A_126 = vector.broadcast %add3A_125 : i32 to vector<16xi32>
      %add3A_127 = arith.addi %mul3A_124, %add3A_126 : vector<16xi32>
      %mul3A_128 = arith.constant 10 : i32
      %mul3A_129 = vector.broadcast %mul3A_128 : i32 to vector<16xi32>
      %mul3A_130 = arith.muli %iota3A, %mul3A_129 : vector<16xi32>
      %add3A_131 = arith.constant 6 : i32
      %add3A_132 = vector.broadcast %add3A_131 : i32 to vector<16xi32>
      %add3A_133 = arith.addi %mul3A_130, %add3A_132 : vector<16xi32>
      %mul3A_134 = arith.constant 10 : i32
      %mul3A_135 = vector.broadcast %mul3A_134 : i32 to vector<16xi32>
      %mul3A_136 = arith.muli %iota3A, %mul3A_135 : vector<16xi32>
      %add3A_137 = arith.constant 7 : i32
      %add3A_138 = vector.broadcast %add3A_137 : i32 to vector<16xi32>
      %add3A_139 = arith.addi %mul3A_136, %add3A_138 : vector<16xi32>
      %mul3A_140 = arith.constant 10 : i32
      %mul3A_141 = vector.broadcast %mul3A_140 : i32 to vector<16xi32>
      %mul3A_142 = arith.muli %iota3A, %mul3A_141 : vector<16xi32>
      %add3A_143 = arith.constant 8 : i32
      %add3A_144 = vector.broadcast %add3A_143 : i32 to vector<16xi32>
      %add3A_145 = arith.addi %mul3A_142, %add3A_144 : vector<16xi32>
      %mul3A_146 = arith.constant 10 : i32
      %mul3A_147 = vector.broadcast %mul3A_146 : i32 to vector<16xi32>
      %mul3A_148 = arith.muli %iota3A, %mul3A_147 : vector<16xi32>
      %add3A_149 = arith.constant 9 : i32
      %add3A_150 = vector.broadcast %add3A_149 : i32 to vector<16xi32>
      %add3A_151 = arith.addi %mul3A_148, %add3A_150 : vector<16xi32>
      %scan3A_152 = arith.constant 0 : i32
      %scan3A_153 = arith.constant 32 : i32
      %scan3A_154 = arith.addi %scan3A_152, %scan3A_153 : i32
      %scan3A_155 = arith.constant 1 : i32
      %scan3A_156:10 = scf.for %scan3A_1680 = %scan3A_152 to %scan3A_154 step %scan3A_155 iter_args(%scan3A_1681 = %broadcast_in_dim3A_1, %scan3A_1682 = %broadcast_in_dim3A_1, %scan3A_1683 = %broadcast_in_dim3A_1, %scan3A_1684 = %broadcast_in_dim3A_1, %scan3A_1685 = %broadcast_in_dim3A_1, %scan3A_1686 = %broadcast_in_dim3A_1, %scan3A_1687 = %broadcast_in_dim3A_1, %scan3A_1688 = %broadcast_in_dim3A_1, %scan3A_1689 = %broadcast_in_dim3A_1, %scan3A_1690 = %broadcast_in_dim3A_1) -> (vector<16xf32>, vector<16xf32>, vector<16xf32>, vector<16xf32>, vector<16xf32>, vector<16xf32>, vector<16xf32>, vector<16xf32>, vector<16xf32>, vector<16xf32>)  : i32 {
        %mul3A_1691 = arith.constant 2 : i32
        %mul3A_1692 = arith.muli %scan3A_1680, %mul3A_1691 : i32
        %add3A_1693 = arith.constant 0 : i32
        %add3A_1694 = arith.addi %mul3A_1692, %add3A_1693 : i32
        %broadcast_in_dim3A_1695 = vector.broadcast %add3A_1694 : i32 to vector<16xi32>
        %gather3A_1696 = tpu.vector_load_idx %arg13[%iota3A, %broadcast_in_dim3A_1695] : memref<16x64xf32, #tpu.memory_space<vmem>>[vector<16xi32>, vector<16xi32>], vector<16xf32>,
        %gather3A_1697 = tpu.vector_load_idx %arg10[%add3A_97, %broadcast_in_dim3A_1695] : memref<160x64xf32, #tpu.memory_space<vmem>>[vector<16xi32>, vector<16xi32>], vector<16xf32>,
        %sub3A_1698 = arith.subf %gather3A_1696, %gather3A_1697 : vector<16xf32>
        %mul3A_1699 = arith.mulf %sub3A_1698, %sub3A_1698 : vector<16xf32>
        %add3A_1700 = arith.addf %scan3A_1681, %mul3A_1699 : vector<16xf32>
        %gather3A_1701 = tpu.vector_load_idx %arg10[%add3A_103, %broadcast_in_dim3A_1695] : memref<160x64xf32, #tpu.memory_space<vmem>>[vector<16xi32>, vector<16xi32>], vector<16xf32>,
        %sub3A_1702 = arith.subf %gather3A_1696, %gather3A_1701 : vector<16xf32>
        %mul3A_1703 = arith.mulf %sub3A_1702, %sub3A_1702 : vector<16xf32>
        %add3A_1704 = arith.addf %scan3A_1682, %mul3A_1703 : vector<16xf32>
        %gather3A_1705 = tpu.vector_load_idx %arg10[%add3A_109, %broadcast_in_dim3A_1695] : memref<160x64xf32, #tpu.memory_space<vmem>>[vector<16xi32>, vector<16xi32>], vector<16xf32>,
        %sub3A_1706 = arith.subf %gather3A_1696, %gather3A_1705 : vector<16xf32>
        %mul3A_1707 = arith.mulf %sub3A_1706, %sub3A_1706 : vector<16xf32>
        %add3A_1708 = arith.addf %scan3A_1683, %mul3A_1707 : vector<16xf32>
        %gather3A_1709 = tpu.vector_load_idx %arg10[%add3A_115, %broadcast_in_dim3A_1695] : memref<160x64xf32, #tpu.memory_space<vmem>>[vector<16xi32>, vector<16xi32>], vector<16xf32>,
        %sub3A_1710 = arith.subf %gather3A_1696, %gather3A_1709 : vector<16xf32>
        %mul3A_1711 = arith.mulf %sub3A_1710, %sub3A_1710 : vector<16xf32>
        %add3A_1712 = arith.addf %scan3A_1684, %mul3A_1711 : vector<16xf32>
        %gather3A_1713 = tpu.vector_load_idx %arg10[%add3A_121, %broadcast_in_dim3A_1695] : memref<160x64xf32, #tpu.memory_space<vmem>>[vector<16xi32>, vector<16xi32>], vector<16xf32>,
        %sub3A_1714 = arith.subf %gather3A_1696, %gather3A_1713 : vector<16xf32>
        %mul3A_1715 = arith.mulf %sub3A_1714, %sub3A_1714 : vector<16xf32>
        %add3A_1716 = arith.addf %scan3A_1685, %mul3A_1715 : vector<16xf32>
        %gather3A_1717 = tpu.vector_load_idx %arg10[%add3A_127, %broadcast_in_dim3A_1695] : memref<160x64xf32, #tpu.memory_space<vmem>>[vector<16xi32>, vector<16xi32>], vector<16xf32>,
        %sub3A_1718 = arith.subf %gather3A_1696, %gather3A_1717 : vector<16xf32>
        %mul3A_1719 = arith.mulf %sub3A_1718, %sub3A_1718 : vector<16xf32>
        %add3A_1720 = arith.addf %scan3A_1686, %mul3A_1719 : vector<16xf32>
        %gather3A_1721 = tpu.vector_load_idx %arg10[%add3A_133, %broadcast_in_dim3A_1695] : memref<160x64xf32, #tpu.memory_space<vmem>>[vector<16xi32>, vector<16xi32>], vector<16xf32>,
        %sub3A_1722 = arith.subf %gather3A_1696, %gather3A_1721 : vector<16xf32>
        %mul3A_1723 = arith.mulf %sub3A_1722, %sub3A_1722 : vector<16xf32>
        %add3A_1724 = arith.addf %scan3A_1687, %mul3A_1723 : vector<16xf32>
        %gather3A_1725 = tpu.vector_load_idx %arg10[%add3A_139, %broadcast_in_dim3A_1695] : memref<160x64xf32, #tpu.memory_space<vmem>>[vector<16xi32>, vector<16xi32>], vector<16xf32>,
        %sub3A_1726 = arith.subf %gather3A_1696, %gather3A_1725 : vector<16xf32>
        %mul3A_1727 = arith.mulf %sub3A_1726, %sub3A_1726 : vector<16xf32>
        %add3A_1728 = arith.addf %scan3A_1688, %mul3A_1727 : vector<16xf32>
        %gather3A_1729 = tpu.vector_load_idx %arg10[%add3A_145, %broadcast_in_dim3A_1695] : memref<160x64xf32, #tpu.memory_space<vmem>>[vector<16xi32>, vector<16xi32>], vector<16xf32>,
        %sub3A_1730 = arith.subf %gather3A_1696, %gather3A_1729 : vector<16xf32>
        %mul3A_1731 = arith.mulf %sub3A_1730, %sub3A_1730 : vector<16xf32>
        %add3A_1732 = arith.addf %scan3A_1689, %mul3A_1731 : vector<16xf32>
        %gather3A_1733 = tpu.vector_load_idx %arg10[%add3A_151, %broadcast_in_dim3A_1695] : memref<160x64xf32, #tpu.memory_space<vmem>>[vector<16xi32>, vector<16xi32>], vector<16xf32>,
        %sub3A_1734 = arith.subf %gather3A_1696, %gather3A_1733 : vector<16xf32>
        %mul3A_1735 = arith.mulf %sub3A_1734, %sub3A_1734 : vector<16xf32>
        %add3A_1736 = arith.addf %scan3A_1690, %mul3A_1735 : vector<16xf32>
        %mul3A_1737 = arith.constant 2 : i32
        %mul3A_1738 = arith.muli %scan3A_1680, %mul3A_1737 : i32
        %add3A_1739 = arith.constant 1 : i32
        %add3A_1740 = arith.addi %mul3A_1738, %add3A_1739 : i32
        %broadcast_in_dim3A_1741 = vector.broadcast %add3A_1740 : i32 to vector<16xi32>
        %gather3A_1742 = tpu.vector_load_idx %arg13[%iota3A, %broadcast_in_dim3A_1741] : memref<16x64xf32, #tpu.memory_space<vmem>>[vector<16xi32>, vector<16xi32>], vector<16xf32>,
        %gather3A_1743 = tpu.vector_load_idx %arg10[%add3A_97, %broadcast_in_dim3A_1741] : memref<160x64xf32, #tpu.memory_space<vmem>>[vector<16xi32>, vector<16xi32>], vector<16xf32>,
        %sub3A_1744 = arith.subf %gather3A_1742, %gather3A_1743 : vector<16xf32>
        %mul3A_1745 = arith.mulf %sub3A_1744, %sub3A_1744 : vector<16xf32>
        %add3A_1746 = arith.addf %add3A_1700, %mul3A_1745 : vector<16xf32>
        %gather3A_1747 = tpu.vector_load_idx %arg10[%add3A_103, %broadcast_in_dim3A_1741] : memref<160x64xf32, #tpu.memory_space<vmem>>[vector<16xi32>, vector<16xi32>], vector<16xf32>,
        %sub3A_1748 = arith.subf %gather3A_1742, %gather3A_1747 : vector<16xf32>
        %mul3A_1749 = arith.mulf %sub3A_1748, %sub3A_1748 : vector<16xf32>
        %add3A_1750 = arith.addf %add3A_1704, %mul3A_1749 : vector<16xf32>
        %gather3A_1751 = tpu.vector_load_idx %arg10[%add3A_109, %broadcast_in_dim3A_1741] : memref<160x64xf32, #tpu.memory_space<vmem>>[vector<16xi32>, vector<16xi32>], vector<16xf32>,
        %sub3A_1752 = arith.subf %gather3A_1742, %gather3A_1751 : vector<16xf32>
        %mul3A_1753 = arith.mulf %sub3A_1752, %sub3A_1752 : vector<16xf32>
        %add3A_1754 = arith.addf %add3A_1708, %mul3A_1753 : vector<16xf32>
        %gather3A_1755 = tpu.vector_load_idx %arg10[%add3A_115, %broadcast_in_dim3A_1741] : memref<160x64xf32, #tpu.memory_space<vmem>>[vector<16xi32>, vector<16xi32>], vector<16xf32>,
        %sub3A_1756 = arith.subf %gather3A_1742, %gather3A_1755 : vector<16xf32>
        %mul3A_1757 = arith.mulf %sub3A_1756, %sub3A_1756 : vector<16xf32>
        %add3A_1758 = arith.addf %add3A_1712, %mul3A_1757 : vector<16xf32>
        %gather3A_1759 = tpu.vector_load_idx %arg10[%add3A_121, %broadcast_in_dim3A_1741] : memref<160x64xf32, #tpu.memory_space<vmem>>[vector<16xi32>, vector<16xi32>], vector<16xf32>,
        %sub3A_1760 = arith.subf %gather3A_1742, %gather3A_1759 : vector<16xf32>
        %mul3A_1761 = arith.mulf %sub3A_1760, %sub3A_1760 : vector<16xf32>
        %add3A_1762 = arith.addf %add3A_1716, %mul3A_1761 : vector<16xf32>
        %gather3A_1763 = tpu.vector_load_idx %arg10[%add3A_127, %broadcast_in_dim3A_1741] : memref<160x64xf32, #tpu.memory_space<vmem>>[vector<16xi32>, vector<16xi32>], vector<16xf32>,
        %sub3A_1764 = arith.subf %gather3A_1742, %gather3A_1763 : vector<16xf32>
        %mul3A_1765 = arith.mulf %sub3A_1764, %sub3A_1764 : vector<16xf32>
        %add3A_1766 = arith.addf %add3A_1720, %mul3A_1765 : vector<16xf32>
        %gather3A_1767 = tpu.vector_load_idx %arg10[%add3A_133, %broadcast_in_dim3A_1741] : memref<160x64xf32, #tpu.memory_space<vmem>>[vector<16xi32>, vector<16xi32>], vector<16xf32>,
        %sub3A_1768 = arith.subf %gather3A_1742, %gather3A_1767 : vector<16xf32>
        %mul3A_1769 = arith.mulf %sub3A_1768, %sub3A_1768 : vector<16xf32>
        %add3A_1770 = arith.addf %add3A_1724, %mul3A_1769 : vector<16xf32>
        %gather3A_1771 = tpu.vector_load_idx %arg10[%add3A_139, %broadcast_in_dim3A_1741] : memref<160x64xf32, #tpu.memory_space<vmem>>[vector<16xi32>, vector<16xi32>], vector<16xf32>,
        %sub3A_1772 = arith.subf %gather3A_1742, %gather3A_1771 : vector<16xf32>
        %mul3A_1773 = arith.mulf %sub3A_1772, %sub3A_1772 : vector<16xf32>
        %add3A_1774 = arith.addf %add3A_1728, %mul3A_1773 : vector<16xf32>
        %gather3A_1775 = tpu.vector_load_idx %arg10[%add3A_145, %broadcast_in_dim3A_1741] : memref<160x64xf32, #tpu.memory_space<vmem>>[vector<16xi32>, vector<16xi32>], vector<16xf32>,
        %sub3A_1776 = arith.subf %gather3A_1742, %gather3A_1775 : vector<16xf32>
        %mul3A_1777 = arith.mulf %sub3A_1776, %sub3A_1776 : vector<16xf32>
        %add3A_1778 = arith.addf %add3A_1732, %mul3A_1777 : vector<16xf32>
        %gather3A_1779 = tpu.vector_load_idx %arg10[%add3A_151, %broadcast_in_dim3A_1741] : memref<160x64xf32, #tpu.memory_space<vmem>>[vector<16xi32>, vector<16xi32>], vector<16xf32>,
        %sub3A_1780 = arith.subf %gather3A_1742, %gather3A_1779 : vector<16xf32>
        %mul3A_1781 = arith.mulf %sub3A_1780, %sub3A_1780 : vector<16xf32>
        %add3A_1782 = arith.addf %add3A_1736, %mul3A_1781 : vector<16xf32>
        scf.yield %add3A_1746, %add3A_1750, %add3A_1754, %add3A_1758, %add3A_1762, %add3A_1766, %add3A_1770, %add3A_1774, %add3A_1778, %add3A_1782 : vector<16xf32>, vector<16xf32>, vector<16xf32>, vector<16xf32>, vector<16xf32>, vector<16xf32>, vector<16xf32>, vector<16xf32>, vector<16xf32>, vector<16xf32>
      }
      %scan3A_157 = arith.constant 32 : i32
      %scan3A_158 = arith.constant 0 : i32
      %scan3A_159 = arith.constant 32 : i32
      %scan3A_160 = arith.addi %scan3A_158, %scan3A_159 : i32
      %scan3A_161 = arith.constant 1 : i32
      %scan3A_162:10 = scf.for %scan3A_1680 = %scan3A_158 to %scan3A_160 step %scan3A_161 iter_args(%scan3A_1681 = %broadcast_in_dim3A_1, %scan3A_1682 = %broadcast_in_dim3A_1, %scan3A_1683 = %broadcast_in_dim3A_1, %scan3A_1684 = %broadcast_in_dim3A_1, %scan3A_1685 = %broadcast_in_dim3A_1, %scan3A_1686 = %broadcast_in_dim3A_1, %scan3A_1687 = %broadcast_in_dim3A_1, %scan3A_1688 = %broadcast_in_dim3A_1, %scan3A_1689 = %broadcast_in_dim3A_1, %scan3A_1690 = %broadcast_in_dim3A_1) -> (vector<16xf32>, vector<16xf32>, vector<16xf32>, vector<16xf32>, vector<16xf32>, vector<16xf32>, vector<16xf32>, vector<16xf32>, vector<16xf32>, vector<16xf32>)  : i32 {
        %mul3A_1691 = arith.constant 2 : i32
        %mul3A_1692 = arith.muli %scan3A_1680, %mul3A_1691 : i32
        %add3A_1693 = arith.constant 0 : i32
        %add3A_1694 = arith.addi %mul3A_1692, %add3A_1693 : i32
        %broadcast_in_dim3A_1695 = vector.broadcast %add3A_1694 : i32 to vector<16xi32>
        %gather3A_1696 = tpu.vector_load_idx %arg14[%iota3A, %broadcast_in_dim3A_1695] : memref<16x64xf32, #tpu.memory_space<vmem>>[vector<16xi32>, vector<16xi32>], vector<16xf32>,
        %gather3A_1697 = tpu.vector_load_idx %arg11[%add3A_97, %broadcast_in_dim3A_1695] : memref<160x64xf32, #tpu.memory_space<vmem>>[vector<16xi32>, vector<16xi32>], vector<16xf32>,
        %sub3A_1698 = arith.subf %gather3A_1696, %gather3A_1697 : vector<16xf32>
        %mul3A_1699 = arith.mulf %sub3A_1698, %sub3A_1698 : vector<16xf32>
        %add3A_1700 = arith.addf %scan3A_1681, %mul3A_1699 : vector<16xf32>
        %gather3A_1701 = tpu.vector_load_idx %arg11[%add3A_103, %broadcast_in_dim3A_1695] : memref<160x64xf32, #tpu.memory_space<vmem>>[vector<16xi32>, vector<16xi32>], vector<16xf32>,
        %sub3A_1702 = arith.subf %gather3A_1696, %gather3A_1701 : vector<16xf32>
        %mul3A_1703 = arith.mulf %sub3A_1702, %sub3A_1702 : vector<16xf32>
        %add3A_1704 = arith.addf %scan3A_1682, %mul3A_1703 : vector<16xf32>
        %gather3A_1705 = tpu.vector_load_idx %arg11[%add3A_109, %broadcast_in_dim3A_1695] : memref<160x64xf32, #tpu.memory_space<vmem>>[vector<16xi32>, vector<16xi32>], vector<16xf32>,
        %sub3A_1706 = arith.subf %gather3A_1696, %gather3A_1705 : vector<16xf32>
        %mul3A_1707 = arith.mulf %sub3A_1706, %sub3A_1706 : vector<16xf32>
        %add3A_1708 = arith.addf %scan3A_1683, %mul3A_1707 : vector<16xf32>
        %gather3A_1709 = tpu.vector_load_idx %arg11[%add3A_115, %broadcast_in_dim3A_1695] : memref<160x64xf32, #tpu.memory_space<vmem>>[vector<16xi32>, vector<16xi32>], vector<16xf32>,
        %sub3A_1710 = arith.subf %gather3A_1696, %gather3A_1709 : vector<16xf32>
        %mul3A_1711 = arith.mulf %sub3A_1710, %sub3A_1710 : vector<16xf32>
        %add3A_1712 = arith.addf %scan3A_1684, %mul3A_1711 : vector<16xf32>
        %gather3A_1713 = tpu.vector_load_idx %arg11[%add3A_121, %broadcast_in_dim3A_1695] : memref<160x64xf32, #tpu.memory_space<vmem>>[vector<16xi32>, vector<16xi32>], vector<16xf32>,
        %sub3A_1714 = arith.subf %gather3A_1696, %gather3A_1713 : vector<16xf32>
        %mul3A_1715 = arith.mulf %sub3A_1714, %sub3A_1714 : vector<16xf32>
        %add3A_1716 = arith.addf %scan3A_1685, %mul3A_1715 : vector<16xf32>
        %gather3A_1717 = tpu.vector_load_idx %arg11[%add3A_127, %broadcast_in_dim3A_1695] : memref<160x64xf32, #tpu.memory_space<vmem>>[vector<16xi32>, vector<16xi32>], vector<16xf32>,
        %sub3A_1718 = arith.subf %gather3A_1696, %gather3A_1717 : vector<16xf32>
        %mul3A_1719 = arith.mulf %sub3A_1718, %sub3A_1718 : vector<16xf32>
        %add3A_1720 = arith.addf %scan3A_1686, %mul3A_1719 : vector<16xf32>
        %gather3A_1721 = tpu.vector_load_idx %arg11[%add3A_133, %broadcast_in_dim3A_1695] : memref<160x64xf32, #tpu.memory_space<vmem>>[vector<16xi32>, vector<16xi32>], vector<16xf32>,
        %sub3A_1722 = arith.subf %gather3A_1696, %gather3A_1721 : vector<16xf32>
        %mul3A_1723 = arith.mulf %sub3A_1722, %sub3A_1722 : vector<16xf32>
        %add3A_1724 = arith.addf %scan3A_1687, %mul3A_1723 : vector<16xf32>
        %gather3A_1725 = tpu.vector_load_idx %arg11[%add3A_139, %broadcast_in_dim3A_1695] : memref<160x64xf32, #tpu.memory_space<vmem>>[vector<16xi32>, vector<16xi32>], vector<16xf32>,
        %sub3A_1726 = arith.subf %gather3A_1696, %gather3A_1725 : vector<16xf32>
        %mul3A_1727 = arith.mulf %sub3A_1726, %sub3A_1726 : vector<16xf32>
        %add3A_1728 = arith.addf %scan3A_1688, %mul3A_1727 : vector<16xf32>
        %gather3A_1729 = tpu.vector_load_idx %arg11[%add3A_145, %broadcast_in_dim3A_1695] : memref<160x64xf32, #tpu.memory_space<vmem>>[vector<16xi32>, vector<16xi32>], vector<16xf32>,
        %sub3A_1730 = arith.subf %gather3A_1696, %gather3A_1729 : vector<16xf32>
        %mul3A_1731 = arith.mulf %sub3A_1730, %sub3A_1730 : vector<16xf32>
        %add3A_1732 = arith.addf %scan3A_1689, %mul3A_1731 : vector<16xf32>
        %gather3A_1733 = tpu.vector_load_idx %arg11[%add3A_151, %broadcast_in_dim3A_1695] : memref<160x64xf32, #tpu.memory_space<vmem>>[vector<16xi32>, vector<16xi32>], vector<16xf32>,
        %sub3A_1734 = arith.subf %gather3A_1696, %gather3A_1733 : vector<16xf32>
        %mul3A_1735 = arith.mulf %sub3A_1734, %sub3A_1734 : vector<16xf32>
        %add3A_1736 = arith.addf %scan3A_1690, %mul3A_1735 : vector<16xf32>
        %mul3A_1737 = arith.constant 2 : i32
        %mul3A_1738 = arith.muli %scan3A_1680, %mul3A_1737 : i32
        %add3A_1739 = arith.constant 1 : i32
        %add3A_1740 = arith.addi %mul3A_1738, %add3A_1739 : i32
        %broadcast_in_dim3A_1741 = vector.broadcast %add3A_1740 : i32 to vector<16xi32>
        %gather3A_1742 = tpu.vector_load_idx %arg14[%iota3A, %broadcast_in_dim3A_1741] : memref<16x64xf32, #tpu.memory_space<vmem>>[vector<16xi32>, vector<16xi32>], vector<16xf32>,
        %gather3A_1743 = tpu.vector_load_idx %arg11[%add3A_97, %broadcast_in_dim3A_1741] : memref<160x64xf32, #tpu.memory_space<vmem>>[vector<16xi32>, vector<16xi32>], vector<16xf32>,
        %sub3A_1744 = arith.subf %gather3A_1742, %gather3A_1743 : vector<16xf32>
        %mul3A_1745 = arith.mulf %sub3A_1744, %sub3A_1744 : vector<16xf32>
        %add3A_1746 = arith.addf %add3A_1700, %mul3A_1745 : vector<16xf32>
        %gather3A_1747 = tpu.vector_load_idx %arg11[%add3A_103, %broadcast_in_dim3A_1741] : memref<160x64xf32, #tpu.memory_space<vmem>>[vector<16xi32>, vector<16xi32>], vector<16xf32>,
        %sub3A_1748 = arith.subf %gather3A_1742, %gather3A_1747 : vector<16xf32>
        %mul3A_1749 = arith.mulf %sub3A_1748, %sub3A_1748 : vector<16xf32>
        %add3A_1750 = arith.addf %add3A_1704, %mul3A_1749 : vector<16xf32>
        %gather3A_1751 = tpu.vector_load_idx %arg11[%add3A_109, %broadcast_in_dim3A_1741] : memref<160x64xf32, #tpu.memory_space<vmem>>[vector<16xi32>, vector<16xi32>], vector<16xf32>,
        %sub3A_1752 = arith.subf %gather3A_1742, %gather3A_1751 : vector<16xf32>
        %mul3A_1753 = arith.mulf %sub3A_1752, %sub3A_1752 : vector<16xf32>
        %add3A_1754 = arith.addf %add3A_1708, %mul3A_1753 : vector<16xf32>
        %gather3A_1755 = tpu.vector_load_idx %arg11[%add3A_115, %broadcast_in_dim3A_1741] : memref<160x64xf32, #tpu.memory_space<vmem>>[vector<16xi32>, vector<16xi32>], vector<16xf32>,
        %sub3A_1756 = arith.subf %gather3A_1742, %gather3A_1755 : vector<16xf32>
        %mul3A_1757 = arith.mulf %sub3A_1756, %sub3A_1756 : vector<16xf32>
        %add3A_1758 = arith.addf %add3A_1712, %mul3A_1757 : vector<16xf32>
        %gather3A_1759 = tpu.vector_load_idx %arg11[%add3A_121, %broadcast_in_dim3A_1741] : memref<160x64xf32, #tpu.memory_space<vmem>>[vector<16xi32>, vector<16xi32>], vector<16xf32>,
        %sub3A_1760 = arith.subf %gather3A_1742, %gather3A_1759 : vector<16xf32>
        %mul3A_1761 = arith.mulf %sub3A_1760, %sub3A_1760 : vector<16xf32>
        %add3A_1762 = arith.addf %add3A_1716, %mul3A_1761 : vector<16xf32>
        %gather3A_1763 = tpu.vector_load_idx %arg11[%add3A_127, %broadcast_in_dim3A_1741] : memref<160x64xf32, #tpu.memory_space<vmem>>[vector<16xi32>, vector<16xi32>], vector<16xf32>,
        %sub3A_1764 = arith.subf %gather3A_1742, %gather3A_1763 : vector<16xf32>
        %mul3A_1765 = arith.mulf %sub3A_1764, %sub3A_1764 : vector<16xf32>
        %add3A_1766 = arith.addf %add3A_1720, %mul3A_1765 : vector<16xf32>
        %gather3A_1767 = tpu.vector_load_idx %arg11[%add3A_133, %broadcast_in_dim3A_1741] : memref<160x64xf32, #tpu.memory_space<vmem>>[vector<16xi32>, vector<16xi32>], vector<16xf32>,
        %sub3A_1768 = arith.subf %gather3A_1742, %gather3A_1767 : vector<16xf32>
        %mul3A_1769 = arith.mulf %sub3A_1768, %sub3A_1768 : vector<16xf32>
        %add3A_1770 = arith.addf %add3A_1724, %mul3A_1769 : vector<16xf32>
        %gather3A_1771 = tpu.vector_load_idx %arg11[%add3A_139, %broadcast_in_dim3A_1741] : memref<160x64xf32, #tpu.memory_space<vmem>>[vector<16xi32>, vector<16xi32>], vector<16xf32>,
        %sub3A_1772 = arith.subf %gather3A_1742, %gather3A_1771 : vector<16xf32>
        %mul3A_1773 = arith.mulf %sub3A_1772, %sub3A_1772 : vector<16xf32>
        %add3A_1774 = arith.addf %add3A_1728, %mul3A_1773 : vector<16xf32>
        %gather3A_1775 = tpu.vector_load_idx %arg11[%add3A_145, %broadcast_in_dim3A_1741] : memref<160x64xf32, #tpu.memory_space<vmem>>[vector<16xi32>, vector<16xi32>], vector<16xf32>,
        %sub3A_1776 = arith.subf %gather3A_1742, %gather3A_1775 : vector<16xf32>
        %mul3A_1777 = arith.mulf %sub3A_1776, %sub3A_1776 : vector<16xf32>
        %add3A_1778 = arith.addf %add3A_1732, %mul3A_1777 : vector<16xf32>
        %gather3A_1779 = tpu.vector_load_idx %arg11[%add3A_151, %broadcast_in_dim3A_1741] : memref<160x64xf32, #tpu.memory_space<vmem>>[vector<16xi32>, vector<16xi32>], vector<16xf32>,
        %sub3A_1780 = arith.subf %gather3A_1742, %gather3A_1779 : vector<16xf32>
        %mul3A_1781 = arith.mulf %sub3A_1780, %sub3A_1780 : vector<16xf32>
        %add3A_1782 = arith.addf %add3A_1736, %mul3A_1781 : vector<16xf32>
        scf.yield %add3A_1746, %add3A_1750, %add3A_1754, %add3A_1758, %add3A_1762, %add3A_1766, %add3A_1770, %add3A_1774, %add3A_1778, %add3A_1782 : vector<16xf32>, vector<16xf32>, vector<16xf32>, vector<16xf32>, vector<16xf32>, vector<16xf32>, vector<16xf32>, vector<16xf32>, vector<16xf32>, vector<16xf32>
      }
      %scan3A_163 = arith.constant 32 : i32
      %lt3A = arith.constant 7 : i32
      %lt3A_164 = arith.cmpi slt, %scan3A_50, %lt3A : i32
      %convert_element_type3A_165 = arith.extui %lt3A_164 : i1 to i32
      %cond3A_166 = arith.constant 0 : i32
      %cond3A_167 = arith.cmpi ne, %convert_element_type3A_165, %cond3A_166 : i32
      scf.if %cond3A_167 {
        %add3A_1680 = arith.constant 1 : i32
        %add3A_1681 = arith.addi %scan3A_50, %add3A_1680 : i32
        %mul3A_1682 = arith.constant 16 : i32
        %mul3A_1683 = arith.muli %add3A_1681, %mul3A_1682 : i32
        %mul3A_1684 = arith.constant 10 : i32
        %mul3A_1685 = arith.muli %mul3A_1683, %mul3A_1684 : i32
        %mul3A_1686 = arith.constant 128 : i32
        %mul3A_1687 = arith.muli %add3A, %mul3A_1686 : i32
        %mul3A_1688 = arith.constant 16 : i32
        %mul3A_1689 = arith.muli %add3A_1681, %mul3A_1688 : i32
        %add3A_1690 = arith.addi %mul3A_1687, %mul3A_1689 : i32
        %dma_start3A_1691 = tpu.memref_slice %arg9[%mul3A_1685] : memref<1280xi32, #tpu.memory_space<vmem>> -> memref<160xi32, #tpu.memory_space<vmem>>
        %dma_start3A_1692 = arith.constant 0 : i32
        %dma_start3A_1693 = arith.constant 0 : i32
        %dma_start3A_1694 = tpu.memref_slice %arg2[%dma_start3A_1692, %dma_start3A_1693] : memref<4096x64xf32, #tpu.memory_space<hbm>> -> memref<4096x64xf32, #tpu.memory_space<hbm>>
        tpu.enqueue_indirect_dma source(%dma_start3A_1694 : memref<4096x64xf32, #tpu.memory_space<hbm>>) target(%arg10 : memref<160x64xf32, #tpu.memory_space<vmem>>) offsets(%dma_start3A_1691 : memref<160xi32, #tpu.memory_space<vmem>>) semaphore(%arg18 : memref<!tpu.dma_semaphore, #tpu.memory_space<semaphore_mem>>)
        %dma_start3A_1695 = tpu.memref_slice %arg9[%mul3A_1685] : memref<1280xi32, #tpu.memory_space<vmem>> -> memref<160xi32, #tpu.memory_space<vmem>>
        %dma_start3A_1696 = arith.constant 0 : i32
        %dma_start3A_1697 = arith.constant 0 : i32
        %dma_start3A_1698 = tpu.memref_slice %arg3[%dma_start3A_1696, %dma_start3A_1697] : memref<4096x64xf32, #tpu.memory_space<hbm>> -> memref<4096x64xf32, #tpu.memory_space<hbm>>
        tpu.enqueue_indirect_dma source(%dma_start3A_1698 : memref<4096x64xf32, #tpu.memory_space<hbm>>) target(%arg11 : memref<160x64xf32, #tpu.memory_space<vmem>>) offsets(%dma_start3A_1695 : memref<160xi32, #tpu.memory_space<vmem>>) semaphore(%arg18 : memref<!tpu.dma_semaphore, #tpu.memory_space<semaphore_mem>>)
        %dma_start3A_1699 = arith.constant 0 : i32
        %dma_start3A_1700 = tpu.memref_slice %arg2[%add3A_1690, %dma_start3A_1699] : memref<4096x64xf32, #tpu.memory_space<hbm>> -> memref<16x64xf32, #tpu.memory_space<hbm>>
        %dma_start3A_1701 = arith.constant 0 : i32
        %dma_start3A_1702 = tpu.memref_slice %arg2[%add3A_1690, %dma_start3A_1701] : memref<4096x64xf32, #tpu.memory_space<hbm>> -> memref<16x64xf32, #tpu.memory_space<hbm>>
        tpu.enqueue_dma source(%dma_start3A_1702 : memref<16x64xf32, #tpu.memory_space<hbm>>) target(%arg13 : memref<16x64xf32, #tpu.memory_space<vmem>>) target_semaphore(%arg18 : memref<!tpu.dma_semaphore, #tpu.memory_space<semaphore_mem>>)
        %dma_start3A_1703 = arith.constant 0 : i32
        %dma_start3A_1704 = tpu.memref_slice %arg3[%add3A_1690, %dma_start3A_1703] : memref<4096x64xf32, #tpu.memory_space<hbm>> -> memref<16x64xf32, #tpu.memory_space<hbm>>
        %dma_start3A_1705 = arith.constant 0 : i32
        %dma_start3A_1706 = tpu.memref_slice %arg3[%add3A_1690, %dma_start3A_1705] : memref<4096x64xf32, #tpu.memory_space<hbm>> -> memref<16x64xf32, #tpu.memory_space<hbm>>
        tpu.enqueue_dma source(%dma_start3A_1706 : memref<16x64xf32, #tpu.memory_space<hbm>>) target(%arg14 : memref<16x64xf32, #tpu.memory_space<vmem>>) target_semaphore(%arg18 : memref<!tpu.dma_semaphore, #tpu.memory_space<semaphore_mem>>)
      } else {
      }
      %add3A_168 = arith.constant 9.99999993E-9 : f32
      %add3A_169 = vector.broadcast %add3A_168 : f32 to vector<16xf32>
      %add3A_170 = arith.addf %scan3A_162#0, %add3A_169 : vector<16xf32>
      %bitcast_convert_type3A = tpu.bitcast %add3A_170 : vector<16xf32> -> vector<16xi32>
      %shift_right_logical3A = arith.constant 1 : i32
      %shift_right_logical3A_171 = vector.broadcast %shift_right_logical3A : i32 to vector<16xi32>
      %shift_right_logical3A_172 = arith.shrui %bitcast_convert_type3A, %shift_right_logical3A_171 : vector<16xi32>
      %sub3A = arith.constant 1597463007 : i32
      %sub3A_173 = vector.broadcast %sub3A : i32 to vector<16xi32>
      %sub3A_174 = arith.subi %sub3A_173, %shift_right_logical3A_172 : vector<16xi32>
      %bitcast_convert_type3A_175 = tpu.bitcast %sub3A_174 : vector<16xi32> -> vector<16xf32>
      %mul3A_176 = arith.constant 5.000000e-01 : f32
      %mul3A_177 = vector.broadcast %mul3A_176 : f32 to vector<16xf32>
      %mul3A_178 = arith.mulf %mul3A_177, %add3A_170 : vector<16xf32>
      %mul3A_179 = arith.mulf %mul3A_178, %bitcast_convert_type3A_175 : vector<16xf32>
      %mul3A_180 = arith.mulf %mul3A_179, %bitcast_convert_type3A_175 : vector<16xf32>
      %sub3A_181 = arith.constant 1.500000e+00 : f32
      %sub3A_182 = vector.broadcast %sub3A_181 : f32 to vector<16xf32>
      %sub3A_183 = arith.subf %sub3A_182, %mul3A_180 : vector<16xf32>
      %mul3A_184 = arith.mulf %bitcast_convert_type3A_175, %sub3A_183 : vector<16xf32>
      %mul3A_185 = arith.constant 5.000000e-01 : f32
      %mul3A_186 = vector.broadcast %mul3A_185 : f32 to vector<16xf32>
      %mul3A_187 = arith.mulf %mul3A_186, %add3A_170 : vector<16xf32>
      %mul3A_188 = arith.mulf %mul3A_187, %mul3A_184 : vector<16xf32>
      %mul3A_189 = arith.mulf %mul3A_188, %mul3A_184 : vector<16xf32>
      %sub3A_190 = arith.constant 1.500000e+00 : f32
      %sub3A_191 = vector.broadcast %sub3A_190 : f32 to vector<16xf32>
      %sub3A_192 = arith.subf %sub3A_191, %mul3A_189 : vector<16xf32>
      %mul3A_193 = arith.mulf %mul3A_184, %sub3A_192 : vector<16xf32>
      %mul3A_194 = arith.constant 5.000000e-01 : f32
      %mul3A_195 = vector.broadcast %mul3A_194 : f32 to vector<16xf32>
      %mul3A_196 = arith.mulf %mul3A_195, %add3A_170 : vector<16xf32>
      %mul3A_197 = arith.mulf %mul3A_196, %mul3A_193 : vector<16xf32>
      %mul3A_198 = arith.mulf %mul3A_197, %mul3A_193 : vector<16xf32>
      %sub3A_199 = arith.constant 1.500000e+00 : f32
      %sub3A_200 = vector.broadcast %sub3A_199 : f32 to vector<16xf32>
      %sub3A_201 = arith.subf %sub3A_200, %mul3A_198 : vector<16xf32>
      %mul3A_202 = arith.mulf %mul3A_193, %sub3A_201 : vector<16xf32>
      %mul3A_203 = arith.mulf %add3A_170, %mul3A_202 : vector<16xf32>
      %add3A_204 = arith.constant 9.99999993E-9 : f32
      %add3A_205 = vector.broadcast %add3A_204 : f32 to vector<16xf32>
      %add3A_206 = arith.addf %scan3A_156#0, %add3A_205 : vector<16xf32>
      %bitcast_convert_type3A_207 = tpu.bitcast %add3A_206 : vector<16xf32> -> vector<16xi32>
      %shift_right_logical3A_208 = arith.constant 1 : i32
      %shift_right_logical3A_209 = vector.broadcast %shift_right_logical3A_208 : i32 to vector<16xi32>
      %shift_right_logical3A_210 = arith.shrui %bitcast_convert_type3A_207, %shift_right_logical3A_209 : vector<16xi32>
      %sub3A_211 = arith.constant 1597463007 : i32
      %sub3A_212 = vector.broadcast %sub3A_211 : i32 to vector<16xi32>
      %sub3A_213 = arith.subi %sub3A_212, %shift_right_logical3A_210 : vector<16xi32>
      %bitcast_convert_type3A_214 = tpu.bitcast %sub3A_213 : vector<16xi32> -> vector<16xf32>
      %mul3A_215 = arith.constant 5.000000e-01 : f32
      %mul3A_216 = vector.broadcast %mul3A_215 : f32 to vector<16xf32>
      %mul3A_217 = arith.mulf %mul3A_216, %add3A_206 : vector<16xf32>
      %mul3A_218 = arith.mulf %mul3A_217, %bitcast_convert_type3A_214 : vector<16xf32>
      %mul3A_219 = arith.mulf %mul3A_218, %bitcast_convert_type3A_214 : vector<16xf32>
      %sub3A_220 = arith.constant 1.500000e+00 : f32
      %sub3A_221 = vector.broadcast %sub3A_220 : f32 to vector<16xf32>
      %sub3A_222 = arith.subf %sub3A_221, %mul3A_219 : vector<16xf32>
      %mul3A_223 = arith.mulf %bitcast_convert_type3A_214, %sub3A_222 : vector<16xf32>
      %mul3A_224 = arith.constant 5.000000e-01 : f32
      %mul3A_225 = vector.broadcast %mul3A_224 : f32 to vector<16xf32>
      %mul3A_226 = arith.mulf %mul3A_225, %add3A_206 : vector<16xf32>
      %mul3A_227 = arith.mulf %mul3A_226, %mul3A_223 : vector<16xf32>
      %mul3A_228 = arith.mulf %mul3A_227, %mul3A_223 : vector<16xf32>
      %sub3A_229 = arith.constant 1.500000e+00 : f32
      %sub3A_230 = vector.broadcast %sub3A_229 : f32 to vector<16xf32>
      %sub3A_231 = arith.subf %sub3A_230, %mul3A_228 : vector<16xf32>
      %mul3A_232 = arith.mulf %mul3A_223, %sub3A_231 : vector<16xf32>
      %mul3A_233 = arith.constant 5.000000e-01 : f32
      %mul3A_234 = vector.broadcast %mul3A_233 : f32 to vector<16xf32>
      %mul3A_235 = arith.mulf %mul3A_234, %add3A_206 : vector<16xf32>
      %mul3A_236 = arith.mulf %mul3A_235, %mul3A_232 : vector<16xf32>
      %mul3A_237 = arith.mulf %mul3A_236, %mul3A_232 : vector<16xf32>
      %sub3A_238 = arith.constant 1.500000e+00 : f32
      %sub3A_239 = vector.broadcast %sub3A_238 : f32 to vector<16xf32>
      %sub3A_240 = arith.subf %sub3A_239, %mul3A_237 : vector<16xf32>
      %mul3A_241 = arith.mulf %mul3A_232, %sub3A_240 : vector<16xf32>
      %mul3A_242 = arith.mulf %add3A_206, %mul3A_241 : vector<16xf32>
      %mul3A_243 = vector.broadcast %squeeze3A : f32 to vector<16xf32>
      %mul3A_244 = arith.mulf %mul3A_243, %mul3A_242 : vector<16xf32>
      %add3A_245 = arith.addf %mul3A_203, %mul3A_244 : vector<16xf32>
      %mul3A_246 = vector.broadcast %squeeze3A_4 : f32 to vector<16xf32>
      %mul3A_247 = arith.mulf %add3A_245, %mul3A_246 : vector<16xf32>
      %add3A_248 = arith.constant 9.99999993E-9 : f32
      %add3A_249 = vector.broadcast %add3A_248 : f32 to vector<16xf32>
      %add3A_250 = arith.addf %scan3A_162#1, %add3A_249 : vector<16xf32>
      %bitcast_convert_type3A_251 = tpu.bitcast %add3A_250 : vector<16xf32> -> vector<16xi32>
      %shift_right_logical3A_252 = arith.constant 1 : i32
      %shift_right_logical3A_253 = vector.broadcast %shift_right_logical3A_252 : i32 to vector<16xi32>
      %shift_right_logical3A_254 = arith.shrui %bitcast_convert_type3A_251, %shift_right_logical3A_253 : vector<16xi32>
      %sub3A_255 = arith.constant 1597463007 : i32
      %sub3A_256 = vector.broadcast %sub3A_255 : i32 to vector<16xi32>
      %sub3A_257 = arith.subi %sub3A_256, %shift_right_logical3A_254 : vector<16xi32>
      %bitcast_convert_type3A_258 = tpu.bitcast %sub3A_257 : vector<16xi32> -> vector<16xf32>
      %mul3A_259 = arith.constant 5.000000e-01 : f32
      %mul3A_260 = vector.broadcast %mul3A_259 : f32 to vector<16xf32>
      %mul3A_261 = arith.mulf %mul3A_260, %add3A_250 : vector<16xf32>
      %mul3A_262 = arith.mulf %mul3A_261, %bitcast_convert_type3A_258 : vector<16xf32>
      %mul3A_263 = arith.mulf %mul3A_262, %bitcast_convert_type3A_258 : vector<16xf32>
      %sub3A_264 = arith.constant 1.500000e+00 : f32
      %sub3A_265 = vector.broadcast %sub3A_264 : f32 to vector<16xf32>
      %sub3A_266 = arith.subf %sub3A_265, %mul3A_263 : vector<16xf32>
      %mul3A_267 = arith.mulf %bitcast_convert_type3A_258, %sub3A_266 : vector<16xf32>
      %mul3A_268 = arith.constant 5.000000e-01 : f32
      %mul3A_269 = vector.broadcast %mul3A_268 : f32 to vector<16xf32>
      %mul3A_270 = arith.mulf %mul3A_269, %add3A_250 : vector<16xf32>
      %mul3A_271 = arith.mulf %mul3A_270, %mul3A_267 : vector<16xf32>
      %mul3A_272 = arith.mulf %mul3A_271, %mul3A_267 : vector<16xf32>
      %sub3A_273 = arith.constant 1.500000e+00 : f32
      %sub3A_274 = vector.broadcast %sub3A_273 : f32 to vector<16xf32>
      %sub3A_275 = arith.subf %sub3A_274, %mul3A_272 : vector<16xf32>
      %mul3A_276 = arith.mulf %mul3A_267, %sub3A_275 : vector<16xf32>
      %mul3A_277 = arith.constant 5.000000e-01 : f32
      %mul3A_278 = vector.broadcast %mul3A_277 : f32 to vector<16xf32>
      %mul3A_279 = arith.mulf %mul3A_278, %add3A_250 : vector<16xf32>
      %mul3A_280 = arith.mulf %mul3A_279, %mul3A_276 : vector<16xf32>
      %mul3A_281 = arith.mulf %mul3A_280, %mul3A_276 : vector<16xf32>
      %sub3A_282 = arith.constant 1.500000e+00 : f32
      %sub3A_283 = vector.broadcast %sub3A_282 : f32 to vector<16xf32>
      %sub3A_284 = arith.subf %sub3A_283, %mul3A_281 : vector<16xf32>
      %mul3A_285 = arith.mulf %mul3A_276, %sub3A_284 : vector<16xf32>
      %mul3A_286 = arith.mulf %add3A_250, %mul3A_285 : vector<16xf32>
      %add3A_287 = arith.constant 9.99999993E-9 : f32
      %add3A_288 = vector.broadcast %add3A_287 : f32 to vector<16xf32>
      %add3A_289 = arith.addf %scan3A_156#1, %add3A_288 : vector<16xf32>
      %bitcast_convert_type3A_290 = tpu.bitcast %add3A_289 : vector<16xf32> -> vector<16xi32>
      %shift_right_logical3A_291 = arith.constant 1 : i32
      %shift_right_logical3A_292 = vector.broadcast %shift_right_logical3A_291 : i32 to vector<16xi32>
      %shift_right_logical3A_293 = arith.shrui %bitcast_convert_type3A_290, %shift_right_logical3A_292 : vector<16xi32>
      %sub3A_294 = arith.constant 1597463007 : i32
      %sub3A_295 = vector.broadcast %sub3A_294 : i32 to vector<16xi32>
      %sub3A_296 = arith.subi %sub3A_295, %shift_right_logical3A_293 : vector<16xi32>
      %bitcast_convert_type3A_297 = tpu.bitcast %sub3A_296 : vector<16xi32> -> vector<16xf32>
      %mul3A_298 = arith.constant 5.000000e-01 : f32
      %mul3A_299 = vector.broadcast %mul3A_298 : f32 to vector<16xf32>
      %mul3A_300 = arith.mulf %mul3A_299, %add3A_289 : vector<16xf32>
      %mul3A_301 = arith.mulf %mul3A_300, %bitcast_convert_type3A_297 : vector<16xf32>
      %mul3A_302 = arith.mulf %mul3A_301, %bitcast_convert_type3A_297 : vector<16xf32>
      %sub3A_303 = arith.constant 1.500000e+00 : f32
      %sub3A_304 = vector.broadcast %sub3A_303 : f32 to vector<16xf32>
      %sub3A_305 = arith.subf %sub3A_304, %mul3A_302 : vector<16xf32>
      %mul3A_306 = arith.mulf %bitcast_convert_type3A_297, %sub3A_305 : vector<16xf32>
      %mul3A_307 = arith.constant 5.000000e-01 : f32
      %mul3A_308 = vector.broadcast %mul3A_307 : f32 to vector<16xf32>
      %mul3A_309 = arith.mulf %mul3A_308, %add3A_289 : vector<16xf32>
      %mul3A_310 = arith.mulf %mul3A_309, %mul3A_306 : vector<16xf32>
      %mul3A_311 = arith.mulf %mul3A_310, %mul3A_306 : vector<16xf32>
      %sub3A_312 = arith.constant 1.500000e+00 : f32
      %sub3A_313 = vector.broadcast %sub3A_312 : f32 to vector<16xf32>
      %sub3A_314 = arith.subf %sub3A_313, %mul3A_311 : vector<16xf32>
      %mul3A_315 = arith.mulf %mul3A_306, %sub3A_314 : vector<16xf32>
      %mul3A_316 = arith.constant 5.000000e-01 : f32
      %mul3A_317 = vector.broadcast %mul3A_316 : f32 to vector<16xf32>
      %mul3A_318 = arith.mulf %mul3A_317, %add3A_289 : vector<16xf32>
      %mul3A_319 = arith.mulf %mul3A_318, %mul3A_315 : vector<16xf32>
      %mul3A_320 = arith.mulf %mul3A_319, %mul3A_315 : vector<16xf32>
      %sub3A_321 = arith.constant 1.500000e+00 : f32
      %sub3A_322 = vector.broadcast %sub3A_321 : f32 to vector<16xf32>
      %sub3A_323 = arith.subf %sub3A_322, %mul3A_320 : vector<16xf32>
      %mul3A_324 = arith.mulf %mul3A_315, %sub3A_323 : vector<16xf32>
      %mul3A_325 = arith.mulf %add3A_289, %mul3A_324 : vector<16xf32>
      %mul3A_326 = vector.broadcast %squeeze3A : f32 to vector<16xf32>
      %mul3A_327 = arith.mulf %mul3A_326, %mul3A_325 : vector<16xf32>
      %add3A_328 = arith.addf %mul3A_286, %mul3A_327 : vector<16xf32>
      %mul3A_329 = vector.broadcast %squeeze3A_4 : f32 to vector<16xf32>
      %mul3A_330 = arith.mulf %add3A_328, %mul3A_329 : vector<16xf32>
      %add3A_331 = arith.constant 9.99999993E-9 : f32
      %add3A_332 = vector.broadcast %add3A_331 : f32 to vector<16xf32>
      %add3A_333 = arith.addf %scan3A_162#2, %add3A_332 : vector<16xf32>
      %bitcast_convert_type3A_334 = tpu.bitcast %add3A_333 : vector<16xf32> -> vector<16xi32>
      %shift_right_logical3A_335 = arith.constant 1 : i32
      %shift_right_logical3A_336 = vector.broadcast %shift_right_logical3A_335 : i32 to vector<16xi32>
      %shift_right_logical3A_337 = arith.shrui %bitcast_convert_type3A_334, %shift_right_logical3A_336 : vector<16xi32>
      %sub3A_338 = arith.constant 1597463007 : i32
      %sub3A_339 = vector.broadcast %sub3A_338 : i32 to vector<16xi32>
      %sub3A_340 = arith.subi %sub3A_339, %shift_right_logical3A_337 : vector<16xi32>
      %bitcast_convert_type3A_341 = tpu.bitcast %sub3A_340 : vector<16xi32> -> vector<16xf32>
      %mul3A_342 = arith.constant 5.000000e-01 : f32
      %mul3A_343 = vector.broadcast %mul3A_342 : f32 to vector<16xf32>
      %mul3A_344 = arith.mulf %mul3A_343, %add3A_333 : vector<16xf32>
      %mul3A_345 = arith.mulf %mul3A_344, %bitcast_convert_type3A_341 : vector<16xf32>
      %mul3A_346 = arith.mulf %mul3A_345, %bitcast_convert_type3A_341 : vector<16xf32>
      %sub3A_347 = arith.constant 1.500000e+00 : f32
      %sub3A_348 = vector.broadcast %sub3A_347 : f32 to vector<16xf32>
      %sub3A_349 = arith.subf %sub3A_348, %mul3A_346 : vector<16xf32>
      %mul3A_350 = arith.mulf %bitcast_convert_type3A_341, %sub3A_349 : vector<16xf32>
      %mul3A_351 = arith.constant 5.000000e-01 : f32
      %mul3A_352 = vector.broadcast %mul3A_351 : f32 to vector<16xf32>
      %mul3A_353 = arith.mulf %mul3A_352, %add3A_333 : vector<16xf32>
      %mul3A_354 = arith.mulf %mul3A_353, %mul3A_350 : vector<16xf32>
      %mul3A_355 = arith.mulf %mul3A_354, %mul3A_350 : vector<16xf32>
      %sub3A_356 = arith.constant 1.500000e+00 : f32
      %sub3A_357 = vector.broadcast %sub3A_356 : f32 to vector<16xf32>
      %sub3A_358 = arith.subf %sub3A_357, %mul3A_355 : vector<16xf32>
      %mul3A_359 = arith.mulf %mul3A_350, %sub3A_358 : vector<16xf32>
      %mul3A_360 = arith.constant 5.000000e-01 : f32
      %mul3A_361 = vector.broadcast %mul3A_360 : f32 to vector<16xf32>
      %mul3A_362 = arith.mulf %mul3A_361, %add3A_333 : vector<16xf32>
      %mul3A_363 = arith.mulf %mul3A_362, %mul3A_359 : vector<16xf32>
      %mul3A_364 = arith.mulf %mul3A_363, %mul3A_359 : vector<16xf32>
      %sub3A_365 = arith.constant 1.500000e+00 : f32
      %sub3A_366 = vector.broadcast %sub3A_365 : f32 to vector<16xf32>
      %sub3A_367 = arith.subf %sub3A_366, %mul3A_364 : vector<16xf32>
      %mul3A_368 = arith.mulf %mul3A_359, %sub3A_367 : vector<16xf32>
      %mul3A_369 = arith.mulf %add3A_333, %mul3A_368 : vector<16xf32>
      %add3A_370 = arith.constant 9.99999993E-9 : f32
      %add3A_371 = vector.broadcast %add3A_370 : f32 to vector<16xf32>
      %add3A_372 = arith.addf %scan3A_156#2, %add3A_371 : vector<16xf32>
      %bitcast_convert_type3A_373 = tpu.bitcast %add3A_372 : vector<16xf32> -> vector<16xi32>
      %shift_right_logical3A_374 = arith.constant 1 : i32
      %shift_right_logical3A_375 = vector.broadcast %shift_right_logical3A_374 : i32 to vector<16xi32>
      %shift_right_logical3A_376 = arith.shrui %bitcast_convert_type3A_373, %shift_right_logical3A_375 : vector<16xi32>
      %sub3A_377 = arith.constant 1597463007 : i32
      %sub3A_378 = vector.broadcast %sub3A_377 : i32 to vector<16xi32>
      %sub3A_379 = arith.subi %sub3A_378, %shift_right_logical3A_376 : vector<16xi32>
      %bitcast_convert_type3A_380 = tpu.bitcast %sub3A_379 : vector<16xi32> -> vector<16xf32>
      %mul3A_381 = arith.constant 5.000000e-01 : f32
      %mul3A_382 = vector.broadcast %mul3A_381 : f32 to vector<16xf32>
      %mul3A_383 = arith.mulf %mul3A_382, %add3A_372 : vector<16xf32>
      %mul3A_384 = arith.mulf %mul3A_383, %bitcast_convert_type3A_380 : vector<16xf32>
      %mul3A_385 = arith.mulf %mul3A_384, %bitcast_convert_type3A_380 : vector<16xf32>
      %sub3A_386 = arith.constant 1.500000e+00 : f32
      %sub3A_387 = vector.broadcast %sub3A_386 : f32 to vector<16xf32>
      %sub3A_388 = arith.subf %sub3A_387, %mul3A_385 : vector<16xf32>
      %mul3A_389 = arith.mulf %bitcast_convert_type3A_380, %sub3A_388 : vector<16xf32>
      %mul3A_390 = arith.constant 5.000000e-01 : f32
      %mul3A_391 = vector.broadcast %mul3A_390 : f32 to vector<16xf32>
      %mul3A_392 = arith.mulf %mul3A_391, %add3A_372 : vector<16xf32>
      %mul3A_393 = arith.mulf %mul3A_392, %mul3A_389 : vector<16xf32>
      %mul3A_394 = arith.mulf %mul3A_393, %mul3A_389 : vector<16xf32>
      %sub3A_395 = arith.constant 1.500000e+00 : f32
      %sub3A_396 = vector.broadcast %sub3A_395 : f32 to vector<16xf32>
      %sub3A_397 = arith.subf %sub3A_396, %mul3A_394 : vector<16xf32>
      %mul3A_398 = arith.mulf %mul3A_389, %sub3A_397 : vector<16xf32>
      %mul3A_399 = arith.constant 5.000000e-01 : f32
      %mul3A_400 = vector.broadcast %mul3A_399 : f32 to vector<16xf32>
      %mul3A_401 = arith.mulf %mul3A_400, %add3A_372 : vector<16xf32>
      %mul3A_402 = arith.mulf %mul3A_401, %mul3A_398 : vector<16xf32>
      %mul3A_403 = arith.mulf %mul3A_402, %mul3A_398 : vector<16xf32>
      %sub3A_404 = arith.constant 1.500000e+00 : f32
      %sub3A_405 = vector.broadcast %sub3A_404 : f32 to vector<16xf32>
      %sub3A_406 = arith.subf %sub3A_405, %mul3A_403 : vector<16xf32>
      %mul3A_407 = arith.mulf %mul3A_398, %sub3A_406 : vector<16xf32>
      %mul3A_408 = arith.mulf %add3A_372, %mul3A_407 : vector<16xf32>
      %mul3A_409 = vector.broadcast %squeeze3A : f32 to vector<16xf32>
      %mul3A_410 = arith.mulf %mul3A_409, %mul3A_408 : vector<16xf32>
      %add3A_411 = arith.addf %mul3A_369, %mul3A_410 : vector<16xf32>
      %mul3A_412 = vector.broadcast %squeeze3A_4 : f32 to vector<16xf32>
      %mul3A_413 = arith.mulf %add3A_411, %mul3A_412 : vector<16xf32>
      %add3A_414 = arith.constant 9.99999993E-9 : f32
      %add3A_415 = vector.broadcast %add3A_414 : f32 to vector<16xf32>
      %add3A_416 = arith.addf %scan3A_162#3, %add3A_415 : vector<16xf32>
      %bitcast_convert_type3A_417 = tpu.bitcast %add3A_416 : vector<16xf32> -> vector<16xi32>
      %shift_right_logical3A_418 = arith.constant 1 : i32
      %shift_right_logical3A_419 = vector.broadcast %shift_right_logical3A_418 : i32 to vector<16xi32>
      %shift_right_logical3A_420 = arith.shrui %bitcast_convert_type3A_417, %shift_right_logical3A_419 : vector<16xi32>
      %sub3A_421 = arith.constant 1597463007 : i32
      %sub3A_422 = vector.broadcast %sub3A_421 : i32 to vector<16xi32>
      %sub3A_423 = arith.subi %sub3A_422, %shift_right_logical3A_420 : vector<16xi32>
      %bitcast_convert_type3A_424 = tpu.bitcast %sub3A_423 : vector<16xi32> -> vector<16xf32>
      %mul3A_425 = arith.constant 5.000000e-01 : f32
      %mul3A_426 = vector.broadcast %mul3A_425 : f32 to vector<16xf32>
      %mul3A_427 = arith.mulf %mul3A_426, %add3A_416 : vector<16xf32>
      %mul3A_428 = arith.mulf %mul3A_427, %bitcast_convert_type3A_424 : vector<16xf32>
      %mul3A_429 = arith.mulf %mul3A_428, %bitcast_convert_type3A_424 : vector<16xf32>
      %sub3A_430 = arith.constant 1.500000e+00 : f32
      %sub3A_431 = vector.broadcast %sub3A_430 : f32 to vector<16xf32>
      %sub3A_432 = arith.subf %sub3A_431, %mul3A_429 : vector<16xf32>
      %mul3A_433 = arith.mulf %bitcast_convert_type3A_424, %sub3A_432 : vector<16xf32>
      %mul3A_434 = arith.constant 5.000000e-01 : f32
      %mul3A_435 = vector.broadcast %mul3A_434 : f32 to vector<16xf32>
      %mul3A_436 = arith.mulf %mul3A_435, %add3A_416 : vector<16xf32>
      %mul3A_437 = arith.mulf %mul3A_436, %mul3A_433 : vector<16xf32>
      %mul3A_438 = arith.mulf %mul3A_437, %mul3A_433 : vector<16xf32>
      %sub3A_439 = arith.constant 1.500000e+00 : f32
      %sub3A_440 = vector.broadcast %sub3A_439 : f32 to vector<16xf32>
      %sub3A_441 = arith.subf %sub3A_440, %mul3A_438 : vector<16xf32>
      %mul3A_442 = arith.mulf %mul3A_433, %sub3A_441 : vector<16xf32>
      %mul3A_443 = arith.constant 5.000000e-01 : f32
      %mul3A_444 = vector.broadcast %mul3A_443 : f32 to vector<16xf32>
      %mul3A_445 = arith.mulf %mul3A_444, %add3A_416 : vector<16xf32>
      %mul3A_446 = arith.mulf %mul3A_445, %mul3A_442 : vector<16xf32>
      %mul3A_447 = arith.mulf %mul3A_446, %mul3A_442 : vector<16xf32>
      %sub3A_448 = arith.constant 1.500000e+00 : f32
      %sub3A_449 = vector.broadcast %sub3A_448 : f32 to vector<16xf32>
      %sub3A_450 = arith.subf %sub3A_449, %mul3A_447 : vector<16xf32>
      %mul3A_451 = arith.mulf %mul3A_442, %sub3A_450 : vector<16xf32>
      %mul3A_452 = arith.mulf %add3A_416, %mul3A_451 : vector<16xf32>
      %add3A_453 = arith.constant 9.99999993E-9 : f32
      %add3A_454 = vector.broadcast %add3A_453 : f32 to vector<16xf32>
      %add3A_455 = arith.addf %scan3A_156#3, %add3A_454 : vector<16xf32>
      %bitcast_convert_type3A_456 = tpu.bitcast %add3A_455 : vector<16xf32> -> vector<16xi32>
      %shift_right_logical3A_457 = arith.constant 1 : i32
      %shift_right_logical3A_458 = vector.broadcast %shift_right_logical3A_457 : i32 to vector<16xi32>
      %shift_right_logical3A_459 = arith.shrui %bitcast_convert_type3A_456, %shift_right_logical3A_458 : vector<16xi32>
      %sub3A_460 = arith.constant 1597463007 : i32
      %sub3A_461 = vector.broadcast %sub3A_460 : i32 to vector<16xi32>
      %sub3A_462 = arith.subi %sub3A_461, %shift_right_logical3A_459 : vector<16xi32>
      %bitcast_convert_type3A_463 = tpu.bitcast %sub3A_462 : vector<16xi32> -> vector<16xf32>
      %mul3A_464 = arith.constant 5.000000e-01 : f32
      %mul3A_465 = vector.broadcast %mul3A_464 : f32 to vector<16xf32>
      %mul3A_466 = arith.mulf %mul3A_465, %add3A_455 : vector<16xf32>
      %mul3A_467 = arith.mulf %mul3A_466, %bitcast_convert_type3A_463 : vector<16xf32>
      %mul3A_468 = arith.mulf %mul3A_467, %bitcast_convert_type3A_463 : vector<16xf32>
      %sub3A_469 = arith.constant 1.500000e+00 : f32
      %sub3A_470 = vector.broadcast %sub3A_469 : f32 to vector<16xf32>
      %sub3A_471 = arith.subf %sub3A_470, %mul3A_468 : vector<16xf32>
      %mul3A_472 = arith.mulf %bitcast_convert_type3A_463, %sub3A_471 : vector<16xf32>
      %mul3A_473 = arith.constant 5.000000e-01 : f32
      %mul3A_474 = vector.broadcast %mul3A_473 : f32 to vector<16xf32>
      %mul3A_475 = arith.mulf %mul3A_474, %add3A_455 : vector<16xf32>
      %mul3A_476 = arith.mulf %mul3A_475, %mul3A_472 : vector<16xf32>
      %mul3A_477 = arith.mulf %mul3A_476, %mul3A_472 : vector<16xf32>
      %sub3A_478 = arith.constant 1.500000e+00 : f32
      %sub3A_479 = vector.broadcast %sub3A_478 : f32 to vector<16xf32>
      %sub3A_480 = arith.subf %sub3A_479, %mul3A_477 : vector<16xf32>
      %mul3A_481 = arith.mulf %mul3A_472, %sub3A_480 : vector<16xf32>
      %mul3A_482 = arith.constant 5.000000e-01 : f32
      %mul3A_483 = vector.broadcast %mul3A_482 : f32 to vector<16xf32>
      %mul3A_484 = arith.mulf %mul3A_483, %add3A_455 : vector<16xf32>
      %mul3A_485 = arith.mulf %mul3A_484, %mul3A_481 : vector<16xf32>
      %mul3A_486 = arith.mulf %mul3A_485, %mul3A_481 : vector<16xf32>
      %sub3A_487 = arith.constant 1.500000e+00 : f32
      %sub3A_488 = vector.broadcast %sub3A_487 : f32 to vector<16xf32>
      %sub3A_489 = arith.subf %sub3A_488, %mul3A_486 : vector<16xf32>
      %mul3A_490 = arith.mulf %mul3A_481, %sub3A_489 : vector<16xf32>
      %mul3A_491 = arith.mulf %add3A_455, %mul3A_490 : vector<16xf32>
      %mul3A_492 = vector.broadcast %squeeze3A : f32 to vector<16xf32>
      %mul3A_493 = arith.mulf %mul3A_492, %mul3A_491 : vector<16xf32>
      %add3A_494 = arith.addf %mul3A_452, %mul3A_493 : vector<16xf32>
      %mul3A_495 = vector.broadcast %squeeze3A_4 : f32 to vector<16xf32>
      %mul3A_496 = arith.mulf %add3A_494, %mul3A_495 : vector<16xf32>
      %add3A_497 = arith.constant 9.99999993E-9 : f32
      %add3A_498 = vector.broadcast %add3A_497 : f32 to vector<16xf32>
      %add3A_499 = arith.addf %scan3A_162#4, %add3A_498 : vector<16xf32>
      %bitcast_convert_type3A_500 = tpu.bitcast %add3A_499 : vector<16xf32> -> vector<16xi32>
      %shift_right_logical3A_501 = arith.constant 1 : i32
      %shift_right_logical3A_502 = vector.broadcast %shift_right_logical3A_501 : i32 to vector<16xi32>
      %shift_right_logical3A_503 = arith.shrui %bitcast_convert_type3A_500, %shift_right_logical3A_502 : vector<16xi32>
      %sub3A_504 = arith.constant 1597463007 : i32
      %sub3A_505 = vector.broadcast %sub3A_504 : i32 to vector<16xi32>
      %sub3A_506 = arith.subi %sub3A_505, %shift_right_logical3A_503 : vector<16xi32>
      %bitcast_convert_type3A_507 = tpu.bitcast %sub3A_506 : vector<16xi32> -> vector<16xf32>
      %mul3A_508 = arith.constant 5.000000e-01 : f32
      %mul3A_509 = vector.broadcast %mul3A_508 : f32 to vector<16xf32>
      %mul3A_510 = arith.mulf %mul3A_509, %add3A_499 : vector<16xf32>
      %mul3A_511 = arith.mulf %mul3A_510, %bitcast_convert_type3A_507 : vector<16xf32>
      %mul3A_512 = arith.mulf %mul3A_511, %bitcast_convert_type3A_507 : vector<16xf32>
      %sub3A_513 = arith.constant 1.500000e+00 : f32
      %sub3A_514 = vector.broadcast %sub3A_513 : f32 to vector<16xf32>
      %sub3A_515 = arith.subf %sub3A_514, %mul3A_512 : vector<16xf32>
      %mul3A_516 = arith.mulf %bitcast_convert_type3A_507, %sub3A_515 : vector<16xf32>
      %mul3A_517 = arith.constant 5.000000e-01 : f32
      %mul3A_518 = vector.broadcast %mul3A_517 : f32 to vector<16xf32>
      %mul3A_519 = arith.mulf %mul3A_518, %add3A_499 : vector<16xf32>
      %mul3A_520 = arith.mulf %mul3A_519, %mul3A_516 : vector<16xf32>
      %mul3A_521 = arith.mulf %mul3A_520, %mul3A_516 : vector<16xf32>
      %sub3A_522 = arith.constant 1.500000e+00 : f32
      %sub3A_523 = vector.broadcast %sub3A_522 : f32 to vector<16xf32>
      %sub3A_524 = arith.subf %sub3A_523, %mul3A_521 : vector<16xf32>
      %mul3A_525 = arith.mulf %mul3A_516, %sub3A_524 : vector<16xf32>
      %mul3A_526 = arith.constant 5.000000e-01 : f32
      %mul3A_527 = vector.broadcast %mul3A_526 : f32 to vector<16xf32>
      %mul3A_528 = arith.mulf %mul3A_527, %add3A_499 : vector<16xf32>
      %mul3A_529 = arith.mulf %mul3A_528, %mul3A_525 : vector<16xf32>
      %mul3A_530 = arith.mulf %mul3A_529, %mul3A_525 : vector<16xf32>
      %sub3A_531 = arith.constant 1.500000e+00 : f32
      %sub3A_532 = vector.broadcast %sub3A_531 : f32 to vector<16xf32>
      %sub3A_533 = arith.subf %sub3A_532, %mul3A_530 : vector<16xf32>
      %mul3A_534 = arith.mulf %mul3A_525, %sub3A_533 : vector<16xf32>
      %mul3A_535 = arith.mulf %add3A_499, %mul3A_534 : vector<16xf32>
      %add3A_536 = arith.constant 9.99999993E-9 : f32
      %add3A_537 = vector.broadcast %add3A_536 : f32 to vector<16xf32>
      %add3A_538 = arith.addf %scan3A_156#4, %add3A_537 : vector<16xf32>
      %bitcast_convert_type3A_539 = tpu.bitcast %add3A_538 : vector<16xf32> -> vector<16xi32>
      %shift_right_logical3A_540 = arith.constant 1 : i32
      %shift_right_logical3A_541 = vector.broadcast %shift_right_logical3A_540 : i32 to vector<16xi32>
      %shift_right_logical3A_542 = arith.shrui %bitcast_convert_type3A_539, %shift_right_logical3A_541 : vector<16xi32>
      %sub3A_543 = arith.constant 1597463007 : i32
      %sub3A_544 = vector.broadcast %sub3A_543 : i32 to vector<16xi32>
      %sub3A_545 = arith.subi %sub3A_544, %shift_right_logical3A_542 : vector<16xi32>
      %bitcast_convert_type3A_546 = tpu.bitcast %sub3A_545 : vector<16xi32> -> vector<16xf32>
      %mul3A_547 = arith.constant 5.000000e-01 : f32
      %mul3A_548 = vector.broadcast %mul3A_547 : f32 to vector<16xf32>
      %mul3A_549 = arith.mulf %mul3A_548, %add3A_538 : vector<16xf32>
      %mul3A_550 = arith.mulf %mul3A_549, %bitcast_convert_type3A_546 : vector<16xf32>
      %mul3A_551 = arith.mulf %mul3A_550, %bitcast_convert_type3A_546 : vector<16xf32>
      %sub3A_552 = arith.constant 1.500000e+00 : f32
      %sub3A_553 = vector.broadcast %sub3A_552 : f32 to vector<16xf32>
      %sub3A_554 = arith.subf %sub3A_553, %mul3A_551 : vector<16xf32>
      %mul3A_555 = arith.mulf %bitcast_convert_type3A_546, %sub3A_554 : vector<16xf32>
      %mul3A_556 = arith.constant 5.000000e-01 : f32
      %mul3A_557 = vector.broadcast %mul3A_556 : f32 to vector<16xf32>
      %mul3A_558 = arith.mulf %mul3A_557, %add3A_538 : vector<16xf32>
      %mul3A_559 = arith.mulf %mul3A_558, %mul3A_555 : vector<16xf32>
      %mul3A_560 = arith.mulf %mul3A_559, %mul3A_555 : vector<16xf32>
      %sub3A_561 = arith.constant 1.500000e+00 : f32
      %sub3A_562 = vector.broadcast %sub3A_561 : f32 to vector<16xf32>
      %sub3A_563 = arith.subf %sub3A_562, %mul3A_560 : vector<16xf32>
      %mul3A_564 = arith.mulf %mul3A_555, %sub3A_563 : vector<16xf32>
      %mul3A_565 = arith.constant 5.000000e-01 : f32
      %mul3A_566 = vector.broadcast %mul3A_565 : f32 to vector<16xf32>
      %mul3A_567 = arith.mulf %mul3A_566, %add3A_538 : vector<16xf32>
      %mul3A_568 = arith.mulf %mul3A_567, %mul3A_564 : vector<16xf32>
      %mul3A_569 = arith.mulf %mul3A_568, %mul3A_564 : vector<16xf32>
      %sub3A_570 = arith.constant 1.500000e+00 : f32
      %sub3A_571 = vector.broadcast %sub3A_570 : f32 to vector<16xf32>
      %sub3A_572 = arith.subf %sub3A_571, %mul3A_569 : vector<16xf32>
      %mul3A_573 = arith.mulf %mul3A_564, %sub3A_572 : vector<16xf32>
      %mul3A_574 = arith.mulf %add3A_538, %mul3A_573 : vector<16xf32>
      %mul3A_575 = vector.broadcast %squeeze3A : f32 to vector<16xf32>
      %mul3A_576 = arith.mulf %mul3A_575, %mul3A_574 : vector<16xf32>
      %add3A_577 = arith.addf %mul3A_535, %mul3A_576 : vector<16xf32>
      %mul3A_578 = vector.broadcast %squeeze3A_4 : f32 to vector<16xf32>
      %mul3A_579 = arith.mulf %add3A_577, %mul3A_578 : vector<16xf32>
      %add3A_580 = arith.constant 9.99999993E-9 : f32
      %add3A_581 = vector.broadcast %add3A_580 : f32 to vector<16xf32>
      %add3A_582 = arith.addf %scan3A_162#5, %add3A_581 : vector<16xf32>
      %bitcast_convert_type3A_583 = tpu.bitcast %add3A_582 : vector<16xf32> -> vector<16xi32>
      %shift_right_logical3A_584 = arith.constant 1 : i32
      %shift_right_logical3A_585 = vector.broadcast %shift_right_logical3A_584 : i32 to vector<16xi32>
      %shift_right_logical3A_586 = arith.shrui %bitcast_convert_type3A_583, %shift_right_logical3A_585 : vector<16xi32>
      %sub3A_587 = arith.constant 1597463007 : i32
      %sub3A_588 = vector.broadcast %sub3A_587 : i32 to vector<16xi32>
      %sub3A_589 = arith.subi %sub3A_588, %shift_right_logical3A_586 : vector<16xi32>
      %bitcast_convert_type3A_590 = tpu.bitcast %sub3A_589 : vector<16xi32> -> vector<16xf32>
      %mul3A_591 = arith.constant 5.000000e-01 : f32
      %mul3A_592 = vector.broadcast %mul3A_591 : f32 to vector<16xf32>
      %mul3A_593 = arith.mulf %mul3A_592, %add3A_582 : vector<16xf32>
      %mul3A_594 = arith.mulf %mul3A_593, %bitcast_convert_type3A_590 : vector<16xf32>
      %mul3A_595 = arith.mulf %mul3A_594, %bitcast_convert_type3A_590 : vector<16xf32>
      %sub3A_596 = arith.constant 1.500000e+00 : f32
      %sub3A_597 = vector.broadcast %sub3A_596 : f32 to vector<16xf32>
      %sub3A_598 = arith.subf %sub3A_597, %mul3A_595 : vector<16xf32>
      %mul3A_599 = arith.mulf %bitcast_convert_type3A_590, %sub3A_598 : vector<16xf32>
      %mul3A_600 = arith.constant 5.000000e-01 : f32
      %mul3A_601 = vector.broadcast %mul3A_600 : f32 to vector<16xf32>
      %mul3A_602 = arith.mulf %mul3A_601, %add3A_582 : vector<16xf32>
      %mul3A_603 = arith.mulf %mul3A_602, %mul3A_599 : vector<16xf32>
      %mul3A_604 = arith.mulf %mul3A_603, %mul3A_599 : vector<16xf32>
      %sub3A_605 = arith.constant 1.500000e+00 : f32
      %sub3A_606 = vector.broadcast %sub3A_605 : f32 to vector<16xf32>
      %sub3A_607 = arith.subf %sub3A_606, %mul3A_604 : vector<16xf32>
      %mul3A_608 = arith.mulf %mul3A_599, %sub3A_607 : vector<16xf32>
      %mul3A_609 = arith.constant 5.000000e-01 : f32
      %mul3A_610 = vector.broadcast %mul3A_609 : f32 to vector<16xf32>
      %mul3A_611 = arith.mulf %mul3A_610, %add3A_582 : vector<16xf32>
      %mul3A_612 = arith.mulf %mul3A_611, %mul3A_608 : vector<16xf32>
      %mul3A_613 = arith.mulf %mul3A_612, %mul3A_608 : vector<16xf32>
      %sub3A_614 = arith.constant 1.500000e+00 : f32
      %sub3A_615 = vector.broadcast %sub3A_614 : f32 to vector<16xf32>
      %sub3A_616 = arith.subf %sub3A_615, %mul3A_613 : vector<16xf32>
      %mul3A_617 = arith.mulf %mul3A_608, %sub3A_616 : vector<16xf32>
      %mul3A_618 = arith.mulf %add3A_582, %mul3A_617 : vector<16xf32>
      %add3A_619 = arith.constant 9.99999993E-9 : f32
      %add3A_620 = vector.broadcast %add3A_619 : f32 to vector<16xf32>
      %add3A_621 = arith.addf %scan3A_156#5, %add3A_620 : vector<16xf32>
      %bitcast_convert_type3A_622 = tpu.bitcast %add3A_621 : vector<16xf32> -> vector<16xi32>
      %shift_right_logical3A_623 = arith.constant 1 : i32
      %shift_right_logical3A_624 = vector.broadcast %shift_right_logical3A_623 : i32 to vector<16xi32>
      %shift_right_logical3A_625 = arith.shrui %bitcast_convert_type3A_622, %shift_right_logical3A_624 : vector<16xi32>
      %sub3A_626 = arith.constant 1597463007 : i32
      %sub3A_627 = vector.broadcast %sub3A_626 : i32 to vector<16xi32>
      %sub3A_628 = arith.subi %sub3A_627, %shift_right_logical3A_625 : vector<16xi32>
      %bitcast_convert_type3A_629 = tpu.bitcast %sub3A_628 : vector<16xi32> -> vector<16xf32>
      %mul3A_630 = arith.constant 5.000000e-01 : f32
      %mul3A_631 = vector.broadcast %mul3A_630 : f32 to vector<16xf32>
      %mul3A_632 = arith.mulf %mul3A_631, %add3A_621 : vector<16xf32>
      %mul3A_633 = arith.mulf %mul3A_632, %bitcast_convert_type3A_629 : vector<16xf32>
      %mul3A_634 = arith.mulf %mul3A_633, %bitcast_convert_type3A_629 : vector<16xf32>
      %sub3A_635 = arith.constant 1.500000e+00 : f32
      %sub3A_636 = vector.broadcast %sub3A_635 : f32 to vector<16xf32>
      %sub3A_637 = arith.subf %sub3A_636, %mul3A_634 : vector<16xf32>
      %mul3A_638 = arith.mulf %bitcast_convert_type3A_629, %sub3A_637 : vector<16xf32>
      %mul3A_639 = arith.constant 5.000000e-01 : f32
      %mul3A_640 = vector.broadcast %mul3A_639 : f32 to vector<16xf32>
      %mul3A_641 = arith.mulf %mul3A_640, %add3A_621 : vector<16xf32>
      %mul3A_642 = arith.mulf %mul3A_641, %mul3A_638 : vector<16xf32>
      %mul3A_643 = arith.mulf %mul3A_642, %mul3A_638 : vector<16xf32>
      %sub3A_644 = arith.constant 1.500000e+00 : f32
      %sub3A_645 = vector.broadcast %sub3A_644 : f32 to vector<16xf32>
      %sub3A_646 = arith.subf %sub3A_645, %mul3A_643 : vector<16xf32>
      %mul3A_647 = arith.mulf %mul3A_638, %sub3A_646 : vector<16xf32>
      %mul3A_648 = arith.constant 5.000000e-01 : f32
      %mul3A_649 = vector.broadcast %mul3A_648 : f32 to vector<16xf32>
      %mul3A_650 = arith.mulf %mul3A_649, %add3A_621 : vector<16xf32>
      %mul3A_651 = arith.mulf %mul3A_650, %mul3A_647 : vector<16xf32>
      %mul3A_652 = arith.mulf %mul3A_651, %mul3A_647 : vector<16xf32>
      %sub3A_653 = arith.constant 1.500000e+00 : f32
      %sub3A_654 = vector.broadcast %sub3A_653 : f32 to vector<16xf32>
      %sub3A_655 = arith.subf %sub3A_654, %mul3A_652 : vector<16xf32>
      %mul3A_656 = arith.mulf %mul3A_647, %sub3A_655 : vector<16xf32>
      %mul3A_657 = arith.mulf %add3A_621, %mul3A_656 : vector<16xf32>
      %mul3A_658 = vector.broadcast %squeeze3A : f32 to vector<16xf32>
      %mul3A_659 = arith.mulf %mul3A_658, %mul3A_657 : vector<16xf32>
      %add3A_660 = arith.addf %mul3A_618, %mul3A_659 : vector<16xf32>
      %mul3A_661 = vector.broadcast %squeeze3A_4 : f32 to vector<16xf32>
      %mul3A_662 = arith.mulf %add3A_660, %mul3A_661 : vector<16xf32>
      %add3A_663 = arith.constant 9.99999993E-9 : f32
      %add3A_664 = vector.broadcast %add3A_663 : f32 to vector<16xf32>
      %add3A_665 = arith.addf %scan3A_162#6, %add3A_664 : vector<16xf32>
      %bitcast_convert_type3A_666 = tpu.bitcast %add3A_665 : vector<16xf32> -> vector<16xi32>
      %shift_right_logical3A_667 = arith.constant 1 : i32
      %shift_right_logical3A_668 = vector.broadcast %shift_right_logical3A_667 : i32 to vector<16xi32>
      %shift_right_logical3A_669 = arith.shrui %bitcast_convert_type3A_666, %shift_right_logical3A_668 : vector<16xi32>
      %sub3A_670 = arith.constant 1597463007 : i32
      %sub3A_671 = vector.broadcast %sub3A_670 : i32 to vector<16xi32>
      %sub3A_672 = arith.subi %sub3A_671, %shift_right_logical3A_669 : vector<16xi32>
      %bitcast_convert_type3A_673 = tpu.bitcast %sub3A_672 : vector<16xi32> -> vector<16xf32>
      %mul3A_674 = arith.constant 5.000000e-01 : f32
      %mul3A_675 = vector.broadcast %mul3A_674 : f32 to vector<16xf32>
      %mul3A_676 = arith.mulf %mul3A_675, %add3A_665 : vector<16xf32>
      %mul3A_677 = arith.mulf %mul3A_676, %bitcast_convert_type3A_673 : vector<16xf32>
      %mul3A_678 = arith.mulf %mul3A_677, %bitcast_convert_type3A_673 : vector<16xf32>
      %sub3A_679 = arith.constant 1.500000e+00 : f32
      %sub3A_680 = vector.broadcast %sub3A_679 : f32 to vector<16xf32>
      %sub3A_681 = arith.subf %sub3A_680, %mul3A_678 : vector<16xf32>
      %mul3A_682 = arith.mulf %bitcast_convert_type3A_673, %sub3A_681 : vector<16xf32>
      %mul3A_683 = arith.constant 5.000000e-01 : f32
      %mul3A_684 = vector.broadcast %mul3A_683 : f32 to vector<16xf32>
      %mul3A_685 = arith.mulf %mul3A_684, %add3A_665 : vector<16xf32>
      %mul3A_686 = arith.mulf %mul3A_685, %mul3A_682 : vector<16xf32>
      %mul3A_687 = arith.mulf %mul3A_686, %mul3A_682 : vector<16xf32>
      %sub3A_688 = arith.constant 1.500000e+00 : f32
      %sub3A_689 = vector.broadcast %sub3A_688 : f32 to vector<16xf32>
      %sub3A_690 = arith.subf %sub3A_689, %mul3A_687 : vector<16xf32>
      %mul3A_691 = arith.mulf %mul3A_682, %sub3A_690 : vector<16xf32>
      %mul3A_692 = arith.constant 5.000000e-01 : f32
      %mul3A_693 = vector.broadcast %mul3A_692 : f32 to vector<16xf32>
      %mul3A_694 = arith.mulf %mul3A_693, %add3A_665 : vector<16xf32>
      %mul3A_695 = arith.mulf %mul3A_694, %mul3A_691 : vector<16xf32>
      %mul3A_696 = arith.mulf %mul3A_695, %mul3A_691 : vector<16xf32>
      %sub3A_697 = arith.constant 1.500000e+00 : f32
      %sub3A_698 = vector.broadcast %sub3A_697 : f32 to vector<16xf32>
      %sub3A_699 = arith.subf %sub3A_698, %mul3A_696 : vector<16xf32>
      %mul3A_700 = arith.mulf %mul3A_691, %sub3A_699 : vector<16xf32>
      %mul3A_701 = arith.mulf %add3A_665, %mul3A_700 : vector<16xf32>
      %add3A_702 = arith.constant 9.99999993E-9 : f32
      %add3A_703 = vector.broadcast %add3A_702 : f32 to vector<16xf32>
      %add3A_704 = arith.addf %scan3A_156#6, %add3A_703 : vector<16xf32>
      %bitcast_convert_type3A_705 = tpu.bitcast %add3A_704 : vector<16xf32> -> vector<16xi32>
      %shift_right_logical3A_706 = arith.constant 1 : i32
      %shift_right_logical3A_707 = vector.broadcast %shift_right_logical3A_706 : i32 to vector<16xi32>
      %shift_right_logical3A_708 = arith.shrui %bitcast_convert_type3A_705, %shift_right_logical3A_707 : vector<16xi32>
      %sub3A_709 = arith.constant 1597463007 : i32
      %sub3A_710 = vector.broadcast %sub3A_709 : i32 to vector<16xi32>
      %sub3A_711 = arith.subi %sub3A_710, %shift_right_logical3A_708 : vector<16xi32>
      %bitcast_convert_type3A_712 = tpu.bitcast %sub3A_711 : vector<16xi32> -> vector<16xf32>
      %mul3A_713 = arith.constant 5.000000e-01 : f32
      %mul3A_714 = vector.broadcast %mul3A_713 : f32 to vector<16xf32>
      %mul3A_715 = arith.mulf %mul3A_714, %add3A_704 : vector<16xf32>
      %mul3A_716 = arith.mulf %mul3A_715, %bitcast_convert_type3A_712 : vector<16xf32>
      %mul3A_717 = arith.mulf %mul3A_716, %bitcast_convert_type3A_712 : vector<16xf32>
      %sub3A_718 = arith.constant 1.500000e+00 : f32
      %sub3A_719 = vector.broadcast %sub3A_718 : f32 to vector<16xf32>
      %sub3A_720 = arith.subf %sub3A_719, %mul3A_717 : vector<16xf32>
      %mul3A_721 = arith.mulf %bitcast_convert_type3A_712, %sub3A_720 : vector<16xf32>
      %mul3A_722 = arith.constant 5.000000e-01 : f32
      %mul3A_723 = vector.broadcast %mul3A_722 : f32 to vector<16xf32>
      %mul3A_724 = arith.mulf %mul3A_723, %add3A_704 : vector<16xf32>
      %mul3A_725 = arith.mulf %mul3A_724, %mul3A_721 : vector<16xf32>
      %mul3A_726 = arith.mulf %mul3A_725, %mul3A_721 : vector<16xf32>
      %sub3A_727 = arith.constant 1.500000e+00 : f32
      %sub3A_728 = vector.broadcast %sub3A_727 : f32 to vector<16xf32>
      %sub3A_729 = arith.subf %sub3A_728, %mul3A_726 : vector<16xf32>
      %mul3A_730 = arith.mulf %mul3A_721, %sub3A_729 : vector<16xf32>
      %mul3A_731 = arith.constant 5.000000e-01 : f32
      %mul3A_732 = vector.broadcast %mul3A_731 : f32 to vector<16xf32>
      %mul3A_733 = arith.mulf %mul3A_732, %add3A_704 : vector<16xf32>
      %mul3A_734 = arith.mulf %mul3A_733, %mul3A_730 : vector<16xf32>
      %mul3A_735 = arith.mulf %mul3A_734, %mul3A_730 : vector<16xf32>
      %sub3A_736 = arith.constant 1.500000e+00 : f32
      %sub3A_737 = vector.broadcast %sub3A_736 : f32 to vector<16xf32>
      %sub3A_738 = arith.subf %sub3A_737, %mul3A_735 : vector<16xf32>
      %mul3A_739 = arith.mulf %mul3A_730, %sub3A_738 : vector<16xf32>
      %mul3A_740 = arith.mulf %add3A_704, %mul3A_739 : vector<16xf32>
      %mul3A_741 = vector.broadcast %squeeze3A : f32 to vector<16xf32>
      %mul3A_742 = arith.mulf %mul3A_741, %mul3A_740 : vector<16xf32>
      %add3A_743 = arith.addf %mul3A_701, %mul3A_742 : vector<16xf32>
      %mul3A_744 = vector.broadcast %squeeze3A_4 : f32 to vector<16xf32>
      %mul3A_745 = arith.mulf %add3A_743, %mul3A_744 : vector<16xf32>
      %add3A_746 = arith.constant 9.99999993E-9 : f32
      %add3A_747 = vector.broadcast %add3A_746 : f32 to vector<16xf32>
      %add3A_748 = arith.addf %scan3A_162#7, %add3A_747 : vector<16xf32>
      %bitcast_convert_type3A_749 = tpu.bitcast %add3A_748 : vector<16xf32> -> vector<16xi32>
      %shift_right_logical3A_750 = arith.constant 1 : i32
      %shift_right_logical3A_751 = vector.broadcast %shift_right_logical3A_750 : i32 to vector<16xi32>
      %shift_right_logical3A_752 = arith.shrui %bitcast_convert_type3A_749, %shift_right_logical3A_751 : vector<16xi32>
      %sub3A_753 = arith.constant 1597463007 : i32
      %sub3A_754 = vector.broadcast %sub3A_753 : i32 to vector<16xi32>
      %sub3A_755 = arith.subi %sub3A_754, %shift_right_logical3A_752 : vector<16xi32>
      %bitcast_convert_type3A_756 = tpu.bitcast %sub3A_755 : vector<16xi32> -> vector<16xf32>
      %mul3A_757 = arith.constant 5.000000e-01 : f32
      %mul3A_758 = vector.broadcast %mul3A_757 : f32 to vector<16xf32>
      %mul3A_759 = arith.mulf %mul3A_758, %add3A_748 : vector<16xf32>
      %mul3A_760 = arith.mulf %mul3A_759, %bitcast_convert_type3A_756 : vector<16xf32>
      %mul3A_761 = arith.mulf %mul3A_760, %bitcast_convert_type3A_756 : vector<16xf32>
      %sub3A_762 = arith.constant 1.500000e+00 : f32
      %sub3A_763 = vector.broadcast %sub3A_762 : f32 to vector<16xf32>
      %sub3A_764 = arith.subf %sub3A_763, %mul3A_761 : vector<16xf32>
      %mul3A_765 = arith.mulf %bitcast_convert_type3A_756, %sub3A_764 : vector<16xf32>
      %mul3A_766 = arith.constant 5.000000e-01 : f32
      %mul3A_767 = vector.broadcast %mul3A_766 : f32 to vector<16xf32>
      %mul3A_768 = arith.mulf %mul3A_767, %add3A_748 : vector<16xf32>
      %mul3A_769 = arith.mulf %mul3A_768, %mul3A_765 : vector<16xf32>
      %mul3A_770 = arith.mulf %mul3A_769, %mul3A_765 : vector<16xf32>
      %sub3A_771 = arith.constant 1.500000e+00 : f32
      %sub3A_772 = vector.broadcast %sub3A_771 : f32 to vector<16xf32>
      %sub3A_773 = arith.subf %sub3A_772, %mul3A_770 : vector<16xf32>
      %mul3A_774 = arith.mulf %mul3A_765, %sub3A_773 : vector<16xf32>
      %mul3A_775 = arith.constant 5.000000e-01 : f32
      %mul3A_776 = vector.broadcast %mul3A_775 : f32 to vector<16xf32>
      %mul3A_777 = arith.mulf %mul3A_776, %add3A_748 : vector<16xf32>
      %mul3A_778 = arith.mulf %mul3A_777, %mul3A_774 : vector<16xf32>
      %mul3A_779 = arith.mulf %mul3A_778, %mul3A_774 : vector<16xf32>
      %sub3A_780 = arith.constant 1.500000e+00 : f32
      %sub3A_781 = vector.broadcast %sub3A_780 : f32 to vector<16xf32>
      %sub3A_782 = arith.subf %sub3A_781, %mul3A_779 : vector<16xf32>
      %mul3A_783 = arith.mulf %mul3A_774, %sub3A_782 : vector<16xf32>
      %mul3A_784 = arith.mulf %add3A_748, %mul3A_783 : vector<16xf32>
      %add3A_785 = arith.constant 9.99999993E-9 : f32
      %add3A_786 = vector.broadcast %add3A_785 : f32 to vector<16xf32>
      %add3A_787 = arith.addf %scan3A_156#7, %add3A_786 : vector<16xf32>
      %bitcast_convert_type3A_788 = tpu.bitcast %add3A_787 : vector<16xf32> -> vector<16xi32>
      %shift_right_logical3A_789 = arith.constant 1 : i32
      %shift_right_logical3A_790 = vector.broadcast %shift_right_logical3A_789 : i32 to vector<16xi32>
      %shift_right_logical3A_791 = arith.shrui %bitcast_convert_type3A_788, %shift_right_logical3A_790 : vector<16xi32>
      %sub3A_792 = arith.constant 1597463007 : i32
      %sub3A_793 = vector.broadcast %sub3A_792 : i32 to vector<16xi32>
      %sub3A_794 = arith.subi %sub3A_793, %shift_right_logical3A_791 : vector<16xi32>
      %bitcast_convert_type3A_795 = tpu.bitcast %sub3A_794 : vector<16xi32> -> vector<16xf32>
      %mul3A_796 = arith.constant 5.000000e-01 : f32
      %mul3A_797 = vector.broadcast %mul3A_796 : f32 to vector<16xf32>
      %mul3A_798 = arith.mulf %mul3A_797, %add3A_787 : vector<16xf32>
      %mul3A_799 = arith.mulf %mul3A_798, %bitcast_convert_type3A_795 : vector<16xf32>
      %mul3A_800 = arith.mulf %mul3A_799, %bitcast_convert_type3A_795 : vector<16xf32>
      %sub3A_801 = arith.constant 1.500000e+00 : f32
      %sub3A_802 = vector.broadcast %sub3A_801 : f32 to vector<16xf32>
      %sub3A_803 = arith.subf %sub3A_802, %mul3A_800 : vector<16xf32>
      %mul3A_804 = arith.mulf %bitcast_convert_type3A_795, %sub3A_803 : vector<16xf32>
      %mul3A_805 = arith.constant 5.000000e-01 : f32
      %mul3A_806 = vector.broadcast %mul3A_805 : f32 to vector<16xf32>
      %mul3A_807 = arith.mulf %mul3A_806, %add3A_787 : vector<16xf32>
      %mul3A_808 = arith.mulf %mul3A_807, %mul3A_804 : vector<16xf32>
      %mul3A_809 = arith.mulf %mul3A_808, %mul3A_804 : vector<16xf32>
      %sub3A_810 = arith.constant 1.500000e+00 : f32
      %sub3A_811 = vector.broadcast %sub3A_810 : f32 to vector<16xf32>
      %sub3A_812 = arith.subf %sub3A_811, %mul3A_809 : vector<16xf32>
      %mul3A_813 = arith.mulf %mul3A_804, %sub3A_812 : vector<16xf32>
      %mul3A_814 = arith.constant 5.000000e-01 : f32
      %mul3A_815 = vector.broadcast %mul3A_814 : f32 to vector<16xf32>
      %mul3A_816 = arith.mulf %mul3A_815, %add3A_787 : vector<16xf32>
      %mul3A_817 = arith.mulf %mul3A_816, %mul3A_813 : vector<16xf32>
      %mul3A_818 = arith.mulf %mul3A_817, %mul3A_813 : vector<16xf32>
      %sub3A_819 = arith.constant 1.500000e+00 : f32
      %sub3A_820 = vector.broadcast %sub3A_819 : f32 to vector<16xf32>
      %sub3A_821 = arith.subf %sub3A_820, %mul3A_818 : vector<16xf32>
      %mul3A_822 = arith.mulf %mul3A_813, %sub3A_821 : vector<16xf32>
      %mul3A_823 = arith.mulf %add3A_787, %mul3A_822 : vector<16xf32>
      %mul3A_824 = vector.broadcast %squeeze3A : f32 to vector<16xf32>
      %mul3A_825 = arith.mulf %mul3A_824, %mul3A_823 : vector<16xf32>
      %add3A_826 = arith.addf %mul3A_784, %mul3A_825 : vector<16xf32>
      %mul3A_827 = vector.broadcast %squeeze3A_4 : f32 to vector<16xf32>
      %mul3A_828 = arith.mulf %add3A_826, %mul3A_827 : vector<16xf32>
      %add3A_829 = arith.constant 9.99999993E-9 : f32
      %add3A_830 = vector.broadcast %add3A_829 : f32 to vector<16xf32>
      %add3A_831 = arith.addf %scan3A_162#8, %add3A_830 : vector<16xf32>
      %bitcast_convert_type3A_832 = tpu.bitcast %add3A_831 : vector<16xf32> -> vector<16xi32>
      %shift_right_logical3A_833 = arith.constant 1 : i32
      %shift_right_logical3A_834 = vector.broadcast %shift_right_logical3A_833 : i32 to vector<16xi32>
      %shift_right_logical3A_835 = arith.shrui %bitcast_convert_type3A_832, %shift_right_logical3A_834 : vector<16xi32>
      %sub3A_836 = arith.constant 1597463007 : i32
      %sub3A_837 = vector.broadcast %sub3A_836 : i32 to vector<16xi32>
      %sub3A_838 = arith.subi %sub3A_837, %shift_right_logical3A_835 : vector<16xi32>
      %bitcast_convert_type3A_839 = tpu.bitcast %sub3A_838 : vector<16xi32> -> vector<16xf32>
      %mul3A_840 = arith.constant 5.000000e-01 : f32
      %mul3A_841 = vector.broadcast %mul3A_840 : f32 to vector<16xf32>
      %mul3A_842 = arith.mulf %mul3A_841, %add3A_831 : vector<16xf32>
      %mul3A_843 = arith.mulf %mul3A_842, %bitcast_convert_type3A_839 : vector<16xf32>
      %mul3A_844 = arith.mulf %mul3A_843, %bitcast_convert_type3A_839 : vector<16xf32>
      %sub3A_845 = arith.constant 1.500000e+00 : f32
      %sub3A_846 = vector.broadcast %sub3A_845 : f32 to vector<16xf32>
      %sub3A_847 = arith.subf %sub3A_846, %mul3A_844 : vector<16xf32>
      %mul3A_848 = arith.mulf %bitcast_convert_type3A_839, %sub3A_847 : vector<16xf32>
      %mul3A_849 = arith.constant 5.000000e-01 : f32
      %mul3A_850 = vector.broadcast %mul3A_849 : f32 to vector<16xf32>
      %mul3A_851 = arith.mulf %mul3A_850, %add3A_831 : vector<16xf32>
      %mul3A_852 = arith.mulf %mul3A_851, %mul3A_848 : vector<16xf32>
      %mul3A_853 = arith.mulf %mul3A_852, %mul3A_848 : vector<16xf32>
      %sub3A_854 = arith.constant 1.500000e+00 : f32
      %sub3A_855 = vector.broadcast %sub3A_854 : f32 to vector<16xf32>
      %sub3A_856 = arith.subf %sub3A_855, %mul3A_853 : vector<16xf32>
      %mul3A_857 = arith.mulf %mul3A_848, %sub3A_856 : vector<16xf32>
      %mul3A_858 = arith.constant 5.000000e-01 : f32
      %mul3A_859 = vector.broadcast %mul3A_858 : f32 to vector<16xf32>
      %mul3A_860 = arith.mulf %mul3A_859, %add3A_831 : vector<16xf32>
      %mul3A_861 = arith.mulf %mul3A_860, %mul3A_857 : vector<16xf32>
      %mul3A_862 = arith.mulf %mul3A_861, %mul3A_857 : vector<16xf32>
      %sub3A_863 = arith.constant 1.500000e+00 : f32
      %sub3A_864 = vector.broadcast %sub3A_863 : f32 to vector<16xf32>
      %sub3A_865 = arith.subf %sub3A_864, %mul3A_862 : vector<16xf32>
      %mul3A_866 = arith.mulf %mul3A_857, %sub3A_865 : vector<16xf32>
      %mul3A_867 = arith.mulf %add3A_831, %mul3A_866 : vector<16xf32>
      %add3A_868 = arith.constant 9.99999993E-9 : f32
      %add3A_869 = vector.broadcast %add3A_868 : f32 to vector<16xf32>
      %add3A_870 = arith.addf %scan3A_156#8, %add3A_869 : vector<16xf32>
      %bitcast_convert_type3A_871 = tpu.bitcast %add3A_870 : vector<16xf32> -> vector<16xi32>
      %shift_right_logical3A_872 = arith.constant 1 : i32
      %shift_right_logical3A_873 = vector.broadcast %shift_right_logical3A_872 : i32 to vector<16xi32>
      %shift_right_logical3A_874 = arith.shrui %bitcast_convert_type3A_871, %shift_right_logical3A_873 : vector<16xi32>
      %sub3A_875 = arith.constant 1597463007 : i32
      %sub3A_876 = vector.broadcast %sub3A_875 : i32 to vector<16xi32>
      %sub3A_877 = arith.subi %sub3A_876, %shift_right_logical3A_874 : vector<16xi32>
      %bitcast_convert_type3A_878 = tpu.bitcast %sub3A_877 : vector<16xi32> -> vector<16xf32>
      %mul3A_879 = arith.constant 5.000000e-01 : f32
      %mul3A_880 = vector.broadcast %mul3A_879 : f32 to vector<16xf32>
      %mul3A_881 = arith.mulf %mul3A_880, %add3A_870 : vector<16xf32>
      %mul3A_882 = arith.mulf %mul3A_881, %bitcast_convert_type3A_878 : vector<16xf32>
      %mul3A_883 = arith.mulf %mul3A_882, %bitcast_convert_type3A_878 : vector<16xf32>
      %sub3A_884 = arith.constant 1.500000e+00 : f32
      %sub3A_885 = vector.broadcast %sub3A_884 : f32 to vector<16xf32>
      %sub3A_886 = arith.subf %sub3A_885, %mul3A_883 : vector<16xf32>
      %mul3A_887 = arith.mulf %bitcast_convert_type3A_878, %sub3A_886 : vector<16xf32>
      %mul3A_888 = arith.constant 5.000000e-01 : f32
      %mul3A_889 = vector.broadcast %mul3A_888 : f32 to vector<16xf32>
      %mul3A_890 = arith.mulf %mul3A_889, %add3A_870 : vector<16xf32>
      %mul3A_891 = arith.mulf %mul3A_890, %mul3A_887 : vector<16xf32>
      %mul3A_892 = arith.mulf %mul3A_891, %mul3A_887 : vector<16xf32>
      %sub3A_893 = arith.constant 1.500000e+00 : f32
      %sub3A_894 = vector.broadcast %sub3A_893 : f32 to vector<16xf32>
      %sub3A_895 = arith.subf %sub3A_894, %mul3A_892 : vector<16xf32>
      %mul3A_896 = arith.mulf %mul3A_887, %sub3A_895 : vector<16xf32>
      %mul3A_897 = arith.constant 5.000000e-01 : f32
      %mul3A_898 = vector.broadcast %mul3A_897 : f32 to vector<16xf32>
      %mul3A_899 = arith.mulf %mul3A_898, %add3A_870 : vector<16xf32>
      %mul3A_900 = arith.mulf %mul3A_899, %mul3A_896 : vector<16xf32>
      %mul3A_901 = arith.mulf %mul3A_900, %mul3A_896 : vector<16xf32>
      %sub3A_902 = arith.constant 1.500000e+00 : f32
      %sub3A_903 = vector.broadcast %sub3A_902 : f32 to vector<16xf32>
      %sub3A_904 = arith.subf %sub3A_903, %mul3A_901 : vector<16xf32>
      %mul3A_905 = arith.mulf %mul3A_896, %sub3A_904 : vector<16xf32>
      %mul3A_906 = arith.mulf %add3A_870, %mul3A_905 : vector<16xf32>
      %mul3A_907 = vector.broadcast %squeeze3A : f32 to vector<16xf32>
      %mul3A_908 = arith.mulf %mul3A_907, %mul3A_906 : vector<16xf32>
      %add3A_909 = arith.addf %mul3A_867, %mul3A_908 : vector<16xf32>
      %mul3A_910 = vector.broadcast %squeeze3A_4 : f32 to vector<16xf32>
      %mul3A_911 = arith.mulf %add3A_909, %mul3A_910 : vector<16xf32>
      %add3A_912 = arith.constant 9.99999993E-9 : f32
      %add3A_913 = vector.broadcast %add3A_912 : f32 to vector<16xf32>
      %add3A_914 = arith.addf %scan3A_162#9, %add3A_913 : vector<16xf32>
      %bitcast_convert_type3A_915 = tpu.bitcast %add3A_914 : vector<16xf32> -> vector<16xi32>
      %shift_right_logical3A_916 = arith.constant 1 : i32
      %shift_right_logical3A_917 = vector.broadcast %shift_right_logical3A_916 : i32 to vector<16xi32>
      %shift_right_logical3A_918 = arith.shrui %bitcast_convert_type3A_915, %shift_right_logical3A_917 : vector<16xi32>
      %sub3A_919 = arith.constant 1597463007 : i32
      %sub3A_920 = vector.broadcast %sub3A_919 : i32 to vector<16xi32>
      %sub3A_921 = arith.subi %sub3A_920, %shift_right_logical3A_918 : vector<16xi32>
      %bitcast_convert_type3A_922 = tpu.bitcast %sub3A_921 : vector<16xi32> -> vector<16xf32>
      %mul3A_923 = arith.constant 5.000000e-01 : f32
      %mul3A_924 = vector.broadcast %mul3A_923 : f32 to vector<16xf32>
      %mul3A_925 = arith.mulf %mul3A_924, %add3A_914 : vector<16xf32>
      %mul3A_926 = arith.mulf %mul3A_925, %bitcast_convert_type3A_922 : vector<16xf32>
      %mul3A_927 = arith.mulf %mul3A_926, %bitcast_convert_type3A_922 : vector<16xf32>
      %sub3A_928 = arith.constant 1.500000e+00 : f32
      %sub3A_929 = vector.broadcast %sub3A_928 : f32 to vector<16xf32>
      %sub3A_930 = arith.subf %sub3A_929, %mul3A_927 : vector<16xf32>
      %mul3A_931 = arith.mulf %bitcast_convert_type3A_922, %sub3A_930 : vector<16xf32>
      %mul3A_932 = arith.constant 5.000000e-01 : f32
      %mul3A_933 = vector.broadcast %mul3A_932 : f32 to vector<16xf32>
      %mul3A_934 = arith.mulf %mul3A_933, %add3A_914 : vector<16xf32>
      %mul3A_935 = arith.mulf %mul3A_934, %mul3A_931 : vector<16xf32>
      %mul3A_936 = arith.mulf %mul3A_935, %mul3A_931 : vector<16xf32>
      %sub3A_937 = arith.constant 1.500000e+00 : f32
      %sub3A_938 = vector.broadcast %sub3A_937 : f32 to vector<16xf32>
      %sub3A_939 = arith.subf %sub3A_938, %mul3A_936 : vector<16xf32>
      %mul3A_940 = arith.mulf %mul3A_931, %sub3A_939 : vector<16xf32>
      %mul3A_941 = arith.constant 5.000000e-01 : f32
      %mul3A_942 = vector.broadcast %mul3A_941 : f32 to vector<16xf32>
      %mul3A_943 = arith.mulf %mul3A_942, %add3A_914 : vector<16xf32>
      %mul3A_944 = arith.mulf %mul3A_943, %mul3A_940 : vector<16xf32>
      %mul3A_945 = arith.mulf %mul3A_944, %mul3A_940 : vector<16xf32>
      %sub3A_946 = arith.constant 1.500000e+00 : f32
      %sub3A_947 = vector.broadcast %sub3A_946 : f32 to vector<16xf32>
      %sub3A_948 = arith.subf %sub3A_947, %mul3A_945 : vector<16xf32>
      %mul3A_949 = arith.mulf %mul3A_940, %sub3A_948 : vector<16xf32>
      %mul3A_950 = arith.mulf %add3A_914, %mul3A_949 : vector<16xf32>
      %add3A_951 = arith.constant 9.99999993E-9 : f32
      %add3A_952 = vector.broadcast %add3A_951 : f32 to vector<16xf32>
      %add3A_953 = arith.addf %scan3A_156#9, %add3A_952 : vector<16xf32>
      %bitcast_convert_type3A_954 = tpu.bitcast %add3A_953 : vector<16xf32> -> vector<16xi32>
      %shift_right_logical3A_955 = arith.constant 1 : i32
      %shift_right_logical3A_956 = vector.broadcast %shift_right_logical3A_955 : i32 to vector<16xi32>
      %shift_right_logical3A_957 = arith.shrui %bitcast_convert_type3A_954, %shift_right_logical3A_956 : vector<16xi32>
      %sub3A_958 = arith.constant 1597463007 : i32
      %sub3A_959 = vector.broadcast %sub3A_958 : i32 to vector<16xi32>
      %sub3A_960 = arith.subi %sub3A_959, %shift_right_logical3A_957 : vector<16xi32>
      %bitcast_convert_type3A_961 = tpu.bitcast %sub3A_960 : vector<16xi32> -> vector<16xf32>
      %mul3A_962 = arith.constant 5.000000e-01 : f32
      %mul3A_963 = vector.broadcast %mul3A_962 : f32 to vector<16xf32>
      %mul3A_964 = arith.mulf %mul3A_963, %add3A_953 : vector<16xf32>
      %mul3A_965 = arith.mulf %mul3A_964, %bitcast_convert_type3A_961 : vector<16xf32>
      %mul3A_966 = arith.mulf %mul3A_965, %bitcast_convert_type3A_961 : vector<16xf32>
      %sub3A_967 = arith.constant 1.500000e+00 : f32
      %sub3A_968 = vector.broadcast %sub3A_967 : f32 to vector<16xf32>
      %sub3A_969 = arith.subf %sub3A_968, %mul3A_966 : vector<16xf32>
      %mul3A_970 = arith.mulf %bitcast_convert_type3A_961, %sub3A_969 : vector<16xf32>
      %mul3A_971 = arith.constant 5.000000e-01 : f32
      %mul3A_972 = vector.broadcast %mul3A_971 : f32 to vector<16xf32>
      %mul3A_973 = arith.mulf %mul3A_972, %add3A_953 : vector<16xf32>
      %mul3A_974 = arith.mulf %mul3A_973, %mul3A_970 : vector<16xf32>
      %mul3A_975 = arith.mulf %mul3A_974, %mul3A_970 : vector<16xf32>
      %sub3A_976 = arith.constant 1.500000e+00 : f32
      %sub3A_977 = vector.broadcast %sub3A_976 : f32 to vector<16xf32>
      %sub3A_978 = arith.subf %sub3A_977, %mul3A_975 : vector<16xf32>
      %mul3A_979 = arith.mulf %mul3A_970, %sub3A_978 : vector<16xf32>
      %mul3A_980 = arith.constant 5.000000e-01 : f32
      %mul3A_981 = vector.broadcast %mul3A_980 : f32 to vector<16xf32>
      %mul3A_982 = arith.mulf %mul3A_981, %add3A_953 : vector<16xf32>
      %mul3A_983 = arith.mulf %mul3A_982, %mul3A_979 : vector<16xf32>
      %mul3A_984 = arith.mulf %mul3A_983, %mul3A_979 : vector<16xf32>
      %sub3A_985 = arith.constant 1.500000e+00 : f32
      %sub3A_986 = vector.broadcast %sub3A_985 : f32 to vector<16xf32>
      %sub3A_987 = arith.subf %sub3A_986, %mul3A_984 : vector<16xf32>
      %mul3A_988 = arith.mulf %mul3A_979, %sub3A_987 : vector<16xf32>
      %mul3A_989 = arith.mulf %add3A_953, %mul3A_988 : vector<16xf32>
      %mul3A_990 = vector.broadcast %squeeze3A : f32 to vector<16xf32>
      %mul3A_991 = arith.mulf %mul3A_990, %mul3A_989 : vector<16xf32>
      %add3A_992 = arith.addf %mul3A_950, %mul3A_991 : vector<16xf32>
      %mul3A_993 = vector.broadcast %squeeze3A_4 : f32 to vector<16xf32>
      %mul3A_994 = arith.mulf %add3A_992, %mul3A_993 : vector<16xf32>
      %max3A = arith.maximumf %mul3A_247, %mul3A_330 : vector<16xf32>
      %min3A = arith.minimumf %mul3A_247, %mul3A_330 : vector<16xf32>
      %max3A_995 = arith.maximumf %min3A, %mul3A_413 : vector<16xf32>
      %min3A_996 = arith.minimumf %min3A, %mul3A_413 : vector<16xf32>
      %max3A_997 = arith.maximumf %min3A_996, %mul3A_496 : vector<16xf32>
      %min3A_998 = arith.minimumf %min3A_996, %mul3A_496 : vector<16xf32>
      %max3A_999 = arith.maximumf %min3A_998, %mul3A_579 : vector<16xf32>
      %min3A_1000 = arith.minimumf %min3A_998, %mul3A_579 : vector<16xf32>
      %max3A_1001 = arith.maximumf %min3A_1000, %mul3A_662 : vector<16xf32>
      %min3A_1002 = arith.minimumf %min3A_1000, %mul3A_662 : vector<16xf32>
      %max3A_1003 = arith.maximumf %min3A_1002, %mul3A_745 : vector<16xf32>
      %min3A_1004 = arith.minimumf %min3A_1002, %mul3A_745 : vector<16xf32>
      %max3A_1005 = arith.maximumf %min3A_1004, %mul3A_828 : vector<16xf32>
      %min3A_1006 = arith.minimumf %min3A_1004, %mul3A_828 : vector<16xf32>
      %max3A_1007 = arith.maximumf %min3A_1006, %mul3A_911 : vector<16xf32>
      %min3A_1008 = arith.minimumf %min3A_1006, %mul3A_911 : vector<16xf32>
      %max3A_1009 = arith.maximumf %min3A_1008, %mul3A_994 : vector<16xf32>
      %min3A_1010 = arith.minimumf %min3A_1008, %mul3A_994 : vector<16xf32>
      %max3A_1011 = arith.maximumf %max3A, %max3A_995 : vector<16xf32>
      %min3A_1012 = arith.minimumf %max3A, %max3A_995 : vector<16xf32>
      %max3A_1013 = arith.maximumf %min3A_1012, %max3A_997 : vector<16xf32>
      %min3A_1014 = arith.minimumf %min3A_1012, %max3A_997 : vector<16xf32>
      %max3A_1015 = arith.maximumf %min3A_1014, %max3A_999 : vector<16xf32>
      %min3A_1016 = arith.minimumf %min3A_1014, %max3A_999 : vector<16xf32>
      %max3A_1017 = arith.maximumf %min3A_1016, %max3A_1001 : vector<16xf32>
      %min3A_1018 = arith.minimumf %min3A_1016, %max3A_1001 : vector<16xf32>
      %max3A_1019 = arith.maximumf %min3A_1018, %max3A_1003 : vector<16xf32>
      %min3A_1020 = arith.minimumf %min3A_1018, %max3A_1003 : vector<16xf32>
      %max3A_1021 = arith.maximumf %min3A_1020, %max3A_1005 : vector<16xf32>
      %min3A_1022 = arith.minimumf %min3A_1020, %max3A_1005 : vector<16xf32>
      %max3A_1023 = arith.maximumf %min3A_1022, %max3A_1007 : vector<16xf32>
      %min3A_1024 = arith.minimumf %min3A_1022, %max3A_1007 : vector<16xf32>
      %max3A_1025 = arith.maximumf %min3A_1024, %max3A_1009 : vector<16xf32>
      %min3A_1026 = arith.minimumf %min3A_1024, %max3A_1009 : vector<16xf32>
      %max3A_1027 = arith.maximumf %max3A_1011, %max3A_1013 : vector<16xf32>
      %min3A_1028 = arith.minimumf %max3A_1011, %max3A_1013 : vector<16xf32>
      %max3A_1029 = arith.maximumf %min3A_1028, %max3A_1015 : vector<16xf32>
      %min3A_1030 = arith.minimumf %min3A_1028, %max3A_1015 : vector<16xf32>
      %max3A_1031 = arith.maximumf %min3A_1030, %max3A_1017 : vector<16xf32>
      %min3A_1032 = arith.minimumf %min3A_1030, %max3A_1017 : vector<16xf32>
      %max3A_1033 = arith.maximumf %min3A_1032, %max3A_1019 : vector<16xf32>
      %min3A_1034 = arith.minimumf %min3A_1032, %max3A_1019 : vector<16xf32>
      %max3A_1035 = arith.maximumf %min3A_1034, %max3A_1021 : vector<16xf32>
      %min3A_1036 = arith.minimumf %min3A_1034, %max3A_1021 : vector<16xf32>
      %max3A_1037 = arith.maximumf %min3A_1036, %max3A_1023 : vector<16xf32>
      %min3A_1038 = arith.minimumf %min3A_1036, %max3A_1023 : vector<16xf32>
      %max3A_1039 = arith.maximumf %min3A_1038, %max3A_1025 : vector<16xf32>
      %min3A_1040 = arith.minimumf %min3A_1038, %max3A_1025 : vector<16xf32>
      %max3A_1041 = arith.maximumf %max3A_1027, %max3A_1029 : vector<16xf32>
      %min3A_1042 = arith.minimumf %max3A_1027, %max3A_1029 : vector<16xf32>
      %max3A_1043 = arith.maximumf %min3A_1042, %max3A_1031 : vector<16xf32>
      %min3A_1044 = arith.minimumf %min3A_1042, %max3A_1031 : vector<16xf32>
      %max3A_1045 = arith.maximumf %min3A_1044, %max3A_1033 : vector<16xf32>
      %min3A_1046 = arith.minimumf %min3A_1044, %max3A_1033 : vector<16xf32>
      %max3A_1047 = arith.maximumf %min3A_1046, %max3A_1035 : vector<16xf32>
      %min3A_1048 = arith.minimumf %min3A_1046, %max3A_1035 : vector<16xf32>
      %max3A_1049 = arith.maximumf %min3A_1048, %max3A_1037 : vector<16xf32>
      %min3A_1050 = arith.minimumf %min3A_1048, %max3A_1037 : vector<16xf32>
      %max3A_1051 = arith.maximumf %min3A_1050, %max3A_1039 : vector<16xf32>
      %min3A_1052 = arith.minimumf %min3A_1050, %max3A_1039 : vector<16xf32>
      %max3A_1053 = arith.maximumf %max3A_1041, %max3A_1043 : vector<16xf32>
      %min3A_1054 = arith.minimumf %max3A_1041, %max3A_1043 : vector<16xf32>
      %max3A_1055 = arith.maximumf %min3A_1054, %max3A_1045 : vector<16xf32>
      %min3A_1056 = arith.minimumf %min3A_1054, %max3A_1045 : vector<16xf32>
      %max3A_1057 = arith.maximumf %min3A_1056, %max3A_1047 : vector<16xf32>
      %min3A_1058 = arith.minimumf %min3A_1056, %max3A_1047 : vector<16xf32>
      %max3A_1059 = arith.maximumf %min3A_1058, %max3A_1049 : vector<16xf32>
      %min3A_1060 = arith.minimumf %min3A_1058, %max3A_1049 : vector<16xf32>
      %max3A_1061 = arith.maximumf %min3A_1060, %max3A_1051 : vector<16xf32>
      %min3A_1062 = arith.minimumf %min3A_1060, %max3A_1051 : vector<16xf32>
      %max3A_1063 = arith.maximumf %max3A_1053, %max3A_1055 : vector<16xf32>
      %min3A_1064 = arith.minimumf %max3A_1053, %max3A_1055 : vector<16xf32>
      %max3A_1065 = arith.maximumf %min3A_1064, %max3A_1057 : vector<16xf32>
      %min3A_1066 = arith.minimumf %min3A_1064, %max3A_1057 : vector<16xf32>
      %max3A_1067 = arith.maximumf %min3A_1066, %max3A_1059 : vector<16xf32>
      %min3A_1068 = arith.minimumf %min3A_1066, %max3A_1059 : vector<16xf32>
      %max3A_1069 = arith.maximumf %min3A_1068, %max3A_1061 : vector<16xf32>
      %min3A_1070 = arith.minimumf %min3A_1068, %max3A_1061 : vector<16xf32>
      %max3A_1071 = arith.maximumf %max3A_1063, %max3A_1065 : vector<16xf32>
      %min3A_1072 = arith.minimumf %max3A_1063, %max3A_1065 : vector<16xf32>
      %max3A_1073 = arith.maximumf %min3A_1072, %max3A_1067 : vector<16xf32>
      %min3A_1074 = arith.minimumf %min3A_1072, %max3A_1067 : vector<16xf32>
      %max3A_1075 = arith.maximumf %min3A_1074, %max3A_1069 : vector<16xf32>
      %min3A_1076 = arith.minimumf %min3A_1074, %max3A_1069 : vector<16xf32>
      %max3A_1077 = arith.maximumf %max3A_1071, %max3A_1073 : vector<16xf32>
      %min3A_1078 = arith.minimumf %max3A_1071, %max3A_1073 : vector<16xf32>
      %max3A_1079 = arith.maximumf %min3A_1078, %max3A_1075 : vector<16xf32>
      %min3A_1080 = arith.minimumf %min3A_1078, %max3A_1075 : vector<16xf32>
      %max3A_1081 = arith.maximumf %max3A_1077, %max3A_1079 : vector<16xf32>
      %min3A_1082 = arith.minimumf %max3A_1077, %max3A_1079 : vector<16xf32>
      %add3A_1083 = arith.addf %max3A_1081, %min3A_1082 : vector<16xf32>
      %add3A_1084 = arith.addf %add3A_1083, %min3A_1080 : vector<16xf32>
      %add3A_1085 = arith.addf %add3A_1084, %min3A_1076 : vector<16xf32>
      %add3A_1086 = arith.addf %add3A_1085, %min3A_1070 : vector<16xf32>
      %add3A_1087 = arith.addf %add3A_1086, %min3A_1062 : vector<16xf32>
      %add3A_1088 = arith.addf %add3A_1087, %min3A_1052 : vector<16xf32>
      %add3A_1089 = arith.addf %add3A_1088, %min3A_1040 : vector<16xf32>
      %add3A_1090 = arith.addf %add3A_1089, %min3A_1026 : vector<16xf32>
      %add3A_1091 = arith.addf %add3A_1090, %min3A_1010 : vector<16xf32>
      %sub3A_1092 = arith.constant 1.000000e+00 : f32
      %sub3A_1093 = vector.broadcast %sub3A_1092 : f32 to vector<16xf32>
      %sub3A_1094 = arith.subf %sub3A_1093, %max3A_1081 : vector<16xf32>
      %div3A = arith.constant 1.000000e+00 : f32
      %div3A_1095 = vector.broadcast %div3A : f32 to vector<16xf32>
      %div3A_1096 = arith.divf %sub3A_1094, %div3A_1095 : vector<16xf32>
      %add3A_1097 = arith.addf %max3A_1081, %div3A_1096 : vector<16xf32>
      %gt3A_1098 = arith.constant 0.000000e+00 : f32
      %gt3A_1099 = vector.broadcast %gt3A_1098 : f32 to vector<16xf32>
      %gt3A_1100 = arith.cmpf ogt, %add3A_1097, %gt3A_1099 : vector<16xf32>
      %jit3A = arith.constant 1.000000e+00 : f32
      %jit3A_1101 = arith.constant 0.000000e+00 : f32
      %broadcast_in_dim3A_1102 = vector.broadcast %jit3A : f32 to vector<16xf32>
      %broadcast_in_dim3A_1103 = vector.broadcast %jit3A_1101 : f32 to vector<16xf32>
      %select_n3A = arith.select %gt3A_1100, %broadcast_in_dim3A_1102, %broadcast_in_dim3A_1103 : vector<16xi1>, vector<16xf32>
      %add3A_1104 = arith.addf %broadcast_in_dim3A_1, %select_n3A : vector<16xf32>
      %sub3A_1105 = arith.constant 1.000000e+00 : f32
      %sub3A_1106 = vector.broadcast %sub3A_1105 : f32 to vector<16xf32>
      %sub3A_1107 = arith.subf %sub3A_1106, %add3A_1083 : vector<16xf32>
      %div3A_1108 = arith.constant 2.000000e+00 : f32
      %div3A_1109 = vector.broadcast %div3A_1108 : f32 to vector<16xf32>
      %div3A_1110 = arith.divf %sub3A_1107, %div3A_1109 : vector<16xf32>
      %add3A_1111 = arith.addf %min3A_1082, %div3A_1110 : vector<16xf32>
      %gt3A_1112 = arith.constant 0.000000e+00 : f32
      %gt3A_1113 = vector.broadcast %gt3A_1112 : f32 to vector<16xf32>
      %gt3A_1114 = arith.cmpf ogt, %add3A_1111, %gt3A_1113 : vector<16xf32>
      %jit3A_1115 = arith.constant 1.000000e+00 : f32
      %jit3A_1116 = arith.constant 0.000000e+00 : f32
      %broadcast_in_dim3A_1117 = vector.broadcast %jit3A_1115 : f32 to vector<16xf32>
      %broadcast_in_dim3A_1118 = vector.broadcast %jit3A_1116 : f32 to vector<16xf32>
      %select_n3A_1119 = arith.select %gt3A_1114, %broadcast_in_dim3A_1117, %broadcast_in_dim3A_1118 : vector<16xi1>, vector<16xf32>
      %add3A_1120 = arith.addf %add3A_1104, %select_n3A_1119 : vector<16xf32>
      %sub3A_1121 = arith.constant 1.000000e+00 : f32
      %sub3A_1122 = vector.broadcast %sub3A_1121 : f32 to vector<16xf32>
      %sub3A_1123 = arith.subf %sub3A_1122, %add3A_1084 : vector<16xf32>
      %div3A_1124 = arith.constant 3.000000e+00 : f32
      %div3A_1125 = vector.broadcast %div3A_1124 : f32 to vector<16xf32>
      %div3A_1126 = arith.divf %sub3A_1123, %div3A_1125 : vector<16xf32>
      %add3A_1127 = arith.addf %min3A_1080, %div3A_1126 : vector<16xf32>
      %gt3A_1128 = arith.constant 0.000000e+00 : f32
      %gt3A_1129 = vector.broadcast %gt3A_1128 : f32 to vector<16xf32>
      %gt3A_1130 = arith.cmpf ogt, %add3A_1127, %gt3A_1129 : vector<16xf32>
      %jit3A_1131 = arith.constant 1.000000e+00 : f32
      %jit3A_1132 = arith.constant 0.000000e+00 : f32
      %broadcast_in_dim3A_1133 = vector.broadcast %jit3A_1131 : f32 to vector<16xf32>
      %broadcast_in_dim3A_1134 = vector.broadcast %jit3A_1132 : f32 to vector<16xf32>
      %select_n3A_1135 = arith.select %gt3A_1130, %broadcast_in_dim3A_1133, %broadcast_in_dim3A_1134 : vector<16xi1>, vector<16xf32>
      %add3A_1136 = arith.addf %add3A_1120, %select_n3A_1135 : vector<16xf32>
      %sub3A_1137 = arith.constant 1.000000e+00 : f32
      %sub3A_1138 = vector.broadcast %sub3A_1137 : f32 to vector<16xf32>
      %sub3A_1139 = arith.subf %sub3A_1138, %add3A_1085 : vector<16xf32>
      %div3A_1140 = arith.constant 4.000000e+00 : f32
      %div3A_1141 = vector.broadcast %div3A_1140 : f32 to vector<16xf32>
      %div3A_1142 = arith.divf %sub3A_1139, %div3A_1141 : vector<16xf32>
      %add3A_1143 = arith.addf %min3A_1076, %div3A_1142 : vector<16xf32>
      %gt3A_1144 = arith.constant 0.000000e+00 : f32
      %gt3A_1145 = vector.broadcast %gt3A_1144 : f32 to vector<16xf32>
      %gt3A_1146 = arith.cmpf ogt, %add3A_1143, %gt3A_1145 : vector<16xf32>
      %jit3A_1147 = arith.constant 1.000000e+00 : f32
      %jit3A_1148 = arith.constant 0.000000e+00 : f32
      %broadcast_in_dim3A_1149 = vector.broadcast %jit3A_1147 : f32 to vector<16xf32>
      %broadcast_in_dim3A_1150 = vector.broadcast %jit3A_1148 : f32 to vector<16xf32>
      %select_n3A_1151 = arith.select %gt3A_1146, %broadcast_in_dim3A_1149, %broadcast_in_dim3A_1150 : vector<16xi1>, vector<16xf32>
      %add3A_1152 = arith.addf %add3A_1136, %select_n3A_1151 : vector<16xf32>
      %sub3A_1153 = arith.constant 1.000000e+00 : f32
      %sub3A_1154 = vector.broadcast %sub3A_1153 : f32 to vector<16xf32>
      %sub3A_1155 = arith.subf %sub3A_1154, %add3A_1086 : vector<16xf32>
      %div3A_1156 = arith.constant 5.000000e+00 : f32
      %div3A_1157 = vector.broadcast %div3A_1156 : f32 to vector<16xf32>
      %div3A_1158 = arith.divf %sub3A_1155, %div3A_1157 : vector<16xf32>
      %add3A_1159 = arith.addf %min3A_1070, %div3A_1158 : vector<16xf32>
      %gt3A_1160 = arith.constant 0.000000e+00 : f32
      %gt3A_1161 = vector.broadcast %gt3A_1160 : f32 to vector<16xf32>
      %gt3A_1162 = arith.cmpf ogt, %add3A_1159, %gt3A_1161 : vector<16xf32>
      %jit3A_1163 = arith.constant 1.000000e+00 : f32
      %jit3A_1164 = arith.constant 0.000000e+00 : f32
      %broadcast_in_dim3A_1165 = vector.broadcast %jit3A_1163 : f32 to vector<16xf32>
      %broadcast_in_dim3A_1166 = vector.broadcast %jit3A_1164 : f32 to vector<16xf32>
      %select_n3A_1167 = arith.select %gt3A_1162, %broadcast_in_dim3A_1165, %broadcast_in_dim3A_1166 : vector<16xi1>, vector<16xf32>
      %add3A_1168 = arith.addf %add3A_1152, %select_n3A_1167 : vector<16xf32>
      %sub3A_1169 = arith.constant 1.000000e+00 : f32
      %sub3A_1170 = vector.broadcast %sub3A_1169 : f32 to vector<16xf32>
      %sub3A_1171 = arith.subf %sub3A_1170, %add3A_1087 : vector<16xf32>
      %div3A_1172 = arith.constant 6.000000e+00 : f32
      %div3A_1173 = vector.broadcast %div3A_1172 : f32 to vector<16xf32>
      %div3A_1174 = arith.divf %sub3A_1171, %div3A_1173 : vector<16xf32>
      %add3A_1175 = arith.addf %min3A_1062, %div3A_1174 : vector<16xf32>
      %gt3A_1176 = arith.constant 0.000000e+00 : f32
      %gt3A_1177 = vector.broadcast %gt3A_1176 : f32 to vector<16xf32>
      %gt3A_1178 = arith.cmpf ogt, %add3A_1175, %gt3A_1177 : vector<16xf32>
      %jit3A_1179 = arith.constant 1.000000e+00 : f32
      %jit3A_1180 = arith.constant 0.000000e+00 : f32
      %broadcast_in_dim3A_1181 = vector.broadcast %jit3A_1179 : f32 to vector<16xf32>
      %broadcast_in_dim3A_1182 = vector.broadcast %jit3A_1180 : f32 to vector<16xf32>
      %select_n3A_1183 = arith.select %gt3A_1178, %broadcast_in_dim3A_1181, %broadcast_in_dim3A_1182 : vector<16xi1>, vector<16xf32>
      %add3A_1184 = arith.addf %add3A_1168, %select_n3A_1183 : vector<16xf32>
      %sub3A_1185 = arith.constant 1.000000e+00 : f32
      %sub3A_1186 = vector.broadcast %sub3A_1185 : f32 to vector<16xf32>
      %sub3A_1187 = arith.subf %sub3A_1186, %add3A_1088 : vector<16xf32>
      %div3A_1188 = arith.constant 7.000000e+00 : f32
      %div3A_1189 = vector.broadcast %div3A_1188 : f32 to vector<16xf32>
      %div3A_1190 = arith.divf %sub3A_1187, %div3A_1189 : vector<16xf32>
      %add3A_1191 = arith.addf %min3A_1052, %div3A_1190 : vector<16xf32>
      %gt3A_1192 = arith.constant 0.000000e+00 : f32
      %gt3A_1193 = vector.broadcast %gt3A_1192 : f32 to vector<16xf32>
      %gt3A_1194 = arith.cmpf ogt, %add3A_1191, %gt3A_1193 : vector<16xf32>
      %jit3A_1195 = arith.constant 1.000000e+00 : f32
      %jit3A_1196 = arith.constant 0.000000e+00 : f32
      %broadcast_in_dim3A_1197 = vector.broadcast %jit3A_1195 : f32 to vector<16xf32>
      %broadcast_in_dim3A_1198 = vector.broadcast %jit3A_1196 : f32 to vector<16xf32>
      %select_n3A_1199 = arith.select %gt3A_1194, %broadcast_in_dim3A_1197, %broadcast_in_dim3A_1198 : vector<16xi1>, vector<16xf32>
      %add3A_1200 = arith.addf %add3A_1184, %select_n3A_1199 : vector<16xf32>
      %sub3A_1201 = arith.constant 1.000000e+00 : f32
      %sub3A_1202 = vector.broadcast %sub3A_1201 : f32 to vector<16xf32>
      %sub3A_1203 = arith.subf %sub3A_1202, %add3A_1089 : vector<16xf32>
      %div3A_1204 = arith.constant 8.000000e+00 : f32
      %div3A_1205 = vector.broadcast %div3A_1204 : f32 to vector<16xf32>
      %div3A_1206 = arith.divf %sub3A_1203, %div3A_1205 : vector<16xf32>
      %add3A_1207 = arith.addf %min3A_1040, %div3A_1206 : vector<16xf32>
      %gt3A_1208 = arith.constant 0.000000e+00 : f32
      %gt3A_1209 = vector.broadcast %gt3A_1208 : f32 to vector<16xf32>
      %gt3A_1210 = arith.cmpf ogt, %add3A_1207, %gt3A_1209 : vector<16xf32>
      %jit3A_1211 = arith.constant 1.000000e+00 : f32
      %jit3A_1212 = arith.constant 0.000000e+00 : f32
      %broadcast_in_dim3A_1213 = vector.broadcast %jit3A_1211 : f32 to vector<16xf32>
      %broadcast_in_dim3A_1214 = vector.broadcast %jit3A_1212 : f32 to vector<16xf32>
      %select_n3A_1215 = arith.select %gt3A_1210, %broadcast_in_dim3A_1213, %broadcast_in_dim3A_1214 : vector<16xi1>, vector<16xf32>
      %add3A_1216 = arith.addf %add3A_1200, %select_n3A_1215 : vector<16xf32>
      %sub3A_1217 = arith.constant 1.000000e+00 : f32
      %sub3A_1218 = vector.broadcast %sub3A_1217 : f32 to vector<16xf32>
      %sub3A_1219 = arith.subf %sub3A_1218, %add3A_1090 : vector<16xf32>
      %div3A_1220 = arith.constant 9.000000e+00 : f32
      %div3A_1221 = vector.broadcast %div3A_1220 : f32 to vector<16xf32>
      %div3A_1222 = arith.divf %sub3A_1219, %div3A_1221 : vector<16xf32>
      %add3A_1223 = arith.addf %min3A_1026, %div3A_1222 : vector<16xf32>
      %gt3A_1224 = arith.constant 0.000000e+00 : f32
      %gt3A_1225 = vector.broadcast %gt3A_1224 : f32 to vector<16xf32>
      %gt3A_1226 = arith.cmpf ogt, %add3A_1223, %gt3A_1225 : vector<16xf32>
      %jit3A_1227 = arith.constant 1.000000e+00 : f32
      %jit3A_1228 = arith.constant 0.000000e+00 : f32
      %broadcast_in_dim3A_1229 = vector.broadcast %jit3A_1227 : f32 to vector<16xf32>
      %broadcast_in_dim3A_1230 = vector.broadcast %jit3A_1228 : f32 to vector<16xf32>
      %select_n3A_1231 = arith.select %gt3A_1226, %broadcast_in_dim3A_1229, %broadcast_in_dim3A_1230 : vector<16xi1>, vector<16xf32>
      %add3A_1232 = arith.addf %add3A_1216, %select_n3A_1231 : vector<16xf32>
      %sub3A_1233 = arith.constant 1.000000e+00 : f32
      %sub3A_1234 = vector.broadcast %sub3A_1233 : f32 to vector<16xf32>
      %sub3A_1235 = arith.subf %sub3A_1234, %add3A_1091 : vector<16xf32>
      %div3A_1236 = arith.constant 1.000000e+01 : f32
      %div3A_1237 = vector.broadcast %div3A_1236 : f32 to vector<16xf32>
      %div3A_1238 = arith.divf %sub3A_1235, %div3A_1237 : vector<16xf32>
      %add3A_1239 = arith.addf %min3A_1010, %div3A_1238 : vector<16xf32>
      %gt3A_1240 = arith.constant 0.000000e+00 : f32
      %gt3A_1241 = vector.broadcast %gt3A_1240 : f32 to vector<16xf32>
      %gt3A_1242 = arith.cmpf ogt, %add3A_1239, %gt3A_1241 : vector<16xf32>
      %jit3A_1243 = arith.constant 1.000000e+00 : f32
      %jit3A_1244 = arith.constant 0.000000e+00 : f32
      %broadcast_in_dim3A_1245 = vector.broadcast %jit3A_1243 : f32 to vector<16xf32>
      %broadcast_in_dim3A_1246 = vector.broadcast %jit3A_1244 : f32 to vector<16xf32>
      %select_n3A_1247 = arith.select %gt3A_1242, %broadcast_in_dim3A_1245, %broadcast_in_dim3A_1246 : vector<16xi1>, vector<16xf32>
      %add3A_1248 = arith.addf %add3A_1232, %select_n3A_1247 : vector<16xf32>
      %max3A_1249 = arith.constant 1.000000e+00 : f32
      %max3A_1250 = vector.broadcast %max3A_1249 : f32 to vector<16xf32>
      %max3A_1251 = arith.maximumf %add3A_1248, %max3A_1250 : vector<16xf32>
      %eq3A = arith.constant 1.000000e+00 : f32
      %eq3A_1252 = vector.broadcast %eq3A : f32 to vector<16xf32>
      %eq3A_1253 = arith.cmpf oeq, %max3A_1251, %eq3A_1252 : vector<16xf32>
      %jit3A_1254 = arith.constant 0.000000e+00 : f32
      %broadcast_in_dim3A_1255 = vector.broadcast %jit3A_1254 : f32 to vector<16xf32>
      %select_n3A_1256 = arith.select %eq3A_1253, %max3A_1081, %broadcast_in_dim3A_1255 : vector<16xi1>, vector<16xf32>
      %add3A_1257 = arith.addf %broadcast_in_dim3A_1, %select_n3A_1256 : vector<16xf32>
      %eq3A_1258 = arith.constant 2.000000e+00 : f32
      %eq3A_1259 = vector.broadcast %eq3A_1258 : f32 to vector<16xf32>
      %eq3A_1260 = arith.cmpf oeq, %max3A_1251, %eq3A_1259 : vector<16xf32>
      %jit3A_1261 = arith.constant 0.000000e+00 : f32
      %broadcast_in_dim3A_1262 = vector.broadcast %jit3A_1261 : f32 to vector<16xf32>
      %select_n3A_1263 = arith.select %eq3A_1260, %add3A_1083, %broadcast_in_dim3A_1262 : vector<16xi1>, vector<16xf32>
      %add3A_1264 = arith.addf %add3A_1257, %select_n3A_1263 : vector<16xf32>
      %eq3A_1265 = arith.constant 3.000000e+00 : f32
      %eq3A_1266 = vector.broadcast %eq3A_1265 : f32 to vector<16xf32>
      %eq3A_1267 = arith.cmpf oeq, %max3A_1251, %eq3A_1266 : vector<16xf32>
      %jit3A_1268 = arith.constant 0.000000e+00 : f32
      %broadcast_in_dim3A_1269 = vector.broadcast %jit3A_1268 : f32 to vector<16xf32>
      %select_n3A_1270 = arith.select %eq3A_1267, %add3A_1084, %broadcast_in_dim3A_1269 : vector<16xi1>, vector<16xf32>
      %add3A_1271 = arith.addf %add3A_1264, %select_n3A_1270 : vector<16xf32>
      %eq3A_1272 = arith.constant 4.000000e+00 : f32
      %eq3A_1273 = vector.broadcast %eq3A_1272 : f32 to vector<16xf32>
      %eq3A_1274 = arith.cmpf oeq, %max3A_1251, %eq3A_1273 : vector<16xf32>
      %jit3A_1275 = arith.constant 0.000000e+00 : f32
      %broadcast_in_dim3A_1276 = vector.broadcast %jit3A_1275 : f32 to vector<16xf32>
      %select_n3A_1277 = arith.select %eq3A_1274, %add3A_1085, %broadcast_in_dim3A_1276 : vector<16xi1>, vector<16xf32>
      %add3A_1278 = arith.addf %add3A_1271, %select_n3A_1277 : vector<16xf32>
      %eq3A_1279 = arith.constant 5.000000e+00 : f32
      %eq3A_1280 = vector.broadcast %eq3A_1279 : f32 to vector<16xf32>
      %eq3A_1281 = arith.cmpf oeq, %max3A_1251, %eq3A_1280 : vector<16xf32>
      %jit3A_1282 = arith.constant 0.000000e+00 : f32
      %broadcast_in_dim3A_1283 = vector.broadcast %jit3A_1282 : f32 to vector<16xf32>
      %select_n3A_1284 = arith.select %eq3A_1281, %add3A_1086, %broadcast_in_dim3A_1283 : vector<16xi1>, vector<16xf32>
      %add3A_1285 = arith.addf %add3A_1278, %select_n3A_1284 : vector<16xf32>
      %eq3A_1286 = arith.constant 6.000000e+00 : f32
      %eq3A_1287 = vector.broadcast %eq3A_1286 : f32 to vector<16xf32>
      %eq3A_1288 = arith.cmpf oeq, %max3A_1251, %eq3A_1287 : vector<16xf32>
      %jit3A_1289 = arith.constant 0.000000e+00 : f32
      %broadcast_in_dim3A_1290 = vector.broadcast %jit3A_1289 : f32 to vector<16xf32>
      %select_n3A_1291 = arith.select %eq3A_1288, %add3A_1087, %broadcast_in_dim3A_1290 : vector<16xi1>, vector<16xf32>
      %add3A_1292 = arith.addf %add3A_1285, %select_n3A_1291 : vector<16xf32>
      %eq3A_1293 = arith.constant 7.000000e+00 : f32
      %eq3A_1294 = vector.broadcast %eq3A_1293 : f32 to vector<16xf32>
      %eq3A_1295 = arith.cmpf oeq, %max3A_1251, %eq3A_1294 : vector<16xf32>
      %jit3A_1296 = arith.constant 0.000000e+00 : f32
      %broadcast_in_dim3A_1297 = vector.broadcast %jit3A_1296 : f32 to vector<16xf32>
      %select_n3A_1298 = arith.select %eq3A_1295, %add3A_1088, %broadcast_in_dim3A_1297 : vector<16xi1>, vector<16xf32>
      %add3A_1299 = arith.addf %add3A_1292, %select_n3A_1298 : vector<16xf32>
      %eq3A_1300 = arith.constant 8.000000e+00 : f32
      %eq3A_1301 = vector.broadcast %eq3A_1300 : f32 to vector<16xf32>
      %eq3A_1302 = arith.cmpf oeq, %max3A_1251, %eq3A_1301 : vector<16xf32>
      %jit3A_1303 = arith.constant 0.000000e+00 : f32
      %broadcast_in_dim3A_1304 = vector.broadcast %jit3A_1303 : f32 to vector<16xf32>
      %select_n3A_1305 = arith.select %eq3A_1302, %add3A_1089, %broadcast_in_dim3A_1304 : vector<16xi1>, vector<16xf32>
      %add3A_1306 = arith.addf %add3A_1299, %select_n3A_1305 : vector<16xf32>
      %eq3A_1307 = arith.constant 9.000000e+00 : f32
      %eq3A_1308 = vector.broadcast %eq3A_1307 : f32 to vector<16xf32>
      %eq3A_1309 = arith.cmpf oeq, %max3A_1251, %eq3A_1308 : vector<16xf32>
      %jit3A_1310 = arith.constant 0.000000e+00 : f32
      %broadcast_in_dim3A_1311 = vector.broadcast %jit3A_1310 : f32 to vector<16xf32>
      %select_n3A_1312 = arith.select %eq3A_1309, %add3A_1090, %broadcast_in_dim3A_1311 : vector<16xi1>, vector<16xf32>
      %add3A_1313 = arith.addf %add3A_1306, %select_n3A_1312 : vector<16xf32>
      %eq3A_1314 = arith.constant 1.000000e+01 : f32
      %eq3A_1315 = vector.broadcast %eq3A_1314 : f32 to vector<16xf32>
      %eq3A_1316 = arith.cmpf oeq, %max3A_1251, %eq3A_1315 : vector<16xf32>
      %jit3A_1317 = arith.constant 0.000000e+00 : f32
      %broadcast_in_dim3A_1318 = vector.broadcast %jit3A_1317 : f32 to vector<16xf32>
      %select_n3A_1319 = arith.select %eq3A_1316, %add3A_1091, %broadcast_in_dim3A_1318 : vector<16xi1>, vector<16xf32>
      %add3A_1320 = arith.addf %add3A_1313, %select_n3A_1319 : vector<16xf32>
      %sub3A_1321 = arith.constant 1.000000e+00 : f32
      %sub3A_1322 = vector.broadcast %sub3A_1321 : f32 to vector<16xf32>
      %sub3A_1323 = arith.subf %add3A_1320, %sub3A_1322 : vector<16xf32>
      %div3A_1324 = arith.divf %sub3A_1323, %max3A_1251 : vector<16xf32>
      %sub3A_1325 = arith.subf %mul3A_247, %div3A_1324 : vector<16xf32>
      %max3A_1326 = arith.constant 0.000000e+00 : f32
      %max3A_1327 = vector.broadcast %max3A_1326 : f32 to vector<16xf32>
      %max3A_1328 = arith.maximumf %sub3A_1325, %max3A_1327 : vector<16xf32>
      %sub3A_1329 = arith.subf %mul3A_330, %div3A_1324 : vector<16xf32>
      %max3A_1330 = arith.constant 0.000000e+00 : f32
      %max3A_1331 = vector.broadcast %max3A_1330 : f32 to vector<16xf32>
      %max3A_1332 = arith.maximumf %sub3A_1329, %max3A_1331 : vector<16xf32>
      %sub3A_1333 = arith.subf %mul3A_413, %div3A_1324 : vector<16xf32>
      %max3A_1334 = arith.constant 0.000000e+00 : f32
      %max3A_1335 = vector.broadcast %max3A_1334 : f32 to vector<16xf32>
      %max3A_1336 = arith.maximumf %sub3A_1333, %max3A_1335 : vector<16xf32>
      %sub3A_1337 = arith.subf %mul3A_496, %div3A_1324 : vector<16xf32>
      %max3A_1338 = arith.constant 0.000000e+00 : f32
      %max3A_1339 = vector.broadcast %max3A_1338 : f32 to vector<16xf32>
      %max3A_1340 = arith.maximumf %sub3A_1337, %max3A_1339 : vector<16xf32>
      %sub3A_1341 = arith.subf %mul3A_579, %div3A_1324 : vector<16xf32>
      %max3A_1342 = arith.constant 0.000000e+00 : f32
      %max3A_1343 = vector.broadcast %max3A_1342 : f32 to vector<16xf32>
      %max3A_1344 = arith.maximumf %sub3A_1341, %max3A_1343 : vector<16xf32>
      %sub3A_1345 = arith.subf %mul3A_662, %div3A_1324 : vector<16xf32>
      %max3A_1346 = arith.constant 0.000000e+00 : f32
      %max3A_1347 = vector.broadcast %max3A_1346 : f32 to vector<16xf32>
      %max3A_1348 = arith.maximumf %sub3A_1345, %max3A_1347 : vector<16xf32>
      %sub3A_1349 = arith.subf %mul3A_745, %div3A_1324 : vector<16xf32>
      %max3A_1350 = arith.constant 0.000000e+00 : f32
      %max3A_1351 = vector.broadcast %max3A_1350 : f32 to vector<16xf32>
      %max3A_1352 = arith.maximumf %sub3A_1349, %max3A_1351 : vector<16xf32>
      %sub3A_1353 = arith.subf %mul3A_828, %div3A_1324 : vector<16xf32>
      %max3A_1354 = arith.constant 0.000000e+00 : f32
      %max3A_1355 = vector.broadcast %max3A_1354 : f32 to vector<16xf32>
      %max3A_1356 = arith.maximumf %sub3A_1353, %max3A_1355 : vector<16xf32>
      %sub3A_1357 = arith.subf %mul3A_911, %div3A_1324 : vector<16xf32>
      %max3A_1358 = arith.constant 0.000000e+00 : f32
      %max3A_1359 = vector.broadcast %max3A_1358 : f32 to vector<16xf32>
      %max3A_1360 = arith.maximumf %sub3A_1357, %max3A_1359 : vector<16xf32>
      %sub3A_1361 = arith.subf %mul3A_994, %div3A_1324 : vector<16xf32>
      %max3A_1362 = arith.constant 0.000000e+00 : f32
      %max3A_1363 = vector.broadcast %max3A_1362 : f32 to vector<16xf32>
      %max3A_1364 = arith.maximumf %sub3A_1361, %max3A_1363 : vector<16xf32>
      %mul3A_1365 = arith.constant 16 : i32
      %mul3A_1366 = arith.muli %scan3A_50, %mul3A_1365 : i32
      %mul3A_1367 = arith.constant 10 : i32
      %mul3A_1368 = arith.muli %mul3A_1366, %mul3A_1367 : i32
      %mul3A_1369 = arith.constant 10 : i32
      %mul3A_1370 = vector.broadcast %mul3A_1369 : i32 to vector<16xi32>
      %mul3A_1371 = arith.muli %iota3A, %mul3A_1370 : vector<16xi32>
      %add3A_1372 = vector.broadcast %mul3A_1368 : i32 to vector<16xi32>
      %add3A_1373 = arith.addi %add3A_1372, %mul3A_1371 : vector<16xi32>
      %add3A_1374 = arith.constant 0 : i32
      %add3A_1375 = vector.broadcast %add3A_1374 : i32 to vector<16xi32>
      %add3A_1376 = arith.addi %add3A_1373, %add3A_1375 : vector<16xi32>
      %gather3A = tpu.vector_load_idx %arg9[%add3A_1376] : memref<1280xi32, #tpu.memory_space<vmem>>[vector<16xi32>], vector<16xi32>,
      %mul3A_1377 = arith.constant 16 : i32
      %mul3A_1378 = arith.muli %scan3A_50, %mul3A_1377 : i32
      %mul3A_1379 = arith.constant 10 : i32
      %mul3A_1380 = arith.muli %mul3A_1378, %mul3A_1379 : i32
      %mul3A_1381 = arith.constant 10 : i32
      %mul3A_1382 = vector.broadcast %mul3A_1381 : i32 to vector<16xi32>
      %mul3A_1383 = arith.muli %iota3A, %mul3A_1382 : vector<16xi32>
      %add3A_1384 = vector.broadcast %mul3A_1380 : i32 to vector<16xi32>
      %add3A_1385 = arith.addi %add3A_1384, %mul3A_1383 : vector<16xi32>
      %add3A_1386 = arith.constant 1 : i32
      %add3A_1387 = vector.broadcast %add3A_1386 : i32 to vector<16xi32>
      %add3A_1388 = arith.addi %add3A_1385, %add3A_1387 : vector<16xi32>
      %gather3A_1389 = tpu.vector_load_idx %arg9[%add3A_1388] : memref<1280xi32, #tpu.memory_space<vmem>>[vector<16xi32>], vector<16xi32>,
      %mul3A_1390 = arith.constant 16 : i32
      %mul3A_1391 = arith.muli %scan3A_50, %mul3A_1390 : i32
      %mul3A_1392 = arith.constant 10 : i32
      %mul3A_1393 = arith.muli %mul3A_1391, %mul3A_1392 : i32
      %mul3A_1394 = arith.constant 10 : i32
      %mul3A_1395 = vector.broadcast %mul3A_1394 : i32 to vector<16xi32>
      %mul3A_1396 = arith.muli %iota3A, %mul3A_1395 : vector<16xi32>
      %add3A_1397 = vector.broadcast %mul3A_1393 : i32 to vector<16xi32>
      %add3A_1398 = arith.addi %add3A_1397, %mul3A_1396 : vector<16xi32>
      %add3A_1399 = arith.constant 2 : i32
      %add3A_1400 = vector.broadcast %add3A_1399 : i32 to vector<16xi32>
      %add3A_1401 = arith.addi %add3A_1398, %add3A_1400 : vector<16xi32>
      %gather3A_1402 = tpu.vector_load_idx %arg9[%add3A_1401] : memref<1280xi32, #tpu.memory_space<vmem>>[vector<16xi32>], vector<16xi32>,
      %mul3A_1403 = arith.constant 16 : i32
      %mul3A_1404 = arith.muli %scan3A_50, %mul3A_1403 : i32
      %mul3A_1405 = arith.constant 10 : i32
      %mul3A_1406 = arith.muli %mul3A_1404, %mul3A_1405 : i32
      %mul3A_1407 = arith.constant 10 : i32
      %mul3A_1408 = vector.broadcast %mul3A_1407 : i32 to vector<16xi32>
      %mul3A_1409 = arith.muli %iota3A, %mul3A_1408 : vector<16xi32>
      %add3A_1410 = vector.broadcast %mul3A_1406 : i32 to vector<16xi32>
      %add3A_1411 = arith.addi %add3A_1410, %mul3A_1409 : vector<16xi32>
      %add3A_1412 = arith.constant 3 : i32
      %add3A_1413 = vector.broadcast %add3A_1412 : i32 to vector<16xi32>
      %add3A_1414 = arith.addi %add3A_1411, %add3A_1413 : vector<16xi32>
      %gather3A_1415 = tpu.vector_load_idx %arg9[%add3A_1414] : memref<1280xi32, #tpu.memory_space<vmem>>[vector<16xi32>], vector<16xi32>,
      %mul3A_1416 = arith.constant 16 : i32
      %mul3A_1417 = arith.muli %scan3A_50, %mul3A_1416 : i32
      %mul3A_1418 = arith.constant 10 : i32
      %mul3A_1419 = arith.muli %mul3A_1417, %mul3A_1418 : i32
      %mul3A_1420 = arith.constant 10 : i32
      %mul3A_1421 = vector.broadcast %mul3A_1420 : i32 to vector<16xi32>
      %mul3A_1422 = arith.muli %iota3A, %mul3A_1421 : vector<16xi32>
      %add3A_1423 = vector.broadcast %mul3A_1419 : i32 to vector<16xi32>
      %add3A_1424 = arith.addi %add3A_1423, %mul3A_1422 : vector<16xi32>
      %add3A_1425 = arith.constant 4 : i32
      %add3A_1426 = vector.broadcast %add3A_1425 : i32 to vector<16xi32>
      %add3A_1427 = arith.addi %add3A_1424, %add3A_1426 : vector<16xi32>
      %gather3A_1428 = tpu.vector_load_idx %arg9[%add3A_1427] : memref<1280xi32, #tpu.memory_space<vmem>>[vector<16xi32>], vector<16xi32>,
      %mul3A_1429 = arith.constant 16 : i32
      %mul3A_1430 = arith.muli %scan3A_50, %mul3A_1429 : i32
      %mul3A_1431 = arith.constant 10 : i32
      %mul3A_1432 = arith.muli %mul3A_1430, %mul3A_1431 : i32
      %mul3A_1433 = arith.constant 10 : i32
      %mul3A_1434 = vector.broadcast %mul3A_1433 : i32 to vector<16xi32>
      %mul3A_1435 = arith.muli %iota3A, %mul3A_1434 : vector<16xi32>
      %add3A_1436 = vector.broadcast %mul3A_1432 : i32 to vector<16xi32>
      %add3A_1437 = arith.addi %add3A_1436, %mul3A_1435 : vector<16xi32>
      %add3A_1438 = arith.constant 5 : i32
      %add3A_1439 = vector.broadcast %add3A_1438 : i32 to vector<16xi32>
      %add3A_1440 = arith.addi %add3A_1437, %add3A_1439 : vector<16xi32>
      %gather3A_1441 = tpu.vector_load_idx %arg9[%add3A_1440] : memref<1280xi32, #tpu.memory_space<vmem>>[vector<16xi32>], vector<16xi32>,
      %mul3A_1442 = arith.constant 16 : i32
      %mul3A_1443 = arith.muli %scan3A_50, %mul3A_1442 : i32
      %mul3A_1444 = arith.constant 10 : i32
      %mul3A_1445 = arith.muli %mul3A_1443, %mul3A_1444 : i32
      %mul3A_1446 = arith.constant 10 : i32
      %mul3A_1447 = vector.broadcast %mul3A_1446 : i32 to vector<16xi32>
      %mul3A_1448 = arith.muli %iota3A, %mul3A_1447 : vector<16xi32>
      %add3A_1449 = vector.broadcast %mul3A_1445 : i32 to vector<16xi32>
      %add3A_1450 = arith.addi %add3A_1449, %mul3A_1448 : vector<16xi32>
      %add3A_1451 = arith.constant 6 : i32
      %add3A_1452 = vector.broadcast %add3A_1451 : i32 to vector<16xi32>
      %add3A_1453 = arith.addi %add3A_1450, %add3A_1452 : vector<16xi32>
      %gather3A_1454 = tpu.vector_load_idx %arg9[%add3A_1453] : memref<1280xi32, #tpu.memory_space<vmem>>[vector<16xi32>], vector<16xi32>,
      %mul3A_1455 = arith.constant 16 : i32
      %mul3A_1456 = arith.muli %scan3A_50, %mul3A_1455 : i32
      %mul3A_1457 = arith.constant 10 : i32
      %mul3A_1458 = arith.muli %mul3A_1456, %mul3A_1457 : i32
      %mul3A_1459 = arith.constant 10 : i32
      %mul3A_1460 = vector.broadcast %mul3A_1459 : i32 to vector<16xi32>
      %mul3A_1461 = arith.muli %iota3A, %mul3A_1460 : vector<16xi32>
      %add3A_1462 = vector.broadcast %mul3A_1458 : i32 to vector<16xi32>
      %add3A_1463 = arith.addi %add3A_1462, %mul3A_1461 : vector<16xi32>
      %add3A_1464 = arith.constant 7 : i32
      %add3A_1465 = vector.broadcast %add3A_1464 : i32 to vector<16xi32>
      %add3A_1466 = arith.addi %add3A_1463, %add3A_1465 : vector<16xi32>
      %gather3A_1467 = tpu.vector_load_idx %arg9[%add3A_1466] : memref<1280xi32, #tpu.memory_space<vmem>>[vector<16xi32>], vector<16xi32>,
      %mul3A_1468 = arith.constant 16 : i32
      %mul3A_1469 = arith.muli %scan3A_50, %mul3A_1468 : i32
      %mul3A_1470 = arith.constant 10 : i32
      %mul3A_1471 = arith.muli %mul3A_1469, %mul3A_1470 : i32
      %mul3A_1472 = arith.constant 10 : i32
      %mul3A_1473 = vector.broadcast %mul3A_1472 : i32 to vector<16xi32>
      %mul3A_1474 = arith.muli %iota3A, %mul3A_1473 : vector<16xi32>
      %add3A_1475 = vector.broadcast %mul3A_1471 : i32 to vector<16xi32>
      %add3A_1476 = arith.addi %add3A_1475, %mul3A_1474 : vector<16xi32>
      %add3A_1477 = arith.constant 8 : i32
      %add3A_1478 = vector.broadcast %add3A_1477 : i32 to vector<16xi32>
      %add3A_1479 = arith.addi %add3A_1476, %add3A_1478 : vector<16xi32>
      %gather3A_1480 = tpu.vector_load_idx %arg9[%add3A_1479] : memref<1280xi32, #tpu.memory_space<vmem>>[vector<16xi32>], vector<16xi32>,
      %mul3A_1481 = arith.constant 16 : i32
      %mul3A_1482 = arith.muli %scan3A_50, %mul3A_1481 : i32
      %mul3A_1483 = arith.constant 10 : i32
      %mul3A_1484 = arith.muli %mul3A_1482, %mul3A_1483 : i32
      %mul3A_1485 = arith.constant 10 : i32
      %mul3A_1486 = vector.broadcast %mul3A_1485 : i32 to vector<16xi32>
      %mul3A_1487 = arith.muli %iota3A, %mul3A_1486 : vector<16xi32>
      %add3A_1488 = vector.broadcast %mul3A_1484 : i32 to vector<16xi32>
      %add3A_1489 = arith.addi %add3A_1488, %mul3A_1487 : vector<16xi32>
      %add3A_1490 = arith.constant 9 : i32
      %add3A_1491 = vector.broadcast %add3A_1490 : i32 to vector<16xi32>
      %add3A_1492 = arith.addi %add3A_1489, %add3A_1491 : vector<16xi32>
      %gather3A_1493 = tpu.vector_load_idx %arg9[%add3A_1492] : memref<1280xi32, #tpu.memory_space<vmem>>[vector<16xi32>], vector<16xi32>,
      %eq3A_1494 = arith.cmpi eq, %gather3A, %gather3A_1389 : vector<16xi32>
      %eq3A_1495 = arith.cmpi eq, %gather3A, %gather3A_1402 : vector<16xi32>
      %or3A = arith.ori %eq3A_1494, %eq3A_1495 : vector<16xi1>
      %eq3A_1496 = arith.cmpi eq, %gather3A, %gather3A_1415 : vector<16xi32>
      %or3A_1497 = arith.ori %or3A, %eq3A_1496 : vector<16xi1>
      %eq3A_1498 = arith.cmpi eq, %gather3A, %gather3A_1428 : vector<16xi32>
      %or3A_1499 = arith.ori %or3A_1497, %eq3A_1498 : vector<16xi1>
      %eq3A_1500 = arith.cmpi eq, %gather3A, %gather3A_1441 : vector<16xi32>
      %or3A_1501 = arith.ori %or3A_1499, %eq3A_1500 : vector<16xi1>
      %eq3A_1502 = arith.cmpi eq, %gather3A, %gather3A_1454 : vector<16xi32>
      %or3A_1503 = arith.ori %or3A_1501, %eq3A_1502 : vector<16xi1>
      %eq3A_1504 = arith.cmpi eq, %gather3A, %gather3A_1467 : vector<16xi32>
      %or3A_1505 = arith.ori %or3A_1503, %eq3A_1504 : vector<16xi1>
      %eq3A_1506 = arith.cmpi eq, %gather3A, %gather3A_1480 : vector<16xi32>
      %or3A_1507 = arith.ori %or3A_1505, %eq3A_1506 : vector<16xi1>
      %eq3A_1508 = arith.cmpi eq, %gather3A, %gather3A_1493 : vector<16xi32>
      %or3A_1509 = arith.ori %or3A_1507, %eq3A_1508 : vector<16xi1>
      %not3A = arith.constant dense<true> : vector<16xi1>
      %not3A_1510 = arith.xori %or3A_1509, %not3A : vector<16xi1>
      %eq3A_1511 = arith.cmpi eq, %gather3A_1389, %gather3A_1402 : vector<16xi32>
      %eq3A_1512 = arith.cmpi eq, %gather3A_1389, %gather3A_1415 : vector<16xi32>
      %or3A_1513 = arith.ori %eq3A_1511, %eq3A_1512 : vector<16xi1>
      %eq3A_1514 = arith.cmpi eq, %gather3A_1389, %gather3A_1428 : vector<16xi32>
      %or3A_1515 = arith.ori %or3A_1513, %eq3A_1514 : vector<16xi1>
      %eq3A_1516 = arith.cmpi eq, %gather3A_1389, %gather3A_1441 : vector<16xi32>
      %or3A_1517 = arith.ori %or3A_1515, %eq3A_1516 : vector<16xi1>
      %eq3A_1518 = arith.cmpi eq, %gather3A_1389, %gather3A_1454 : vector<16xi32>
      %or3A_1519 = arith.ori %or3A_1517, %eq3A_1518 : vector<16xi1>
      %eq3A_1520 = arith.cmpi eq, %gather3A_1389, %gather3A_1467 : vector<16xi32>
      %or3A_1521 = arith.ori %or3A_1519, %eq3A_1520 : vector<16xi1>
      %eq3A_1522 = arith.cmpi eq, %gather3A_1389, %gather3A_1480 : vector<16xi32>
      %or3A_1523 = arith.ori %or3A_1521, %eq3A_1522 : vector<16xi1>
      %eq3A_1524 = arith.cmpi eq, %gather3A_1389, %gather3A_1493 : vector<16xi32>
      %or3A_1525 = arith.ori %or3A_1523, %eq3A_1524 : vector<16xi1>
      %not3A_1526 = arith.constant dense<true> : vector<16xi1>
      %not3A_1527 = arith.xori %or3A_1525, %not3A_1526 : vector<16xi1>
      %eq3A_1528 = arith.cmpi eq, %gather3A_1402, %gather3A_1415 : vector<16xi32>
      %eq3A_1529 = arith.cmpi eq, %gather3A_1402, %gather3A_1428 : vector<16xi32>
      %or3A_1530 = arith.ori %eq3A_1528, %eq3A_1529 : vector<16xi1>
      %eq3A_1531 = arith.cmpi eq, %gather3A_1402, %gather3A_1441 : vector<16xi32>
      %or3A_1532 = arith.ori %or3A_1530, %eq3A_1531 : vector<16xi1>
      %eq3A_1533 = arith.cmpi eq, %gather3A_1402, %gather3A_1454 : vector<16xi32>
      %or3A_1534 = arith.ori %or3A_1532, %eq3A_1533 : vector<16xi1>
      %eq3A_1535 = arith.cmpi eq, %gather3A_1402, %gather3A_1467 : vector<16xi32>
      %or3A_1536 = arith.ori %or3A_1534, %eq3A_1535 : vector<16xi1>
      %eq3A_1537 = arith.cmpi eq, %gather3A_1402, %gather3A_1480 : vector<16xi32>
      %or3A_1538 = arith.ori %or3A_1536, %eq3A_1537 : vector<16xi1>
      %eq3A_1539 = arith.cmpi eq, %gather3A_1402, %gather3A_1493 : vector<16xi32>
      %or3A_1540 = arith.ori %or3A_1538, %eq3A_1539 : vector<16xi1>
      %not3A_1541 = arith.constant dense<true> : vector<16xi1>
      %not3A_1542 = arith.xori %or3A_1540, %not3A_1541 : vector<16xi1>
      %eq3A_1543 = arith.cmpi eq, %gather3A_1415, %gather3A_1428 : vector<16xi32>
      %eq3A_1544 = arith.cmpi eq, %gather3A_1415, %gather3A_1441 : vector<16xi32>
      %or3A_1545 = arith.ori %eq3A_1543, %eq3A_1544 : vector<16xi1>
      %eq3A_1546 = arith.cmpi eq, %gather3A_1415, %gather3A_1454 : vector<16xi32>
      %or3A_1547 = arith.ori %or3A_1545, %eq3A_1546 : vector<16xi1>
      %eq3A_1548 = arith.cmpi eq, %gather3A_1415, %gather3A_1467 : vector<16xi32>
      %or3A_1549 = arith.ori %or3A_1547, %eq3A_1548 : vector<16xi1>
      %eq3A_1550 = arith.cmpi eq, %gather3A_1415, %gather3A_1480 : vector<16xi32>
      %or3A_1551 = arith.ori %or3A_1549, %eq3A_1550 : vector<16xi1>
      %eq3A_1552 = arith.cmpi eq, %gather3A_1415, %gather3A_1493 : vector<16xi32>
      %or3A_1553 = arith.ori %or3A_1551, %eq3A_1552 : vector<16xi1>
      %not3A_1554 = arith.constant dense<true> : vector<16xi1>
      %not3A_1555 = arith.xori %or3A_1553, %not3A_1554 : vector<16xi1>
      %eq3A_1556 = arith.cmpi eq, %gather3A_1428, %gather3A_1441 : vector<16xi32>
      %eq3A_1557 = arith.cmpi eq, %gather3A_1428, %gather3A_1454 : vector<16xi32>
      %or3A_1558 = arith.ori %eq3A_1556, %eq3A_1557 : vector<16xi1>
      %eq3A_1559 = arith.cmpi eq, %gather3A_1428, %gather3A_1467 : vector<16xi32>
      %or3A_1560 = arith.ori %or3A_1558, %eq3A_1559 : vector<16xi1>
      %eq3A_1561 = arith.cmpi eq, %gather3A_1428, %gather3A_1480 : vector<16xi32>
      %or3A_1562 = arith.ori %or3A_1560, %eq3A_1561 : vector<16xi1>
      %eq3A_1563 = arith.cmpi eq, %gather3A_1428, %gather3A_1493 : vector<16xi32>
      %or3A_1564 = arith.ori %or3A_1562, %eq3A_1563 : vector<16xi1>
      %not3A_1565 = arith.constant dense<true> : vector<16xi1>
      %not3A_1566 = arith.xori %or3A_1564, %not3A_1565 : vector<16xi1>
      %eq3A_1567 = arith.cmpi eq, %gather3A_1441, %gather3A_1454 : vector<16xi32>
      %eq3A_1568 = arith.cmpi eq, %gather3A_1441, %gather3A_1467 : vector<16xi32>
      %or3A_1569 = arith.ori %eq3A_1567, %eq3A_1568 : vector<16xi1>
      %eq3A_1570 = arith.cmpi eq, %gather3A_1441, %gather3A_1480 : vector<16xi32>
      %or3A_1571 = arith.ori %or3A_1569, %eq3A_1570 : vector<16xi1>
      %eq3A_1572 = arith.cmpi eq, %gather3A_1441, %gather3A_1493 : vector<16xi32>
      %or3A_1573 = arith.ori %or3A_1571, %eq3A_1572 : vector<16xi1>
      %not3A_1574 = arith.constant dense<true> : vector<16xi1>
      %not3A_1575 = arith.xori %or3A_1573, %not3A_1574 : vector<16xi1>
      %eq3A_1576 = arith.cmpi eq, %gather3A_1454, %gather3A_1467 : vector<16xi32>
      %eq3A_1577 = arith.cmpi eq, %gather3A_1454, %gather3A_1480 : vector<16xi32>
      %or3A_1578 = arith.ori %eq3A_1576, %eq3A_1577 : vector<16xi1>
      %eq3A_1579 = arith.cmpi eq, %gather3A_1454, %gather3A_1493 : vector<16xi32>
      %or3A_1580 = arith.ori %or3A_1578, %eq3A_1579 : vector<16xi1>
      %not3A_1581 = arith.constant dense<true> : vector<16xi1>
      %not3A_1582 = arith.xori %or3A_1580, %not3A_1581 : vector<16xi1>
      %eq3A_1583 = arith.cmpi eq, %gather3A_1467, %gather3A_1480 : vector<16xi32>
      %eq3A_1584 = arith.cmpi eq, %gather3A_1467, %gather3A_1493 : vector<16xi32>
      %or3A_1585 = arith.ori %eq3A_1583, %eq3A_1584 : vector<16xi1>
      %not3A_1586 = arith.constant dense<true> : vector<16xi1>
      %not3A_1587 = arith.xori %or3A_1585, %not3A_1586 : vector<16xi1>
      %eq3A_1588 = arith.cmpi eq, %gather3A_1480, %gather3A_1493 : vector<16xi32>
      %not3A_1589 = arith.constant dense<true> : vector<16xi1>
      %not3A_1590 = arith.xori %eq3A_1588, %not3A_1589 : vector<16xi1>
      %eq3A_1591 = arith.cmpi eq, %gather3A_1493, %gather3A_1493 : vector<16xi32>
      %mul3A_1592 = arith.constant 4096 : i32
      %mul3A_1593 = vector.broadcast %mul3A_1592 : i32 to vector<16xi32>
      %mul3A_1594 = arith.muli %iota3A, %mul3A_1593 : vector<16xi32>
      %add3A_1595 = arith.addi %mul3A_1594, %gather3A : vector<16xi32>
      tpu.vector_store_idx %arg15[%add3A_1595], %max3A_1328 masked %not3A_1510 : memref<65536xf32, #tpu.memory_space<vmem>>[vector<16xi32>], vector<16xf32>, vector<16xi1>
      %mul3A_1596 = arith.constant 4096 : i32
      %mul3A_1597 = vector.broadcast %mul3A_1596 : i32 to vector<16xi32>
      %mul3A_1598 = arith.muli %iota3A, %mul3A_1597 : vector<16xi32>
      %add3A_1599 = arith.addi %mul3A_1598, %gather3A_1389 : vector<16xi32>
      tpu.vector_store_idx %arg15[%add3A_1599], %max3A_1332 masked %not3A_1527 : memref<65536xf32, #tpu.memory_space<vmem>>[vector<16xi32>], vector<16xf32>, vector<16xi1>
      %mul3A_1600 = arith.constant 4096 : i32
      %mul3A_1601 = vector.broadcast %mul3A_1600 : i32 to vector<16xi32>
      %mul3A_1602 = arith.muli %iota3A, %mul3A_1601 : vector<16xi32>
      %add3A_1603 = arith.addi %mul3A_1602, %gather3A_1402 : vector<16xi32>
      tpu.vector_store_idx %arg15[%add3A_1603], %max3A_1336 masked %not3A_1542 : memref<65536xf32, #tpu.memory_space<vmem>>[vector<16xi32>], vector<16xf32>, vector<16xi1>
      %mul3A_1604 = arith.constant 4096 : i32
      %mul3A_1605 = vector.broadcast %mul3A_1604 : i32 to vector<16xi32>
      %mul3A_1606 = arith.muli %iota3A, %mul3A_1605 : vector<16xi32>
      %add3A_1607 = arith.addi %mul3A_1606, %gather3A_1415 : vector<16xi32>
      tpu.vector_store_idx %arg15[%add3A_1607], %max3A_1340 masked %not3A_1555 : memref<65536xf32, #tpu.memory_space<vmem>>[vector<16xi32>], vector<16xf32>, vector<16xi1>
      %mul3A_1608 = arith.constant 4096 : i32
      %mul3A_1609 = vector.broadcast %mul3A_1608 : i32 to vector<16xi32>
      %mul3A_1610 = arith.muli %iota3A, %mul3A_1609 : vector<16xi32>
      %add3A_1611 = arith.addi %mul3A_1610, %gather3A_1428 : vector<16xi32>
      tpu.vector_store_idx %arg15[%add3A_1611], %max3A_1344 masked %not3A_1566 : memref<65536xf32, #tpu.memory_space<vmem>>[vector<16xi32>], vector<16xf32>, vector<16xi1>
      %mul3A_1612 = arith.constant 4096 : i32
      %mul3A_1613 = vector.broadcast %mul3A_1612 : i32 to vector<16xi32>
      %mul3A_1614 = arith.muli %iota3A, %mul3A_1613 : vector<16xi32>
      %add3A_1615 = arith.addi %mul3A_1614, %gather3A_1441 : vector<16xi32>
      tpu.vector_store_idx %arg15[%add3A_1615], %max3A_1348 masked %not3A_1575 : memref<65536xf32, #tpu.memory_space<vmem>>[vector<16xi32>], vector<16xf32>, vector<16xi1>
      %mul3A_1616 = arith.constant 4096 : i32
      %mul3A_1617 = vector.broadcast %mul3A_1616 : i32 to vector<16xi32>
      %mul3A_1618 = arith.muli %iota3A, %mul3A_1617 : vector<16xi32>
      %add3A_1619 = arith.addi %mul3A_1618, %gather3A_1454 : vector<16xi32>
      tpu.vector_store_idx %arg15[%add3A_1619], %max3A_1352 masked %not3A_1582 : memref<65536xf32, #tpu.memory_space<vmem>>[vector<16xi32>], vector<16xf32>, vector<16xi1>
      %mul3A_1620 = arith.constant 4096 : i32
      %mul3A_1621 = vector.broadcast %mul3A_1620 : i32 to vector<16xi32>
      %mul3A_1622 = arith.muli %iota3A, %mul3A_1621 : vector<16xi32>
      %add3A_1623 = arith.addi %mul3A_1622, %gather3A_1467 : vector<16xi32>
      tpu.vector_store_idx %arg15[%add3A_1623], %max3A_1356 masked %not3A_1587 : memref<65536xf32, #tpu.memory_space<vmem>>[vector<16xi32>], vector<16xf32>, vector<16xi1>
      %mul3A_1624 = arith.constant 4096 : i32
      %mul3A_1625 = vector.broadcast %mul3A_1624 : i32 to vector<16xi32>
      %mul3A_1626 = arith.muli %iota3A, %mul3A_1625 : vector<16xi32>
      %add3A_1627 = arith.addi %mul3A_1626, %gather3A_1480 : vector<16xi32>
      tpu.vector_store_idx %arg15[%add3A_1627], %max3A_1360 masked %not3A_1590 : memref<65536xf32, #tpu.memory_space<vmem>>[vector<16xi32>], vector<16xf32>, vector<16xi1>
      %mul3A_1628 = arith.constant 4096 : i32
      %mul3A_1629 = vector.broadcast %mul3A_1628 : i32 to vector<16xi32>
      %mul3A_1630 = arith.muli %iota3A, %mul3A_1629 : vector<16xi32>
      %add3A_1631 = arith.addi %mul3A_1630, %gather3A_1493 : vector<16xi32>
      tpu.vector_store_idx %arg15[%add3A_1631], %max3A_1364 masked %eq3A_1591 : memref<65536xf32, #tpu.memory_space<vmem>>[vector<16xi32>], vector<16xf32>, vector<16xi1>
      %mul3A_1632 = arith.constant 4096 : i32
      %mul3A_1633 = arith.muli %add3A_56, %mul3A_1632 : i32
      %dma_start3A_1634 = tpu.memref_slice %arg7[%mul3A_1633] : memref<16777216xf32, #tpu.memory_space<hbm>> -> memref<65536xf32, #tpu.memory_space<hbm>>
      %dma_start3A_1635 = tpu.memref_slice %arg7[%mul3A_1633] : memref<16777216xf32, #tpu.memory_space<hbm>> -> memref<65536xf32, #tpu.memory_space<hbm>>
      tpu.enqueue_dma source(%arg15 : memref<65536xf32, #tpu.memory_space<vmem>>) target(%dma_start3A_1635 : memref<65536xf32, #tpu.memory_space<hbm>>) target_semaphore(%arg20 : memref<!tpu.dma_semaphore, #tpu.memory_space<semaphore_mem>>)
      %jit3A_1636 = arith.constant 0.000000e+00 : f32
      %broadcast_in_dim3A_1637 = vector.broadcast %jit3A_1636 : f32 to vector<16xf32>
      %select_n3A_1638 = arith.select %not3A_1510, %max3A_1328, %broadcast_in_dim3A_1637 : vector<16xi1>, vector<16xf32>
      %jit3A_1639 = arith.constant 0.000000e+00 : f32
      %broadcast_in_dim3A_1640 = vector.broadcast %jit3A_1639 : f32 to vector<16xf32>
      %select_n3A_1641 = arith.select %not3A_1527, %max3A_1332, %broadcast_in_dim3A_1640 : vector<16xi1>, vector<16xf32>
      %jit3A_1642 = arith.constant 0.000000e+00 : f32
      %broadcast_in_dim3A_1643 = vector.broadcast %jit3A_1642 : f32 to vector<16xf32>
      %select_n3A_1644 = arith.select %not3A_1542, %max3A_1336, %broadcast_in_dim3A_1643 : vector<16xi1>, vector<16xf32>
      %jit3A_1645 = arith.constant 0.000000e+00 : f32
      %broadcast_in_dim3A_1646 = vector.broadcast %jit3A_1645 : f32 to vector<16xf32>
      %select_n3A_1647 = arith.select %not3A_1555, %max3A_1340, %broadcast_in_dim3A_1646 : vector<16xi1>, vector<16xf32>
      %jit3A_1648 = arith.constant 0.000000e+00 : f32
      %broadcast_in_dim3A_1649 = vector.broadcast %jit3A_1648 : f32 to vector<16xf32>
      %select_n3A_1650 = arith.select %not3A_1566, %max3A_1344, %broadcast_in_dim3A_1649 : vector<16xi1>, vector<16xf32>
      %jit3A_1651 = arith.constant 0.000000e+00 : f32
      %broadcast_in_dim3A_1652 = vector.broadcast %jit3A_1651 : f32 to vector<16xf32>
      %select_n3A_1653 = arith.select %not3A_1575, %max3A_1348, %broadcast_in_dim3A_1652 : vector<16xi1>, vector<16xf32>
      %jit3A_1654 = arith.constant 0.000000e+00 : f32
      %broadcast_in_dim3A_1655 = vector.broadcast %jit3A_1654 : f32 to vector<16xf32>
      %select_n3A_1656 = arith.select %not3A_1582, %max3A_1352, %broadcast_in_dim3A_1655 : vector<16xi1>, vector<16xf32>
      %jit3A_1657 = arith.constant 0.000000e+00 : f32
      %broadcast_in_dim3A_1658 = vector.broadcast %jit3A_1657 : f32 to vector<16xf32>
      %select_n3A_1659 = arith.select %not3A_1587, %max3A_1356, %broadcast_in_dim3A_1658 : vector<16xi1>, vector<16xf32>
      %jit3A_1660 = arith.constant 0.000000e+00 : f32
      %broadcast_in_dim3A_1661 = vector.broadcast %jit3A_1660 : f32 to vector<16xf32>
      %select_n3A_1662 = arith.select %not3A_1590, %max3A_1360, %broadcast_in_dim3A_1661 : vector<16xi1>, vector<16xf32>
      %jit3A_1663 = arith.constant 0.000000e+00 : f32
      %broadcast_in_dim3A_1664 = vector.broadcast %jit3A_1663 : f32 to vector<16xf32>
      %select_n3A_1665 = arith.select %eq3A_1591, %max3A_1364, %broadcast_in_dim3A_1664 : vector<16xi1>, vector<16xf32>
      %dma_wait3A_1666 = tpu.memref_slice %arg9[%mul3A_62] : memref<1280xi32, #tpu.memory_space<vmem>> -> memref<160xi32, #tpu.memory_space<vmem>>
      %dma_wait3A_1667 = arith.constant 0 : i32
      %dma_wait3A_1668 = arith.constant 0 : i32
      %dma_wait3A_1669 = tpu.memref_slice %arg4[%dma_wait3A_1667, %dma_wait3A_1668] : memref<4096x64xf32, #tpu.memory_space<hbm>> -> memref<4096x64xf32, #tpu.memory_space<hbm>>
      tpu.wait_indirect_dma semaphore(%arg19 : memref<!tpu.dma_semaphore, #tpu.memory_space<semaphore_mem>>) src(%dma_wait3A_1669 : memref<4096x64xf32, #tpu.memory_space<hbm>>) dst(%arg12 : memref<160x64xf32, #tpu.memory_space<vmem>>)
      %scan3A_1670 = arith.constant 0 : i32
      %scan3A_1671 = arith.constant 0 : i32
      %scan3A_1672 = arith.constant 64 : i32
      %scan3A_1673 = arith.addi %scan3A_1671, %scan3A_1672 : i32
      %scan3A_1674 = arith.constant 1 : i32
      %scan3A_1675 = scf.for %scan3A_1680 = %scan3A_1671 to %scan3A_1673 step %scan3A_1674 iter_args(%scan3A_1681 = %scan3A_1670) -> (i32)  : i32 {
        %broadcast_in_dim3A_1682 = vector.broadcast %scan3A_1680 : i32 to vector<16xi32>
        %gather3A_1683 = tpu.vector_load_idx %arg12[%add3A_97, %broadcast_in_dim3A_1682] : memref<160x64xf32, #tpu.memory_space<vmem>>[vector<16xi32>, vector<16xi32>], vector<16xf32>,
        %mul3A_1684 = arith.mulf %select_n3A_1638, %gather3A_1683 : vector<16xf32>
        %add3A_1685 = arith.addf %broadcast_in_dim3A_1, %mul3A_1684 : vector<16xf32>
        %gather3A_1686 = tpu.vector_load_idx %arg12[%add3A_103, %broadcast_in_dim3A_1682] : memref<160x64xf32, #tpu.memory_space<vmem>>[vector<16xi32>, vector<16xi32>], vector<16xf32>,
        %mul3A_1687 = arith.mulf %select_n3A_1641, %gather3A_1686 : vector<16xf32>
        %add3A_1688 = arith.addf %add3A_1685, %mul3A_1687 : vector<16xf32>
        %gather3A_1689 = tpu.vector_load_idx %arg12[%add3A_109, %broadcast_in_dim3A_1682] : memref<160x64xf32, #tpu.memory_space<vmem>>[vector<16xi32>, vector<16xi32>], vector<16xf32>,
        %mul3A_1690 = arith.mulf %select_n3A_1644, %gather3A_1689 : vector<16xf32>
        %add3A_1691 = arith.addf %add3A_1688, %mul3A_1690 : vector<16xf32>
        %gather3A_1692 = tpu.vector_load_idx %arg12[%add3A_115, %broadcast_in_dim3A_1682] : memref<160x64xf32, #tpu.memory_space<vmem>>[vector<16xi32>, vector<16xi32>], vector<16xf32>,
        %mul3A_1693 = arith.mulf %select_n3A_1647, %gather3A_1692 : vector<16xf32>
        %add3A_1694 = arith.addf %add3A_1691, %mul3A_1693 : vector<16xf32>
        %gather3A_1695 = tpu.vector_load_idx %arg12[%add3A_121, %broadcast_in_dim3A_1682] : memref<160x64xf32, #tpu.memory_space<vmem>>[vector<16xi32>, vector<16xi32>], vector<16xf32>,
        %mul3A_1696 = arith.mulf %select_n3A_1650, %gather3A_1695 : vector<16xf32>
        %add3A_1697 = arith.addf %add3A_1694, %mul3A_1696 : vector<16xf32>
        %gather3A_1698 = tpu.vector_load_idx %arg12[%add3A_127, %broadcast_in_dim3A_1682] : memref<160x64xf32, #tpu.memory_space<vmem>>[vector<16xi32>, vector<16xi32>], vector<16xf32>,
        %mul3A_1699 = arith.mulf %select_n3A_1653, %gather3A_1698 : vector<16xf32>
        %add3A_1700 = arith.addf %add3A_1697, %mul3A_1699 : vector<16xf32>
        %gather3A_1701 = tpu.vector_load_idx %arg12[%add3A_133, %broadcast_in_dim3A_1682] : memref<160x64xf32, #tpu.memory_space<vmem>>[vector<16xi32>, vector<16xi32>], vector<16xf32>,
        %mul3A_1702 = arith.mulf %select_n3A_1656, %gather3A_1701 : vector<16xf32>
        %add3A_1703 = arith.addf %add3A_1700, %mul3A_1702 : vector<16xf32>
        %gather3A_1704 = tpu.vector_load_idx %arg12[%add3A_139, %broadcast_in_dim3A_1682] : memref<160x64xf32, #tpu.memory_space<vmem>>[vector<16xi32>, vector<16xi32>], vector<16xf32>,
        %mul3A_1705 = arith.mulf %select_n3A_1659, %gather3A_1704 : vector<16xf32>
        %add3A_1706 = arith.addf %add3A_1703, %mul3A_1705 : vector<16xf32>
        %gather3A_1707 = tpu.vector_load_idx %arg12[%add3A_145, %broadcast_in_dim3A_1682] : memref<160x64xf32, #tpu.memory_space<vmem>>[vector<16xi32>, vector<16xi32>], vector<16xf32>,
        %mul3A_1708 = arith.mulf %select_n3A_1662, %gather3A_1707 : vector<16xf32>
        %add3A_1709 = arith.addf %add3A_1706, %mul3A_1708 : vector<16xf32>
        %gather3A_1710 = tpu.vector_load_idx %arg12[%add3A_151, %broadcast_in_dim3A_1682] : memref<160x64xf32, #tpu.memory_space<vmem>>[vector<16xi32>, vector<16xi32>], vector<16xf32>,
        %mul3A_1711 = arith.mulf %select_n3A_1665, %gather3A_1710 : vector<16xf32>
        %add3A_1712 = arith.addf %add3A_1709, %mul3A_1711 : vector<16xf32>
        %mul3A_1713 = arith.constant 64 : i32
        %mul3A_1714 = vector.broadcast %mul3A_1713 : i32 to vector<16xi32>
        %mul3A_1715 = arith.muli %iota3A, %mul3A_1714 : vector<16xi32>
        %add3A_1716 = arith.addi %mul3A_1715, %broadcast_in_dim3A_1682 : vector<16xi32>
        tpu.vector_store_idx %arg16[%add3A_1716], %add3A_1712 : memref<1024xf32, #tpu.memory_space<vmem>>[vector<16xi32>], vector<16xf32>,
        %scan3A_1717 = arith.constant 0 : i32
        scf.yield %scan3A_1717 : i32
      }
      %scan3A_1676 = arith.constant 64 : i32
      %mul3A_1677 = arith.constant 64 : i32
      %mul3A_1678 = arith.muli %add3A_56, %mul3A_1677 : i32
      "tpu.region"() ({
        %run_scoped3A = tpu.sem_alloc : memref<!tpu.dma_semaphore, #tpu.memory_space<semaphore_mem>>
        %dma_start3A_1680 = tpu.memref_slice %arg8[%mul3A_1678] : memref<262144xf32, #tpu.memory_space<hbm>> -> memref<1024xf32, #tpu.memory_space<hbm>>
        %dma_start3A_1681 = tpu.memref_slice %arg8[%mul3A_1678] : memref<262144xf32, #tpu.memory_space<hbm>> -> memref<1024xf32, #tpu.memory_space<hbm>>
        tpu.enqueue_dma source(%arg16 : memref<1024xf32, #tpu.memory_space<vmem>>) target(%dma_start3A_1681 : memref<1024xf32, #tpu.memory_space<hbm>>) target_semaphore(%run_scoped3A : memref<!tpu.dma_semaphore, #tpu.memory_space<semaphore_mem>>)
        %dma_wait3A_1682 = tpu.memref_slice %arg8[%mul3A_1678] : memref<262144xf32, #tpu.memory_space<hbm>> -> memref<1024xf32, #tpu.memory_space<hbm>>
        %dma_wait3A_1683 = tpu.memref_slice %arg8[%mul3A_1678] : memref<262144xf32, #tpu.memory_space<hbm>> -> memref<1024xf32, #tpu.memory_space<hbm>>
        tpu.wait_dma2 semaphore(%run_scoped3A : memref<!tpu.dma_semaphore, #tpu.memory_space<semaphore_mem>>) src(%arg16 : memref<1024xf32, #tpu.memory_space<vmem>>) dst(%dma_wait3A_1683 : memref<1024xf32, #tpu.memory_space<hbm>>)
        tpu.yield
      }) : () -> ()
      %scan3A_1679 = arith.constant 0 : i32
      scf.yield %scan3A_1679 : i32
    }
    %scan3A_42 = arith.constant 8 : i32
    %mul3A_43 = arith.constant 128 : i32
    %mul3A_44 = arith.muli %add3A, %mul3A_43 : i32
    %add3A_45 = arith.constant 112 : i32
    %add3A_46 = arith.addi %mul3A_44, %add3A_45 : i32
    %mul3A_47 = arith.constant 4096 : i32
    %mul3A_48 = arith.muli %add3A_46, %mul3A_47 : i32
    %dma_wait3A = tpu.memref_slice %arg7[%mul3A_48] : memref<16777216xf32, #tpu.memory_space<hbm>> -> memref<65536xf32, #tpu.memory_space<hbm>>
    %dma_wait3A_49 = tpu.memref_slice %arg7[%mul3A_48] : memref<16777216xf32, #tpu.memory_space<hbm>> -> memref<65536xf32, #tpu.memory_space<hbm>>
    tpu.wait_dma2 semaphore(%arg20 : memref<!tpu.dma_semaphore, #tpu.memory_space<semaphore_mem>>) src(%arg15 : memref<65536xf32, #tpu.memory_space<vmem>>) dst(%dma_wait3A_49 : memref<65536xf32, #tpu.memory_space<hbm>>)
    return
  }
}

module attributes {stable_mosaic.version = 14 : i64} {
  func.func @_mlp_body(%arg0: i32, %arg1: memref<512x256xf32, #tpu.memory_space<vmem>>, %arg2: memref<512x256xf32, #tpu.memory_space<vmem>>, %arg3: memref<256x512xf32, #tpu.memory_space<vmem>>, %arg4: memref<1x512xf32, #tpu.memory_space<vmem>>, %arg5: memref<512x256xf32, #tpu.memory_space<vmem>>, %arg6: memref<1x256xf32, #tpu.memory_space<vmem>>, %arg7: memref<256x64xf32, #tpu.memory_space<vmem>>, %arg8: memref<1x64xf32, #tpu.memory_space<vmem>>, %arg9: memref<256x64xf32, #tpu.memory_space<vmem>>, %arg10: memref<1x64xf32, #tpu.memory_space<vmem>>, %arg11: memref<512x64xf32, #tpu.memory_space<vmem>>, %arg12: memref<512x64xf32, #tpu.memory_space<vmem>>, %arg13: memref<512x64xf32, #tpu.memory_space<vmem>>) attributes {dimension_semantics = [#tpu.dimension_semantics<arbitrary>], iteration_bounds = array<i64: 8>, scalar_prefetch = 0 : i64, scratch_operands = 0 : i64, tpu.core_type = #tpu.core_type<tc>, window_params = [{transform_indices = @transform_0, window_bounds = array<i64: 512, 256>}, {transform_indices = @transform_1, window_bounds = array<i64: 512, 256>}, {pipeline_mode = #tpu.pipeline_mode<synchronous>, transform_indices = @transform_2, window_bounds = array<i64: 256, 512>}, {pipeline_mode = #tpu.pipeline_mode<synchronous>, transform_indices = @transform_3, window_bounds = array<i64: 1, 512>}, {pipeline_mode = #tpu.pipeline_mode<synchronous>, transform_indices = @transform_4, window_bounds = array<i64: 512, 256>}, {pipeline_mode = #tpu.pipeline_mode<synchronous>, transform_indices = @transform_5, window_bounds = array<i64: 1, 256>}, {pipeline_mode = #tpu.pipeline_mode<synchronous>, transform_indices = @transform_6, window_bounds = array<i64: 256, 64>}, {pipeline_mode = #tpu.pipeline_mode<synchronous>, transform_indices = @transform_7, window_bounds = array<i64: 1, 64>}, {pipeline_mode = #tpu.pipeline_mode<synchronous>, transform_indices = @transform_8, window_bounds = array<i64: 256, 64>}, {pipeline_mode = #tpu.pipeline_mode<synchronous>, transform_indices = @transform_9, window_bounds = array<i64: 1, 64>}, {transform_indices = @transform_10, window_bounds = array<i64: 512, 64>}, {transform_indices = @transform_11, window_bounds = array<i64: 512, 64>}, {transform_indices = @transform_12, window_bounds = array<i64: 512, 64>}]} {
    %get3A = arith.constant 0 : index
    %get3A_0 = arith.constant 0 : index
    %get3A_1 = vector.load %arg1[%get3A, %get3A_0] : memref<512x256xf32, #tpu.memory_space<vmem>>, vector<512x256xf32>
    %get3A_2 = arith.constant 0 : index
    %get3A_3 = arith.constant 0 : index
    %get3A_4 = vector.load %arg3[%get3A_2, %get3A_3] : memref<256x512xf32, #tpu.memory_space<vmem>>, vector<256x512xf32>
    %dot_general3A = arith.constant dense<0.000000e+00> : vector<512x512xf32>
    %dot_general3A_5 = tpu.matmul %get3A_1, %get3A_4, %dot_general3A {dimension_numbers = #tpu.dot_dimension_numbers<[1], [0], [0], [1], [0, 0, 1, 1], [], []>, transpose_lhs_hint = false} : vector<512x256xf32>, vector<256x512xf32>, vector<512x512xf32> -> vector<512x512xf32>
    %get3A_6 = arith.constant 0 : index
    %get3A_7 = arith.constant 0 : index
    %get3A_8 = vector.load %arg4[%get3A_6, %get3A_7] : memref<1x512xf32, #tpu.memory_space<vmem>>, vector<1x512xf32>
    %add3A = vector.broadcast %get3A_8 : vector<1x512xf32> to vector<512x512xf32>
    %add3A_9 = arith.addf %dot_general3A_5, %add3A : vector<512x512xf32>
    %max3A = arith.constant 0.000000e+00 : f32
    %max3A_10 = vector.broadcast %max3A : f32 to vector<512x512xf32>
    %max3A_11 = arith.maximumf %add3A_9, %max3A_10 : vector<512x512xf32>
    %get3A_12 = arith.constant 0 : index
    %get3A_13 = arith.constant 0 : index
    %get3A_14 = vector.load %arg5[%get3A_12, %get3A_13] : memref<512x256xf32, #tpu.memory_space<vmem>>, vector<512x256xf32>
    %dot_general3A_15 = arith.constant dense<0.000000e+00> : vector<512x256xf32>
    %dot_general3A_16 = tpu.matmul %max3A_11, %get3A_14, %dot_general3A_15 {dimension_numbers = #tpu.dot_dimension_numbers<[1], [0], [0], [1], [0, 0, 1, 1], [], []>, transpose_lhs_hint = false} : vector<512x512xf32>, vector<512x256xf32>, vector<512x256xf32> -> vector<512x256xf32>
    %get3A_17 = arith.constant 0 : index
    %get3A_18 = arith.constant 0 : index
    %get3A_19 = vector.load %arg6[%get3A_17, %get3A_18] : memref<1x256xf32, #tpu.memory_space<vmem>>, vector<1x256xf32>
    %add3A_20 = vector.broadcast %get3A_19 : vector<1x256xf32> to vector<512x256xf32>
    %add3A_21 = arith.addf %dot_general3A_16, %add3A_20 : vector<512x256xf32>
    %max3A_22 = arith.constant 0.000000e+00 : f32
    %max3A_23 = vector.broadcast %max3A_22 : f32 to vector<512x256xf32>
    %max3A_24 = arith.maximumf %add3A_21, %max3A_23 : vector<512x256xf32>
    %get3A_25 = arith.constant 0 : index
    %get3A_26 = arith.constant 0 : index
    %get3A_27 = vector.load %arg7[%get3A_25, %get3A_26] : memref<256x64xf32, #tpu.memory_space<vmem>>, vector<256x64xf32>
    %dot_general3A_28 = arith.constant dense<0.000000e+00> : vector<512x64xf32>
    %dot_general3A_29 = tpu.matmul %max3A_24, %get3A_27, %dot_general3A_28 {dimension_numbers = #tpu.dot_dimension_numbers<[1], [0], [0], [1], [0, 0, 1, 1], [], []>, transpose_lhs_hint = false} : vector<512x256xf32>, vector<256x64xf32>, vector<512x64xf32> -> vector<512x64xf32>
    %get3A_30 = arith.constant 0 : index
    %get3A_31 = arith.constant 0 : index
    %get3A_32 = vector.load %arg8[%get3A_30, %get3A_31] : memref<1x64xf32, #tpu.memory_space<vmem>>, vector<1x64xf32>
    %add3A_33 = vector.broadcast %get3A_32 : vector<1x64xf32> to vector<512x64xf32>
    %add3A_34 = arith.addf %dot_general3A_29, %add3A_33 : vector<512x64xf32>
    %tanh3A = math.tanh %add3A_34 : vector<512x64xf32>
    %swap3A = arith.constant 0 : index
    %swap3A_35 = arith.constant 0 : index
    %swap3A_36 = vector.load %arg11[%swap3A, %swap3A_35] : memref<512x64xf32, #tpu.memory_space<vmem>>, vector<512x64xf32>
    tpu.vector_store %arg11[%swap3A, %swap3A_35], %tanh3A {strides = array<i32>} : memref<512x64xf32, #tpu.memory_space<vmem>>, vector<512x64xf32>,
    %get3A_37 = arith.constant 0 : index
    %get3A_38 = arith.constant 0 : index
    %get3A_39 = vector.load %arg9[%get3A_37, %get3A_38] : memref<256x64xf32, #tpu.memory_space<vmem>>, vector<256x64xf32>
    %dot_general3A_40 = arith.constant dense<0.000000e+00> : vector<512x64xf32>
    %dot_general3A_41 = tpu.matmul %max3A_24, %get3A_39, %dot_general3A_40 {dimension_numbers = #tpu.dot_dimension_numbers<[1], [0], [0], [1], [0, 0, 1, 1], [], []>, transpose_lhs_hint = false} : vector<512x256xf32>, vector<256x64xf32>, vector<512x64xf32> -> vector<512x64xf32>
    %get3A_42 = arith.constant 0 : index
    %get3A_43 = arith.constant 0 : index
    %get3A_44 = vector.load %arg10[%get3A_42, %get3A_43] : memref<1x64xf32, #tpu.memory_space<vmem>>, vector<1x64xf32>
    %add3A_45 = vector.broadcast %get3A_44 : vector<1x64xf32> to vector<512x64xf32>
    %add3A_46 = arith.addf %dot_general3A_41, %add3A_45 : vector<512x64xf32>
    %swap3A_47 = arith.constant 0 : index
    %swap3A_48 = arith.constant 0 : index
    %swap3A_49 = vector.load %arg12[%swap3A_47, %swap3A_48] : memref<512x64xf32, #tpu.memory_space<vmem>>, vector<512x64xf32>
    tpu.vector_store %arg12[%swap3A_47, %swap3A_48], %add3A_46 {strides = array<i32>} : memref<512x64xf32, #tpu.memory_space<vmem>>, vector<512x64xf32>,
    %get3A_50 = arith.constant 0 : index
    %get3A_51 = arith.constant 0 : index
    %get3A_52 = vector.load %arg2[%get3A_50, %get3A_51] : memref<512x256xf32, #tpu.memory_space<vmem>>, vector<512x256xf32>
    %get3A_53 = arith.constant 0 : index
    %get3A_54 = arith.constant 0 : index
    %get3A_55 = vector.load %arg3[%get3A_53, %get3A_54] : memref<256x512xf32, #tpu.memory_space<vmem>>, vector<256x512xf32>
    %dot_general3A_56 = arith.constant dense<0.000000e+00> : vector<512x512xf32>
    %dot_general3A_57 = tpu.matmul %get3A_52, %get3A_55, %dot_general3A_56 {dimension_numbers = #tpu.dot_dimension_numbers<[1], [0], [0], [1], [0, 0, 1, 1], [], []>, transpose_lhs_hint = false} : vector<512x256xf32>, vector<256x512xf32>, vector<512x512xf32> -> vector<512x512xf32>
    %get3A_58 = arith.constant 0 : index
    %get3A_59 = arith.constant 0 : index
    %get3A_60 = vector.load %arg4[%get3A_58, %get3A_59] : memref<1x512xf32, #tpu.memory_space<vmem>>, vector<1x512xf32>
    %add3A_61 = vector.broadcast %get3A_60 : vector<1x512xf32> to vector<512x512xf32>
    %add3A_62 = arith.addf %dot_general3A_57, %add3A_61 : vector<512x512xf32>
    %max3A_63 = arith.constant 0.000000e+00 : f32
    %max3A_64 = vector.broadcast %max3A_63 : f32 to vector<512x512xf32>
    %max3A_65 = arith.maximumf %add3A_62, %max3A_64 : vector<512x512xf32>
    %get3A_66 = arith.constant 0 : index
    %get3A_67 = arith.constant 0 : index
    %get3A_68 = vector.load %arg5[%get3A_66, %get3A_67] : memref<512x256xf32, #tpu.memory_space<vmem>>, vector<512x256xf32>
    %dot_general3A_69 = arith.constant dense<0.000000e+00> : vector<512x256xf32>
    %dot_general3A_70 = tpu.matmul %max3A_65, %get3A_68, %dot_general3A_69 {dimension_numbers = #tpu.dot_dimension_numbers<[1], [0], [0], [1], [0, 0, 1, 1], [], []>, transpose_lhs_hint = false} : vector<512x512xf32>, vector<512x256xf32>, vector<512x256xf32> -> vector<512x256xf32>
    %get3A_71 = arith.constant 0 : index
    %get3A_72 = arith.constant 0 : index
    %get3A_73 = vector.load %arg6[%get3A_71, %get3A_72] : memref<1x256xf32, #tpu.memory_space<vmem>>, vector<1x256xf32>
    %add3A_74 = vector.broadcast %get3A_73 : vector<1x256xf32> to vector<512x256xf32>
    %add3A_75 = arith.addf %dot_general3A_70, %add3A_74 : vector<512x256xf32>
    %max3A_76 = arith.constant 0.000000e+00 : f32
    %max3A_77 = vector.broadcast %max3A_76 : f32 to vector<512x256xf32>
    %max3A_78 = arith.maximumf %add3A_75, %max3A_77 : vector<512x256xf32>
    %get3A_79 = arith.constant 0 : index
    %get3A_80 = arith.constant 0 : index
    %get3A_81 = vector.load %arg7[%get3A_79, %get3A_80] : memref<256x64xf32, #tpu.memory_space<vmem>>, vector<256x64xf32>
    %dot_general3A_82 = arith.constant dense<0.000000e+00> : vector<512x64xf32>
    %dot_general3A_83 = tpu.matmul %max3A_78, %get3A_81, %dot_general3A_82 {dimension_numbers = #tpu.dot_dimension_numbers<[1], [0], [0], [1], [0, 0, 1, 1], [], []>, transpose_lhs_hint = false} : vector<512x256xf32>, vector<256x64xf32>, vector<512x64xf32> -> vector<512x64xf32>
    %get3A_84 = arith.constant 0 : index
    %get3A_85 = arith.constant 0 : index
    %get3A_86 = vector.load %arg8[%get3A_84, %get3A_85] : memref<1x64xf32, #tpu.memory_space<vmem>>, vector<1x64xf32>
    %add3A_87 = vector.broadcast %get3A_86 : vector<1x64xf32> to vector<512x64xf32>
    %add3A_88 = arith.addf %dot_general3A_83, %add3A_87 : vector<512x64xf32>
    %tanh3A_89 = math.tanh %add3A_88 : vector<512x64xf32>
    %swap3A_90 = arith.constant 0 : index
    %swap3A_91 = arith.constant 0 : index
    %swap3A_92 = vector.load %arg13[%swap3A_90, %swap3A_91] : memref<512x64xf32, #tpu.memory_space<vmem>>, vector<512x64xf32>
    tpu.vector_store %arg13[%swap3A_90, %swap3A_91], %tanh3A_89 {strides = array<i32>} : memref<512x64xf32, #tpu.memory_space<vmem>>, vector<512x64xf32>,
    return
  }
  func.func @transform_0(%arg0: i32) -> (i32, i32) {
    %c0_i32 = arith.constant 0 : i32
    %c0_i32_0 = arith.constant 0 : i32
    return %arg0, %c0_i32 : i32, i32
  }
  func.func @transform_1(%arg0: i32) -> (i32, i32) {
    %c0_i32 = arith.constant 0 : i32
    %c0_i32_0 = arith.constant 0 : i32
    return %arg0, %c0_i32 : i32, i32
  }
  func.func @transform_2(%arg0: i32) -> (i32, i32) {
    %c0_i32 = arith.constant 0 : i32
    %c0_i32_0 = arith.constant 0 : i32
    %c0_i32_1 = arith.constant 0 : i32
    return %c0_i32, %c0_i32_0 : i32, i32
  }
  func.func @transform_3(%arg0: i32) -> (i32, i32) {
    %c0_i32 = arith.constant 0 : i32
    %c0_i32_0 = arith.constant 0 : i32
    %c0_i32_1 = arith.constant 0 : i32
    return %c0_i32, %c0_i32_0 : i32, i32
  }
  func.func @transform_4(%arg0: i32) -> (i32, i32) {
    %c0_i32 = arith.constant 0 : i32
    %c0_i32_0 = arith.constant 0 : i32
    %c0_i32_1 = arith.constant 0 : i32
    return %c0_i32, %c0_i32_0 : i32, i32
  }
  func.func @transform_5(%arg0: i32) -> (i32, i32) {
    %c0_i32 = arith.constant 0 : i32
    %c0_i32_0 = arith.constant 0 : i32
    %c0_i32_1 = arith.constant 0 : i32
    return %c0_i32, %c0_i32_0 : i32, i32
  }
  func.func @transform_6(%arg0: i32) -> (i32, i32) {
    %c0_i32 = arith.constant 0 : i32
    %c0_i32_0 = arith.constant 0 : i32
    %c0_i32_1 = arith.constant 0 : i32
    return %c0_i32, %c0_i32_0 : i32, i32
  }
  func.func @transform_7(%arg0: i32) -> (i32, i32) {
    %c0_i32 = arith.constant 0 : i32
    %c0_i32_0 = arith.constant 0 : i32
    %c0_i32_1 = arith.constant 0 : i32
    return %c0_i32, %c0_i32_0 : i32, i32
  }
  func.func @transform_8(%arg0: i32) -> (i32, i32) {
    %c0_i32 = arith.constant 0 : i32
    %c0_i32_0 = arith.constant 0 : i32
    %c0_i32_1 = arith.constant 0 : i32
    return %c0_i32, %c0_i32_0 : i32, i32
  }
  func.func @transform_9(%arg0: i32) -> (i32, i32) {
    %c0_i32 = arith.constant 0 : i32
    %c0_i32_0 = arith.constant 0 : i32
    %c0_i32_1 = arith.constant 0 : i32
    return %c0_i32, %c0_i32_0 : i32, i32
  }
  func.func @transform_10(%arg0: i32) -> (i32, i32) {
    %c0_i32 = arith.constant 0 : i32
    %c0_i32_0 = arith.constant 0 : i32
    return %arg0, %c0_i32 : i32, i32
  }
  func.func @transform_11(%arg0: i32) -> (i32, i32) {
    %c0_i32 = arith.constant 0 : i32
    %c0_i32_0 = arith.constant 0 : i32
    return %arg0, %c0_i32 : i32, i32
  }
  func.func @transform_12(%arg0: i32) -> (i32, i32) {
    %c0_i32 = arith.constant 0 : i32
    %c0_i32_0 = arith.constant 0 : i32
    return %arg0, %c0_i32 : i32, i32
  }
}

module attributes {stable_mosaic.version = 14 : i64} {
  func.func @_gcy_body(%arg0: i32, %arg1: memref<4096x64xf32, #tpu.memory_space<vmem>>, %arg2: memref<512x64xf32, #tpu.memory_space<vmem>>, %arg3: memref<512x64xf32, #tpu.memory_space<vmem>>, %arg4: memref<64x64xf32, #tpu.memory_space<vmem>>) attributes {dimension_semantics = [#tpu.dimension_semantics<arbitrary>], iteration_bounds = array<i64: 8>, scalar_prefetch = 0 : i64, scratch_operands = 1 : i64, tpu.core_type = #tpu.core_type<tc>, window_params = [{pipeline_mode = #tpu.pipeline_mode<synchronous>, transform_indices = @transform_0, window_bounds = array<i64: 4096, 64>}, {transform_indices = @transform_1, window_bounds = array<i64: 512, 64>}, {transform_indices = @transform_2, window_bounds = array<i64: 512, 64>}]} {
    %eq3A = arith.constant 0 : i32
    %eq3A_0 = arith.cmpi eq, %arg0, %eq3A : i32
    %convert_element_type3A = arith.extui %eq3A_0 : i1 to i32
    %cond3A = arith.constant 0 : i32
    %cond3A_1 = arith.cmpi ne, %convert_element_type3A, %cond3A : i32
    scf.if %cond3A_1 {
      %iota3A = tpu.iota {dimensions = array<i32: 1>} : vector<1x64xi32>
      %iota3A_10 = tpu.iota {dimensions = array<i32: 0>} : vector<64x1xi32>
      %iota3A_11 = tpu.iota {dimensions = array<i32: 0>} : vector<64x64xi32>
      %iota3A_12 = tpu.iota {dimensions = array<i32: 1>} : vector<64x64xi32>
      %eq3A_13 = arith.cmpi eq, %iota3A_11, %iota3A_12 : vector<64x64xi32>
      %jit3A = arith.constant 9.99999997E-7 : f32
      %jit3A_14 = arith.constant 0.000000e+00 : f32
      %broadcast_in_dim3A = vector.broadcast %jit3A : f32 to vector<64x64xf32>
      %broadcast_in_dim3A_15 = vector.broadcast %jit3A_14 : f32 to vector<64x64xf32>
      %select_n3A = arith.select %eq3A_13, %broadcast_in_dim3A, %broadcast_in_dim3A_15 : vector<64x64xi1>, vector<64x64xf32>
      %get3A_16 = arith.constant 0 : index
      %get3A_17 = arith.constant 0 : index
      %get3A_18 = vector.load %arg1[%get3A_16, %get3A_17] : memref<4096x64xf32, #tpu.memory_space<vmem>>, vector<4096x64xf32>
      %get3A_19 = arith.constant 0 : index
      %get3A_20 = arith.constant 0 : index
      %get3A_21 = vector.load %arg1[%get3A_19, %get3A_20] : memref<4096x64xf32, #tpu.memory_space<vmem>>, vector<4096x64xf32>
      %dot_general3A_22 = arith.constant dense<0.000000e+00> : vector<64x64xf32>
      %dot_general3A_23 = tpu.matmul %get3A_18, %get3A_21, %dot_general3A_22 {dimension_numbers = #tpu.dot_dimension_numbers<[0], [0], [1], [1], [0, 1, 1, 1], [], []>, transpose_lhs_hint = false} : vector<4096x64xf32>, vector<4096x64xf32>, vector<64x64xf32> -> vector<64x64xf32>
      %add3A = arith.addf %dot_general3A_23, %select_n3A : vector<64x64xf32>
      %iota3A_24 = tpu.iota {dimensions = array<i32: 0>} : vector<64x64xi32>
      %iota3A_25 = tpu.iota {dimensions = array<i32: 1>} : vector<64x64xi32>
      %broadcast_in_dim3A_26 = arith.constant 0.000000e+00 : f32
      %broadcast_in_dim3A_27 = vector.broadcast %broadcast_in_dim3A_26 : f32 to vector<64x64xf32>
      %scan3A = arith.constant 0 : i32
      %scan3A_28 = arith.constant 64 : i32
      %scan3A_29 = arith.addi %scan3A, %scan3A_28 : i32
      %scan3A_30 = arith.constant 1 : i32
      %scan3A_31:2 = scf.for %scan3A_44 = %scan3A to %scan3A_29 step %scan3A_30 iter_args(%scan3A_45 = %add3A, %scan3A_46 = %broadcast_in_dim3A_27) -> (vector<64x64xf32>, vector<64x64xf32>)  : i32 {
        %eq3A_47 = vector.broadcast %scan3A_44 : i32 to vector<64x64xi32>
        %eq3A_48 = arith.cmpi eq, %iota3A_24, %eq3A_47 : vector<64x64xi32>
        %eq3A_49 = vector.broadcast %scan3A_44 : i32 to vector<64x64xi32>
        %eq3A_50 = arith.cmpi eq, %iota3A_25, %eq3A_49 : vector<64x64xi32>
        %and3A = arith.andi %eq3A_48, %eq3A_50 : vector<64x64xi1>
        %jit3A_51 = arith.constant 0.000000e+00 : f32
        %broadcast_in_dim3A_52 = vector.broadcast %jit3A_51 : f32 to vector<64x64xf32>
        %select_n3A_53 = arith.select %and3A, %scan3A_45, %broadcast_in_dim3A_52 : vector<64x64xi1>, vector<64x64xf32>
        %reduce_sum3A = vector.shape_cast %select_n3A_53 : vector<64x64xf32> to vector<1x64x64xf32>
        %reduce_sum3A_54 = arith.constant dense<0.000000e+00> : vector<1xf32>
        %reduce_sum3A_55 = vector.multi_reduction <add>, %reduce_sum3A, %reduce_sum3A_54 [1, 2] : vector<1x64x64xf32> to vector<1xf32>
        %reduce_sum3A_56 = vector.shape_cast %reduce_sum3A_55 : vector<1xf32> to vector<1x1x1xf32>
        %reduce_sum3A_57 = vector.extract %reduce_sum3A_56[0, 0, 0] : f32 from vector<1x1x1xf32>
        %sqrt3A_58 = math.sqrt %reduce_sum3A_57 : f32
        %eq3A_59 = vector.broadcast %scan3A_44 : i32 to vector<64x64xi32>
        %eq3A_60 = arith.cmpi eq, %iota3A_25, %eq3A_59 : vector<64x64xi32>
        %jit3A_61 = arith.constant 0.000000e+00 : f32
        %broadcast_in_dim3A_62 = vector.broadcast %jit3A_61 : f32 to vector<64x64xf32>
        %select_n3A_63 = arith.select %eq3A_60, %scan3A_45, %broadcast_in_dim3A_62 : vector<64x64xi1>, vector<64x64xf32>
        %reduce_sum3A_64 = arith.constant dense<0.000000e+00> : vector<64xf32>
        %reduce_sum3A_65 = vector.multi_reduction <add>, %select_n3A_63, %reduce_sum3A_64 [1] : vector<64x64xf32> to vector<64xf32>
        %broadcast_in_dim3A_66 = vector.shape_cast %reduce_sum3A_65 : vector<64xf32> to vector<64x1xf32>
        %eq3A_67 = vector.broadcast %scan3A_44 : i32 to vector<64x64xi32>
        %eq3A_68 = arith.cmpi eq, %iota3A_24, %eq3A_67 : vector<64x64xi32>
        %jit3A_69 = arith.constant 0.000000e+00 : f32
        %broadcast_in_dim3A_70 = vector.broadcast %jit3A_69 : f32 to vector<64x64xf32>
        %select_n3A_71 = arith.select %eq3A_68, %scan3A_45, %broadcast_in_dim3A_70 : vector<64x64xi1>, vector<64x64xf32>
        %reduce_sum3A_72 = arith.constant dense<0.000000e+00> : vector<64xf32>
        %reduce_sum3A_73 = vector.multi_reduction <add>, %select_n3A_71, %reduce_sum3A_72 [0] : vector<64x64xf32> to vector<64xf32>
        %broadcast_in_dim3A_74 = vector.shape_cast %reduce_sum3A_73 : vector<64xf32> to vector<1x64xf32>
        %ge3A = vector.broadcast %scan3A_44 : i32 to vector<64x1xi32>
        %ge3A_75 = arith.cmpi sge, %iota3A_10, %ge3A : vector<64x1xi32>
        %div3A = vector.broadcast %sqrt3A_58 : f32 to vector<64x1xf32>
        %div3A_76 = arith.divf %broadcast_in_dim3A_66, %div3A : vector<64x1xf32>
        %jit3A_77 = arith.constant 0.000000e+00 : f32
        %broadcast_in_dim3A_78 = vector.broadcast %jit3A_77 : f32 to vector<64x1xf32>
        %select_n3A_79 = arith.select %ge3A_75, %div3A_76, %broadcast_in_dim3A_78 : vector<64x1xi1>, vector<64x1xf32>
        %ge3A_80 = vector.broadcast %scan3A_44 : i32 to vector<1x64xi32>
        %ge3A_81 = arith.cmpi sge, %iota3A, %ge3A_80 : vector<1x64xi32>
        %div3A_82 = vector.broadcast %sqrt3A_58 : f32 to vector<1x64xf32>
        %div3A_83 = arith.divf %broadcast_in_dim3A_74, %div3A_82 : vector<1x64xf32>
        %jit3A_84 = arith.constant 0.000000e+00 : f32
        %broadcast_in_dim3A_85 = vector.broadcast %jit3A_84 : f32 to vector<1x64xf32>
        %select_n3A_86 = arith.select %ge3A_81, %div3A_83, %broadcast_in_dim3A_85 : vector<1x64xi1>, vector<1x64xf32>
        %eq3A_87 = vector.broadcast %scan3A_44 : i32 to vector<64x1xi32>
        %eq3A_88 = arith.cmpi eq, %iota3A_10, %eq3A_87 : vector<64x1xi32>
        %jit3A_89 = arith.constant 1.000000e+00 : f32
        %jit3A_90 = arith.constant 0.000000e+00 : f32
        %broadcast_in_dim3A_91 = vector.broadcast %jit3A_89 : f32 to vector<64x1xf32>
        %broadcast_in_dim3A_92 = vector.broadcast %jit3A_90 : f32 to vector<64x1xf32>
        %select_n3A_93 = arith.select %eq3A_88, %broadcast_in_dim3A_91, %broadcast_in_dim3A_92 : vector<64x1xi1>, vector<64x1xf32>
        %mul3A_94 = vector.broadcast %select_n3A_93 : vector<64x1xf32> to vector<64x64xf32>
        %mul3A_95 = vector.broadcast %select_n3A_86 : vector<1x64xf32> to vector<64x64xf32>
        %mul3A_96 = arith.mulf %mul3A_94, %mul3A_95 : vector<64x64xf32>
        %add3A_97 = arith.addf %scan3A_46, %mul3A_96 : vector<64x64xf32>
        %mul3A_98 = vector.broadcast %select_n3A_79 : vector<64x1xf32> to vector<64x64xf32>
        %mul3A_99 = vector.broadcast %select_n3A_86 : vector<1x64xf32> to vector<64x64xf32>
        %mul3A_100 = arith.mulf %mul3A_98, %mul3A_99 : vector<64x64xf32>
        %sub3A = arith.subf %scan3A_45, %mul3A_100 : vector<64x64xf32>
        scf.yield %sub3A, %add3A_97 : vector<64x64xf32>, vector<64x64xf32>
      }
      %scan3A_32 = arith.constant 64 : i32
      %scan3A_33 = arith.constant 0 : i32
      %scan3A_34 = arith.constant 64 : i32
      %scan3A_35 = arith.addi %scan3A_33, %scan3A_34 : i32
      %scan3A_36 = arith.constant 1 : i32
      %scan3A_37 = scf.for %scan3A_44 = %scan3A_33 to %scan3A_35 step %scan3A_36 iter_args(%scan3A_45 = %broadcast_in_dim3A_27) -> (vector<64x64xf32>)  : i32 {
        %sub3A = arith.constant 63 : i32
        %sub3A_46 = arith.subi %sub3A, %scan3A_44 : i32
        %eq3A_47 = vector.broadcast %sub3A_46 : i32 to vector<64x64xi32>
        %eq3A_48 = arith.cmpi eq, %iota3A_24, %eq3A_47 : vector<64x64xi32>
        %jit3A_49 = arith.constant 0.000000e+00 : f32
        %broadcast_in_dim3A_50 = vector.broadcast %jit3A_49 : f32 to vector<64x64xf32>
        %select_n3A_51 = arith.select %eq3A_48, %scan3A_31#1, %broadcast_in_dim3A_50 : vector<64x64xi1>, vector<64x64xf32>
        %reduce_sum3A = arith.constant dense<0.000000e+00> : vector<64xf32>
        %reduce_sum3A_52 = vector.multi_reduction <add>, %select_n3A_51, %reduce_sum3A [0] : vector<64x64xf32> to vector<64xf32>
        %broadcast_in_dim3A_53 = vector.shape_cast %reduce_sum3A_52 : vector<64xf32> to vector<1x64xf32>
        %eq3A_54 = vector.broadcast %sub3A_46 : i32 to vector<1x64xi32>
        %eq3A_55 = arith.cmpi eq, %iota3A, %eq3A_54 : vector<1x64xi32>
        %jit3A_56 = arith.constant 0.000000e+00 : f32
        %broadcast_in_dim3A_57 = vector.broadcast %jit3A_56 : f32 to vector<1x64xf32>
        %select_n3A_58 = arith.select %eq3A_55, %broadcast_in_dim3A_53, %broadcast_in_dim3A_57 : vector<1x64xi1>, vector<1x64xf32>
        %reduce_sum3A_59 = vector.shape_cast %select_n3A_58 : vector<1x64xf32> to vector<1x1x64xf32>
        %reduce_sum3A_60 = arith.constant dense<0.000000e+00> : vector<1xf32>
        %reduce_sum3A_61 = vector.multi_reduction <add>, %reduce_sum3A_59, %reduce_sum3A_60 [1, 2] : vector<1x1x64xf32> to vector<1xf32>
        %reduce_sum3A_62 = vector.shape_cast %reduce_sum3A_61 : vector<1xf32> to vector<1x1x1xf32>
        %reduce_sum3A_63 = vector.extract %reduce_sum3A_62[0, 0, 0] : f32 from vector<1x1x1xf32>
        %gt3A = vector.broadcast %sub3A_46 : i32 to vector<1x64xi32>
        %gt3A_64 = arith.cmpi sgt, %iota3A, %gt3A : vector<1x64xi32>
        %jit3A_65 = arith.constant 0.000000e+00 : f32
        %broadcast_in_dim3A_66 = vector.broadcast %jit3A_65 : f32 to vector<1x64xf32>
        %select_n3A_67 = arith.select %gt3A_64, %broadcast_in_dim3A_53, %broadcast_in_dim3A_66 : vector<1x64xi1>, vector<1x64xf32>
        %dot_general3A_68 = arith.constant dense<0.000000e+00> : vector<1x64xf32>
        %dot_general3A_69 = tpu.matmul %select_n3A_67, %scan3A_45, %dot_general3A_68 {dimension_numbers = #tpu.dot_dimension_numbers<[1], [0], [0], [1], [0, 0, 1, 1], [], []>, precision = #tpu.contract_precision<fp32>, transpose_lhs_hint = false} : vector<1x64xf32>, vector<64x64xf32>, vector<1x64xf32> -> vector<1x64xf32>
        %eq3A_70 = vector.broadcast %sub3A_46 : i32 to vector<1x64xi32>
        %eq3A_71 = arith.cmpi eq, %iota3A, %eq3A_70 : vector<1x64xi32>
        %jit3A_72 = arith.constant 1.000000e+00 : f32
        %jit3A_73 = arith.constant 0.000000e+00 : f32
        %broadcast_in_dim3A_74 = vector.broadcast %jit3A_72 : f32 to vector<1x64xf32>
        %broadcast_in_dim3A_75 = vector.broadcast %jit3A_73 : f32 to vector<1x64xf32>
        %select_n3A_76 = arith.select %eq3A_71, %broadcast_in_dim3A_74, %broadcast_in_dim3A_75 : vector<1x64xi1>, vector<1x64xf32>
        %sub3A_77 = arith.subf %select_n3A_76, %dot_general3A_69 : vector<1x64xf32>
        %div3A = vector.broadcast %reduce_sum3A_63 : f32 to vector<1x64xf32>
        %div3A_78 = arith.divf %sub3A_77, %div3A : vector<1x64xf32>
        %eq3A_79 = vector.broadcast %sub3A_46 : i32 to vector<64x1xi32>
        %eq3A_80 = arith.cmpi eq, %iota3A_10, %eq3A_79 : vector<64x1xi32>
        %jit3A_81 = arith.constant 1.000000e+00 : f32
        %jit3A_82 = arith.constant 0.000000e+00 : f32
        %broadcast_in_dim3A_83 = vector.broadcast %jit3A_81 : f32 to vector<64x1xf32>
        %broadcast_in_dim3A_84 = vector.broadcast %jit3A_82 : f32 to vector<64x1xf32>
        %select_n3A_85 = arith.select %eq3A_80, %broadcast_in_dim3A_83, %broadcast_in_dim3A_84 : vector<64x1xi1>, vector<64x1xf32>
        %mul3A_86 = vector.broadcast %select_n3A_85 : vector<64x1xf32> to vector<64x64xf32>
        %mul3A_87 = vector.broadcast %div3A_78 : vector<1x64xf32> to vector<64x64xf32>
        %mul3A_88 = arith.mulf %mul3A_86, %mul3A_87 : vector<64x64xf32>
        %add3A_89 = arith.addf %scan3A_45, %mul3A_88 : vector<64x64xf32>
        scf.yield %add3A_89 : vector<64x64xf32>
      }
      %scan3A_38 = arith.constant 64 : i32
      %sqrt3A = arith.constant 4.096000e+03 : f32
      %sqrt3A_39 = math.sqrt %sqrt3A : f32
      %mul3A = vector.broadcast %sqrt3A_39 : f32 to vector<64x64xf32>
      %mul3A_40 = arith.mulf %mul3A, %scan3A_37 : vector<64x64xf32>
      %swap3A_41 = arith.constant 0 : index
      %swap3A_42 = arith.constant 0 : index
      %swap3A_43 = vector.load %arg4[%swap3A_41, %swap3A_42] : memref<64x64xf32, #tpu.memory_space<vmem>>, vector<64x64xf32>
      tpu.vector_store %arg4[%swap3A_41, %swap3A_42], %mul3A_40 {strides = array<i32>} : memref<64x64xf32, #tpu.memory_space<vmem>>, vector<64x64xf32>,
    } else {
    }
    %get3A = arith.constant 0 : index
    %get3A_2 = arith.constant 0 : index
    %get3A_3 = vector.load %arg2[%get3A, %get3A_2] : memref<512x64xf32, #tpu.memory_space<vmem>>, vector<512x64xf32>
    %get3A_4 = arith.constant 0 : index
    %get3A_5 = arith.constant 0 : index
    %get3A_6 = vector.load %arg4[%get3A_4, %get3A_5] : memref<64x64xf32, #tpu.memory_space<vmem>>, vector<64x64xf32>
    %dot_general3A = arith.constant dense<0.000000e+00> : vector<512x64xf32>
    %dot_general3A_7 = tpu.matmul %get3A_3, %get3A_6, %dot_general3A {dimension_numbers = #tpu.dot_dimension_numbers<[1], [0], [0], [1], [0, 0, 1, 1], [], []>, transpose_lhs_hint = false} : vector<512x64xf32>, vector<64x64xf32>, vector<512x64xf32> -> vector<512x64xf32>
    %swap3A = arith.constant 0 : index
    %swap3A_8 = arith.constant 0 : index
    %swap3A_9 = vector.load %arg3[%swap3A, %swap3A_8] : memref<512x64xf32, #tpu.memory_space<vmem>>, vector<512x64xf32>
    tpu.vector_store %arg3[%swap3A, %swap3A_8], %dot_general3A_7 {strides = array<i32>} : memref<512x64xf32, #tpu.memory_space<vmem>>, vector<512x64xf32>,
    return
  }
  func.func @transform_0(%arg0: i32) -> (i32, i32) {
    %c0_i32 = arith.constant 0 : i32
    %c0_i32_0 = arith.constant 0 : i32
    %c0_i32_1 = arith.constant 0 : i32
    return %c0_i32, %c0_i32_0 : i32, i32
  }
  func.func @transform_1(%arg0: i32) -> (i32, i32) {
    %c0_i32 = arith.constant 0 : i32
    %c0_i32_0 = arith.constant 0 : i32
    return %arg0, %c0_i32 : i32, i32
  }
  func.func @transform_2(%arg0: i32) -> (i32, i32) {
    %c0_i32 = arith.constant 0 : i32
    %c0_i32_0 = arith.constant 0 : i32
    return %arg0, %c0_i32 : i32, i32
  }
}

module attributes {stable_mosaic.version = 14 : i64} {
  func.func @_degu_body(%arg0: i32, %arg1: i32, %arg2: memref<512x512xf32, #tpu.memory_space<vmem>>, %arg3: memref<4096x256xf32, #tpu.memory_space<vmem>>, %arg4: memref<256x256xf32, #tpu.memory_space<vmem>>, %arg5: memref<4096x1xf32, #tpu.memory_space<vmem>>, %arg6: memref<4096x256xf32, #tpu.memory_space<vmem>>, %arg7: memref<4096x1xf32, #tpu.memory_space<vmem>>) attributes {dimension_semantics = [#tpu.dimension_semantics<arbitrary>, #tpu.dimension_semantics<arbitrary>], iteration_bounds = array<i64: 8, 8>, scalar_prefetch = 0 : i64, scratch_operands = 1 : i64, tpu.core_type = #tpu.core_type<tc>, window_params = [{transform_indices = @transform_0, window_bounds = array<i64: 512, 512>}, {pipeline_mode = #tpu.pipeline_mode<synchronous>, transform_indices = @transform_1, window_bounds = array<i64: 4096, 256>}, {pipeline_mode = #tpu.pipeline_mode<synchronous>, transform_indices = @transform_2, window_bounds = array<i64: 256, 256>}, {pipeline_mode = #tpu.pipeline_mode<synchronous>, transform_indices = @transform_3, window_bounds = array<i64: 4096, 1>}, {pipeline_mode = #tpu.pipeline_mode<synchronous>, transform_indices = @transform_4, window_bounds = array<i64: 4096, 256>}]} {
    %eq3A = arith.constant 0 : i32
    %eq3A_0 = arith.cmpi eq, %arg0, %eq3A : i32
    %eq3A_1 = arith.constant 0 : i32
    %eq3A_2 = arith.cmpi eq, %arg1, %eq3A_1 : i32
    %and3A = arith.andi %eq3A_0, %eq3A_2 : i1
    %convert_element_type3A = arith.extui %and3A : i1 to i32
    %cond3A = arith.constant 0 : i32
    %cond3A_3 = arith.cmpi ne, %convert_element_type3A, %cond3A : i32
    scf.if %cond3A_3 {
      %broadcast_in_dim3A_39 = arith.constant 0.000000e+00 : f32
      %broadcast_in_dim3A_40 = vector.broadcast %broadcast_in_dim3A_39 : f32 to vector<4096x1xf32>
      %swap3A_41 = arith.constant 0 : index
      %swap3A_42 = arith.constant 0 : index
      %swap3A_43 = vector.load %arg7[%swap3A_41, %swap3A_42] : memref<4096x1xf32, #tpu.memory_space<vmem>>, vector<4096x1xf32>
      tpu.vector_store %arg7[%swap3A_41, %swap3A_42], %broadcast_in_dim3A_40 {strides = array<i32>} : memref<4096x1xf32, #tpu.memory_space<vmem>>, vector<4096x1xf32>,
    } else {
    }
    %get3A = arith.constant 0 : index
    %get3A_4 = arith.constant 0 : index
    %get3A_5 = vector.load %arg2[%get3A, %get3A_4] : memref<512x512xf32, #tpu.memory_space<vmem>>, vector<512x512xf32>
    %broadcast_in_dim3A = arith.constant 1.000000e+00 : f32
    %broadcast_in_dim3A_6 = vector.broadcast %broadcast_in_dim3A : f32 to vector<512x1xf32>
    %dot_general3A = arith.constant dense<0.000000e+00> : vector<512x1xf32>
    %dot_general3A_7 = tpu.matmul %get3A_5, %broadcast_in_dim3A_6, %dot_general3A {dimension_numbers = #tpu.dot_dimension_numbers<[1], [0], [0], [1], [0, 0, 1, 1], [], []>, transpose_lhs_hint = false} : vector<512x512xf32>, vector<512x1xf32>, vector<512x1xf32> -> vector<512x1xf32>
    %dot_general3A_8 = arith.constant dense<0.000000e+00> : vector<512x1xf32>
    %dot_general3A_9 = tpu.matmul %get3A_5, %broadcast_in_dim3A_6, %dot_general3A_8 {dimension_numbers = #tpu.dot_dimension_numbers<[0], [0], [1], [1], [0, 1, 1, 1], [], []>, transpose_lhs_hint = false} : vector<512x512xf32>, vector<512x1xf32>, vector<512x1xf32> -> vector<512x1xf32>
    %mul3A = arith.constant 512 : i32
    %mul3A_10 = arith.muli %arg0, %mul3A : i32
    %get3A_11 = arith.index_cast %mul3A_10 : i32 to index
    %get3A_12 = arith.constant 0 : index
    %get3A_13 = vector.load %arg7[%get3A_11, %get3A_12] : memref<4096x1xf32, #tpu.memory_space<vmem>>, vector<512x1xf32>
    %mul3A_14 = arith.constant 5.000000e-01 : f32
    %mul3A_15 = vector.broadcast %mul3A_14 : f32 to vector<512x1xf32>
    %mul3A_16 = arith.mulf %mul3A_15, %dot_general3A_7 : vector<512x1xf32>
    %add3A = arith.addf %get3A_13, %mul3A_16 : vector<512x1xf32>
    %swap3A = arith.index_cast %mul3A_10 : i32 to index
    %swap3A_17 = arith.constant 0 : index
    %swap3A_18 = vector.load %arg7[%swap3A, %swap3A_17] : memref<4096x1xf32, #tpu.memory_space<vmem>>, vector<512x1xf32>
    tpu.vector_store %arg7[%swap3A, %swap3A_17], %add3A {strides = array<i32>} : memref<4096x1xf32, #tpu.memory_space<vmem>>, vector<512x1xf32>,
    %mul3A_19 = arith.constant 512 : i32
    %mul3A_20 = arith.muli %arg1, %mul3A_19 : i32
    %get3A_21 = arith.index_cast %mul3A_20 : i32 to index
    %get3A_22 = arith.constant 0 : index
    %get3A_23 = vector.load %arg7[%get3A_21, %get3A_22] : memref<4096x1xf32, #tpu.memory_space<vmem>>, vector<512x1xf32>
    %mul3A_24 = arith.constant 5.000000e-01 : f32
    %mul3A_25 = vector.broadcast %mul3A_24 : f32 to vector<512x1xf32>
    %mul3A_26 = arith.mulf %mul3A_25, %dot_general3A_9 : vector<512x1xf32>
    %add3A_27 = arith.addf %get3A_23, %mul3A_26 : vector<512x1xf32>
    %swap3A_28 = arith.index_cast %mul3A_20 : i32 to index
    %swap3A_29 = arith.constant 0 : index
    %swap3A_30 = vector.load %arg7[%swap3A_28, %swap3A_29] : memref<4096x1xf32, #tpu.memory_space<vmem>>, vector<512x1xf32>
    tpu.vector_store %arg7[%swap3A_28, %swap3A_29], %add3A_27 {strides = array<i32>} : memref<4096x1xf32, #tpu.memory_space<vmem>>, vector<512x1xf32>,
    %eq3A_31 = arith.constant 7 : i32
    %eq3A_32 = arith.cmpi eq, %arg0, %eq3A_31 : i32
    %eq3A_33 = arith.constant 7 : i32
    %eq3A_34 = arith.cmpi eq, %arg1, %eq3A_33 : i32
    %and3A_35 = arith.andi %eq3A_32, %eq3A_34 : i1
    %convert_element_type3A_36 = arith.extui %and3A_35 : i1 to i32
    %cond3A_37 = arith.constant 0 : i32
    %cond3A_38 = arith.cmpi ne, %convert_element_type3A_36, %cond3A_37 : i32
    scf.if %cond3A_38 {
      %get3A_39 = arith.constant 0 : index
      %get3A_40 = arith.constant 0 : index
      %get3A_41 = vector.load %arg7[%get3A_39, %get3A_40] : memref<4096x1xf32, #tpu.memory_space<vmem>>, vector<4096x1xf32>
      %add3A_42 = arith.constant 1.000000e+00 : f32
      %add3A_43 = vector.broadcast %add3A_42 : f32 to vector<4096x1xf32>
      %add3A_44 = arith.addf %get3A_41, %add3A_43 : vector<4096x1xf32>
      %add3A_45 = arith.constant 9.99999993E-9 : f32
      %add3A_46 = vector.broadcast %add3A_45 : f32 to vector<4096x1xf32>
      %add3A_47 = arith.addf %add3A_44, %add3A_46 : vector<4096x1xf32>
      %rsqrt3A = math.rsqrt %add3A_47 : vector<4096x1xf32>
      %swap3A_48 = arith.constant 0 : index
      %swap3A_49 = arith.constant 0 : index
      %swap3A_50 = vector.load %arg5[%swap3A_48, %swap3A_49] : memref<4096x1xf32, #tpu.memory_space<vmem>>, vector<4096x1xf32>
      tpu.vector_store %arg5[%swap3A_48, %swap3A_49], %rsqrt3A {strides = array<i32>} : memref<4096x1xf32, #tpu.memory_space<vmem>>, vector<4096x1xf32>,
      %get3A_51 = arith.constant 0 : index
      %get3A_52 = arith.constant 0 : index
      %get3A_53 = vector.load %arg3[%get3A_51, %get3A_52] : memref<4096x256xf32, #tpu.memory_space<vmem>>, vector<4096x256xf32>
      %get3A_54 = arith.constant 0 : index
      %get3A_55 = arith.constant 0 : index
      %get3A_56 = vector.load %arg4[%get3A_54, %get3A_55] : memref<256x256xf32, #tpu.memory_space<vmem>>, vector<256x256xf32>
      %dot_general3A_57 = arith.constant dense<0.000000e+00> : vector<4096x256xf32>
      %dot_general3A_58 = tpu.matmul %get3A_53, %get3A_56, %dot_general3A_57 {dimension_numbers = #tpu.dot_dimension_numbers<[1], [0], [0], [1], [0, 0, 1, 1], [], []>, transpose_lhs_hint = false} : vector<4096x256xf32>, vector<256x256xf32>, vector<4096x256xf32> -> vector<4096x256xf32>
      %mul3A_59 = vector.broadcast %rsqrt3A : vector<4096x1xf32> to vector<4096x256xf32>
      %mul3A_60 = arith.mulf %mul3A_59, %dot_general3A_58 : vector<4096x256xf32>
      %swap3A_61 = arith.constant 0 : index
      %swap3A_62 = arith.constant 0 : index
      %swap3A_63 = vector.load %arg6[%swap3A_61, %swap3A_62] : memref<4096x256xf32, #tpu.memory_space<vmem>>, vector<4096x256xf32>
      tpu.vector_store %arg6[%swap3A_61, %swap3A_62], %mul3A_60 {strides = array<i32>} : memref<4096x256xf32, #tpu.memory_space<vmem>>, vector<4096x256xf32>,
    } else {
    }
    return
  }
  func.func @transform_0(%arg0: i32, %arg1: i32) -> (i32, i32) {
    %c0_i32 = arith.constant 0 : i32
    return %arg0, %arg1 : i32, i32
  }
  func.func @transform_1(%arg0: i32, %arg1: i32) -> (i32, i32) {
    %c0_i32 = arith.constant 0 : i32
    %c0_i32_0 = arith.constant 0 : i32
    %c0_i32_1 = arith.constant 0 : i32
    return %c0_i32, %c0_i32_0 : i32, i32
  }
  func.func @transform_2(%arg0: i32, %arg1: i32) -> (i32, i32) {
    %c0_i32 = arith.constant 0 : i32
    %c0_i32_0 = arith.constant 0 : i32
    %c0_i32_1 = arith.constant 0 : i32
    return %c0_i32, %c0_i32_0 : i32, i32
  }
  func.func @transform_3(%arg0: i32, %arg1: i32) -> (i32, i32) {
    %c0_i32 = arith.constant 0 : i32
    %c0_i32_0 = arith.constant 0 : i32
    %c0_i32_1 = arith.constant 0 : i32
    return %c0_i32, %c0_i32_0 : i32, i32
  }
  func.func @transform_4(%arg0: i32, %arg1: i32) -> (i32, i32) {
    %c0_i32 = arith.constant 0 : i32
    %c0_i32_0 = arith.constant 0 : i32
    %c0_i32_1 = arith.constant 0 : i32
    return %c0_i32, %c0_i32_0 : i32, i32
  }
}

module attributes {stable_mosaic.version = 14 : i64} {
  func.func @_graph1_body(%arg0: i32, %arg1: i32, %arg2: memref<512x512xf32, #tpu.memory_space<vmem>>, %arg3: memref<4096x256xf32, #tpu.memory_space<vmem>>, %arg4: memref<4096x1xf32, #tpu.memory_space<vmem>>, %arg5: memref<256x64xf32, #tpu.memory_space<vmem>>, %arg6: memref<4096x64xf32, #tpu.memory_space<vmem>>, %arg7: memref<4096x256xf32, #tpu.memory_space<vmem>>) attributes {dimension_semantics = [#tpu.dimension_semantics<arbitrary>, #tpu.dimension_semantics<arbitrary>], iteration_bounds = array<i64: 8, 8>, scalar_prefetch = 0 : i64, scratch_operands = 1 : i64, tpu.core_type = #tpu.core_type<tc>, window_params = [{transform_indices = @transform_0, window_bounds = array<i64: 512, 512>}, {pipeline_mode = #tpu.pipeline_mode<synchronous>, transform_indices = @transform_1, window_bounds = array<i64: 4096, 256>}, {pipeline_mode = #tpu.pipeline_mode<synchronous>, transform_indices = @transform_2, window_bounds = array<i64: 4096, 1>}, {pipeline_mode = #tpu.pipeline_mode<synchronous>, transform_indices = @transform_3, window_bounds = array<i64: 256, 64>}, {pipeline_mode = #tpu.pipeline_mode<synchronous>, transform_indices = @transform_4, window_bounds = array<i64: 4096, 64>}]} {
    %eq3A = arith.constant 0 : i32
    %eq3A_0 = arith.cmpi eq, %arg0, %eq3A : i32
    %eq3A_1 = arith.constant 0 : i32
    %eq3A_2 = arith.cmpi eq, %arg1, %eq3A_1 : i32
    %and3A = arith.andi %eq3A_0, %eq3A_2 : i1
    %convert_element_type3A = arith.extui %and3A : i1 to i32
    %cond3A = arith.constant 0 : i32
    %cond3A_3 = arith.cmpi ne, %convert_element_type3A, %cond3A : i32
    scf.if %cond3A_3 {
      %broadcast_in_dim3A = arith.constant 0.000000e+00 : f32
      %broadcast_in_dim3A_48 = vector.broadcast %broadcast_in_dim3A : f32 to vector<4096x256xf32>
      %swap3A_49 = arith.constant 0 : index
      %swap3A_50 = arith.constant 0 : index
      %swap3A_51 = vector.load %arg7[%swap3A_49, %swap3A_50] : memref<4096x256xf32, #tpu.memory_space<vmem>>, vector<4096x256xf32>
      tpu.vector_store %arg7[%swap3A_49, %swap3A_50], %broadcast_in_dim3A_48 {strides = array<i32>} : memref<4096x256xf32, #tpu.memory_space<vmem>>, vector<4096x256xf32>,
    } else {
    }
    %get3A = arith.constant 0 : index
    %get3A_4 = arith.constant 0 : index
    %get3A_5 = vector.load %arg2[%get3A, %get3A_4] : memref<512x512xf32, #tpu.memory_space<vmem>>, vector<512x512xf32>
    %mul3A = arith.constant 512 : i32
    %mul3A_6 = arith.muli %arg0, %mul3A : i32
    %get3A_7 = arith.index_cast %mul3A_6 : i32 to index
    %get3A_8 = arith.constant 0 : index
    %get3A_9 = vector.load %arg7[%get3A_7, %get3A_8] : memref<4096x256xf32, #tpu.memory_space<vmem>>, vector<512x256xf32>
    %mul3A_10 = arith.constant 512 : i32
    %mul3A_11 = arith.muli %arg1, %mul3A_10 : i32
    %get3A_12 = arith.index_cast %mul3A_11 : i32 to index
    %get3A_13 = arith.constant 0 : index
    %get3A_14 = vector.load %arg3[%get3A_12, %get3A_13] : memref<4096x256xf32, #tpu.memory_space<vmem>>, vector<512x256xf32>
    %dot_general3A = arith.constant dense<0.000000e+00> : vector<512x256xf32>
    %dot_general3A_15 = tpu.matmul %get3A_5, %get3A_14, %dot_general3A {dimension_numbers = #tpu.dot_dimension_numbers<[1], [0], [0], [1], [0, 0, 1, 1], [], []>, transpose_lhs_hint = false} : vector<512x512xf32>, vector<512x256xf32>, vector<512x256xf32> -> vector<512x256xf32>
    %mul3A_16 = arith.constant 5.000000e-01 : f32
    %mul3A_17 = vector.broadcast %mul3A_16 : f32 to vector<512x256xf32>
    %mul3A_18 = arith.mulf %mul3A_17, %dot_general3A_15 : vector<512x256xf32>
    %add3A = arith.addf %get3A_9, %mul3A_18 : vector<512x256xf32>
    %swap3A = arith.index_cast %mul3A_6 : i32 to index
    %swap3A_19 = arith.constant 0 : index
    %swap3A_20 = vector.load %arg7[%swap3A, %swap3A_19] : memref<4096x256xf32, #tpu.memory_space<vmem>>, vector<512x256xf32>
    tpu.vector_store %arg7[%swap3A, %swap3A_19], %add3A {strides = array<i32>} : memref<4096x256xf32, #tpu.memory_space<vmem>>, vector<512x256xf32>,
    %mul3A_21 = arith.constant 512 : i32
    %mul3A_22 = arith.muli %arg1, %mul3A_21 : i32
    %get3A_23 = arith.index_cast %mul3A_22 : i32 to index
    %get3A_24 = arith.constant 0 : index
    %get3A_25 = vector.load %arg7[%get3A_23, %get3A_24] : memref<4096x256xf32, #tpu.memory_space<vmem>>, vector<512x256xf32>
    %mul3A_26 = arith.constant 512 : i32
    %mul3A_27 = arith.muli %arg0, %mul3A_26 : i32
    %get3A_28 = arith.index_cast %mul3A_27 : i32 to index
    %get3A_29 = arith.constant 0 : index
    %get3A_30 = vector.load %arg3[%get3A_28, %get3A_29] : memref<4096x256xf32, #tpu.memory_space<vmem>>, vector<512x256xf32>
    %dot_general3A_31 = arith.constant dense<0.000000e+00> : vector<512x256xf32>
    %dot_general3A_32 = tpu.matmul %get3A_5, %get3A_30, %dot_general3A_31 {dimension_numbers = #tpu.dot_dimension_numbers<[0], [0], [1], [1], [0, 1, 1, 1], [], []>, transpose_lhs_hint = false} : vector<512x512xf32>, vector<512x256xf32>, vector<512x256xf32> -> vector<512x256xf32>
    %mul3A_33 = arith.constant 5.000000e-01 : f32
    %mul3A_34 = vector.broadcast %mul3A_33 : f32 to vector<512x256xf32>
    %mul3A_35 = arith.mulf %mul3A_34, %dot_general3A_32 : vector<512x256xf32>
    %add3A_36 = arith.addf %get3A_25, %mul3A_35 : vector<512x256xf32>
    %swap3A_37 = arith.index_cast %mul3A_22 : i32 to index
    %swap3A_38 = arith.constant 0 : index
    %swap3A_39 = vector.load %arg7[%swap3A_37, %swap3A_38] : memref<4096x256xf32, #tpu.memory_space<vmem>>, vector<512x256xf32>
    tpu.vector_store %arg7[%swap3A_37, %swap3A_38], %add3A_36 {strides = array<i32>} : memref<4096x256xf32, #tpu.memory_space<vmem>>, vector<512x256xf32>,
    %eq3A_40 = arith.constant 7 : i32
    %eq3A_41 = arith.cmpi eq, %arg0, %eq3A_40 : i32
    %eq3A_42 = arith.constant 7 : i32
    %eq3A_43 = arith.cmpi eq, %arg1, %eq3A_42 : i32
    %and3A_44 = arith.andi %eq3A_41, %eq3A_43 : i1
    %convert_element_type3A_45 = arith.extui %and3A_44 : i1 to i32
    %cond3A_46 = arith.constant 0 : i32
    %cond3A_47 = arith.cmpi ne, %convert_element_type3A_45, %cond3A_46 : i32
    scf.if %cond3A_47 {
      %get3A_48 = arith.constant 0 : index
      %get3A_49 = arith.constant 0 : index
      %get3A_50 = vector.load %arg4[%get3A_48, %get3A_49] : memref<4096x1xf32, #tpu.memory_space<vmem>>, vector<4096x1xf32>
      %get3A_51 = arith.constant 0 : index
      %get3A_52 = arith.constant 0 : index
      %get3A_53 = vector.load %arg7[%get3A_51, %get3A_52] : memref<4096x256xf32, #tpu.memory_space<vmem>>, vector<4096x256xf32>
      %get3A_54 = arith.constant 0 : index
      %get3A_55 = arith.constant 0 : index
      %get3A_56 = vector.load %arg3[%get3A_54, %get3A_55] : memref<4096x256xf32, #tpu.memory_space<vmem>>, vector<4096x256xf32>
      %add3A_57 = arith.addf %get3A_53, %get3A_56 : vector<4096x256xf32>
      %mul3A_58 = vector.broadcast %get3A_50 : vector<4096x1xf32> to vector<4096x256xf32>
      %mul3A_59 = arith.mulf %mul3A_58, %add3A_57 : vector<4096x256xf32>
      %max3A = arith.constant 0.000000e+00 : f32
      %max3A_60 = vector.broadcast %max3A : f32 to vector<4096x256xf32>
      %max3A_61 = arith.maximumf %mul3A_59, %max3A_60 : vector<4096x256xf32>
      %get3A_62 = arith.constant 0 : index
      %get3A_63 = arith.constant 0 : index
      %get3A_64 = vector.load %arg5[%get3A_62, %get3A_63] : memref<256x64xf32, #tpu.memory_space<vmem>>, vector<256x64xf32>
      %dot_general3A_65 = arith.constant dense<0.000000e+00> : vector<4096x64xf32>
      %dot_general3A_66 = tpu.matmul %max3A_61, %get3A_64, %dot_general3A_65 {dimension_numbers = #tpu.dot_dimension_numbers<[1], [0], [0], [1], [0, 0, 1, 1], [], []>, transpose_lhs_hint = false} : vector<4096x256xf32>, vector<256x64xf32>, vector<4096x64xf32> -> vector<4096x64xf32>
      %mul3A_67 = vector.broadcast %get3A_50 : vector<4096x1xf32> to vector<4096x64xf32>
      %mul3A_68 = arith.mulf %mul3A_67, %dot_general3A_66 : vector<4096x64xf32>
      %swap3A_69 = arith.constant 0 : index
      %swap3A_70 = arith.constant 0 : index
      %swap3A_71 = vector.load %arg6[%swap3A_69, %swap3A_70] : memref<4096x64xf32, #tpu.memory_space<vmem>>, vector<4096x64xf32>
      tpu.vector_store %arg6[%swap3A_69, %swap3A_70], %mul3A_68 {strides = array<i32>} : memref<4096x64xf32, #tpu.memory_space<vmem>>, vector<4096x64xf32>,
    } else {
    }
    return
  }
  func.func @transform_0(%arg0: i32, %arg1: i32) -> (i32, i32) {
    %c0_i32 = arith.constant 0 : i32
    return %arg0, %arg1 : i32, i32
  }
  func.func @transform_1(%arg0: i32, %arg1: i32) -> (i32, i32) {
    %c0_i32 = arith.constant 0 : i32
    %c0_i32_0 = arith.constant 0 : i32
    %c0_i32_1 = arith.constant 0 : i32
    return %c0_i32, %c0_i32_0 : i32, i32
  }
  func.func @transform_2(%arg0: i32, %arg1: i32) -> (i32, i32) {
    %c0_i32 = arith.constant 0 : i32
    %c0_i32_0 = arith.constant 0 : i32
    %c0_i32_1 = arith.constant 0 : i32
    return %c0_i32, %c0_i32_0 : i32, i32
  }
  func.func @transform_3(%arg0: i32, %arg1: i32) -> (i32, i32) {
    %c0_i32 = arith.constant 0 : i32
    %c0_i32_0 = arith.constant 0 : i32
    %c0_i32_1 = arith.constant 0 : i32
    return %c0_i32, %c0_i32_0 : i32, i32
  }
  func.func @transform_4(%arg0: i32, %arg1: i32) -> (i32, i32) {
    %c0_i32 = arith.constant 0 : i32
    %c0_i32_0 = arith.constant 0 : i32
    %c0_i32_1 = arith.constant 0 : i32
    return %c0_i32, %c0_i32_0 : i32, i32
  }
}

module attributes {stable_mosaic.version = 14 : i64} {
  func.func @_graph2_body(%arg0: i32, %arg1: i32, %arg2: memref<512x512xf32, #tpu.memory_space<vmem>>, %arg3: memref<4096x64xf32, #tpu.memory_space<vmem>>, %arg4: memref<4096x1xf32, #tpu.memory_space<vmem>>, %arg5: memref<4096x64xf32, #tpu.memory_space<vmem>>) attributes {dimension_semantics = [#tpu.dimension_semantics<arbitrary>, #tpu.dimension_semantics<arbitrary>], iteration_bounds = array<i64: 8, 8>, scalar_prefetch = 0 : i64, scratch_operands = 0 : i64, tpu.core_type = #tpu.core_type<tc>, window_params = [{transform_indices = @transform_0, window_bounds = array<i64: 512, 512>}, {pipeline_mode = #tpu.pipeline_mode<synchronous>, transform_indices = @transform_1, window_bounds = array<i64: 4096, 64>}, {pipeline_mode = #tpu.pipeline_mode<synchronous>, transform_indices = @transform_2, window_bounds = array<i64: 4096, 1>}, {pipeline_mode = #tpu.pipeline_mode<synchronous>, transform_indices = @transform_3, window_bounds = array<i64: 4096, 64>}]} {
    %eq3A = arith.constant 0 : i32
    %eq3A_0 = arith.cmpi eq, %arg0, %eq3A : i32
    %eq3A_1 = arith.constant 0 : i32
    %eq3A_2 = arith.cmpi eq, %arg1, %eq3A_1 : i32
    %and3A = arith.andi %eq3A_0, %eq3A_2 : i1
    %convert_element_type3A = arith.extui %and3A : i1 to i32
    %cond3A = arith.constant 0 : i32
    %cond3A_3 = arith.cmpi ne, %convert_element_type3A, %cond3A : i32
    scf.if %cond3A_3 {
      %broadcast_in_dim3A = arith.constant 0.000000e+00 : f32
      %broadcast_in_dim3A_48 = vector.broadcast %broadcast_in_dim3A : f32 to vector<4096x64xf32>
      %swap3A_49 = arith.constant 0 : index
      %swap3A_50 = arith.constant 0 : index
      %swap3A_51 = vector.load %arg5[%swap3A_49, %swap3A_50] : memref<4096x64xf32, #tpu.memory_space<vmem>>, vector<4096x64xf32>
      tpu.vector_store %arg5[%swap3A_49, %swap3A_50], %broadcast_in_dim3A_48 {strides = array<i32>} : memref<4096x64xf32, #tpu.memory_space<vmem>>, vector<4096x64xf32>,
    } else {
    }
    %get3A = arith.constant 0 : index
    %get3A_4 = arith.constant 0 : index
    %get3A_5 = vector.load %arg2[%get3A, %get3A_4] : memref<512x512xf32, #tpu.memory_space<vmem>>, vector<512x512xf32>
    %mul3A = arith.constant 512 : i32
    %mul3A_6 = arith.muli %arg0, %mul3A : i32
    %get3A_7 = arith.index_cast %mul3A_6 : i32 to index
    %get3A_8 = arith.constant 0 : index
    %get3A_9 = vector.load %arg5[%get3A_7, %get3A_8] : memref<4096x64xf32, #tpu.memory_space<vmem>>, vector<512x64xf32>
    %mul3A_10 = arith.constant 512 : i32
    %mul3A_11 = arith.muli %arg1, %mul3A_10 : i32
    %get3A_12 = arith.index_cast %mul3A_11 : i32 to index
    %get3A_13 = arith.constant 0 : index
    %get3A_14 = vector.load %arg3[%get3A_12, %get3A_13] : memref<4096x64xf32, #tpu.memory_space<vmem>>, vector<512x64xf32>
    %dot_general3A = arith.constant dense<0.000000e+00> : vector<512x64xf32>
    %dot_general3A_15 = tpu.matmul %get3A_5, %get3A_14, %dot_general3A {dimension_numbers = #tpu.dot_dimension_numbers<[1], [0], [0], [1], [0, 0, 1, 1], [], []>, transpose_lhs_hint = false} : vector<512x512xf32>, vector<512x64xf32>, vector<512x64xf32> -> vector<512x64xf32>
    %mul3A_16 = arith.constant 5.000000e-01 : f32
    %mul3A_17 = vector.broadcast %mul3A_16 : f32 to vector<512x64xf32>
    %mul3A_18 = arith.mulf %mul3A_17, %dot_general3A_15 : vector<512x64xf32>
    %add3A = arith.addf %get3A_9, %mul3A_18 : vector<512x64xf32>
    %swap3A = arith.index_cast %mul3A_6 : i32 to index
    %swap3A_19 = arith.constant 0 : index
    %swap3A_20 = vector.load %arg5[%swap3A, %swap3A_19] : memref<4096x64xf32, #tpu.memory_space<vmem>>, vector<512x64xf32>
    tpu.vector_store %arg5[%swap3A, %swap3A_19], %add3A {strides = array<i32>} : memref<4096x64xf32, #tpu.memory_space<vmem>>, vector<512x64xf32>,
    %mul3A_21 = arith.constant 512 : i32
    %mul3A_22 = arith.muli %arg1, %mul3A_21 : i32
    %get3A_23 = arith.index_cast %mul3A_22 : i32 to index
    %get3A_24 = arith.constant 0 : index
    %get3A_25 = vector.load %arg5[%get3A_23, %get3A_24] : memref<4096x64xf32, #tpu.memory_space<vmem>>, vector<512x64xf32>
    %mul3A_26 = arith.constant 512 : i32
    %mul3A_27 = arith.muli %arg0, %mul3A_26 : i32
    %get3A_28 = arith.index_cast %mul3A_27 : i32 to index
    %get3A_29 = arith.constant 0 : index
    %get3A_30 = vector.load %arg3[%get3A_28, %get3A_29] : memref<4096x64xf32, #tpu.memory_space<vmem>>, vector<512x64xf32>
    %dot_general3A_31 = arith.constant dense<0.000000e+00> : vector<512x64xf32>
    %dot_general3A_32 = tpu.matmul %get3A_5, %get3A_30, %dot_general3A_31 {dimension_numbers = #tpu.dot_dimension_numbers<[0], [0], [1], [1], [0, 1, 1, 1], [], []>, transpose_lhs_hint = false} : vector<512x512xf32>, vector<512x64xf32>, vector<512x64xf32> -> vector<512x64xf32>
    %mul3A_33 = arith.constant 5.000000e-01 : f32
    %mul3A_34 = vector.broadcast %mul3A_33 : f32 to vector<512x64xf32>
    %mul3A_35 = arith.mulf %mul3A_34, %dot_general3A_32 : vector<512x64xf32>
    %add3A_36 = arith.addf %get3A_25, %mul3A_35 : vector<512x64xf32>
    %swap3A_37 = arith.index_cast %mul3A_22 : i32 to index
    %swap3A_38 = arith.constant 0 : index
    %swap3A_39 = vector.load %arg5[%swap3A_37, %swap3A_38] : memref<4096x64xf32, #tpu.memory_space<vmem>>, vector<512x64xf32>
    tpu.vector_store %arg5[%swap3A_37, %swap3A_38], %add3A_36 {strides = array<i32>} : memref<4096x64xf32, #tpu.memory_space<vmem>>, vector<512x64xf32>,
    %eq3A_40 = arith.constant 7 : i32
    %eq3A_41 = arith.cmpi eq, %arg0, %eq3A_40 : i32
    %eq3A_42 = arith.constant 7 : i32
    %eq3A_43 = arith.cmpi eq, %arg1, %eq3A_42 : i32
    %and3A_44 = arith.andi %eq3A_41, %eq3A_43 : i1
    %convert_element_type3A_45 = arith.extui %and3A_44 : i1 to i32
    %cond3A_46 = arith.constant 0 : i32
    %cond3A_47 = arith.cmpi ne, %convert_element_type3A_45, %cond3A_46 : i32
    scf.if %cond3A_47 {
      %get3A_48 = arith.constant 0 : index
      %get3A_49 = arith.constant 0 : index
      %get3A_50 = vector.load %arg4[%get3A_48, %get3A_49] : memref<4096x1xf32, #tpu.memory_space<vmem>>, vector<4096x1xf32>
      %get3A_51 = arith.constant 0 : index
      %get3A_52 = arith.constant 0 : index
      %get3A_53 = vector.load %arg5[%get3A_51, %get3A_52] : memref<4096x64xf32, #tpu.memory_space<vmem>>, vector<4096x64xf32>
      %get3A_54 = arith.constant 0 : index
      %get3A_55 = arith.constant 0 : index
      %get3A_56 = vector.load %arg3[%get3A_54, %get3A_55] : memref<4096x64xf32, #tpu.memory_space<vmem>>, vector<4096x64xf32>
      %add3A_57 = arith.addf %get3A_53, %get3A_56 : vector<4096x64xf32>
      %mul3A_58 = vector.broadcast %get3A_50 : vector<4096x1xf32> to vector<4096x64xf32>
      %mul3A_59 = arith.mulf %mul3A_58, %add3A_57 : vector<4096x64xf32>
      %swap3A_60 = arith.constant 0 : index
      %swap3A_61 = arith.constant 0 : index
      %swap3A_62 = vector.load %arg5[%swap3A_60, %swap3A_61] : memref<4096x64xf32, #tpu.memory_space<vmem>>, vector<4096x64xf32>
      tpu.vector_store %arg5[%swap3A_60, %swap3A_61], %mul3A_59 {strides = array<i32>} : memref<4096x64xf32, #tpu.memory_space<vmem>>, vector<4096x64xf32>,
    } else {
    }
    return
  }
  func.func @transform_0(%arg0: i32, %arg1: i32) -> (i32, i32) {
    %c0_i32 = arith.constant 0 : i32
    return %arg0, %arg1 : i32, i32
  }
  func.func @transform_1(%arg0: i32, %arg1: i32) -> (i32, i32) {
    %c0_i32 = arith.constant 0 : i32
    %c0_i32_0 = arith.constant 0 : i32
    %c0_i32_1 = arith.constant 0 : i32
    return %c0_i32, %c0_i32_0 : i32, i32
  }
  func.func @transform_2(%arg0: i32, %arg1: i32) -> (i32, i32) {
    %c0_i32 = arith.constant 0 : i32
    %c0_i32_0 = arith.constant 0 : i32
    %c0_i32_1 = arith.constant 0 : i32
    return %c0_i32, %c0_i32_0 : i32, i32
  }
  func.func @transform_3(%arg0: i32, %arg1: i32) -> (i32, i32) {
    %c0_i32 = arith.constant 0 : i32
    %c0_i32_0 = arith.constant 0 : i32
    %c0_i32_1 = arith.constant 0 : i32
    return %c0_i32, %c0_i32_0 : i32, i32
  }
}

module attributes {stable_mosaic.version = 14 : i64} {
  func.func @_relayout_body(%arg0: i32, %arg1: memref<2097152xf32, #tpu.memory_space<vmem>>, %arg2: memref<512x4096xf32, #tpu.memory_space<vmem>>) attributes {dimension_semantics = [#tpu.dimension_semantics<arbitrary>], iteration_bounds = array<i64: 8>, scalar_prefetch = 0 : i64, scratch_operands = 0 : i64, tpu.core_type = #tpu.core_type<tc>, window_params = [{transform_indices = @transform_0, window_bounds = array<i64: 2097152>}, {transform_indices = @transform_1, window_bounds = array<i64: 512, 4096>}]} {
    %get3A = arith.constant 0 : index
    %get3A_0 = vector.load %arg1[%get3A] : memref<2097152xf32, #tpu.memory_space<vmem>>, vector<2097152xf32>
    %reshape3A = vector.shape_cast %get3A_0 : vector<2097152xf32> to vector<512x4096xf32>
    %swap3A = arith.constant 0 : index
    %swap3A_1 = arith.constant 0 : index
    %swap3A_2 = vector.load %arg2[%swap3A, %swap3A_1] : memref<512x4096xf32, #tpu.memory_space<vmem>>, vector<512x4096xf32>
    tpu.vector_store %arg2[%swap3A, %swap3A_1], %reshape3A {strides = array<i32>} : memref<512x4096xf32, #tpu.memory_space<vmem>>, vector<512x4096xf32>,
    return
  }
  func.func @transform_0(%arg0: i32) -> i32 {
    %c0_i32 = arith.constant 0 : i32
    return %arg0 : i32
  }
  func.func @transform_1(%arg0: i32) -> (i32, i32) {
    %c0_i32 = arith.constant 0 : i32
    %c0_i32_0 = arith.constant 0 : i32
    return %arg0, %c0_i32 : i32, i32
  }
}

</mosaic_0001>

<sc_bundles>
// kernel: kernel.9.cloned.1.call-start
scs
__scs_entry_jumppad:
0x0: {  	(pc) =	sbr.rel $0x88, $3  }
0x1: {  	(tag) =	ssettag $0x0;
	lr =	simm.s32 $0x1  }
0x2: {  	[smem:$0x3F91] =	sst lr;
	_ =	strace $0xD0000000  }
0x3: {  	_ = 	snop  }
0x4: {  	_ = 	snop  }
0x5: {  	_ = 	snop  }
0x6: {  	_ = 	snop  }
0x7: {  	_ = 	snop  }
__scs_overlays_trampoline_lowered:
0x8: {  	[smem:$0x3FA0] =	sst s0  }
0x9: {  	[smem:$0x3FA1] =	sst s1  }
0xa: {  	[smem:$0x3FA2] =	sst s2  }
0xb: {  	[smem:$0x3FA3] =	sst s3  }
0xc: {  	[smem:$0x3FA4] =	sst s4  }
0xd: {  	[smem:$0x3FA5] =	sst s5  }
0xe: {  	[smem:$0x3FA6] =	sst s6  }
0xf: {  	[smem:$0x3FA7] =	sst s7  }
0x10: {  	[smem:$0x3FA8] =	sst s8  }
0x11: {  	[smem:$0x3FA9] =	sst s9;
	s0 =	simm.s32 @!p0 $0x0  }
0x12: {  	s1 =	sld [smem:$0x3F8F];
	s0 =	simm.s32 @p0 $0x1  }
0x13: {  	[smem:$0x3FAA] =	sst s0;
	s0 =	simm.s32 @!p1 $0x0  }
0x14: {  	s2 =	sld [smem:$0x3F8E];
	s0 =	simm.s32 @p1 $0x1  }
0x15: {  	[smem:$0x3FAB] =	sst s0;
	s0 =	simm.s32 @!p2 $0x0  }
0x16: {  	s3 =	sld [smem:$0x3FDB];
	s0 =	simm.s32 @p2 $0x1  }
0x17: {  	s4 =	simm.s32 $0x1BF5;
	[smem:$0x3FAD] =	sst s0  }
0x18: {  	s0 =	sld [smem:$0x3F90];
	_ =	swait.ge [sflag:s4], $0x0  }
0x19: {  	s7 =	sld [smem:$0x3F91]  }
0x1a: {  	s8 =	sadd.s32 $0xFFFFE003, lr  }
0x1b: {  	s9 =	sadd.s32 $0xFFFFFEF7, lr;
	s5 =	simm.s32 $0xFFFFFFFF;
	p2 =	slt.u32 s8, $0xFFFFF086  }
0x1c: {  	p1 =	slt.u32 s9, $0xF7A;
	s5 =	simm.s32 @!p2 $0x0  }
0x1d: {  	s5 =	simm.s32 @p1 $0x1;
	p0 =	seq.s32 s7, s2  }
0x1e: {  	s7 =	smul.u32 @!p0 $0xF7A, s2;
	p2 =	seq.s32 @!p0 s5, $0x0  }
0x1f: {  	s9 =	smul.u32 $0xF7A, s1;
	s8 =	simm.s32 @!p0 $0x1BF5;
	p2 =	por !p2, p0  }
0x20: {  	[sflag:s8] =	ssyncset.s32 @!p0 $0xFFFFF086;
	s6 =	sadd.s32 @!p0 s3, s7;
	s7 =	simm.s32 @!p0 $0x108  }
0x21: {  	s3 =	sadd.s32 s3, s9;
	s6 =	sadd.s32 @!p0 $0x88, s6;
	s7 =	simm.s32 @p2 $0x1082  }
0x22: {  	[simem:s7], [sflag:s8] =	dma.local @!p0 [hbm:s6], $0xF7A  }
0x23: {  	s9 =	sor.u32 $0xD0000000, s2;
	s6 =	simm.s32 $0x108;
	_ =	swait.ge @!p0 [sflag:s8], $0x0  }
0x24: {  	s3 =	sadd.s32 $0x88, s3;
	s6 =	simm.s32 @!p1 $0x1082;
	[sflag:s4] =	ssyncset.s32 $0xFFFFF086  }
0x25: {  	[simem:s6], [sflag:s4] =	dma.local [hbm:s3], $0xF7A  }
0x26: {  	[smem:$0x3F91] =	sst s1;
	(tag) =	ssettag s2;
	_ =	strace s9  }
0x27: {  	s1 =	sld [smem:$0x3FA1]  }
0x28: {  	s2 =	sld [smem:$0x3FA2]  }
0x29: {  	s4 =	sld [smem:$0x3FA4]  }
0x2a: {  	p0 =	seq.s32 s5, $0x0;
	s5 =	sld [smem:$0x3FA5]  }
0x2b: {  	s6 =	sld [smem:$0x3FA6]  }
0x2c: {  	s7 =	sld [smem:$0x3FA7]  }
0x2d: {  	s3 =	simm.s32 $0x108;
	s8 =	sld [smem:$0x3FA8]  }
0x2e: {  	s3 =	simm.s32 @!p0 $0x1082;
	s9 =	sld [smem:$0x3FA9]  }
0x2f: {  	lr =	sadd.s32 s0, s3;
	s0 =	sld [smem:$0x3FA0]  }
0x30: {  	s3 =	sld [smem:$0x3FA3]  }
0x31: {  	[smem:$0x3FAC] =	sst s10  }
0x32: {  	s10 =	sld [smem:$0x3FAA];
	_ =	sdelay $0x3  }
0x33: {  	p0 =	seq.s32 s10, $0x1;
	s10 =	sld [smem:$0x3FAC];
	_ =	sdelay $0x3  }
0x34: {  	[smem:$0x3FAC] =	sst s10  }
0x35: {  	s10 =	sld [smem:$0x3FAB];
	_ =	sdelay $0x3  }
0x36: {  	p1 =	seq.s32 s10, $0x1;
	s10 =	sld [smem:$0x3FAC];
	_ =	sdelay $0x3  }
0x37: {  	[smem:$0x3FAC] =	sst s10  }
0x38: {  	s10 =	sld [smem:$0x3FAD]  }
0x39: {  	_ = 	snop;
	(pc) =	sbr.ind lr, $3  }
0x3a: {  	_ = 	snop  }
0x3b: {  	_ = 	snop  }
0x3c: {  	p2 =	seq.s32 s10, $0x1;
	s10 =	sld [smem:$0x3FAC]  }
0x3d: {  	_ =	shalt  }
0x3e: {  	_ =	shalt  }
0x3f: {  	_ =	shalt  }
0x40: {  	_ =	shalt  }
0x41: {  	_ =	shalt  }
0x42: {  	_ =	shalt  }
0x43: {  	_ =	shalt  }
0x44: {  	_ =	shalt  }
0x45: {  	_ =	shalt  }
0x46: {  	_ =	shalt  }
0x47: {  	_ =	shalt  }
0x48: {  	_ =	shalt  }
0x49: {  	_ =	shalt  }
0x4a: {  	_ =	shalt  }
0x4b: {  	_ =	shalt  }
0x4c: {  	_ =	shalt  }
0x4d: {  	_ =	shalt  }
0x4e: {  	_ =	shalt  }
0x4f: {  	_ =	shalt  }
0x50: {  	_ =	shalt  }
0x51: {  	_ =	shalt  }
0x52: {  	_ =	shalt  }
0x53: {  	_ =	shalt  }
0x54: {  	_ =	shalt  }
0x55: {  	_ =	shalt  }
0x56: {  	_ =	shalt  }
0x57: {  	_ =	shalt  }
0x58: {  	_ =	shalt  }
0x59: {  	_ =	shalt  }
0x5a: {  	_ =	shalt  }
0x5b: {  	_ =	shalt  }
0x5c: {  	_ =	shalt  }
0x5d: {  	_ =	shalt  }
0x5e: {  	_ =	shalt  }
0x5f: {  	_ =	shalt  }
0x60: {  	_ =	shalt  }
0x61: {  	_ =	shalt  }
0x62: {  	_ =	shalt  }
0x63: {  	_ =	shalt  }
0x64: {  	_ =	shalt  }
0x65: {  	_ =	shalt  }
0x66: {  	_ =	shalt  }
0x67: {  	_ =	shalt  }
0x68: {  	_ =	shalt  }
0x69: {  	_ =	shalt  }
0x6a: {  	_ =	shalt  }
0x6b: {  	_ =	shalt  }
0x6c: {  	_ =	shalt  }
0x6d: {  	_ =	shalt  }
0x6e: {  	_ =	shalt  }
0x6f: {  	_ =	shalt  }
0x70: {  	_ =	shalt  }
0x71: {  	_ =	shalt  }
0x72: {  	_ =	shalt  }
0x73: {  	_ =	shalt  }
0x74: {  	_ =	shalt  }
0x75: {  	_ =	shalt  }
0x76: {  	_ =	shalt  }
0x77: {  	_ =	shalt  }
0x78: {  	_ =	shalt  }
0x79: {  	_ =	shalt  }
0x7a: {  	_ =	shalt  }
0x7b: {  	_ =	shalt  }
0x7c: {  	_ =	shalt  }
0x7d: {  	_ =	shalt  }
0x7e: {  	_ =	shalt  }
0x7f: {  	_ =	shalt  }
0x80: {  	_ =	shalt  }
0x81: {  	_ =	shalt  }
0x82: {  	_ =	shalt  }
0x83: {  	_ =	shalt  }
0x84: {  	_ =	shalt  }
0x85: {  	_ =	shalt  }
0x86: {  	_ =	shalt  }
0x87: {  	_ =	shalt  }
.Lfunc_end0:
.L_simem_size_0:
called_computation_lowered:
.L_overlay_start_0:
0x88: {  	s2 =	sld [smem:$0x3FD9]  }
0x89: {  	s3 =	sld [smem:$0x3FFE];
	_ =	sdelay $0x1  }
0x8a: {  	s1 =	srdreg.scid  }
0x8b: {  	s0 =	sand.u32 $0x1, s1  }
0x8c: {  	s14 =	sshll.u32 s0, $0xA;
	s2 =	sadd.s32 s3, s2  }
0x8d: {  	s2 =	sadd.s32 s2, s14  }
0x8e: {  	[smem:$0x3FB8] =	sst s2  }
0x8f: {  	_ = 	snop  }
0x90: {  	s2 =	sld [smem:$0x3FD0];
	_ =	sdelay $0x2  }
0x91: {  	s15 =	simm.s32 $0xA;
	s4 =	simm.s32 $0x10  }
0x92: {  	[smem:s4], [sflag:s15] =	dma.local [hbm:s2], $0x1  }
0x93: {  	_ =	swait.eq [sflag:s15], $0x1  }
0x94: {  	[sflag:s15] =	ssyncset.done $0x0  }
0x95: {  	s16 =	sld [smem:$0x10];
	[sflag:s15] =	ssyncadd.s32 $0xFFFFFFFF  }
0x96: {  	s17 =	sld [smem:$0x12];
	(tm) =	ssettm $0x1  }
0x97: {  	s18 =	sld [smem:$0x3FFB];
	_ =	sdelay $0x3  }
0x98: {  	_ =	strace s18  }
0x99: {  	s4 =	sld [smem:$0x3FFC];
	_ =	sdelay $0x3  }
0x9a: {  	_ =	strace s4  }
0x9b: {  	s4 =	sld [smem:$0x3FFD];
	_ =	sdelay $0x3  }
0x9c: {  	_ =	strace s4  }
0x9d: {  	_ =	strace $0x8FFFFFFF  }
0x9e: {  	s19 =	sld [smem:$0x3FDB];
	_ =	sdelay $0x1  }
0x9f: {  	s5 =	simm.s32 $_scs_section_size  }
0xa0: {  	s6 =	simm.s32 $_size__tile_overlayer_lowered;
	s7 =	simm.s32 $_tile_overlayer_lowered  }
0xa1: {  	s22 =	simm.s32 $0x1BFF;
	s21 =	sshll.u32 s7, $0x1;
	s4 =	sadd.s32 s5, s19  }
0xa2: {  	s8 =	simm.s32 $0x0;
	s20 =	sshll.u32 s6, $0x1;
	s6 =	sadd.s32 s21, s4  }
0xa3: {  	[timem:s8], [sflag:s22] =	dma.local [hbm:s6], s20  }
0xa4: {  	_ =	swait.ge [sflag:s22], s20  }
0xa5: {  	s5 =	ssub.s32 $0x0, s20;
	[sflag:s22] =	ssyncset.done $0x0  }
0xa6: {  	[sflag:s22] =	ssyncadd.s32 s5;
	_ =	sdelay $0x1  }
0xa7: {  	s23 =	simm.s32 $0x1B8B  }
0xa8: {  	_ =	swait.ge [sflag:s23], $0x1  }
0xa9: {  	[sflag:s23] =	ssyncset.done $0x0  }
0xaa: {  	s25 =	simm.s32 $0x1B8E;
	s24 =	sld [smem:$0x3FFE];
	[sflag:s23] =	ssyncadd.s32 $0xFFFFFFFF  }
0xab: {  	s26 =	simm.s32 $execute0_lowered;
	[smem:$0x3FD2] =	sst s25  }
0xac: {  	s6 =	sshll.u32 s26, $0x1;
	_ =	strace $0x80000046;
	[dreg:$0x1] =	wrdreg $0xFFFFFFFF  }
0xad: {  	s28 =	simm.s32 $_size_execute0_lowered;
	s4 =	sadd.s32 s4, s6;
	[dreg:$0x0] =	wrdreg $0x0  }
0xae: {  	s6 =	sshll.u32 s28, $0x1;
	[dreg:$0x2] =	wrdreg s4  }
0xaf: {  	[dreg:$0x3] =	wrdreg s6  }
0xb0: {  	[dreg:$0x4] =	wrdreg $0xC0  }
0xb1: {  	_ =	task [dreg:s8], $0x5FFFF  }
0xb2: {  	[dreg:$0x1] =	wrdreg $0xFFFFFFFF  }
0xb3: {  	[dreg:$0x0] =	wrdreg $0x60  }
0xb4: {  	[dreg:$0x2] =	wrdreg s16  }
0xb5: {  	[dreg:$0x3] =	wrdreg s17  }
0xb6: {  	[dreg:$0x4] =	wrdreg s24  }
0xb7: {  	[dreg:$0x5] =	wrdreg $0x9  }
0xb8: {  	_ =	task.clear_ibuf [dreg:s8], $0x6FFFF;
	_ =	strace $0x90000046  }
0xb9: {  	s29 =	simm.s32 $0x9;
	_ =	strace $0x80000048  }
0xba: {  	_ =	swait.ge [sflag:s29], $0x1  }
0xbb: {  	[sflag:s29] =	ssyncadd.s32 $0xFFFFFFFF  }
0xbc: {  	_ =	strace $0x90000048  }
0xbd: {  	_ =	sfence  }
0xbe: {  	s30 =	sld [smem:$0x0];
	_ =	sdelay $0x2  }
0xbf: {  	s31 =	sshll.u32 s1, $0xD;
	s1 =	sshrl.u32 s1, $0x2  }
0xc0: {  	s3 =	sand.u32 $0x4000, s31;
	s1 =	sadd.s32 s1, s30  }
0xc1: {  	s0 =	sor.u32 s3, s0;
	s1 =	sshll.u32 s1, $0x11  }
0xc2: {  	s0 =	sor.u32 s1, s0  }
0xc3: {  	s0 =	sadd.s32 $0x8F2B, s0  }
0xc4: {  	[sflag:s0] =	ssyncadd.remote.s32 $0x1  }
0xc5: {  	_ =	sfence.sel $0xFFFF  }
0xc6: {  	[dreg:$0x0] =	wrdreg $0xFFFFFFFF;
	(pc) =	sbr.abs _section_cstart, $3  }
0xc7: {  	[dreg:$0x1] =	wrdreg $0xFFFFFFFF  }
0xc8: {  	_ =	task.clear_ibuf [dreg:s8], $0x2FFFF;
	_ =	strace $0x9FFFFFFF  }
0xc9: {  	(tm) =	ssettm $0x7FFFFFFF  }
tec
execute0_lowered:
.L_overlay_start_1:
0x0: {  	(tag) =	ssettag $0x1  }
0x1: {  	s1 =	rddreg [dreg:$0x0]  }
0x2: {  	s2 =	rddreg [dreg:$0x1];
	s3 =	simm.s32 $0x0  }
0x3: {  	v0 =	vimm.f32 $2.000000000e+00;
	v41 =	vimm.f32 $3.000000000e+00;
	[smem:$0x7FF] =	sst s3  }
0x4: {  	s0 =	rddreg [dreg:$0x2];
	v42 =	vimm.f32 $4.000000000e+00;
	v43 =	vimm.f32 $5.000000000e+00;
	v54 =	vimm.s32 $0x60402;
	_ =	strace $0x80000047  }
0x5: {  	v44 =	vimm.f32 $6.000000000e+00;
	(erf) = vrcp.f32 v0;
	v0 =	vunpack.c.0.s8.s32 v54  }
0x6: {  	v45 =	vimm.f32 $7.000000000e+00;
	v57 =	vimm.s32 $0x1070503;
	(erf) = vrcp.f32 v41  }
0x7: {  	v3 =	vimm.s32 $0x5030107;
	(erf) = vrcp.f32 v42;
	[tilespmem:$0x1FF50] =	vst v0;
	v0 =	vunpack.c.0.s8.s32 v57  }
0x8: {  	v46 =	vimm.f32 $8.000000000e+00;
	v59 =	vimm.s32 $0x2000604;
	v63 =	vunpack.c.0.s8.s32 v3  }
0x9: {  	v49 =	vlaneseq.u32;
	(erf) = vrcp.f32 v43;
	[tilespmem:$0x1FF70] =	vst v0;
	v0 =	vunpack.c.0.s8.s32 v59  }
0xa: {  	v61 =	vimm.s32 $0x4020006;
	v7 =	vmul.u32 $0x40, v49;
	[tilespmem:$0x1FFD0] =	vst v63;
	(erf) = vrcp.f32 v44  }
0xb: {  	v5 =	vmul.u32 $0x280, v49;
	(erf) = vrcp.f32 v45;
	[tilespmem:$0x1FF90] =	vst v0;
	v0 =	vunpack.c.0.s8.s32 v61  }
0xc: {  	v47 =	vimm.f32 $9.000000000e+00;
	[tilespmem:$0x1FFE0] =	vst v7;
	(erf) = vrcp.f32 v46  }
0xd: {  	s4 =	srdreg.scid;
	s5 =	stileid.u32;
	v48 =	vimm.f32 $1.000000000e+01;
	(erf) = vrcp.f32 v47;
	v47 =	vadd.s32 $0x80, v5;
	[tilespmem:$0x1FFC0] =	vst v0  }
0xe: {  	s16 =	simm.s32 $0xA0;
	s17 =	simm.s32 $0x500;
	s18 =	simm.s32 $0x2D00;
	(erf) = vrcp.f32 v48;
	[tilespmem:$0x1FFF0] =	vst v47;
	v1 =	vpop (erf)  }
0xf: {  	s19 =	simm.s32 $0x7D00;
	s20 =	simm.s32 $0x4;
	s21 =	simm.s32 $0x8100;
	v60 =	vimm.s32 $0x3010705;
	[tilespmem:$0x1FEF0] =	vst v1;
	v50 =	vpop (erf)  }
0x10: {  	s22 =	simm.s32 $0x5500;
	s23 =	simm.s32 $0x1;
	s24 =	simm.s32 $0x8500;
	v1 =	vunpack.c.0.s8.s32 v60;
	[tilespmem:$0x1FF00] =	vst v50;
	v51 =	vpop (erf)  }
0x11: {  	s25 =	simm.s32 $0x2;
	s28 =	simm.s32 $0x3;
	s29 =	simm.s32 $0x0;
	[tilespmem:$0x1FF10] =	vst v51  }
0x12: {  	s4 =	sand.u32 $0x1, s4;
	s5 =	sshll.u32 s5, $0x1;
	s26 =	sadd.s32 $0xB800, s0;
	v52 =	vpop (erf);
	[tilespmem:$0x1FFB0] =	vst v1  }
0x13: {  	s7 =	sadd.s32 $0xBA00, s0;
	s8 =	sadd.s32 $0x20BA00, s0;
	s11 =	sor.u32 s4, s5;
	[tilespmem:$0x1FF20] =	vst v52;
	v53 =	vpop (erf)  }
0x14: {  	s5 =	sadd.s32 $0x3800, s0;
	s4 =	ssub.s32 $0x2, s4;
	s6 =	smul.u32 $0xA0, s11;
	[tilespmem:$0x1FF30] =	vst v53;
	v55 =	vpop (erf)  }
0x15: {  	[dreg:$0x4] =	wrdreg s26;
	s26 =	simm.s32 $0x18500;
	s30 =	sshrl.u32 s4, $0x1;
	[tilespmem:$0x1FF40] =	vst v55;
	v58 =	vpop (erf)  }
0x16: {  	v38 =	vimm.f32 $0.0e+00;
	s10 =	sshll.u32 s11, $0xA;
	v8 =	vor.u32 $0x40, v5;
	v9 =	vadd.s32 $0xC0, v5;
	s11 =	sshll.u32 s11, $0x7;
	s9 =	sadd.s32 s6, s0;
	[tilespmem:$0x1FF60] =	vst v58;
	v2 =	vpop (erf)  }
0x17: {  	v11 =	vadd.s32 $0x100, v5;
	v56 =	vadd.s32 $0x140, v5;
	v15 =	vadd.s32 $0x180, v5;
	s12 =	sadd.s32 s1, s10;
	s0 =	ssub.s32 s4, s30;
	s31 =	sadd.s32 $0x2400, s9;
	[tilespmem:$0x1FF80] =	vst v2;
	v62 =	vpop (erf)  }
0x18: {  	v16 =	vadd.s32 $0x1C0, v5;
	v18 =	vadd.s32 $0x200, v5;
	v12 =	vadd.s32 $0x240, v5;
	s13 =	sadd.s32 s2, s10;
	s14 =	smax.u32 s0, $0x1;
	[dreg:$0x5] =	wrdreg s31;
	[tilespmem:$0x1FFA0] =	vst v62  }
.LBB2_1:
0x19: {  	s0 =	rddreg [dreg:$0x4];
	s4 =	simm.s32 $0x18900  }
0x1a: {  	[tilespmem:s4], [sflag:$0x4] =	stream.linear.gather [hbm4b:s0+s3], $0x10, $0x38;
	[tilespmem:$0x18910] =	vst v63  }
0x1b: {  	_ =	swait.ge [sflag:s20], $0x10  }
0x1c: {  	[sflag:s20] =	ssyncset.done $0x0  }
0x1d: {  	s31 =	rddreg [dreg:$0x5];
	[sflag:s20] =	ssyncadd.s32 $0xFFFFFFF0  }
0x1e: {  	v0 =	vld [tilespmem:$0x18900];
	[tilespmem:s3], [sflag:$0x4] =	stream.linear.gather [hbm4b:s31+s3], $0x500, $0x38  }
0x1f: {  	_ =	swait.ge [sflag:s20], $0x500  }
0x20: {  	[sflag:s20] =	ssyncset.done $0x0  }
0x21: {  	s0 =	simm.s32 $0x0;
	s4 =	simm.s32 $0x200;
	[sflag:s20] =	ssyncadd.s32 $0xFFFFFB00  }
.LBB2_2:
0x22: {  	p0 =	sne.s32 s4, $0x3FE00;
	[tilespmem:s0+$0x8570] =	vst v38  }
0x23: {  	[tilespmem:s0+$0x8500] =	vst v38  }
0x24: {  	[tilespmem:s0+$0x8510] =	vst v38  }
.Ltmp0:
0x25: {  	[tilespmem:s0+$0x8520] =	vst v38;
	(pc) =	sbr.rel @p0 .LBB2_2-.Ltmp0, $4  }
0x26: {  	[tilespmem:s0+$0x8530] =	vst v38  }
0x27: {  	[tilespmem:s0+$0x8540] =	vst v38  }
0x28: {  	[tilespmem:s0+$0x8550] =	vst v38  }
0x29: {  	[tilespmem:s0+$0x8560] =	vst v38;
	s0 =	sshra.s32 s4, $0x2;
	s4 =	sadd.s32 $0x200, s4  }
0x2a: {  	[tilespmem:s0+$0x8570] =	vst v38  }
0x2b: {  	[tilespmem:s0+$0x8500] =	vst v38  }
0x2c: {  	[tilespmem:s0+$0x8510] =	vst v38  }
0x2d: {  	[tilespmem:s0+$0x8520] =	vst v38  }
0x2e: {  	[tilespmem:s0+$0x8530] =	vst v38  }
0x2f: {  	[tilespmem:s0+$0x8540] =	vst v38  }
0x30: {  	[tilespmem:s0+$0x8550] =	vst v38  }
0x31: {  	[tilespmem:s0+$0x8560] =	vst v38;
	s30 =	simm.s32 $0x0  }
0x32: {  	[tilespmem:s17], [sflag:$0x1] =	stream.indirect.gather [hbm4b:s1+s16], $0x40, s30, s16, $0xb8;
	[tilespmem:$0x18910] =	vst v63  }
0x33: {  	v1 =	vbroadcast v0, $0x0  }
0x34: {  	[tilespmem:s18], [sflag:$0x1] =	stream.indirect.gather [hbm4b:s2+s16], $0x40, s30, s16, $0xb8;
	[tilespmem:$0x18910] =	vst v63  }
0x35: {  	v63 =	vbroadcast v0, $0x1;
	[tilespmem:$0x1FED0] =	vst v1  }
0x36: {  	[tilespmem:s19], [sflag:$0x1] =	stream.linear.gather [hbm4b:s12+s30], $0x400, $0x38;
	[tilespmem:$0x18910] =	vst v63  }
0x37: {  	[tilespmem:$0x1FEE0] =	vst v63  }
0x38: {  	[tilespmem:s21], [sflag:$0x1] =	stream.linear.gather [hbm4b:s13+s30], $0x400, $0x38;
	[tilespmem:$0x18910] =	vst v63  }
.LBB2_4:
0x39: {  	p0 =	seq.s32 s30, $0x0  }
.Ltmp1:
0x3a: {  	_ = 	snop;
	(pc) =	sbr.rel @p0 .LBB2_6-.Ltmp1, $2  }
0x3b: {  	_ =	sdelay $0x2  }
0x3c: {  	s0 =	simm.s32 $0x0  }
0x3d: {  	v2 =	vlaneseq.u32  }
0x3e: {  	s0 =	smul.u32 $0xA0, s30;
	v4 =	vld [tilespmem:$0x1FF50];
	v0 =	vmul.u32 $0xA, v2;
	_ =	sdelay $0x1  }
0x3f: {  	s4 =	sadd.s32 $0xFFFFFF60, s0;
	v10 =	vadd.s32 $0x2, v0  }
0x40: {  	v10 =	vadd.s32 s4, v10  }
0x41: {  	v10 =	vand.u32 $0xFFFFFFF8, v10  }
0x42: {  	v10 =	vor.u32 v4, v10;
	v4 =	vld [tilespmem:$0x1FF70];
	_ =	sdelay $0x1  }
0x43: {  	v17 =	vadd.s32 $0x3, v0  }
0x44: {  	v17 =	vadd.s32 s4, v17  }
0x45: {  	v17 =	vand.u32 $0xFFFFFFF8, v17;
	_ =	swait.ge [sflag:s28], $0x10000  }
0x46: {  	v17 =	vor.u32 v4, v17;
	v4 =	vld [tilespmem:$0x1FF90];
	_ =	sdelay $0x1  }
0x47: {  	v19 =	vadd.s32 $0x4, v0  }
0x48: {  	v19 =	vadd.s32 s4, v19  }
0x49: {  	v19 =	vand.u32 $0xFFFFFFF8, v19  }
0x4a: {  	v19 =	vor.u32 v4, v19;
	v4 =	vld [tilespmem:$0x1FFB0];
	_ =	sdelay $0x1  }
0x4b: {  	v20 =	vadd.s32 $0x5, v0  }
0x4c: {  	v20 =	vadd.s32 s4, v20  }
0x4d: {  	v1 =	vand.u32 $0x3, v2;
	v20 =	vand.u32 $0xFFFFFFF8, v20  }
0x4e: {  	v1 =	vmul.u32 $0x2, v1;
	v20 =	vor.u32 v4, v20;
	v4 =	vld [tilespmem:$0x1FFC0]  }
0x4f: {  	v3 =	vadd.s32 s4, v0;
	v6 =	vor.u32 $0x1, v0;
	v21 =	vadd.s32 $0x6, v0  }
0x50: {  	v3 =	vand.u32 $0xFFFFFFF8, v3;
	v6 =	vadd.s32 s4, v6;
	v14 =	vor.u32 $0x1, v1  }
0x51: {  	v21 =	vadd.s32 s4, v21;
	v3 =	vor.u32 v1, v3;
	v6 =	vand.u32 $0xFFFFFFF8, v6  }
0x52: {  	v21 =	vand.u32 $0xFFFFFFF8, v21;
	v6 =	vor.u32 v14, v6  }
0x53: {  	v21 =	vor.u32 v4, v21;
	v4 =	vld [tilespmem:$0x1FFD0]  }
0x54: {  	[sflag:s28] =	ssyncset.done $0x0  }
0x55: {  	v22 =	vadd.s32 $0x7, v0;
	[sflag:s28] =	ssyncadd.s32 $0xFFFF0000  }
0x56: {  	v23 =	vadd.s32 $0x8, v0;
	v22 =	vadd.s32 s4, v22;
	v3 =	vld.idx.msk [tilespmem:v3+s3+$0x0], $0xffff  }
0x57: {  	v0 =	vadd.s32 $0x9, v0;
	v23 =	vadd.s32 s4, v23;
	v22 =	vand.u32 $0xFFFFFFF8, v22;
	v6 =	vld.idx.msk [tilespmem:v6+s3+$0x0], $0xffff  }
0x58: {  	v0 =	vadd.s32 s4, v0;
	v23 =	vand.u32 $0xFFFFFFF8, v23;
	v10 =	vld.idx.msk [tilespmem:v10+s3+$0x0], $0xffff;
	v22 =	vor.u32 v4, v22  }
0x59: {  	v62 =	vmul.u32 $0x1000, v2;
	v0 =	vand.u32 $0xFFFFFFF8, v0;
	v1 =	vor.u32 v1, v23;
	v17 =	vld.idx.msk [tilespmem:v17+s3+$0x0], $0xffff  }
0x5a: {  	v0 =	vor.u32 v14, v0;
	v19 =	vld.idx.msk [tilespmem:v19+s3+$0x0], $0xffff  }
0x5b: {  	v3 =	vadd.s32 v62, v3;
	v14 =	vld.idx.msk [tilespmem:v20+s3+$0x0], $0xffff  }
0x5c: {  	v6 =	vadd.s32 v62, v6;
	v20 =	vld.idx.msk [tilespmem:v21+s3+$0x0], $0xffff  }
0x5d: {  	v10 =	vadd.s32 v62, v10;
	v63 =	vld.idx.msk [tilespmem:v22+s3+$0x0], $0xffff  }
0x5e: {  	v1 =	vld.idx.msk [tilespmem:v1+s3+$0x0], $0xffff;
	v17 =	vadd.s32 v62, v17  }
0x5f: {  	v0 =	vld.idx.msk [tilespmem:v0+s3+$0x0], $0xffff;
	v19 =	vadd.s32 v62, v19  }
0x60: {  	[tilespmem:v3+s24+$0x0] =	vst.idx.msk $0xffff, v38;
	v3 =	vadd.s32 v62, v14  }
0x61: {  	[tilespmem:v6+s24+$0x0] =	vst.idx.msk $0xffff, v38;
	v6 =	vadd.s32 v62, v20  }
0x62: {  	[tilespmem:v10+s24+$0x0] =	vst.idx.msk $0xffff, v38;
	v10 =	vadd.s32 v62, v63  }
0x63: {  	v1 =	vadd.s32 v62, v1;
	[tilespmem:v17+s24+$0x0] =	vst.idx.msk $0xffff, v38  }
0x64: {  	v0 =	vadd.s32 v62, v0;
	[tilespmem:v19+s24+$0x0] =	vst.idx.msk $0xffff, v38  }
0x65: {  	[tilespmem:v3+s24+$0x0] =	vst.idx.msk $0xffff, v38  }
0x66: {  	[tilespmem:v6+s24+$0x0] =	vst.idx.msk $0xffff, v38  }
0x67: {  	[tilespmem:v10+s24+$0x0] =	vst.idx.msk $0xffff, v38  }
0x68: {  	[tilespmem:v1+s24+$0x0] =	vst.idx.msk $0xffff, v38  }
0x69: {  	[tilespmem:v0+s24+$0x0] =	vst.idx.msk $0xffff, v38  }
.LBB2_6:
0x6a: {  	[tilespmem:s22], [sflag:$0x2] =	stream.indirect.gather [hbm4b:s5+s16], $0x40, s0, s16, $0xb8;
	[tilespmem:$0x18910] =	vst v63  }
0x6b: {  	_ =	swait.ge [sflag:s23], $0x2800  }
0x6c: {  	[sflag:s23] =	ssyncset.done $0x0  }
0x6d: {  	[sflag:s23] =	ssyncadd.s32 $0xFFFFD800  }
0x6e: {  	s4 =	simm.s32 $0x1;
	_ =	swait.ge [sflag:s23], $0x2800  }
0x6f: {  	v0 =	vmov s4;
	[sflag:s23] =	ssyncset.done $0x0  }
0x70: {  	v0 =	vand.u32 $0x3F, v0;
	[sflag:s23] =	ssyncadd.s32 $0xFFFFD800  }
0x71: {  	v0 =	vbroadcast v0, $0x0;
	_ =	swait.ge [sflag:s23], $0x400  }
0x72: {  	[sflag:s23] =	ssyncset.done $0x0  }
0x73: {  	v3 =	vor.u32 v12, v0;
	[sflag:s23] =	ssyncadd.s32 $0xFFFFFC00  }
0x74: {  	v4 =	vor.u32 v5, v0;
	_ =	swait.ge [sflag:s23], $0x400  }
0x75: {  	v13 =	vor.u32 v9, v0;
	[tilespmem:$0x1FC50] =	vst v3  }
0x76: {  	s15 =	simm.s32 $0x0;
	v14 =	vor.u32 v18, v0;
	[sflag:s23] =	ssyncset.done $0x0;
	[tilespmem:$0x1FC60] =	vst v4  }
0x77: {  	v1 =	vmov s15;
	v2 =	vor.u32 v8, v0;
	[tilespmem:$0x1FC70] =	vst v13;
	[sflag:s23] =	ssyncadd.s32 $0xFFFFFC00  }
0x78: {  	v1 =	vand.u32 $0x3E, v1;
	v6 =	vor.u32 v56, v0;
	[tilespmem:$0x1FC80] =	vst v14;
	v3 =	vld.idx.msk [tilespmem:v3+s17+$0x0], $0xffff  }
0x79: {  	v1 =	vbroadcast v1, $0x0;
	v10 =	vor.u32 v47, v0;
	[tilespmem:$0x1FC90] =	vst v2;
	v19 =	vld.idx.msk [tilespmem:v4+s17+$0x0], $0xffff  }
0x7a: {  	[tilespmem:$0x1FCA0] =	vst v6;
	v4 =	vor.u32 v7, v0;
	v21 =	vld.idx.msk [tilespmem:v13+s17+$0x0], $0xffff  }
0x7b: {  	v17 =	vor.u32 v15, v0;
	[tilespmem:$0x1FCB0] =	vst v10;
	v13 =	vor.u32 v7, v1;
	v22 =	vld.idx.msk [tilespmem:v14+s17+$0x0], $0xffff  }
0x7c: {  	v33 =	vor.u32 v11, v0;
	[tilespmem:$0x1FD40] =	vst v17;
	v14 =	vor.u32 v5, v1;
	v23 =	vld.idx.msk [tilespmem:v2+s17+$0x0], $0xffff  }
0x7d: {  	v30 =	vor.u32 v9, v1;
	[tilespmem:$0x1FD50] =	vst v33;
	v2 =	vor.u32 v16, v1;
	v24 =	vld.idx.msk [tilespmem:v6+s17+$0x0], $0xffff  }
0x7e: {  	v20 =	vor.u32 v16, v0;
	[tilespmem:$0x1FD60] =	vst v30;
	v25 =	vld.idx.msk [tilespmem:v10+s17+$0x0], $0xffff;
	v10 =	vor.u32 v18, v1  }
0x7f: {  	[tilespmem:$0x1FD70] =	vst v20;
	v6 =	vor.u32 v12, v1;
	v26 =	vld.idx.msk [tilespmem:v4+s19+$0x0], $0xffff  }
0x80: {  	[tilespmem:$0x1FCC0] =	vst v4;
	v27 =	vld.idx.msk [tilespmem:v13+s19+$0x0], $0xffff  }
0x81: {  	[tilespmem:$0x1FCD0] =	vst v13;
	v28 =	vld.idx.msk [tilespmem:v14+s17+$0x0], $0xffff  }
0x82: {  	[tilespmem:$0x1FCE0] =	vst v14;
	v4 =	vor.u32 v8, v1;
	v29 =	vld.idx.msk [tilespmem:v2+s17+$0x0], $0xffff  }
0x83: {  	[tilespmem:$0x1FCF0] =	vst v2;
	v13 =	vor.u32 v15, v1;
	v0 =	vld.idx.msk [tilespmem:v10+s17+$0x0], $0xffff  }
0x84: {  	[tilespmem:$0x1FD00] =	vst v6;
	v31 =	vld.idx.msk [tilespmem:v6+s17+$0x0], $0xffff;
	v6 =	vor.u32 v47, v1;
	v14 =	vor.u32 v11, v1  }
0x85: {  	[tilespmem:$0x1FD10] =	vst v10;
	v10 =	vor.u32 v56, v1;
	v24 =	vsub.f32 v26, v24;
	v1 =	vsub.f32 v26, v21  }
0x86: {  	v34 =	vld.idx.msk [tilespmem:v30+s17+$0x0], $0xffff;
	[tilespmem:$0x1FD20] =	vst v4;
	v35 =	vsub.f32 v26, v3;
	v22 =	vsub.f32 v26, v22  }
0x87: {  	s6 =	simm.s32 $0x3;
	[tilespmem:$0x1FD30] =	vst v13;
	v32 =	vld.idx.msk [tilespmem:v4+s17+$0x0], $0xffff;
	v39 =	vsub.f32 v27, v28;
	v29 =	vsub.f32 v27, v29  }
0x88: {  	[tilespmem:$0x1FD80] =	vst v10;
	v21 =	vld.idx.msk [tilespmem:v13+s17+$0x0], $0xffff;
	v0 =	vsub.f32 v27, v0;
	v36 =	vmul.f32 v24, v24;
	v24 =	vmov s6  }
0x89: {  	[tilespmem:$0x1FD90] =	vst v14;
	v3 =	vld.idx.msk [tilespmem:v17+s17+$0x0], $0xffff;
	v23 =	vsub.f32 v26, v23;
	v29 =	vmul.f32 v29, v29;
	v24 =	vand.u32 $0x3F, v24  }
0x8a: {  	[tilespmem:$0x1FDA0] =	vst v6;
	v28 =	vld.idx.msk [tilespmem:v33+s17+$0x0], $0xffff;
	v31 =	vsub.f32 v27, v31;
	v37 =	vmul.f32 v0, v0;
	v4 =	vbroadcast v24, $0x0  }
0x8b: {  	v25 =	vsub.f32 v26, v25;
	v41 =	vld.idx.msk [tilespmem:v14+s17+$0x0], $0xffff;
	v46 =	vmul.f32 v23, v23;
	v1 =	vmul.f32 v1, v1  }
0x8c: {  	v22 =	vmul.f32 v22, v22;
	v31 =	vmul.f32 v31, v31;
	v40 =	vor.u32 v12, v4;
	[tilespmem:$0x1FEB0] =	vst v4  }
0x8d: {  	v2 =	vimm.f32 $0.0e+00;
	v24 =	vsub.f32 v26, v19;
	v19 =	vld.idx.msk [tilespmem:v20+s17+$0x0], $0xffff;
	v20 =	vor.u32 v5, v4;
	[tilespmem:$0x1FDB0] =	vst v40  }
0x8e: {  	v25 =	vmul.f32 v25, v25;
	v29 =	vadd.f32 v29, v2;
	v38 =	vor.u32 v9, v4;
	[tilespmem:$0x1FDC0] =	vst v20  }
0x8f: {  	v57 =	vadd.f32 v31, v2;
	v32 =	vsub.f32 v27, v32;
	v30 =	vor.u32 v18, v4;
	[tilespmem:$0x1FDD0] =	vst v38  }
0x90: {  	s9 =	simm.s32 $0x2;
	v21 =	vsub.f32 v27, v21;
	v0 =	vsub.f32 v26, v3;
	v43 =	vor.u32 v8, v4;
	[tilespmem:$0x1FDE0] =	vst v30  }
0x91: {  	v3 =	vld.idx.msk [tilespmem:v10+s17+$0x0], $0xffff;
	v42 =	vsub.f32 v26, v28;
	v28 =	vmov s9;
	v61 =	vor.u32 v11, v4;
	[tilespmem:$0x1FDF0] =	vst v43  }
0x92: {  	v41 =	vsub.f32 v27, v41;
	v10 =	vor.u32 v47, v4;
	v62 =	vor.u32 v56, v4;
	[tilespmem:$0x1FE00] =	vst v61  }
0x93: {  	v17 =	vor.u32 v7, v4;
	v59 =	vor.u32 v15, v4;
	v44 =	vmul.f32 v0, v0;
	[tilespmem:$0x1FE10] =	vst v62  }
0x94: {  	v0 =	vand.u32 $0x3E, v28;
	v28 =	vld.idx.msk [tilespmem:v6+s17+$0x0], $0xffff;
	v21 =	vmul.f32 v21, v21;
	v32 =	vmul.f32 v32, v32;
	[tilespmem:$0x1FE20] =	vst v17  }
0x95: {  	[tilespmem:$0x1FE30] =	vst v10;
	v6 =	vbroadcast v0, $0x0;
	v23 =	vsub.f32 v26, v19;
	v19 =	vsub.f32 v27, v34;
	v34 =	vld.idx.msk [tilespmem:v40+s17+$0x0], $0xffff  }
0x96: {  	v58 =	vmul.f32 v42, v42;
	v42 =	vor.u32 v16, v4;
	v0 =	vsub.f32 v27, v3;
	v48 =	vld.idx.msk [tilespmem:v38+s17+$0x0], $0xffff  }
0x97: {  	v14 =	vor.u32 v7, v6;
	v13 =	vor.u32 v5, v6;
	v3 =	vor.u32 v9, v6;
	v45 =	vld.idx.msk [tilespmem:v30+s17+$0x0], $0xffff  }
0x98: {  	v31 =	vor.u32 v11, v6;
	[tilespmem:$0x1FEA0] =	vst v6;
	v19 =	vmul.f32 v19, v19;
	v43 =	vld.idx.msk [tilespmem:v43+s17+$0x0], $0xffff  }
0x99: {  	v50 =	vld.idx.msk [tilespmem:v17+s19+$0x0], $0xffff;
	[tilespmem:$0x1FE40] =	vst v14;
	v26 =	vmul.f32 v0, v0;
	v27 =	vsub.f32 v27, v28  }
0x9a: {  	v23 =	vmul.f32 v23, v23;
	v30 =	vor.u32 v12, v6;
	v63 =	vld.idx.msk [tilespmem:v10+s17+$0x0], $0xffff;
	[tilespmem:$0x1FE50] =	vst v13  }
0x9b: {  	v10 =	vor.u32 v18, v6;
	[tilespmem:$0x1FE80] =	vst v3;
	v49 =	vadd.f32 v26, v2;
	v26 =	vmul.f32 v27, v27  }
0x9c: {  	v0 =	vld.idx.msk [tilespmem:v20+s17+$0x0], $0xffff;
	v20 =	vor.u32 v16, v6;
	v27 =	vadd.f32 v19, v2;
	v19 =	vadd.f32 v21, v2  }
0x9d: {  	[tilespmem:$0x1FE70] =	vst v30;
	v21 =	vadd.f32 v37, v2;
	v37 =	vld.idx.msk [tilespmem:v61+s17+$0x0], $0xffff;
	v28 =	vadd.f32 v26, v2  }
0x9e: {  	[tilespmem:$0x1FE90] =	vst v10;
	v53 =	vld.idx.msk [tilespmem:v13+s17+$0x0], $0xffff;
	v26 =	vadd.f32 v1, v27;
	v1 =	vadd.f32 v32, v2  }
0x9f: {  	v23 =	vadd.f32 v23, v29;
	v29 =	vmul.f32 v39, v39;
	v52 =	vld.idx.msk [tilespmem:v3+s17+$0x0], $0xffff;
	v19 =	vadd.f32 v44, v19  }
0xa0: {  	v44 =	vld.idx.msk [tilespmem:v62+s17+$0x0], $0xffff;
	v21 =	vadd.f32 v22, v21;
	v22 =	vadd.f32 v46, v1;
	v1 =	vor.u32 v8, v6  }
0xa1: {  	[tilespmem:$0x1FE60] =	vst v20;
	v39 =	vor.u32 v47, v6;
	v27 =	vmul.f32 v41, v41;
	v54 =	vld.idx.msk [tilespmem:v30+s17+$0x0], $0xffff  }
0xa2: {  	v36 =	vadd.f32 v36, v49;
	v32 =	vadd.f32 v29, v2;
	v55 =	vld.idx.msk [tilespmem:v10+s17+$0x0], $0xffff;
	v41 =	vor.u32 v15, v6  }
0xa3: {  	v61 =	vmovc v12;
	v13 =	vmov v56;
	v48 =	vsub.f32 v50, v48;
	v25 =	vadd.f32 v25, v28;
	v28 =	vld.idx.msk [tilespmem:v14+s19+$0x0], $0xffff  }
0xa4: {  	s15 =	sshll.u32 s30, $0x4;
	v29 =	vmul.f32 v35, v35;
	v49 =	vld.idx.msk [tilespmem:v20+s17+$0x0], $0xffff;
	v56 =	vadd.f32 v27, v2;
	v27 =	vsub.f32 v50, v63  }
0xa5: {  	s4 =	simm.s32 $0x4;
	s31 =	sadd.s32 s11, s15;
	v62 =	vmov v18;
	v46 =	vor.u32 v13, v6;
	[tilespmem:$0x1FEC0] =	vst v1;
	v35 =	vsub.f32 v50, v44;
	v44 =	vld.idx.msk [tilespmem:v1+s17+$0x0], $0xffff  }
.LBB2_7:
0xa6: {  	v30 =	vsub.f32 v50, v37  }
0xa7: {  	v41 =	vld.idx.msk [tilespmem:v41+s17+$0x0], $0xffff;
	v24 =	vmul.f32 v24, v24;
	v56 =	vadd.f32 v58, v56;
	v58 =	vsub.f32 v50, v45  }
0xa8: {  	v51 =	vmul.f32 v35, v35;
	v35 =	vld.idx.msk [tilespmem:v59+s17+$0x0], $0xffff;
	v57 =	vadd.f32 v29, v57;
	v59 =	vsub.f32 v28, v53  }
0xa9: {  	s15 =	smov.u32 s4;
	v31 =	vld.idx.msk [tilespmem:v31+s17+$0x0], $0xffff;
	v32 =	vadd.f32 v24, v32;
	v24 =	vsub.f32 v50, v0  }
0xaa: {  	v40 =	vmov s15;
	v34 =	vsub.f32 v50, v34;
	v54 =	vsub.f32 v28, v54  }
0xab: {  	v3 =	vld.idx.msk [tilespmem:v39+s17+$0x0], $0xffff;
	v37 =	vand.u32 $0x3E, v40;
	v63 =	vsub.f32 v28, v49;
	v43 =	vsub.f32 v50, v43  }
0xac: {  	s6 =	sadd.s32 $0x1, s15;
	v37 =	vbroadcast v37, $0x0;
	v38 =	vsub.f32 v28, v55;
	v44 =	vsub.f32 v28, v44  }
0xad: {  	v46 =	vld.idx.msk [tilespmem:v46+s17+$0x0], $0xffff;
	v12 =	vmovc v61;
	v60 =	vmov s6;
	v52 =	vsub.f32 v28, v52;
	v53 =	vsub.f32 v28, v41  }
0xae: {  	v18 =	vmovc v62;
	v10 =	vor.u32 v5, v37;
	v14 =	vsub.f32 v28, v31;
	v17 =	vor.u32 v8, v37  }
0xaf: {  	v0 =	vld.idx.msk [tilespmem:v42+s17+$0x0], $0xffff;
	v39 =	vor.u32 v47, v37;
	v40 =	vor.u32 v9, v37;
	v31 =	vor.u32 v11, v37  }
0xb0: {  	v4 =	vor.u32 v18, v37;
	v2 =	vor.u32 v12, v37;
	v3 =	vsub.f32 v28, v3  }
0xb1: {  	v29 =	vmul.f32 v34, v34;
	v34 =	vand.u32 $0x3F, v60;
	v60 =	vmul.f32 v63, v63  }
0xb2: {  	v49 =	vmul.f32 v38, v38;
	v35 =	vsub.f32 v50, v35;
	v63 =	vmul.f32 v43, v43  }
0xb3: {  	v38 =	vsub.f32 v28, v46;
	v28 =	vmul.f32 v52, v52;
	v55 =	vbroadcast v34, $0x0  }
0xb4: {  	v44 =	vmul.f32 v44, v44;
	v33 =	vsub.f32 v50, v0;
	v53 =	vmul.f32 v53, v53  }
0xb5: {  	v7 =	vmovc v11;
	v0 =	vld [tilespmem:$0x1FFE0];
	v14 =	vmul.f32 v14, v14;
	v42 =	vor.u32 v16, v55;
	v34 =	vor.u32 v61, v55  }
0xb6: {  	v41 =	vor.u32 v5, v55;
	v45 =	vor.u32 v9, v55;
	v19 =	vadd.f32 v53, v19;
	v53 =	vld.idx.msk [tilespmem:v10+s17+$0x0], $0xffff  }
0xb7: {  	v56 =	vadd.f32 v14, v56;
	v14 =	vadd.f32 v44, v22;
	v22 =	vmul.f32 v54, v54;
	v54 =	vld.idx.msk [tilespmem:v2+s17+$0x0], $0xffff  }
0xb8: {  	v61 =	vor.u32 v62, v55;
	v62 =	vor.u32 v47, v55;
	v1 =	vor.u32 v11, v55;
	v52 =	vld.idx.msk [tilespmem:v40+s17+$0x0], $0xffff  }
0xb9: {  	v43 =	vor.u32 v8, v55;
	v11 =	vmovc v9;
	v9 =	vmov v47;
	v47 =	vor.u32 v13, v55;
	v44 =	vld.idx.msk [tilespmem:v17+s17+$0x0], $0xffff  }
0xba: {  	v10 =	vmul.f32 v59, v59;
	v59 =	vor.u32 v15, v55;
	v50 =	vor.u32 v0, v55;
	v55 =	vld.idx.msk [tilespmem:v4+s17+$0x0], $0xffff  }
0xbb: {  	v6 =	vor.u32 v0, v37;
	v0 =	vld.idx.msk [tilespmem:v41+s17+$0x0], $0xffff  }
0xbc: {  	v58 =	vmul.f32 v58, v58;
	v20 =	vld.idx.msk [tilespmem:v45+s17+$0x0], $0xffff  }
0xbd: {  	v46 =	vor.u32 v13, v37;
	v3 =	vmul.f32 v3, v3;
	v35 =	vmul.f32 v35, v35;
	v45 =	vld.idx.msk [tilespmem:v61+s17+$0x0], $0xffff  }
0xbe: {  	v21 =	vadd.f32 v49, v21;
	v41 =	vor.u32 v15, v37;
	v61 =	vor.u32 v16, v37;
	v37 =	vld.idx.msk [tilespmem:v1+s17+$0x0], $0xffff  }
0xbf: {  	v38 =	vmul.f32 v38, v38;
	v26 =	vadd.f32 v28, v26;
	v23 =	vadd.f32 v60, v23;
	v47 =	vld.idx.msk [tilespmem:v47+s17+$0x0], $0xffff  }
0xc0: {  	v3 =	vadd.f32 v3, v25;
	v25 =	vmul.f32 v27, v27;
	v21 =	vadd.f32 v58, v21;
	v50 =	vld.idx.msk [tilespmem:v50+s19+$0x0], $0xffff  }
0xc1: {  	p0 =	sne.s32 s4, $0x3E;
	v19 =	vadd.f32 v35, v19;
	v1 =	vadd.f32 v38, v36;
	v38 =	vmul.f32 v48, v48;
	v48 =	vld.idx.msk [tilespmem:v62+s17+$0x0], $0xffff  }
.Ltmp2:
0xc2: {  	v25 =	vadd.f32 v25, v3;
	v57 =	vadd.f32 v22, v57;
	v34 =	vld.idx.msk [tilespmem:v34+s17+$0x0], $0xffff;
	(pc) =	sbr.rel @p0 .LBB2_7-.Ltmp2, $4  }
0xc3: {  	v22 =	vadd.f32 v63, v14;
	v32 =	vadd.f32 v10, v32;
	v28 =	vld.idx.msk [tilespmem:v6+s19+$0x0], $0xffff;
	v6 =	vmul.f32 v33, v33  }
0xc4: {  	v58 =	vmul.f32 v30, v30;
	v43 =	vld.idx.msk [tilespmem:v43+s17+$0x0], $0xffff;
	v26 =	vadd.f32 v38, v26;
	v36 =	vadd.f32 v51, v1  }
0xc5: {  	v62 =	vmovc v18;
	v49 =	vld.idx.msk [tilespmem:v61+s17+$0x0], $0xffff;
	v61 =	vmov v12;
	v23 =	vadd.f32 v6, v23;
	v35 =	vsub.f32 v50, v47  }
0xc6: {  	s4 =	sadd.s32 $0x2, s4;
	v47 =	vmovc v9;
	v9 =	vmovc v11;
	v11 =	vmov v7;
	v27 =	vsub.f32 v50, v48;
	v48 =	vsub.f32 v50, v20  }
0xc7: {  	_ =	sdelay $0x3  }
0xc8: {  	v14 =	vld.idx.msk [tilespmem:v46+s17+$0x0], $0xffff  }
0xc9: {  	v20 =	vld.idx.msk [tilespmem:v41+s17+$0x0], $0xffff  }
0xca: {  	v2 =	vld.idx.msk [tilespmem:v59+s17+$0x0], $0xffff;
	_ =	sdelay $0x2  }
0xcb: {  	v10 =	vadd.f32 v29, v57;
	v14 =	vsub.f32 v28, v14  }
0xcc: {  	v57 =	vsub.f32 v28, v52;
	v20 =	vsub.f32 v28, v20  }
0xcd: {  	v29 =	vld.idx.msk [tilespmem:v31+s17+$0x0], $0xffff;
	v31 =	vsub.f32 v50, v37;
	v2 =	vsub.f32 v50, v2;
	v14 =	vmul.f32 v14, v14  }
0xce: {  	v38 =	vsub.f32 v28, v55;
	v37 =	vmul.f32 v57, v57;
	v20 =	vmul.f32 v20, v20  }
0xcf: {  	v6 =	vsub.f32 v50, v45;
	v2 =	vmul.f32 v2, v2;
	v36 =	vadd.f32 v14, v36  }
0xd0: {  	v14 =	vadd.f32 v37, v26;
	v26 =	vmul.f32 v38, v38;
	v19 =	vadd.f32 v20, v19;
	_ =	sdelay $0x1  }
0xd1: {  	v6 =	vmul.f32 v6, v6;
	v21 =	vadd.f32 v26, v21;
	v2 =	vadd.f32 v2, v19;
	_ =	sdelay $0x1  }
0xd2: {  	[tilespmem:$0x1FBB0] =	vst v2;
	v2 =	vadd.f32 v6, v21;
	v6 =	vld [tilespmem:$0x1FCB0];
	_ =	sdelay $0x5  }
0xd3: {  	v40 =	vsub.f32 v28, v44;
	_ =	sdelay $0x1  }
0xd4: {  	v19 =	vld.idx.msk [tilespmem:v6+s18+$0x0], $0xffff;
	v6 =	vmul.f32 v40, v40  }
0xd5: {  	v4 =	vld.idx.msk [tilespmem:v42+s17+$0x0], $0xffff  }
0xd6: {  	v22 =	vadd.f32 v6, v22;
	v6 =	vld [tilespmem:$0x1FCE0];
	_ =	sdelay $0x1  }
0xd7: {  	v33 =	vsub.f32 v28, v49;
	_ =	sdelay $0x1  }
0xd8: {  	v30 =	vld.idx.msk [tilespmem:v39+s17+$0x0], $0xffff;
	v4 =	vsub.f32 v50, v4;
	v20 =	vmul.f32 v33, v33;
	_ =	sdelay $0x1  }
0xd9: {  	v4 =	vmul.f32 v4, v4;
	v20 =	vadd.f32 v20, v23  }
0xda: {  	v3 =	vadd.f32 v58, v56;
	v53 =	vsub.f32 v28, v53  }
0xdb: {  	v56 =	vsub.f32 v28, v54;
	v4 =	vadd.f32 v4, v20;
	v20 =	vld.idx.msk [tilespmem:v6+s18+$0x0], $0xffff  }
0xdc: {  	v29 =	vsub.f32 v28, v29;
	v28 =	vsub.f32 v28, v30;
	[tilespmem:$0x1FBC0] =	vst v2;
	v2 =	vmul.f32 v48, v48;
	v6 =	vld [tilespmem:$0x1FCF0];
	_ =	sdelay $0x1  }
0xdd: {  	v28 =	vmul.f32 v28, v28;
	v2 =	vadd.f32 v2, v14;
	_ =	sdelay $0x1  }
0xde: {  	v25 =	vadd.f32 v28, v25;
	[tilespmem:$0x1FBD0] =	vst v2;
	v2 =	vmul.f32 v27, v27;
	_ =	sdelay $0x1  }
0xdf: {  	v1 =	vmul.f32 v24, v24;
	v24 =	vsub.f32 v50, v43;
	v2 =	vadd.f32 v2, v25;
	_ =	sdelay $0x1  }
0xe0: {  	[tilespmem:$0x1FBF0] =	vst v2;
	v2 =	vmul.f32 v24, v24;
	v24 =	vld.idx.msk [tilespmem:v6+s18+$0x0], $0xffff  }
0xe1: {  	v6 =	vld [tilespmem:$0x1FD00];
	_ =	sdelay $0x6  }
0xe2: {  	v30 =	vld [tilespmem:$0x1FC70]  }
0xe3: {  	v27 =	vld.idx.msk [tilespmem:v6+s18+$0x0], $0xffff  }
0xe4: {  	v6 =	vld [tilespmem:$0x1FD60];
	_ =	sdelay $0x3  }
0xe5: {  	v58 =	vld [tilespmem:$0x1FC50];
	[tilespmem:$0x1FBE0] =	vst v4;
	v4 =	vmul.f32 v56, v56  }
0xe6: {  	v17 =	vsub.f32 v50, v34;
	v28 =	vld [tilespmem:$0x1FCA0]  }
0xe7: {  	v63 =	vld.idx.msk [tilespmem:v30+s18+$0x0], $0xffff;
	v4 =	vadd.f32 v4, v10;
	v10 =	vmul.f32 v35, v35;
	v2 =	vadd.f32 v2, v22  }
0xe8: {  	v30 =	vld [tilespmem:$0x1FC80]  }
0xe9: {  	[tilespmem:$0x1FC00] =	vst v2;
	v2 =	vmul.f32 v17, v17;
	v17 =	vld.idx.msk [tilespmem:v6+s18+$0x0], $0xffff;
	v6 =	vadd.f32 v10, v36;
	_ =	sdelay $0x1  }
0xea: {  	[tilespmem:$0x1FC10] =	vst v6;
	v6 =	vld [tilespmem:$0x1FD10]  }
0xeb: {  	v59 =	vld [tilespmem:$0x1FC60]  }
0xec: {  	v21 =	vld [tilespmem:$0x1FCC0]  }
0xed: {  	v39 =	vld.idx.msk [tilespmem:v58+s18+$0x0], $0xffff  }
0xee: {  	v26 =	vld [tilespmem:$0x1FD50]  }
0xef: {  	v0 =	vsub.f32 v50, v0;
	v1 =	vadd.f32 v1, v32;
	v28 =	vld.idx.msk [tilespmem:v28+s18+$0x0], $0xffff;
	v14 =	vmul.f32 v53, v53  }
0xf0: {  	v23 =	vmul.f32 v29, v29;
	v41 =	vld.idx.msk [tilespmem:v30+s18+$0x0], $0xffff  }
0xf1: {  	v0 =	vmul.f32 v0, v0;
	v1 =	vadd.f32 v14, v1;
	v30 =	vld [tilespmem:$0x1FC90]  }
0xf2: {  	v3 =	vadd.f32 v23, v3;
	v25 =	vmul.f32 v31, v31;
	v10 =	vld.idx.msk [tilespmem:v6+s18+$0x0], $0xffff  }
0xf3: {  	v0 =	vadd.f32 v0, v1;
	v6 =	vld [tilespmem:$0x1FD20]  }
0xf4: {  	v21 =	vld.idx.msk [tilespmem:v21+s21+$0x0], $0xffff;
	v3 =	vadd.f32 v25, v3  }
0xf5: {  	[tilespmem:$0x1FC40] =	vst v0;
	v0 =	vld [tilespmem:$0x1FD70]  }
0xf6: {  	[tilespmem:$0x1FC20] =	vst v3;
	v3 =	vld [tilespmem:$0x1FD40]  }
0xf7: {  	v60 =	vld.idx.msk [tilespmem:v59+s18+$0x0], $0xffff  }
0xf8: {  	v23 =	vld [tilespmem:$0x1FCD0]  }
0xf9: {  	v26 =	vld.idx.msk [tilespmem:v26+s18+$0x0], $0xffff  }
0xfa: {  	v44 =	vld.idx.msk [tilespmem:v30+s18+$0x0], $0xffff  }
0xfb: {  	v1 =	vsub.f32 v21, v28;
	v28 =	vld.idx.msk [tilespmem:v6+s18+$0x0], $0xffff  }
0xfc: {  	v6 =	vld [tilespmem:$0x1FD90]  }
0xfd: {  	v0 =	vld.idx.msk [tilespmem:v0+s18+$0x0], $0xffff  }
0xfe: {  	v3 =	vld.idx.msk [tilespmem:v3+s18+$0x0], $0xffff  }
0xff: {  	v22 =	vsub.f32 v21, v63;
	v2 =	vadd.f32 v2, v4  }
0x100: {  	v25 =	vsub.f32 v21, v39;
	v29 =	vsub.f32 v21, v41;
	v4 =	vld [tilespmem:$0x1FD30]  }
0x101: {  	v14 =	vld [tilespmem:$0x1FDD0];
	v51 =	vsub.f32 v21, v26;
	[tilespmem:$0x1FC30] =	vst v2;
	v2 =	vsub.f32 v21, v19  }
0x102: {  	v23 =	vld.idx.msk [tilespmem:v23+s21+$0x0], $0xffff;
	v19 =	vsub.f32 v21, v60;
	v38 =	vsub.f32 v21, v44  }
0x103: {  	v3 =	vsub.f32 v21, v3;
	v21 =	vsub.f32 v21, v0;
	v0 =	vld [tilespmem:$0x1FD80]  }
0x104: {  	v45 =	vld.idx.msk [tilespmem:v6+s18+$0x0], $0xffff  }
0x105: {  	v6 =	vld [tilespmem:$0x1FDA0];
	_ =	sdelay $0x2  }
0x106: {  	v4 =	vld.idx.msk [tilespmem:v4+s18+$0x0], $0xffff;
	_ =	sdelay $0x1  }
0x107: {  	v10 =	vsub.f32 v23, v10  }
0x108: {  	v63 =	vld.idx.msk [tilespmem:v14+s18+$0x0], $0xffff  }
0x109: {  	v26 =	vld.idx.msk [tilespmem:v0+s18+$0x0], $0xffff;
	v10 =	vmul.f32 v10, v10  }
0x10a: {  	v0 =	vsub.f32 v23, v4;
	v4 =	vsub.f32 v23, v27;
	v27 =	vld.idx.msk [tilespmem:v6+s18+$0x0], $0xffff;
	v6 =	vimm.f32 $0.0e+00  }
0x10b: {  	v14 =	vld [tilespmem:$0x1FDE0];
	v29 =	vmul.f32 v29, v29;
	v10 =	vadd.f32 v10, v6;
	_ =	sdelay $0x1  }
0x10c: {  	v34 =	vadd.f32 v29, v10;
	v10 =	vld [tilespmem:$0x1FDF0]  }
0x10d: {  	v46 =	vmul.f32 v0, v0;
	_ =	sdelay $0x1  }
0x10e: {  	v3 =	vmul.f32 v3, v3;
	v24 =	vsub.f32 v23, v24;
	v60 =	vadd.f32 v46, v6  }
0x10f: {  	v17 =	vsub.f32 v23, v17  }
0x110: {  	v20 =	vsub.f32 v23, v20;
	v46 =	vadd.f32 v3, v60;
	v3 =	vmul.f32 v24, v24  }
0x111: {  	v26 =	vsub.f32 v23, v26;
	v17 =	vmul.f32 v17, v17;
	v50 =	vsub.f32 v23, v45;
	v45 =	vld.idx.msk [tilespmem:v14+s18+$0x0], $0xffff  }
0x112: {  	v21 =	vmul.f32 v21, v21;
	v28 =	vsub.f32 v23, v28;
	v14 =	vld [tilespmem:$0x1FE00];
	v3 =	vadd.f32 v3, v6  }
0x113: {  	v17 =	vadd.f32 v17, v6;
	v23 =	vsub.f32 v23, v27;
	v27 =	vld.idx.msk [tilespmem:v10+s18+$0x0], $0xffff;
	v10 =	vmul.f32 v22, v22  }
0x114: {  	v37 =	vadd.f32 v21, v3;
	v3 =	vmul.f32 v26, v26  }
0x115: {  	v53 =	vadd.f32 v10, v17;
	v10 =	vld [tilespmem:$0x1FE10]  }
0x116: {  	v26 =	vadd.f32 v3, v6;
	v3 =	vld [tilespmem:$0x1FE40];
	_ =	sdelay $0x4  }
0x117: {  	v54 =	vld.idx.msk [tilespmem:v14+s18+$0x0], $0xffff  }
0x118: {  	v1 =	vmul.f32 v1, v1;
	v14 =	vld [tilespmem:$0x1FE30];
	v22 =	vmul.f32 v28, v28  }
0x119: {  	v24 =	vld.idx.msk [tilespmem:v10+s18+$0x0], $0xffff;
	v10 =	vmul.f32 v23, v23;
	v23 =	vmul.f32 v50, v50  }
0x11a: {  	v17 =	vmul.f32 v38, v38;
	v43 =	vld.idx.msk [tilespmem:v3+s21+$0x0], $0xffff;
	v3 =	vmul.f32 v20, v20;
	v20 =	vadd.f32 v22, v6  }
0x11b: {  	v48 =	vadd.f32 v23, v6  }
0x11c: {  	v23 =	vadd.f32 v17, v20;
	v20 =	vadd.f32 v1, v26;
	v1 =	vld [tilespmem:$0x1FE80];
	_ =	sdelay $0x1  }
0x11d: {  	v0 =	vld [tilespmem:$0x1FDB0];
	_ =	sdelay $0x1  }
0x11e: {  	v21 =	vld.idx.msk [tilespmem:v14+s18+$0x0], $0xffff  }
0x11f: {  	v14 =	vld [tilespmem:$0x1FE20];
	_ =	sdelay $0x2  }
0x120: {  	v26 =	vld.idx.msk [tilespmem:v1+s18+$0x0], $0xffff  }
0x121: {  	v1 =	vld [tilespmem:$0x1FE90]  }
0x122: {  	v4 =	vmul.f32 v4, v4;
	v49 =	vld.idx.msk [tilespmem:v0+s18+$0x0], $0xffff  }
0x123: {  	v0 =	vld [tilespmem:$0x1FDC0]  }
0x124: {  	v55 =	vadd.f32 v3, v6;
	v3 =	vadd.f32 v4, v6;
	v4 =	vld [tilespmem:$0x1FEA0]  }
0x125: {  	v42 =	vld.idx.msk [tilespmem:v14+s21+$0x0], $0xffff  }
0x126: {  	v2 =	vmul.f32 v2, v2;
	v14 =	vld [tilespmem:$0x1FE50];
	v10 =	vadd.f32 v10, v6  }
0x127: {  	v6 =	vld [tilespmem:$0x1FE70]  }
0x128: {  	v22 =	vadd.f32 v2, v10;
	v10 =	vld [tilespmem:$0x1FE60]  }
0x129: {  	v17 =	vld.idx.msk [tilespmem:v1+s18+$0x0], $0xffff  }
0x12a: {  	v1 =	vld [tilespmem:$0x1FEC0];
	_ =	sdelay $0x1  }
0x12b: {  	v2 =	vld [tilespmem:$0x1FEB0];
	_ =	sdelay $0x1  }
0x12c: {  	v0 =	vld.idx.msk [tilespmem:v0+s18+$0x0], $0xffff  }
0x12d: {  	v36 =	vmul.f32 v25, v25;
	v25 =	vor.u32 v47, v4;
	v47 =	vor.u32 v15, v4;
	v52 =	vld.idx.msk [tilespmem:v14+s18+$0x0], $0xffff  }
0x12e: {  	v56 =	vmov v13;
	v51 =	vmul.f32 v51, v51;
	v29 =	vor.u32 v11, v4;
	v38 =	vld.idx.msk [tilespmem:v6+s18+$0x0], $0xffff  }
0x12f: {  	v50 =	vor.u32 v13, v4;
	v24 =	vsub.f32 v42, v24;
	v40 =	vor.u32 v15, v2;
	v10 =	vld.idx.msk [tilespmem:v10+s18+$0x0], $0xffff  }
0x130: {  	s4 =	simm.s32 $0x4;
	v39 =	vor.u32 v16, v2;
	v57 =	vld.idx.msk [tilespmem:v1+s18+$0x0], $0xffff;
	v1 =	vsub.f32 v42, v21;
	v21 =	vsub.f32 v42, v63  }
.LBB2_9:
0x131: {  	v19 =	vmul.f32 v19, v19  }
0x132: {  	v2 =	vld.idx.msk [tilespmem:v47+s18+$0x0], $0xffff;
	v4 =	vsub.f32 v42, v49;
	v48 =	vadd.f32 v51, v48  }
0x133: {  	v29 =	vld.idx.msk [tilespmem:v29+s18+$0x0], $0xffff;
	v28 =	vmul.f32 v24, v24;
	v3 =	vadd.f32 v36, v3;
	v55 =	vadd.f32 v19, v55  }
0x134: {  	s6 =	smov.u32 s4;
	v24 =	vld.idx.msk [tilespmem:v40+s18+$0x0], $0xffff;
	v21 =	vmul.f32 v21, v21;
	v19 =	vsub.f32 v42, v0;
	v40 =	vsub.f32 v42, v45  }
0x135: {  	s15 =	sadd.s32 $0x1, s6;
	v36 =	vmul.f32 v4, v4;
	v51 =	vsub.f32 v43, v52;
	v38 =	vsub.f32 v43, v38  }
0x136: {  	v4 =	vmov s15;
	v10 =	vsub.f32 v43, v10;
	v27 =	vsub.f32 v42, v27  }
0x137: {  	v6 =	vld [tilespmem:$0x1FFF0];
	v4 =	vand.u32 $0x3F, v4;
	v17 =	vsub.f32 v43, v17;
	v52 =	vsub.f32 v43, v57  }
0x138: {  	v4 =	vbroadcast v4, $0x0;
	v58 =	vsub.f32 v42, v54;
	v26 =	vsub.f32 v43, v26  }
0x139: {  	v1 =	vmul.f32 v1, v1;
	v0 =	vld.idx.msk [tilespmem:v39+s18+$0x0], $0xffff;
	v2 =	vsub.f32 v43, v2;
	v33 =	vsub.f32 v43, v29  }
0x13a: {  	v10 =	vmul.f32 v10, v10;
	v17 =	vmul.f32 v17, v17;
	v35 =	vor.u32 v61, v4  }
0x13b: {  	v24 =	vsub.f32 v42, v24;
	v47 =	vor.u32 v5, v4;
	v57 =	vor.u32 v9, v4  }
0x13c: {  	v61 =	vmov s6;
	v54 =	vor.u32 v62, v4;
	v59 =	vor.u32 v6, v4  }
0x13d: {  	v50 =	vld.idx.msk [tilespmem:v50+s18+$0x0], $0xffff;
	v60 =	vmul.f32 v27, v27;
	v62 =	vor.u32 v11, v4;
	v26 =	vmul.f32 v26, v26  }
0x13e: {  	v63 =	vld.idx.msk [tilespmem:v25+s18+$0x0], $0xffff;
	v27 =	vor.u32 v8, v4;
	v49 =	vand.u32 $0x3E, v61;
	v30 =	vsub.f32 v42, v0  }
0x13f: {  	v0 =	vld [tilespmem:$0x1FFE0];
	v33 =	vmul.f32 v33, v33;
	v2 =	vmul.f32 v2, v2;
	v26 =	vadd.f32 v26, v53  }
0x140: {  	v13 =	vmovc v56;
	v61 =	vbroadcast v49, $0x0;
	v17 =	vadd.f32 v17, v34;
	v37 =	vadd.f32 v10, v37;
	v49 =	vld.idx.msk [tilespmem:v35+s18+$0x0], $0xffff  }
0x141: {  	v24 =	vmul.f32 v24, v24;
	v2 =	vadd.f32 v2, v46;
	v48 =	vadd.f32 v33, v48;
	v41 =	vld.idx.msk [tilespmem:v57+s18+$0x0], $0xffff  }
0x142: {  	v32 =	vor.u32 v5, v61;
	v25 =	vor.u32 v6, v61;
	v6 =	vor.u32 v56, v4;
	v45 =	vld.idx.msk [tilespmem:v54+s18+$0x0], $0xffff  }
0x143: {  	v44 =	vor.u32 v9, v61;
	v29 =	vor.u32 v11, v61;
	v14 =	vor.u32 v16, v61;
	v27 =	vld.idx.msk [tilespmem:v27+s18+$0x0], $0xffff  }
0x144: {  	v53 =	vadd.f32 v21, v26;
	v57 =	vsub.f32 v43, v50;
	v54 =	vld.idx.msk [tilespmem:v62+s18+$0x0], $0xffff;
	v42 =	vor.u32 v0, v4  }
0x145: {  	v21 =	vmul.f32 v38, v38;
	v35 =	vor.u32 v8, v61;
	v50 =	vor.u32 v56, v61;
	v59 =	vld.idx.msk [tilespmem:v59+s18+$0x0], $0xffff  }
0x146: {  	v56 =	vor.u32 v18, v61;
	v31 =	vor.u32 v0, v61;
	v0 =	vld.idx.msk [tilespmem:v47+s18+$0x0], $0xffff;
	v57 =	vmul.f32 v57, v57  }
0x147: {  	v43 =	vsub.f32 v43, v63;
	v63 =	vmul.f32 v40, v40;
	v46 =	vadd.f32 v24, v2;
	v6 =	vld.idx.msk [tilespmem:v6+s18+$0x0], $0xffff  }
0x148: {  	v2 =	vmul.f32 v30, v30;
	v20 =	vadd.f32 v57, v20;
	v57 =	vmul.f32 v52, v52;
	v52 =	vld.idx.msk [tilespmem:v32+s18+$0x0], $0xffff  }
0x149: {  	v47 =	vor.u32 v15, v61;
	v61 =	vor.u32 v12, v61;
	v43 =	vmul.f32 v43, v43;
	v42 =	vld.idx.msk [tilespmem:v42+s21+$0x0], $0xffff  }
0x14a: {  	p0 =	sne.s32 s4, $0x3E;
	v3 =	vadd.f32 v21, v3;
	v34 =	vadd.f32 v63, v17;
	v17 =	vmul.f32 v51, v51;
	v10 =	vld.idx.msk [tilespmem:v14+s18+$0x0], $0xffff  }
.Ltmp3:
0x14b: {  	v39 =	vor.u32 v16, v4;
	v37 =	vadd.f32 v2, v37;
	v22 =	vadd.f32 v43, v22;
	v26 =	vld.idx.msk [tilespmem:v44+s18+$0x0], $0xffff;
	(pc) =	sbr.rel @p0 .LBB2_9-.Ltmp3, $4  }
0x14c: {  	v62 =	vmov v18;
	v55 =	vadd.f32 v17, v55;
	v17 =	vld.idx.msk [tilespmem:v56+s18+$0x0], $0xffff;
	v14 =	vadd.f32 v57, v23  }
0x14d: {  	v40 =	vor.u32 v15, v4;
	v43 =	vld.idx.msk [tilespmem:v31+s21+$0x0], $0xffff;
	v22 =	vadd.f32 v1, v22;
	v20 =	vadd.f32 v28, v20  }
0x14e: {  	v51 =	vmul.f32 v58, v58;
	v38 =	vld.idx.msk [tilespmem:v61+s18+$0x0], $0xffff;
	v23 =	vadd.f32 v60, v14;
	v24 =	vsub.f32 v42, v6  }
0x14f: {  	s4 =	sadd.s32 $0x2, s4;
	v56 =	vmovc v13;
	v61 =	vmov v12;
	v57 =	vld.idx.msk [tilespmem:v35+s18+$0x0], $0xffff;
	v1 =	vsub.f32 v42, v59;
	v21 =	vsub.f32 v42, v41  }
0x150: {  	_ =	sdelay $0x1  }
0x151: {  	v2 =	vmul.f32 v19, v19;
	v4 =	vsub.f32 v43, v52;
	_ =	sdelay $0x1  }
0x152: {  	v0 =	vsub.f32 v42, v0;
	v2 =	vadd.f32 v2, v55;
	v4 =	vmul.f32 v4, v4;
	_ =	sdelay $0x1  }
0x153: {  	v0 =	vmul.f32 v0, v0;
	v2 =	vadd.f32 v4, v2;
	_ =	sdelay $0x1  }
0x154: {  	v0 =	vadd.f32 v0, v2;
	_ =	sdelay $0x1  }
0x155: {  	v0 =	vadd.f32 $9.999999930e-09, v0;
	_ =	sdelay $0x1  }
0x156: {  	v2 =	vshrl.u32 v0, $0x1;
	v4 =	vmul.f32 $5.000000000e-01, v0  }
0x157: {  	v2 =	vsub.s32 $0x5F3759DF, v2  }
0x158: {  	v6 =	vmul.f32 v2, v4;
	_ =	sdelay $0x1  }
0x159: {  	v6 =	vmul.f32 v2, v6;
	_ =	sdelay $0x1  }
0x15a: {  	v6 =	vsub.f32 $1.500000000e+00, v6  }
0x15b: {  	v11 =	vld [tilespmem:$0x1FC40];
	v14 =	vsub.f32 v43, v57  }
0x15c: {  	v2 =	vmul.f32 v2, v6  }
0x15d: {  	v14 =	vmul.f32 v14, v14;
	v6 =	vsub.f32 v42, v27  }
0x15e: {  	v19 =	vld.idx.msk [tilespmem:v25+s18+$0x0], $0xffff;
	v25 =	vmul.f32 v2, v4  }
0x15f: {  	v14 =	vadd.f32 v14, v23;
	v6 =	vmul.f32 v6, v6  }
0x160: {  	v23 =	vmul.f32 v25, v2;
	v25 =	vadd.f32 $9.999999930e-09, v11  }
0x161: {  	v6 =	vadd.f32 v6, v14  }
0x162: {  	v23 =	vsub.f32 $1.500000000e+00, v23;
	v27 =	vshrl.u32 v25, $0x1;
	v28 =	vmul.f32 $5.000000000e-01, v25  }
0x163: {  	v19 =	vsub.f32 v43, v19;
	v6 =	vadd.f32 $9.999999930e-09, v6;
	v27 =	vsub.s32 $0x5F3759DF, v27  }
0x164: {  	v11 =	vld [tilespmem:$0x1FC00];
	v2 =	vmul.f32 v23, v2;
	v23 =	vmul.f32 v27, v28  }
0x165: {  	v19 =	vmul.f32 v19, v19;
	v44 =	vshrl.u32 v6, $0x1;
	v30 =	vmul.f32 $5.000000000e-01, v6  }
0x166: {  	v14 =	vld.idx.msk [tilespmem:v29+s18+$0x0], $0xffff;
	v29 =	vsub.s32 $0x5F3759DF, v44;
	v4 =	vmul.f32 v2, v4;
	v23 =	vmul.f32 v27, v23  }
0x167: {  	v35 =	vadd.f32 v51, v48;
	v19 =	vadd.f32 v19, v22;
	v22 =	vmul.f32 v29, v30  }
0x168: {  	v1 =	vmul.f32 v1, v1;
	v4 =	vmul.f32 v4, v2;
	v23 =	vsub.f32 $1.500000000e+00, v23  }
0x169: {  	v21 =	vmul.f32 v21, v21;
	v31 =	vadd.f32 $9.999999930e-09, v11;
	v22 =	vmul.f32 v29, v22  }
0x16a: {  	v19 =	vadd.f32 v1, v19;
	v1 =	vsub.f32 $1.500000000e+00, v4;
	v4 =	vmul.f32 v27, v23  }
0x16b: {  	v22 =	vsub.f32 $1.500000000e+00, v22;
	v23 =	vshrl.u32 v31, $0x1;
	v27 =	vmul.f32 $5.000000000e-01, v31  }
0x16c: {  	v23 =	vsub.s32 $0x5F3759DF, v23;
	v1 =	vmul.f32 v1, v2;
	v2 =	vmul.f32 v4, v28  }
0x16d: {  	v54 =	vsub.f32 v42, v54;
	v22 =	vmul.f32 v29, v22;
	v52 =	vmul.f32 v23, v27  }
0x16e: {  	v1 =	vmul.f32 v1, v0;
	v0 =	vmul.f32 v2, v4;
	v2 =	vadd.f32 $9.999999930e-09, v19  }
0x16f: {  	v11 =	vld [tilespmem:$0x1FBF0];
	v19 =	vsub.f32 v43, v26;
	v26 =	vmul.f32 v22, v30;
	v29 =	vmul.f32 v23, v52  }
0x170: {  	v0 =	vsub.f32 $1.500000000e+00, v0;
	v32 =	vshrl.u32 v2, $0x1;
	v33 =	vmul.f32 $5.000000000e-01, v2  }
0x171: {  	v26 =	vmul.f32 v26, v22;
	v29 =	vsub.f32 $1.500000000e+00, v29;
	v32 =	vsub.s32 $0x5F3759DF, v32  }
0x172: {  	v14 =	vsub.f32 v43, v14;
	v0 =	vmul.f32 v0, v4;
	v4 =	vmul.f32 v32, v33  }
0x173: {  	v19 =	vmul.f32 v19, v19;
	v26 =	vsub.f32 $1.500000000e+00, v26;
	v23 =	vmul.f32 v23, v29  }
0x174: {  	v14 =	vmul.f32 v14, v14;
	v29 =	vadd.f32 $9.999999930e-09, v11;
	v4 =	vmul.f32 v32, v4  }
0x175: {  	v19 =	vadd.f32 v19, v53;
	v22 =	vmul.f32 v26, v22;
	v26 =	vmul.f32 v23, v27  }
0x176: {  	v28 =	vmul.f32 v0, v28;
	v41 =	vshrl.u32 v29, $0x1;
	v44 =	vmul.f32 $5.000000000e-01, v29  }
0x177: {  	v41 =	vsub.s32 $0x5F3759DF, v41;
	v4 =	vsub.f32 $1.500000000e+00, v4;
	v26 =	vmul.f32 v26, v23  }
0x178: {  	v19 =	vadd.f32 v21, v19;
	v30 =	vmul.f32 v22, v30;
	v53 =	vmul.f32 v41, v44  }
0x179: {  	v28 =	vmul.f32 v28, v0;
	v4 =	vmul.f32 v32, v4;
	v26 =	vsub.f32 $1.500000000e+00, v26  }
0x17a: {  	v14 =	vadd.f32 v14, v35;
	v30 =	vmul.f32 v30, v22;
	v32 =	vmul.f32 v41, v53  }
0x17b: {  	v11 =	vld [tilespmem:$0x1FBD0];
	v19 =	vadd.f32 $9.999999930e-09, v19;
	v23 =	vmul.f32 v26, v23;
	v21 =	vmul.f32 v4, v33  }
0x17c: {  	v28 =	vsub.f32 $1.500000000e+00, v28;
	v26 =	vmul.f32 v54, v54;
	v32 =	vsub.f32 $1.500000000e+00, v32  }
0x17d: {  	v30 =	vsub.f32 $1.500000000e+00, v30;
	v27 =	vmul.f32 v23, v27;
	v21 =	vmul.f32 v21, v4  }
0x17e: {  	v0 =	vmul.f32 v28, v0;
	v14 =	vadd.f32 v26, v14;
	v26 =	vmul.f32 v41, v32  }
0x17f: {  	v22 =	vmul.f32 v30, v22;
	v27 =	vmul.f32 v27, v23;
	v55 =	vsub.f32 $1.500000000e+00, v21  }
0x180: {  	v30 =	vadd.f32 $9.999999930e-09, v11;
	v21 =	vmul.f32 v0, v25;
	v0 =	vmul.f32 v26, v44  }
0x181: {  	v6 =	vmul.f32 v22, v6;
	v22 =	vsub.f32 $1.500000000e+00, v27;
	v4 =	vmul.f32 v55, v4  }
0x182: {  	v25 =	vshrl.u32 v19, $0x1;
	v0 =	vmul.f32 v0, v26;
	v27 =	vmul.f32 $5.000000000e-01, v19  }
0x183: {  	v25 =	vsub.s32 $0x5F3759DF, v25;
	v22 =	vmul.f32 v22, v23;
	v23 =	vmul.f32 v4, v33  }
0x184: {  	v28 =	vmul.f32 $5.000000000e-01, v30;
	v0 =	vsub.f32 $1.500000000e+00, v0;
	v57 =	vmul.f32 v25, v27  }
0x185: {  	v58 =	vld.idx.msk [tilespmem:v50+s18+$0x0], $0xffff;
	v22 =	vmul.f32 v22, v31;
	v23 =	vmul.f32 v23, v4;
	v31 =	vadd.f32 $9.999999930e-09, v14  }
0x186: {  	v0 =	vmul.f32 v0, v26;
	v14 =	vmul.f32 v25, v57;
	v26 =	vshrl.u32 v30, $0x1  }
0x187: {  	v26 =	vsub.s32 $0x5F3759DF, v26;
	v59 =	vshrl.u32 v31, $0x1;
	v35 =	vmul.f32 $5.000000000e-01, v31  }
0x188: {  	v14 =	vsub.f32 $1.500000000e+00, v14;
	v60 =	vmul.f32 v26, v28;
	v33 =	vsub.s32 $0x5F3759DF, v59  }
0x189: {  	v23 =	vsub.f32 $1.500000000e+00, v23;
	v63 =	vmul.f32 v33, v35  }
0x18a: {  	v25 =	vmul.f32 v25, v14;
	v14 =	vsub.f32 v43, v58;
	v50 =	vmul.f32 v26, v60  }
0x18b: {  	v51 =	vmul.f32 v33, v63  }
0x18c: {  	v4 =	vmul.f32 v23, v4;
	v14 =	vmul.f32 v14, v14;
	v23 =	vsub.f32 $1.500000000e+00, v50  }
0x18d: {  	v24 =	vmul.f32 v24, v24;
	v39 =	vld.idx.msk [tilespmem:v39+s18+$0x0], $0xffff;
	v54 =	vmul.f32 v25, v27;
	v52 =	vsub.f32 $1.500000000e+00, v51  }
0x18e: {  	v20 =	vadd.f32 v14, v20;
	v23 =	vmul.f32 v26, v23;
	v14 =	vmul.f32 v4, v2;
	v4 =	vld [tilespmem:$0x1FC20]  }
0x18f: {  	v3 =	vadd.f32 v36, v3;
	v10 =	vsub.f32 v43, v10;
	v2 =	vmul.f32 v54, v25  }
0x190: {  	v17 =	vsub.f32 v43, v17;
	v26 =	vmul.f32 v33, v52;
	v57 =	vmul.f32 v23, v28  }
0x191: {  	v10 =	vmul.f32 v10, v10;
	v44 =	vmul.f32 v0, v44;
	v2 =	vsub.f32 $1.500000000e+00, v2  }
0x192: {  	v39 =	vsub.f32 v42, v39;
	v58 =	vmul.f32 v26, v35;
	v33 =	vmul.f32 v57, v23  }
0x193: {  	v53 =	vmul.f32 v44, v0;
	v2 =	vmul.f32 v2, v25;
	v4 =	vadd.f32 $9.999999930e-09, v4  }
0x194: {  	v20 =	vadd.f32 v24, v20;
	v41 =	vmul.f32 v58, v26;
	v63 =	vsub.f32 $1.500000000e+00, v33  }
0x195: {  	v27 =	vmul.f32 v2, v27;
	v59 =	vshrl.u32 v4, $0x1;
	v60 =	vmul.f32 $5.000000000e-01, v4  }
0x196: {  	v24 =	vld.idx.msk [tilespmem:v47+s18+$0x0], $0xffff;
	v44 =	vsub.s32 $0x5F3759DF, v59;
	v47 =	vsub.f32 $1.500000000e+00, v41;
	v41 =	vadd.f32 $9.999999930e-09, v20  }
0x197: {  	v55 =	vsub.f32 $1.500000000e+00, v53;
	v20 =	vmul.f32 v63, v23;
	v25 =	vmul.f32 v44, v60  }
0x198: {  	v23 =	vmul.f32 v47, v26;
	v26 =	vshrl.u32 v41, $0x1;
	v50 =	vmul.f32 $5.000000000e-01, v41  }
0x199: {  	v0 =	vmul.f32 v55, v0;
	v25 =	vmul.f32 v44, v25;
	v26 =	vsub.s32 $0x5F3759DF, v26  }
0x19a: {  	v10 =	vadd.f32 v10, v37;
	v27 =	vmul.f32 v27, v2;
	v51 =	vmul.f32 v26, v50  }
0x19b: {  	v53 =	vsub.f32 v42, v49;
	v29 =	vmul.f32 v0, v29;
	v25 =	vsub.f32 $1.500000000e+00, v25  }
0x19c: {  	v27 =	vsub.f32 $1.500000000e+00, v27;
	v35 =	vmul.f32 v23, v35;
	v33 =	vmul.f32 v26, v51  }
0x19d: {  	v40 =	vld.idx.msk [tilespmem:v40+s18+$0x0], $0xffff;
	v54 =	vsub.f32 v43, v38;
	v28 =	vmul.f32 v20, v28;
	v25 =	vmul.f32 v44, v25  }
0x19e: {  	v2 =	vmul.f32 v27, v2;
	v27 =	vmul.f32 v35, v23;
	v33 =	vsub.f32 $1.500000000e+00, v33  }
0x19f: {  	v24 =	vsub.f32 v43, v24;
	v28 =	vmul.f32 v28, v20;
	v44 =	vmul.f32 v25, v60  }
0x1a0: {  	v11 =	vld [tilespmem:$0x1FC10];
	v0 =	vmul.f32 v2, v19;
	v19 =	vsub.f32 $1.500000000e+00, v27;
	v2 =	vmul.f32 v26, v33  }
0x1a1: {  	v24 =	vmul.f32 v24, v24;
	v28 =	vsub.f32 $1.500000000e+00, v28;
	v52 =	vmul.f32 v44, v25  }
0x1a2: {  	v26 =	vsub.f32 v42, v40;
	v19 =	vmul.f32 v19, v23;
	v23 =	vmul.f32 v2, v50  }
0x1a3: {  	v47 =	vmul.f32 v39, v39;
	v20 =	vmul.f32 v28, v20;
	v27 =	vsub.f32 $1.500000000e+00, v52  }
0x1a4: {  	v24 =	vadd.f32 v24, v46;
	v26 =	vmul.f32 v26, v26;
	v23 =	vmul.f32 v23, v2  }
0x1a5: {  	v46 =	vmul.f32 v17, v17;
	v25 =	vmul.f32 v27, v25;
	v27 =	vadd.f32 $9.999999930e-09, v11  }
0x1a6: {  	v20 =	vmul.f32 v20, v30;
	v24 =	vadd.f32 v26, v24;
	v23 =	vsub.f32 $1.500000000e+00, v23  }
0x1a7: {  	v26 =	vmul.f32 v25, v60;
	v55 =	vshrl.u32 v27, $0x1;
	v57 =	vmul.f32 $5.000000000e-01, v27  }
0x1a8: {  	v24 =	vadd.f32 $9.999999930e-09, v24;
	v30 =	vsub.s32 $0x5F3759DF, v55;
	v2 =	vmul.f32 v23, v2  }
0x1a9: {  	v63 =	vsub.f32 v42, v45;
	v11 =	vld [tilespmem:$0x1FBB0];
	v26 =	vmul.f32 v26, v25;
	v23 =	vmul.f32 v30, v57  }
0x1aa: {  	v10 =	vadd.f32 v47, v10;
	v34 =	vadd.f32 v46, v34;
	v58 =	vshrl.u32 v24, $0x1  }
0x1ab: {  	v32 =	vmul.f32 v2, v50;
	v26 =	vsub.f32 $1.500000000e+00, v26;
	v23 =	vmul.f32 v30, v23  }
0x1ac: {  	v28 =	vmul.f32 v53, v53;
	v59 =	vmul.f32 $5.000000000e-01, v24;
	v35 =	vsub.s32 $0x5F3759DF, v58  }
0x1ad: {  	v32 =	vmul.f32 v32, v2;
	v25 =	vmul.f32 v26, v25;
	v23 =	vsub.f32 $1.500000000e+00, v23  }
0x1ae: {  	v12 =	vld [tilespmem:$0x1FBE0];
	v33 =	vmul.f32 v54, v54;
	v40 =	vadd.f32 $9.999999930e-09, v11;
	v26 =	vmul.f32 v35, v59  }
0x1af: {  	v11 =	vld [tilespmem:$0x1FED0];
	v4 =	vmul.f32 v25, v4;
	v25 =	vsub.f32 $1.500000000e+00, v32;
	v23 =	vmul.f32 v30, v23  }
0x1b0: {  	v43 =	vadd.f32 $9.999999930e-09, v10;
	v26 =	vmul.f32 v35, v26;
	v32 =	vmul.f32 $5.000000000e-01, v40  }
0x1b1: {  	v60 =	vshrl.u32 v40, $0x1;
	v2 =	vmul.f32 v25, v2;
	v25 =	vmul.f32 v23, v57  }
0x1b2: {  	v54 =	vshrl.u32 v43, $0x1;
	v19 =	vmul.f32 v19, v31;
	v30 =	vsub.s32 $0x5F3759DF, v60  }
0x1b3: {  	v26 =	vsub.f32 $1.500000000e+00, v26;
	v45 =	vmul.f32 v30, v32;
	v17 =	vmul.f32 v25, v23  }
0x1b4: {  	v3 =	vadd.f32 v33, v3;
	v48 =	vmul.f32 v21, v11;
	v21 =	vadd.f32 $9.999999930e-09, v12  }
0x1b5: {  	v12 =	vld [tilespmem:$0x1FBC0];
	v26 =	vmul.f32 v35, v26;
	v35 =	vmul.f32 v30, v45;
	v17 =	vsub.f32 $1.500000000e+00, v17  }
0x1b6: {  	v3 =	vadd.f32 v28, v3;
	v22 =	vmul.f32 v22, v11;
	v29 =	vmul.f32 v29, v11  }
0x1b7: {  	v13 =	vld [tilespmem:$0x1FEE0];
	v35 =	vsub.f32 $1.500000000e+00, v35;
	v23 =	vmul.f32 v17, v23;
	v17 =	vmul.f32 v26, v59  }
0x1b8: {  	v20 =	vmul.f32 v20, v11;
	v49 =	vshrl.u32 v21, $0x1;
	v50 =	vmul.f32 $5.000000000e-01, v21  }
0x1b9: {  	v6 =	vadd.f32 v6, v22;
	v30 =	vmul.f32 v30, v35;
	v51 =	vmul.f32 v17, v26  }
0x1ba: {  	v25 =	vmul.f32 v63, v63;
	v28 =	vadd.f32 $9.999999930e-09, v12;
	v35 =	vsub.s32 $0x5F3759DF, v49  }
0x1bb: {  	v12 =	vld [tilespmem:$0x1FC30];
	v17 =	vmul.f32 v2, v41;
	v53 =	vmul.f32 v30, v32;
	v2 =	vsub.f32 $1.500000000e+00, v51  }
0x1bc: {  	v36 =	vsub.s32 $0x5F3759DF, v54;
	v6 =	vmul.f32 v6, v13;
	v52 =	vmul.f32 v35, v50  }
0x1bd: {  	v1 =	vadd.f32 v1, v48;
	v2 =	vmul.f32 v2, v26;
	v26 =	vmul.f32 v53, v30  }
0x1be: {  	v25 =	vadd.f32 v25, v34;
	v31 =	vmul.f32 v23, v57;
	v10 =	vmul.f32 v35, v52  }
0x1bf: {  	v41 =	vmul.f32 $5.000000000e-01, v43;
	v38 =	vmul.f32 v2, v59;
	v26 =	vsub.f32 $1.500000000e+00, v26  }
0x1c0: {  	v45 =	vadd.f32 $9.999999930e-09, v12;
	v31 =	vmul.f32 v31, v23;
	v10 =	vsub.f32 $1.500000000e+00, v10  }
0x1c1: {  	v25 =	vadd.f32 $9.999999930e-09, v25;
	v57 =	vmul.f32 v38, v2;
	v26 =	vmul.f32 v26, v30  }
0x1c2: {  	v55 =	vmul.f32 v36, v41;
	v48 =	vshrl.u32 v45, $0x1;
	v10 =	vmul.f32 v35, v10  }
0x1c3: {  	v49 =	vmul.f32 $5.000000000e-01, v45;
	v33 =	vsub.f32 $1.500000000e+00, v57;
	v32 =	vmul.f32 v26, v32  }
0x1c4: {  	v58 =	vsub.f32 $1.500000000e+00, v31;
	v59 =	vmul.f32 v36, v55;
	v60 =	vmul.f32 v10, v50  }
0x1c5: {  	v51 =	vadd.f32 $9.999999930e-09, v3;
	v2 =	vmul.f32 v33, v2;
	v35 =	vmul.f32 v32, v26  }
0x1c6: {  	v23 =	vmul.f32 v58, v23;
	v63 =	vsub.f32 $1.500000000e+00, v59;
	v34 =	vmul.f32 v60, v10  }
0x1c7: {  	v37 =	vsub.s32 $0x5F3759DF, v48;
	v2 =	vmul.f32 v2, v24;
	v24 =	vsub.f32 $1.500000000e+00, v35  }
0x1c8: {  	v23 =	vmul.f32 v23, v27;
	v27 =	vmul.f32 v36, v63;
	v36 =	vsub.f32 $1.500000000e+00, v34  }
0x1c9: {  	v32 =	vmul.f32 $5.000000000e-01, v28;
	v24 =	vmul.f32 v24, v26;
	v26 =	vshrl.u32 v28, $0x1  }
0x1ca: {  	v3 =	vmul.f32 v37, v49;
	v10 =	vmul.f32 v36, v10;
	v26 =	vsub.s32 $0x5F3759DF, v26  }
0x1cb: {  	v46 =	vshrl.u32 v25, $0x1;
	v47 =	vmul.f32 $5.000000000e-01, v25;
	v44 =	vmul.f32 v26, v32  }
0x1cc: {  	v3 =	vmul.f32 v37, v3;
	v35 =	vsub.s32 $0x5F3759DF, v46;
	v42 =	vmul.f32 v10, v50  }
0x1cd: {  	v54 =	vshrl.u32 v51, $0x1;
	v50 =	vmul.f32 v35, v47;
	v33 =	vmul.f32 v26, v44  }
0x1ce: {  	v3 =	vsub.f32 $1.500000000e+00, v3;
	v38 =	vmul.f32 v27, v41;
	v31 =	vmul.f32 v42, v10  }
0x1cf: {  	v55 =	vmul.f32 $5.000000000e-01, v51;
	v53 =	vmul.f32 v35, v50;
	v33 =	vsub.f32 $1.500000000e+00, v33  }
0x1d0: {  	v59 =	vmul.f32 v37, v3;
	v39 =	vmul.f32 v38, v27;
	v52 =	vsub.f32 $1.500000000e+00, v31  }
0x1d1: {  	v31 =	vsub.f32 $1.500000000e+00, v53;
	v26 =	vmul.f32 v26, v33;
	v33 =	vsub.s32 $0x5F3759DF, v54  }
0x1d2: {  	v57 =	vmul.f32 v52, v10;
	v10 =	vmul.f32 v33, v55  }
0x1d3: {  	v0 =	vadd.f32 v0, v20;
	v22 =	vmul.f32 v35, v31;
	v58 =	vmul.f32 v26, v32  }
0x1d4: {  	v14 =	vadd.f32 v14, v29;
	v60 =	vmul.f32 v33, v10;
	v10 =	vmul.f32 v1, v13  }
0x1d5: {  	v30 =	vsub.f32 $1.500000000e+00, v39;
	v1 =	vmul.f32 v0, v13;
	v0 =	vmul.f32 v4, v11  }
0x1d6: {  	v3 =	vmul.f32 v14, v13;
	v20 =	vmul.f32 v58, v26;
	v14 =	vsub.f32 $1.500000000e+00, v60  }
0x1d7: {  	v27 =	vmul.f32 v30, v27;
	v0 =	vadd.f32 v19, v0;
	v19 =	vmul.f32 v22, v47  }
0x1d8: {  	v4 =	vsub.f32 $1.500000000e+00, v20;
	v20 =	vmul.f32 v59, v49;
	v14 =	vmul.f32 v33, v14  }
0x1d9: {  	v63 =	vmul.f32 v0, v13;
	v0 =	vmul.f32 v19, v22  }
0x1da: {  	v19 =	vmul.f32 v27, v41;
	v4 =	vmul.f32 v4, v26  }
0x1db: {  	v20 =	vmul.f32 v20, v59;
	v26 =	vmul.f32 v14, v55  }
0x1dc: {  	v23 =	vmul.f32 v23, v11;
	v24 =	vmul.f32 v24, v40;
	v0 =	vsub.f32 $1.500000000e+00, v0  }
0x1dd: {  	v19 =	vmul.f32 v19, v27;
	v20 =	vsub.f32 $1.500000000e+00, v20;
	v26 =	vmul.f32 v26, v14  }
0x1de: {  	v0 =	vmul.f32 v0, v22;
	v22 =	vmul.f32 v4, v32  }
0x1df: {  	v21 =	vmul.f32 v57, v21;
	v20 =	vmul.f32 v20, v59;
	v26 =	vsub.f32 $1.500000000e+00, v26  }
0x1e0: {  	v19 =	vsub.f32 $1.500000000e+00, v19;
	v38 =	vmul.f32 v0, v47;
	v22 =	vmul.f32 v22, v4  }
0x1e1: {  	v14 =	vmul.f32 v26, v14;
	v26 =	vmul.f32 v20, v49  }
0x1e2: {  	v19 =	vmul.f32 v19, v27;
	v27 =	vmul.f32 v38, v0;
	v22 =	vsub.f32 $1.500000000e+00, v22  }
0x1e3: {  	v39 =	vmul.f32 v14, v55;
	v26 =	vmul.f32 v26, v20  }
0x1e4: {  	v24 =	vmul.f32 v24, v11;
	v27 =	vsub.f32 $1.500000000e+00, v27;
	v4 =	vmul.f32 v22, v4  }
0x1e5: {  	v21 =	vmul.f32 v21, v11;
	v41 =	vmul.f32 v39, v14;
	v26 =	vsub.f32 $1.500000000e+00, v26  }
0x1e6: {  	v0 =	vmul.f32 v27, v0;
	v4 =	vmul.f32 v4, v28  }
0x1e7: {  	v19 =	vmul.f32 v19, v43;
	v22 =	vsub.f32 $1.500000000e+00, v41;
	v20 =	vmul.f32 v26, v20  }
0x1e8: {  	v17 =	vadd.f32 v17, v23;
	v0 =	vmul.f32 v0, v25;
	v4 =	vmul.f32 v4, v11  }
0x1e9: {  	v14 =	vmul.f32 v22, v14;
	v20 =	vmul.f32 v20, v45  }
0x1ea: {  	v42 =	vmul.f32 v17, v13;
	v2 =	vadd.f32 v2, v24;
	v17 =	vadd.f32 v19, v21  }
0x1eb: {  	v0 =	vadd.f32 v0, v4;
	v14 =	vmul.f32 v14, v51;
	v20 =	vmul.f32 v20, v11  }
0x1ec: {  	v43 =	vmul.f32 v2, v13;
	v44 =	vmul.f32 v17, v13;
	v4 =	vmin.f32 v10, v6  }
0x1ed: {  	v45 =	vmul.f32 v0, v13;
	v0 =	vmin.f32 v4, v3;
	v2 =	vadd.f32 v14, v20  }
0x1ee: {  	v4 =	vmax.f32 v4, v3;
	v14 =	vmin.f32 v0, v1;
	v0 =	vmax.f32 v0, v1  }
0x1ef: {  	v17 =	vmin.f32 v14, v63;
	v14 =	vmax.f32 v14, v63;
	v46 =	vmul.f32 v2, v13  }
0x1f0: {  	v2 =	vmax.f32 v10, v6;
	v19 =	vmax.f32 v17, v42;
	v17 =	vmin.f32 v17, v42  }
0x1f1: {  	v20 =	vmax.f32 v17, v43;
	v17 =	vmin.f32 v17, v43;
	v21 =	vmin.f32 v2, v4  }
0x1f2: {  	v2 =	vmax.f32 v2, v4;
	v22 =	vmax.f32 v17, v44;
	v17 =	vmin.f32 v17, v44  }
0x1f3: {  	v23 =	vmin.f32 v21, v0;
	v0 =	vmax.f32 v21, v0;
	v24 =	vmax.f32 v17, v45  }
0x1f4: {  	v17 =	vmin.f32 v17, v45;
	v25 =	vmin.f32 v23, v14;
	v14 =	vmax.f32 v23, v14  }
0x1f5: {  	v23 =	vmin.f32 v2, v0;
	v0 =	vmax.f32 v2, v0;
	v26 =	vmax.f32 v17, v46  }
0x1f6: {  	v4 =	vmin.f32 v25, v19;
	v19 =	vmax.f32 v25, v19;
	v25 =	vmin.f32 v23, v14  }
0x1f7: {  	v2 =	vmax.f32 v23, v14;
	v21 =	vmin.f32 v4, v20;
	v4 =	vmax.f32 v4, v20  }
0x1f8: {  	v14 =	vmin.f32 v25, v19;
	v19 =	vmax.f32 v25, v19;
	v20 =	vmin.f32 v21, v22  }
0x1f9: {  	v21 =	vmax.f32 v21, v22;
	v23 =	vmax.f32 v14, v4;
	v4 =	vmin.f32 v14, v4  }
0x1fa: {  	v22 =	vmin.f32 v20, v24;
	v20 =	vmax.f32 v20, v24;
	v14 =	vmax.f32 v4, v21  }
0x1fb: {  	v4 =	vmin.f32 v4, v21;
	v21 =	vmin.f32 v0, v2;
	v0 =	vmax.f32 v0, v2  }
0x1fc: {  	v24 =	vmax.f32 v22, v26;
	v25 =	vmax.f32 v4, v20;
	v4 =	vmin.f32 v4, v20  }
0x1fd: {  	v20 =	vmin.f32 v21, v19;
	v19 =	vmax.f32 v21, v19;
	v27 =	vmax.f32 v4, v24  }
0x1fe: {  	v2 =	vmin.f32 v20, v23;
	v20 =	vmax.f32 v20, v23;
	v23 =	vmin.f32 v0, v19  }
0x1ff: {  	v0 =	vmax.f32 v0, v19;
	v21 =	vmin.f32 v2, v14;
	v2 =	vmax.f32 v2, v14  }
0x200: {  	v47 =	vmin.f32 v23, v20;
	v19 =	vmax.f32 v23, v20;
	v14 =	vmin.f32 v21, v25  }
0x201: {  	v21 =	vmax.f32 v21, v25;
	v20 =	vmin.f32 v47, v2;
	v2 =	vmax.f32 v47, v2  }
0x202: {  	v48 =	vmin.f32 v0, v19;
	v0 =	vmax.f32 v0, v19;
	v25 =	vmax.f32 v14, v27  }
0x203: {  	v23 =	vmin.f32 v20, v21;
	v20 =	vmax.f32 v20, v21;
	v49 =	vmin.f32 v48, v2  }
0x204: {  	v2 =	vmax.f32 v48, v2;
	v21 =	vmax.f32 v23, v25;
	v19 =	vmin.f32 v49, v20  }
0x205: {  	v20 =	vmax.f32 v49, v20;
	v51 =	vmin.f32 v0, v2;
	v0 =	vmax.f32 v0, v2  }
0x206: {  	v50 =	vmax.f32 v19, v21;
	v2 =	vmax.f32 v51, v20;
	v20 =	vmin.f32 v51, v20  }
0x207: {  	v29 =	vmax.f32 v20, v50;
	v52 =	vmin.f32 v0, v2  }
0x208: {  	v0 =	vmax.f32 v0, v2;
	v2 =	vmax.f32 v52, v29  }
0x209: {  	v22 =	vmin.f32 v22, v26;
	v26 =	vmax.f32 v0, v2  }
0x20a: {  	v19 =	vmin.f32 v19, v21;
	v21 =	vsub.f32 $1.000000000e+00, v26;
	_ =	sdelay $0x1  }
0x20b: {  	v53 =	vadd.f32 v2, v0;
	v0 =	vmin.f32 v0, v2;
	v2 =	vadd.f32 v21, v26;
	_ =	sdelay $0x1  }
0x20c: {  	v29 =	vmin.f32 v52, v29;
	vm0 =	vgt.f32 v2, $0.0e+00;
	v2 =	vld [tilespmem:$0x1FF00]  }
0x20d: {  	v36 =	vadd.f32 v53, v29  }
0x20e: {  	v57 =	vld [tilespmem:$0x1FF10];
	v20 =	vmin.f32 v20, v50  }
0x20f: {  	v28 =	vadd.f32 v36, v20;
	v21 =	vsub.f32 $1.000000000e+00, v36  }
0x210: {  	v4 =	vmin.f32 v4, v24  }
0x211: {  	v24 =	vadd.f32 v28, v19;
	v2 =	vmul.f32 v21, v2;
	v21 =	vsub.f32 $1.000000000e+00, v28  }
0x212: {  	v12 =	vld [tilespmem:$0x1FF30];
	v14 =	vmin.f32 v14, v27;
	v23 =	vmin.f32 v23, v25  }
0x213: {  	v25 =	vld [tilespmem:$0x1FEF0];
	v27 =	vadd.f32 v24, v23;
	v2 =	vadd.f32 v2, v29;
	v21 =	vmul.f32 v21, v57;
	_ =	sdelay $0x1  }
0x214: {  	vm7 =	vgt.f32 v2, $0.0e+00;
	v2 =	vadd.f32 v21, v20;
	v20 =	vsub.f32 $1.000000000e+00, v27  }
0x215: {  	v54 =	vsub.f32 $1.000000000e+00, v53  }
0x216: {  	v20 =	vmul.f32 v20, v12;
	v12 =	vld [tilespmem:$0x1FF40]  }
0x217: {  	v25 =	vmul.f32 v54, v25;
	v58 =	vadd.f32 v27, v14  }
0x218: {  	v11 =	vld [tilespmem:$0x1FF20]  }
0x219: {  	v0 =	vadd.f32 v25, v0;
	v21 =	vsub.f32 $1.000000000e+00, v58  }
0x21a: {  	v38 =	vimm.f32 $0.0e+00  }
0x21b: {  	vm6 =	vgt.f32 v0, $0.0e+00;
	v0 =	vsub.f32 $1.000000000e+00, v24;
	v21 =	vmul.f32 v21, v12;
	v12 =	vld [tilespmem:$0x1FF60]  }
0x21c: {  	vm8 =	vgt.f32 v2, $0.0e+00;
	v2 =	vadd.f32 v58, v4;
	v20 =	vadd.f32 v20, v23  }
0x21d: {  	v25 =	vsel vm0, $0x3F800000, v38;
	v55 =	vsel vm6, $0x3F800000, v38;
	v0 =	vmul.f32 v0, v11  }
0x21e: {  	vm9 =	vgt.f32 v20, $0.0e+00;
	v20 =	vsub.f32 $1.000000000e+00, v2;
	v14 =	vadd.f32 v21, v14  }
0x21f: {  	v25 =	vadd.f32 v55, v25;
	v0 =	vadd.f32 v0, v19  }
0x220: {  	v19 =	vsel vm7, $0x3F800000, v38;
	vm10 =	vgt.f32 v14, $0.0e+00;
	v14 =	vmul.f32 v20, v12;
	v12 =	vld [tilespmem:$0x1FF80]  }
0x221: {  	v19 =	vadd.f32 v19, v25;
	v23 =	vadd.f32 v2, v22  }
0x222: {  	vm1 =	vgt.f32 v0, $0.0e+00;
	v0 =	vsel vm8, $0x3F800000, v38  }
0x223: {  	v0 =	vadd.f32 v0, v19;
	v20 =	vsub.f32 $1.000000000e+00, v23  }
0x224: {  	v17 =	vmin.f32 v17, v46;
	v19 =	vsel vm1, $0x3F800000, v38  }
0x225: {  	v0 =	vadd.f32 v19, v0;
	v4 =	vadd.f32 v14, v4;
	v14 =	vmul.f32 v20, v12;
	v12 =	vld [tilespmem:$0x1FFA0]  }
0x226: {  	v19 =	vsel vm9, $0x3F800000, v38;
	v21 =	vadd.f32 v23, v17  }
0x227: {  	v0 =	vadd.f32 v19, v0  }
0x228: {  	v19 =	vsel vm10, $0x3F800000, v38;
	v20 =	vsub.f32 $1.000000000e+00, v21  }
0x229: {  	v0 =	vadd.f32 v19, v0  }
0x22a: {  	vm11 =	vgt.f32 v4, $0.0e+00;
	v4 =	vadd.f32 v14, v22;
	v14 =	vmul.f32 v20, v12  }
0x22b: {  	v19 =	vsel vm11, $0x3F800000, v38  }
0x22c: {  	v0 =	vadd.f32 v19, v0;
	vm12 =	vgt.f32 v4, $0.0e+00;
	v4 =	vadd.f32 v14, v17  }
0x22d: {  	v14 =	vsel vm12, $0x3F800000, v38  }
0x22e: {  	v0 =	vadd.f32 v14, v0;
	vm13 =	vgt.f32 v4, $0.0e+00  }
0x22f: {  	v4 =	vsel vm13, $0x3F800000, v38  }
0x230: {  	v0 =	vadd.f32 v4, v0;
	_ =	sdelay $0x1  }
0x231: {  	v4 =	vadd.f32 $0.0e+00, v26;
	v0 =	vmax.f32 v0, $1.000000000e+00  }
0x232: {  	vm14 =	veq.f32 v0, $1.000000000e+00;
	vm15 =	veq.f32 v0, $2.000000000e+00  }
0x233: {  	v4 =	vnsel vm14, $0x0, v4;
	v14 =	vnsel vm15, $0x0, v53  }
0x234: {  	vm4 =	veq.f32 v0, $3.000000000e+00;
	v4 =	vadd.f32 v14, v4  }
0x235: {  	v14 =	vnsel vm4, $0x0, v36  }
0x236: {  	vm5 =	veq.f32 v0, $4.000000000e+00;
	v4 =	vadd.f32 v4, v14  }
0x237: {  	v14 =	vnsel vm5, $0x0, v28  }
0x238: {  	vm6 =	veq.f32 v0, $5.000000000e+00;
	v4 =	vadd.f32 v4, v14  }
0x239: {  	v14 =	vnsel vm6, $0x0, v24  }
0x23a: {  	v59 =	vlaneseq.u32;
	vm7 =	veq.f32 v0, $6.000000000e+00;
	v4 =	vadd.f32 v4, v14  }
0x23b: {  	v17 =	vmul.u32 $0xA, v59;
	v14 =	vnsel vm7, $0x0, v27  }
0x23c: {  	vm8 =	veq.f32 v0, $7.000000000e+00;
	v4 =	vadd.f32 v4, v14  }
0x23d: {  	v19 =	vor.u32 $0x1, v17;
	v14 =	vnsel vm8, $0x0, v58  }
0x23e: {  	vm9 =	veq.f32 v0, $8.000000000e+00;
	vm10 =	veq.f32 v0, $9.000000000e+00;
	v4 =	vadd.f32 v4, v14  }
0x23f: {  	p0 =	seq.s32 s30, $0x7;
	v12 =	vld [tilespmem:$0x1FF50];
	vm11 =	veq.f32 v0, $1.000000000e+01;
	v2 =	vnsel vm9, $0x0, v2;
	v14 =	vadd.s32 s0, v17  }
0x240: {  	s4 =	sadd.s32 @!p0 $0x1, s30;
	(erf) = vrcp.f32 v0;
	v0 =	vand.u32 $0xFF8, v14;
	v2 =	vadd.f32 v4, v2  }
0x241: {  	s6 =	smul.u32 @!p0 $0x280, s4;
	v14 =	vadd.s32 s0, v19;
	v19 =	vadd.s32 $0x2, v17;
	v4 =	vnsel vm10, $0x0, v23  }
0x242: {  	s15 =	simm.s32 @!p0 $0xA0;
	v19 =	vadd.s32 s0, v19;
	v2 =	vadd.f32 v2, v4  }
0x243: {  	s9 =	simm.s32 @!p0 $0x500;
	s4 =	sshll.u32 @!p0 s4, $0x7;
	s6 =	sshra.s32 @!p0 s6, $0x2;
	v19 =	vand.u32 $0xFF8, v19;
	v4 =	vnsel vm11, $0x0, v21  }
0x244: {  	[tilespmem:s9], [sflag:$0x1] =	stream.indirect.gather @!p0 [hbm4b:s1+s15], $0x40, s6, s15, $0xb8;
	v19 =	vor.u32 v12, v19;
	v12 =	vld [tilespmem:$0x1FF70];
	v2 =	vadd.f32 v2, v4;
	v4 =	vand.u32 $0x3, v59  }
0x245: {  	s4 =	sadd.s32 @!p0 s10, s4;
	s9 =	simm.s32 @!p0 $0x2D00;
	v4 =	vmul.u32 $0x2, v4  }
0x246: {  	[tilespmem:s9], [sflag:$0x1] =	stream.indirect.gather @!p0 [hbm4b:s2+s15], $0x40, s6, s15, $0xb8;
	v21 =	vadd.s32 $0x3, v17;
	[tilespmem:$0x18910] =	vst v63  }
0x247: {  	s6 =	sadd.s32 @!p0 s1, s4;
	s9 =	simm.s32 @!p0 $0x0;
	s15 =	simm.s32 @!p0 $0x7D00;
	v21 =	vadd.s32 s0, v21;
	v0 =	vor.u32 v4, v0  }
0x248: {  	[tilespmem:s15], [sflag:$0x1] =	stream.linear.gather @!p0 [hbm4b:s6+s9], $0x400, $0x38;
	v21 =	vand.u32 $0xFF8, v21;
	[tilespmem:$0x18910] =	vst v63  }
0x249: {  	s4 =	sadd.s32 @!p0 s2, s4;
	s6 =	simm.s32 @!p0 $0x8100;
	v21 =	vor.u32 v12, v21;
	v12 =	vld [tilespmem:$0x1FF90]  }
0x24a: {  	[tilespmem:s6], [sflag:$0x1] =	stream.linear.gather @!p0 [hbm4b:s4+s9], $0x400, $0x38;
	[tilespmem:$0x18910] =	vst v63  }
0x24b: {  	s4 =	simm.s32 $0x0;
	v22 =	vadd.s32 $0x4, v17;
	v14 =	vand.u32 $0xFF8, v14;
	v20 =	vor.u32 $0x1, v4  }
0x24c: {  	v22 =	vadd.s32 s0, v22;
	v14 =	vor.u32 v20, v14;
	v25 =	vld.idx.msk [tilespmem:v0+s4+$0x0], $0xffff  }
0x24d: {  	v22 =	vand.u32 $0xFF8, v22;
	v0 =	vld [tilespmem:$0x1FFB0]  }
0x24e: {  	v22 =	vor.u32 v12, v22;
	v12 =	vld [tilespmem:$0x1FFC0]  }
0x24f: {  	v23 =	vadd.s32 $0x5, v17;
	v19 =	vld.idx.msk [tilespmem:v19+s4+$0x0], $0xffff  }
0x250: {  	v24 =	vadd.s32 $0x6, v17;
	v23 =	vadd.s32 s0, v23;
	v21 =	vld.idx.msk [tilespmem:v21+s4+$0x0], $0xffff  }
0x251: {  	v24 =	vadd.s32 s0, v24;
	v23 =	vand.u32 $0xFF8, v23;
	v26 =	vld.idx.msk [tilespmem:v14+s4+$0x0], $0xffff  }
0x252: {  	v0 =	vor.u32 v0, v23;
	v23 =	vand.u32 $0xFF8, v24  }
0x253: {  	v23 =	vor.u32 v12, v23;
	v12 =	vld [tilespmem:$0x1FFD0]  }
0x254: {  	v2 =	vadd.f32 $-1.000000000e+00, v2;
	v24 =	vadd.s32 $0x7, v17  }
0x255: {  	vm13 =	veq.s32 v25, v19;
	vm14 =	veq.s32 v25, v21;
	v14 =	vadd.s32 s0, v24  }
0x256: {  	v24 =	vadd.s32 $0x8, v17;
	v17 =	vadd.s32 $0x9, v17;
	vm12 =	veq.s32 v25, v26  }
0x257: {  	v27 =	vpop (erf);
	vm2 =	veq.s32 v26, v19;
	vm3 =	veq.s32 v26, v21;
	v14 =	vand.u32 $0xFF8, v14  }
0x258: {  	v24 =	vadd.s32 s0, v24;
	v60 =	vor.u32 v12, v14;
	v14 =	vmul.f32 v2, v27  }
0x259: {  	vm0 =	vmor vm12, vm13;
	vm7 =	vmor vm2, vm3;
	v2 =	vld.idx.msk [tilespmem:v22+s4+$0x0], $0xffff;
	v22 =	vand.u32 $0xFF8, v24  }
0x25a: {  	v4 =	vor.u32 v4, v22;
	v22 =	vld.idx.msk [tilespmem:v0+s4+$0x0], $0xffff;
	v0 =	vadd.s32 s0, v17;
	v10 =	vsub.f32 v10, v14  }
0x25b: {  	v17 =	vld.idx.msk [tilespmem:v23+s4+$0x0], $0xffff;
	v0 =	vand.u32 $0xFF8, v0;
	v6 =	vsub.f32 v6, v14;
	v23 =	vsub.f32 v3, v14  }
0x25c: {  	vm0 =	vmor vm0, vm14;
	v1 =	vsub.f32 v1, v14;
	v20 =	vor.u32 v20, v0  }
0x25d: {  	v0 =	vmax.f32 v10, $0.0e+00;
	v3 =	vmax.f32 v6, $0.0e+00;
	v6 =	vmax.f32 v23, $0.0e+00  }
0x25e: {  	v23 =	vmax.f32 v1, $0.0e+00;
	v1 =	vmul.u32 $0x1000, v59;
	vm15 =	veq.s32 v25, v2  }
0x25f: {  	v10 =	vld.idx.msk [tilespmem:v60+s4+$0x0], $0xffff;
	vm8 =	veq.s32 v26, v2;
	vm0 =	vmor vm0, vm15;
	vm4 =	veq.s32 v25, v22  }
0x260: {  	v4 =	vld.idx.msk [tilespmem:v4+s4+$0x0], $0xffff;
	vm5 =	veq.s32 v25, v17;
	vm1 =	vmor vm7, vm8;
	vm10 =	veq.s32 v26, v22  }
0x261: {  	vm11 =	veq.s32 v26, v17;
	vm15 =	vne.s32 v19, v21;
	vm7 =	vne.s32 v21, v22  }
0x262: {  	v24 =	vadd.s32 v1, v25;
	vm0 =	vmor vm0, vm4;
	vm1 =	vmor vm1, vm10  }
0x263: {  	vm4 =	vne.s32 v19, v2;
	v20 =	vld.idx.msk [tilespmem:v20+s4+$0x0], $0xffff;
	vm0 =	vmor vm0, vm5;
	vm1 =	vmor vm1, vm11  }
0x264: {  	vm8 =	vmand vm15, vm4;
	vm11 =	vne.s32 v19, v17;
	vm6 =	veq.s32 v25, v10  }
0x265: {  	vm13 =	veq.s32 v26, v10;
	vm0 =	vmor vm0, vm6;
	vm9 =	veq.s32 v25, v4  }
0x266: {  	vm1 =	vmor vm1, vm13;
	vm14 =	veq.s32 v26, v4;
	vm13 =	vne.s32 v19, v4  }
0x267: {  	vm0 =	vmor vm0, vm9;
	vm1 =	vmor vm1, vm14;
	vm9 =	vne.s32 v19, v22  }
0x268: {  	vm14 =	vne.s32 v21, v2;
	vm12 =	veq.s32 v25, v20;
	vm10 =	veq.s32 v26, v20  }
0x269: {  	vm2 =	vmand vm8, vm9;
	vm15 =	vmand vm14, vm7;
	vm9 =	vne.s32 v21, v17  }
0x26a: {  	vm14 =	vne.s32 v2, v17;
	vm8 =	vne.s32 v21, v20;
	v25 =	vadd.s32 v1, v26  }
0x26b: {  	vm0 =	vmor vm0, vm12;
	vm1 =	vmor vm1, vm10;
	vm2 =	vmand vm2, vm11  }
0x26c: {  	vm12 =	vne.s32 v19, v10;
	vm10 =	vne.s32 v19, v20;
	vm3 =	vmand vm15, vm9  }
0x26d: {  	vm11 =	vne.s32 v21, v10;
	vm15 =	vne.s32 v2, v10;
	vm9 =	vne.s32 v2, v20  }
0x26e: {  	v19 =	vadd.s32 v1, v19;
	vm6 =	vmneg vm0;
	vm5 =	vmneg vm1  }
0x26f: {  	vm2 =	vmand vm2, vm12;
	vm3 =	vmand vm3, vm11;
	vm12 =	vne.s32 v21, v4  }
0x270: {  	v21 =	vadd.s32 v1, v21;
	vm2 =	vmand vm2, vm13;
	vm3 =	vmand vm3, vm12  }
0x271: {  	vm13 =	vne.s32 v2, v22;
	vm12 =	vne.s32 v2, v4;
	v2 =	vadd.s32 v1, v2  }
0x272: {  	vm2 =	vmand vm2, vm10;
	vm4 =	vmand vm13, vm14;
	vm3 =	vmand vm3, vm8  }
0x273: {  	vm13 =	vne.s32 v22, v17;
	vm14 =	vne.s32 v22, v10;
	vm10 =	vne.s32 v17, v4  }
0x274: {  	vm4 =	vmand vm4, vm15;
	vm7 =	vmand vm13, vm14;
	vm15 =	vne.s32 v22, v4  }
0x275: {  	vm13 =	vne.s32 v17, v10;
	vm4 =	vmand vm4, vm12;
	vm7 =	vmand vm7, vm15  }
0x276: {  	vm12 =	vne.s32 v22, v20;
	vm14 =	vmand vm13, vm10;
	vm4 =	vmand vm4, vm9  }
0x277: {  	vm15 =	vne.s32 v17, v20;
	vm13 =	vne.s32 v10, v4;
	vm8 =	vmand vm7, vm12;
	[tilespmem:v24+s24+$0x0] =	vst.idx.msk vm6, v0  }
0x278: {  	v22 =	vadd.s32 v1, v22;
	vm12 =	vmand vm14, vm15;
	vm14 =	vne.s32 v10, v20;
	[tilespmem:v25+s24+$0x0] =	vst.idx.msk vm5, v3  }
0x279: {  	v17 =	vadd.s32 v1, v17;
	vm6 =	vmand vm13, vm14;
	[tilespmem:v19+s24+$0x0] =	vst.idx.msk vm2, v6;
	v19 =	vsub.f32 v63, v14  }
0x27a: {  	vm15 =	vne.s32 v4, v20;
	v10 =	vadd.s32 v1, v10;
	v24 =	vsub.f32 v42, v14  }
0x27b: {  	v4 =	vadd.s32 v1, v4;
	[tilespmem:v21+s24+$0x0] =	vst.idx.msk vm3, v23;
	v21 =	vsub.f32 v43, v14;
	v19 =	vmax.f32 v19, $0.0e+00  }
0x27c: {  	v25 =	vsub.f32 v44, v14;
	v24 =	vmax.f32 v24, $0.0e+00;
	[tilespmem:v2+s24+$0x0] =	vst.idx.msk vm4, v19;
	v2 =	vadd.s32 v1, v20  }
0x27d: {  	v20 =	vmax.f32 v21, $0.0e+00;
	v1 =	vsub.f32 v45, v14;
	[tilespmem:v22+s24+$0x0] =	vst.idx.msk vm8, v24  }
0x27e: {  	v21 =	vmax.f32 v25, $0.0e+00;
	v14 =	vsub.f32 v46, v14;
	[tilespmem:v17+s24+$0x0] =	vst.idx.msk vm12, v20  }
0x27f: {  	v22 =	vmax.f32 v1, $0.0e+00;
	[tilespmem:v10+s24+$0x0] =	vst.idx.msk vm6, v21  }
0x280: {  	s15 =	sshll.u32 s31, $0x9;
	v1 =	vmax.f32 v14, $0.0e+00;
	[tilespmem:v4+s24+$0x0] =	vst.idx.msk vm15, v22  }
0x281: {  	s0 =	sadd.s32 s7, s15;
	[tilespmem:v2+s24+$0x0] =	vst.idx.msk $0xffff, v1  }
0x282: {  	[hbm4b:s0+s4] =	stream.linear.scatter [tilespmem:s24], [sflag:$0x3], $0x10000, $0x38;
	[tilespmem:$0x18910] =	vst v63  }
0x283: {  	v10 =	vmov s4;
	_ =	swait.ge [sflag:s25], $0x2800  }
0x284: {  	v4 =	vand.u32 $0x3F, v10;
	v47 =	vld [tilespmem:$0x1FFF0]  }
0x285: {  	v2 =	vor.u32 v5, v4;
	_ =	sdelay $0x1  }
0x286: {  	v10 =	vor.u32 v8, v4  }
0x287: {  	[sflag:s25] =	ssyncset.done $0x0  }
0x288: {  	[sflag:s25] =	ssyncadd.s32 $0xFFFFD800;
	v14 =	vor.u32 v47, v4  }
0x289: {  	v2 =	vld.idx.msk [tilespmem:v2+s22+$0x0], $0xffff  }
0x28a: {  	v17 =	vor.u32 v9, v4  }
0x28b: {  	v10 =	vld.idx.msk [tilespmem:v10+s22+$0x0], $0xffff  }
0x28c: {  	v25 =	vor.u32 v7, v4  }
0x28d: {  	v0 =	vsel vm0, $0x0, v0;
	v14 =	vld.idx.msk [tilespmem:v14+s22+$0x0], $0xffff  }
0x28e: {  	v26 =	vor.u32 v56, v4;
	v2 =	vmul.f32 v2, v0  }
0x28f: {  	v3 =	vsel vm1, $0x0, v3;
	v17 =	vld.idx.msk [tilespmem:v17+s22+$0x0], $0xffff  }
0x290: {  	v27 =	vor.u32 v15, v4;
	v10 =	vmul.f32 v10, v3;
	v2 =	vadd.f32 $0.0e+00, v2  }
0x291: {  	v6 =	vnsel vm2, $0x0, v6;
	v25 =	vld.idx.msk [tilespmem:v25+s22+$0x0], $0xffff  }
0x292: {  	v63 =	vor.u32 v16, v4;
	v2 =	vadd.f32 v10, v2;
	v14 =	vmul.f32 v14, v6  }
0x293: {  	v10 =	vnsel vm3, $0x0, v23;
	v23 =	vld.idx.msk [tilespmem:v26+s22+$0x0], $0xffff  }
0x294: {  	v26 =	vor.u32 v62, v4;
	v17 =	vmul.f32 v17, v10;
	v2 =	vadd.f32 v14, v2  }
0x295: {  	v27 =	vld.idx.msk [tilespmem:v27+s22+$0x0], $0xffff;
	v14 =	vnsel vm4, $0x0, v19  }
0x296: {  	v4 =	vor.u32 v61, v4;
	v19 =	vmul.f32 v25, v14;
	v2 =	vadd.f32 v17, v2  }
0x297: {  	v17 =	vnsel vm8, $0x0, v24;
	v24 =	vld.idx.msk [tilespmem:v63+s22+$0x0], $0xffff  }
0x298: {  	v23 =	vmul.f32 v23, v17;
	v2 =	vadd.f32 v19, v2  }
0x299: {  	v26 =	vld.idx.msk [tilespmem:v26+s22+$0x0], $0xffff;
	v19 =	vnsel vm12, $0x0, v20  }
0x29a: {  	v11 =	vmov v7;
	v7 =	vld [tilespmem:$0x1FFE0];
	v2 =	vadd.f32 v23, v2;
	v23 =	vmul.f32 v27, v19  }
0x29b: {  	v20 =	vnsel vm6, $0x0, v21;
	v21 =	vnsel vm15, $0x0, v22;
	v22 =	vld.idx.msk [tilespmem:v4+s22+$0x0], $0xffff  }
0x29c: {  	v2 =	vadd.f32 v23, v2;
	v23 =	vmul.f32 v24, v20  }
0x29d: {  	s0 =	simm.s32 $0x1  }
0x29e: {  	v18 =	vmovc v62;
	v12 =	vmovc v61;
	s15 =	simm.s32 $0x2;
	v25 =	vmov s0;
	v24 =	vmul.f32 v26, v21;
	v23 =	vadd.f32 v23, v2  }
.LBB2_11:
0x29f: {  	p0 =	sne.s32 s15, $0x3F;
	v2 =	vand.u32 $0x3F, v25;
	v4 =	vor.u32 s4, v7;
	s4 =	smov.u32 s0;
	s0 =	smov.u32 s15  }
0x2a0: {  	v22 =	vmul.f32 v22, v1;
	v25 =	vor.u32 v5, v2;
	v23 =	vadd.f32 v24, v23;
	_ =	sdelay $0x1  }
0x2a1: {  	v24 =	vor.u32 v8, v2;
	v22 =	vadd.f32 v22, v23;
	_ =	sdelay $0x1  }
0x2a2: {  	v23 =	vor.u32 v47, v2;
	[tilespmem:v4+s26+$0x0] =	vst.idx.msk $0xffff, v22  }
0x2a3: {  	v4 =	vld.idx.msk [tilespmem:v25+s22+$0x0], $0xffff  }
0x2a4: {  	v22 =	vor.u32 v9, v2  }
0x2a5: {  	v24 =	vld.idx.msk [tilespmem:v24+s22+$0x0], $0xffff  }
0x2a6: {  	v25 =	vor.u32 v11, v2  }
0x2a7: {  	v23 =	vld.idx.msk [tilespmem:v23+s22+$0x0], $0xffff  }
0x2a8: {  	v26 =	vor.u32 v56, v2  }
0x2a9: {  	v4 =	vmul.f32 v4, v0;
	v22 =	vld.idx.msk [tilespmem:v22+s22+$0x0], $0xffff  }
0x2aa: {  	v27 =	vor.u32 v15, v2  }
0x2ab: {  	v4 =	vadd.f32 $0.0e+00, v4;
	v24 =	vmul.f32 v24, v3;
	v25 =	vld.idx.msk [tilespmem:v25+s22+$0x0], $0xffff  }
0x2ac: {  	v28 =	vor.u32 v16, v2  }
0x2ad: {  	v4 =	vadd.f32 v24, v4;
	v23 =	vmul.f32 v23, v6;
	v24 =	vld.idx.msk [tilespmem:v26+s22+$0x0], $0xffff  }
0x2ae: {  	v26 =	vor.u32 v18, v2  }
0x2af: {  	v4 =	vadd.f32 v23, v4;
	v22 =	vmul.f32 v22, v10;
	v23 =	vld.idx.msk [tilespmem:v27+s22+$0x0], $0xffff  }
0x2b0: {  	v2 =	vor.u32 v12, v2  }
0x2b1: {  	v4 =	vadd.f32 v22, v4;
	v22 =	vmul.f32 v25, v14;
	v25 =	vld.idx.msk [tilespmem:v28+s22+$0x0], $0xffff;
	_ =	sdelay $0x1  }
0x2b2: {  	v4 =	vadd.f32 v22, v4;
	v22 =	vmul.f32 v24, v17;
	v24 =	vld.idx.msk [tilespmem:v26+s22+$0x0], $0xffff;
	_ =	sdelay $0x1  }
.Ltmp4:
0x2b3: {  	v4 =	vadd.f32 v22, v4;
	v23 =	vmul.f32 v23, v19;
	v22 =	vld.idx.msk [tilespmem:v2+s22+$0x0], $0xffff;
	(pc) =	sbr.rel @p0 .LBB2_11-.Ltmp4, $3  }
0x2b4: {  	_ = 	snop  }
0x2b5: {  	v2 =	vadd.f32 v23, v4;
	v4 =	vmul.f32 v25, v20;
	_ =	sdelay $0x1  }
0x2b6: {  	s15 =	sadd.s32 $0x1, s15;
	v25 =	vmov s0;
	v23 =	vadd.f32 v4, v2;
	v24 =	vmul.f32 v24, v21  }
0x2b7: {  	v2 =	vand.u32 $0x3F, v25;
	v4 =	vor.u32 s4, v7  }
0x2b8: {  	v22 =	vmul.f32 v22, v1;
	v25 =	vor.u32 v5, v2;
	v23 =	vadd.f32 v24, v23;
	_ =	sdelay $0x1  }
0x2b9: {  	v54 =	vor.u32 v8, v2;
	v22 =	vadd.f32 v22, v23;
	_ =	sdelay $0x1  }
0x2ba: {  	v55 =	vor.u32 v47, v2;
	[tilespmem:v4+s26+$0x0] =	vst.idx.msk $0xffff, v22  }
0x2bb: {  	v4 =	vld.idx.msk [tilespmem:v25+s22+$0x0], $0xffff  }
0x2bc: {  	v57 =	vor.u32 v9, v2  }
0x2bd: {  	v24 =	vld.idx.msk [tilespmem:v54+s22+$0x0], $0xffff  }
0x2be: {  	v58 =	vor.u32 v11, v2  }
0x2bf: {  	v23 =	vld.idx.msk [tilespmem:v55+s22+$0x0], $0xffff  }
0x2c0: {  	v26 =	vor.u32 v56, v2;
	v0 =	vmul.f32 v4, v0  }
0x2c1: {  	v4 =	vld.idx.msk [tilespmem:v57+s22+$0x0], $0xffff  }
0x2c2: {  	v59 =	vor.u32 v15, v2;
	v3 =	vmul.f32 v24, v3;
	v0 =	vadd.f32 $0.0e+00, v0  }
0x2c3: {  	v60 =	vld.idx.msk [tilespmem:v58+s22+$0x0], $0xffff  }
0x2c4: {  	v61 =	vor.u32 v16, v2;
	v0 =	vadd.f32 v3, v0;
	v3 =	vmul.f32 v23, v6  }
0x2c5: {  	v6 =	vld.idx.msk [tilespmem:v26+s22+$0x0], $0xffff  }
0x2c6: {  	v62 =	vor.u32 v18, v2;
	v0 =	vadd.f32 v3, v0;
	v3 =	vmul.f32 v4, v10  }
0x2c7: {  	v4 =	vld.idx.msk [tilespmem:v59+s22+$0x0], $0xffff  }
0x2c8: {  	v2 =	vor.u32 v12, v2;
	v0 =	vadd.f32 v3, v0;
	v3 =	vmul.f32 v60, v14  }
0x2c9: {  	v10 =	vld.idx.msk [tilespmem:v61+s22+$0x0], $0xffff  }
0x2ca: {  	v0 =	vadd.f32 v3, v0;
	v3 =	vmul.f32 v6, v17  }
0x2cb: {  	v6 =	vld.idx.msk [tilespmem:v62+s22+$0x0], $0xffff  }
0x2cc: {  	v0 =	vadd.f32 v3, v0;
	v3 =	vmul.f32 v4, v19  }
0x2cd: {  	v2 =	vld.idx.msk [tilespmem:v2+s22+$0x0], $0xffff  }
0x2ce: {  	v0 =	vadd.f32 v3, v0;
	v3 =	vmul.f32 v10, v20;
	_ =	sdelay $0x1  }
0x2cf: {  	v0 =	vadd.f32 v3, v0;
	v3 =	vmul.f32 v6, v21  }
0x2d0: {  	v4 =	vor.u32 s0, v7  }
0x2d1: {  	v63 =	vmul.f32 v2, v1;
	v0 =	vadd.f32 v3, v0;
	_ =	sdelay $0x1  }
0x2d2: {  	s30 =	sadd.s32 $0x1, s30;
	v0 =	vadd.f32 v63, v0  }
0x2d3: {  	s31 =	sshll.u32 s31, $0x3;
	p0 =	sne.s32 s30, $0x8  }
.Ltmp5:
0x2d4: {  	s0 =	sadd.s32 s8, s31;
	[tilespmem:v4+s26+$0x0] =	vst.idx.msk $0xffff, v0;
	(pc) =	sbr.rel @p0 .LBB2_4-.Ltmp5, $4  }
0x2d5: {  	[hbm4b:s0+s3] =	stream.linear.scatter [tilespmem:s26], [sflag:$0x4], $0x400, $0x38;
	[tilespmem:$0x18910] =	vst v63  }
0x2d6: {  	_ =	swait.ge [sflag:s20], $0x400  }
0x2d7: {  	[sflag:s20] =	ssyncset.done $0x0  }
0x2d8: {  	[sflag:s20] =	ssyncadd.s32 $0xFFFFFC00  }
0x2d9: {  	s29 =	sadd.s32 $0x1, s29  }
0x2da: {  	p0 =	sne.s32 s29, s14  }
.Ltmp6:
0x2db: {  	_ = 	snop;
	(pc) =	sbr.rel @p0 .LBB2_1-.Ltmp6, $4  }
0x2dc: {  	_ = 	snop  }
0x2dd: {  	_ =	swait.ge [sflag:s28], $0x10000  }
0x2de: {  	[sflag:s28] =	ssyncset.done $0x0  }
0x2df: {  	[sflag:s28] =	ssyncadd.s32 $0xFFFF0000  }
0x2e0: {  	_ =	sfence.sel $0x180000  }
0x2e1: {  	[bflag:$0x0] =	sbarrier.arrive $0xFFFF  }
0x2e2: {  	_ =	strace $0x90000047  }
0x2e3: {  	s0 =	stileid.u32;
	[bflag:$0x2] =	sbarrier.arrive $0xFFFF  }
0x2e4: {  	p0 =	sne.s32 s0, $0x0;
	s0 =	rddreg [dreg:$0x3]  }
0x2e5: {  	s0 =	sadd.s32 @!p0 $0x100000, s0  }
0x2e6: {  	[sflag:s0] =	ssyncadd.tile.s32 @!p0 $0x1;
	_ =	shalt  }
.Lfunc_end2:
_tile_overlayer_lowered:
.L_overlay_start_2:
0x2e7: {  	(tag) =	ssettag $0x2  }
0x2e8: {  	s0 =	rddreg [dreg:$0x0];
	s2 =	stileid.u32  }
0x2e9: {  	s1 =	rddreg [dreg:$0x1];
	p0 =	sne.s32 s2, $0x0  }
0x2ea: {  	s3 =	rddreg [dreg:$0x2];
	[bflag:$0x3] =	sbarrier.arrive $0xFFFF;
	s2 =	simm.s32 @!p0 $0x1C04  }
0x2eb: {  	[timem:s3], [sflag:s2] =	dma.local @!p0 [hbm:s0], s1  }
0x2ec: {  	s0 =	simm.s32 @!p0 $0x4  }
0x2ed: {  	_ =	swait.ge @!p0 [sflag:s0], s1  }
0x2ee: {  	s1 =	ssub.s32 @!p0 $0x0, s1;
	[sflag:s0] =	ssyncset.done @!p0 $0x0  }
0x2ef: {  	[sflag:s0] =	ssyncadd.s32 @!p0 s1  }
0x2f0: {  	[bflag:$0x3] =	sbarrier.arrive $0xFFFF  }
0x2f1: {  	_ =	shalt  }

</sc_bundles>
